<compile_context>
chip_gen: v7x
topology: tpu7x:2x2x1
jax: 0.10.2.dev20260603
libtpu: 0.0.44.dev20260713+nightly
codegen_flags: <defaults>
</compile_context>

<pallas_src>
import functools

import jax
import jax.numpy as jnp
from jax import lax
from jax.experimental import pallas as pl
from jax.experimental.pallas import tpu as pltpu
from jax.experimental.pallas import tpu_sc as plsc

f32 = jnp.float32
i32 = jnp.int32

NN = 100000
EE = 6400000
NC = 2
NS = 16
NW = NC * NS
NP = 102400
NSL = NP // NS
EW = EE // NW
CE = 10000
E2 = EE // 2
PW = E2 // NW
CP = 4000
CE3 = 4000
V16 = 16


def _mesh():
    return plsc.VectorSubcoreMesh(core_axis_name="c", subcore_axis_name="s")


def _wid():
    return lax.axis_index("c") * NS + lax.axis_index("s")


def _fill(ref, n, val):
    def body(i, _):
        ref[pl.ds(i * V16, V16)] = jnp.full((V16,), val, f32)
        return 0
    lax.fori_loop(0, n // V16, body, 0)


def _rsqrt16(d):
    ii = plsc.bitcast(d, i32)
    seed = jnp.full((V16,), 0x5F3759DF, i32) - lax.shift_right_arithmetic(
        ii, jnp.full((V16,), 1, i32))
    y = plsc.bitcast(seed, f32)
    for _ in range(3):
        y = y * (1.5 - 0.5 * d * y * y)
    return y


def _sweep_hist(dst_hbm, oneb, acc_sh, sets, base, nch, ce):
    (jb0, si0, ss0), (jb1, si1, ss1) = sets

    def body(q, _):
        pltpu.sync_copy(dst_hbm.at[pl.ds(base + q * ce, ce)], jb0)
        pltpu.sync_copy(oneb, acc_sh.at[jb0], add=True)
        return 0
    lax.fori_loop(0, nch, body, 0)


def _sweep_gs(src_hbm, dst_hbm, tab_sh, acc_sh, sets, base, nch, ce):
    (ib0, jb0, vb0, si0, sg0, ss0), (ib1, jb1, vb1, si1, sg1, ss1) = sets

    def body(q, _):
        off = base + q * ce
        pltpu.sync_copy(src_hbm.at[pl.ds(off, ce)], ib0)
        pltpu.sync_copy(dst_hbm.at[pl.ds(off, ce)], jb0)
        pltpu.sync_copy(tab_sh.at[ib0], vb0)
        pltpu.sync_copy(vb0, acc_sh.at[jb0], add=True)
        return 0
    lax.fori_loop(0, nch, body, 0)


def _sweep_gs2(src_hbm, dst_hbm, tpk_sh, acca_sh, accb_sh,
               sets, base, nch, ce):
    (ib0, jb0, wb0, va0, vb0, si0, sg0, ss0), \
        (ib1, jb1, wb1, va1, vb1, si1, sg1, ss1) = sets

    def body(q, _):
        off = base + q * ce
        pltpu.sync_copy(src_hbm.at[pl.ds(off, ce)], ib0)
        pltpu.sync_copy(dst_hbm.at[pl.ds(off, ce)], jb0)
        pltpu.sync_copy(tpk_sh.at[ib0], wb0)

        def u(j, _):
            dd = pl.ds(j * V16, V16)
            xa, xb = plsc.unpack(plsc.bitcast(wb0[dd], jnp.bfloat16),
                                 format=plsc.PackFormat.INTERLEAVED)
            va0[dd] = xa
            vb0[dd] = xb
            return 0
        lax.fori_loop(0, ce // V16, u, 0)
        pltpu.sync_copy(va0, acca_sh.at[jb0], add=True)
        pltpu.sync_copy(vb0, accb_sh.at[jb0], add=True)
        return 0
    lax.fori_loop(0, nch, body, 0)


def _deg_body(dst_hbm, degp_hbm, acc_sh, oneb, zb,
              jb0, jb1, si0, si1, ss0, ss1):
    c = lax.axis_index("c")
    s = lax.axis_index("s")
    sl = pl.ds(s * NSL, NSL)
    _fill(zb, NSL, 0.0)
    pltpu.sync_copy(zb, acc_sh.at[sl])
    _fill(oneb, CE, 1.0)
    plsc.subcore_barrier()
    base = _wid() * EW
    sets = ((jb0, si0, ss0), (jb1, si1, ss1))
    _sweep_hist(dst_hbm, oneb, acc_sh, sets, base, EW // CE, CE)
    plsc.subcore_barrier()
    pltpu.sync_copy(acc_sh.at[sl], degp_hbm.at[c, sl])


_deg = pl.kernel(
    _deg_body,
    out_type=jax.ShapeDtypeStruct((NC, NP), f32),
    mesh=_mesh(),
    compiler_params=pltpu.CompilerParams(needs_layout_passes=False),
    scratch_types=[
        pltpu.VMEM_SHARED((NP,), f32),
        pltpu.VMEM((CE,), f32),
        pltpu.VMEM((NSL,), f32),
        pltpu.VMEM((CE,), i32),
        pltpu.VMEM((CE,), i32),
        pltpu.SemaphoreType.DMA,
        pltpu.SemaphoreType.DMA,
        pltpu.SemaphoreType.DMA,
        pltpu.SemaphoreType.DMA,
    ],
)


def _p1_body(src_hbm, dst_hbm, xt_hbm, degp_hbm, par_hbm,
             dinv_hbm, g1_hbm, s1p_hbm,
             tab_sh, acc_sh, pb, b0, b1, q0, q1, q2, q3, db, gb,
             ib0, jb0, vb0, ib1, jb1, vb1, si0, si1, sg0, sg1, ss0, ss1):
    c = lax.axis_index("c")
    s = lax.axis_index("s")
    sl = pl.ds(s * NSL, NSL)
    pltpu.sync_copy(par_hbm, pb)
    pltpu.sync_copy(degp_hbm.at[0, sl], b0)
    pltpu.sync_copy(degp_hbm.at[1, sl], b1)
    pltpu.sync_copy(xt_hbm.at[0, sl], q0)
    pltpu.sync_copy(xt_hbm.at[1, sl], q1)
    pltpu.sync_copy(xt_hbm.at[2, sl], q2)
    pltpu.sync_copy(xt_hbm.at[3, sl], q3)
    pv = pb[pl.ds(0, 16)]
    w0 = pv[0]
    w1 = pv[1]
    w2 = pv[2]
    w3 = pv[3]

    def nodes(i, _):
        dd = pl.ds(i * V16, V16)
        deg = b0[dd] + b1[dd] + 1.0
        y = _rsqrt16(deg)
        t0 = q0[dd] * w0 + q1[dd] * w1 + q2[dd] * w2 + q3[dd] * w3
        db[dd] = y
        gb[dd] = y * t0
        return 0
    lax.fori_loop(0, NSL // V16, nodes, 0)
    pltpu.sync_copy(db, dinv_hbm.at[sl])
    pltpu.sync_copy(gb, g1_hbm.at[sl])
    pltpu.sync_copy(gb, tab_sh.at[sl])
    _fill(b0, NSL, 0.0)
    pltpu.sync_copy(b0, acc_sh.at[sl])
    plsc.subcore_barrier()
    base = _wid() * EW
    _sweep_gs(src_hbm, dst_hbm, tab_sh, acc_sh,
              ((ib0, jb0, vb0, si0, sg0, ss0), (ib1, jb1, vb1, si1, sg1, ss1)),
              base, EW // CE, CE)
    plsc.subcore_barrier()
    pltpu.sync_copy(acc_sh.at[sl], s1p_hbm.at[c, sl])


_k1 = pl.kernel(
    _p1_body,
    out_type=(jax.ShapeDtypeStruct((NP,), f32),
              jax.ShapeDtypeStruct((NP,), f32),
              jax.ShapeDtypeStruct((NC, NP), f32)),
    mesh=_mesh(),
    compiler_params=pltpu.CompilerParams(needs_layout_passes=False),
    scratch_types=[
        pltpu.VMEM_SHARED((NP,), f32),
        pltpu.VMEM_SHARED((NP,), f32),
        pltpu.VMEM((32,), f32),
        pltpu.VMEM((NSL,), f32),
        pltpu.VMEM((NSL,), f32),
        pltpu.VMEM((NSL,), f32),
        pltpu.VMEM((NSL,), f32),
        pltpu.VMEM((NSL,), f32),
        pltpu.VMEM((NSL,), f32),
        pltpu.VMEM((NSL,), f32),
        pltpu.VMEM((NSL,), f32),
        pltpu.VMEM((CE,), i32),
        pltpu.VMEM((CE,), i32),
        pltpu.VMEM((CE,), f32),
        pltpu.VMEM((CE,), i32),
        pltpu.VMEM((CE,), i32),
        pltpu.VMEM((CE,), f32),
        pltpu.SemaphoreType.DMA,
        pltpu.SemaphoreType.DMA,
        pltpu.SemaphoreType.DMA,
        pltpu.SemaphoreType.DMA,
        pltpu.SemaphoreType.DMA,
        pltpu.SemaphoreType.DMA,
    ],
)


def _p2_body(src_hbm, dst_hbm, dinv_hbm, g1_hbm, s1p_hbm, par_hbm,
             g2_hbm, s2p_hbm,
             tab_sh, acc_sh, pb, b0, b1, dq, gq, gb,
             ib0, jb0, vb0, ib1, jb1, vb1, si0, si1, sg0, sg1, ss0, ss1):
    c = lax.axis_index("c")
    s = lax.axis_index("s")
    sl = pl.ds(s * NSL, NSL)
    pltpu.sync_copy(par_hbm, pb)
    pltpu.sync_copy(s1p_hbm.at[0, sl], b0)
    pltpu.sync_copy(s1p_hbm.at[1, sl], b1)
    pltpu.sync_copy(dinv_hbm.at[sl], dq)
    pltpu.sync_copy(g1_hbm.at[sl], gq)
    pv = pb[pl.ds(0, 16)]
    bias1 = pv[4]

    def nodes(i, _):
        dd = pl.ds(i * V16, V16)
        d = dq[dd]
        h1 = jnp.maximum(d * (b0[dd] + b1[dd] + gq[dd]) + bias1, 0.0)
        gb[dd] = d * h1
        return 0
    lax.fori_loop(0, NSL // V16, nodes, 0)
    pltpu.sync_copy(gb, g2_hbm.at[sl])
    pltpu.sync_copy(gb, tab_sh.at[sl])
    _fill(b0, NSL, 0.0)
    pltpu.sync_copy(b0, acc_sh.at[sl])
    plsc.subcore_barrier()
    base = _wid() * EW
    _sweep_gs(src_hbm, dst_hbm, tab_sh, acc_sh,
              ((ib0, jb0, vb0, si0, sg0, ss0), (ib1, jb1, vb1, si1, sg1, ss1)),
              base, EW // CE, CE)
    plsc.subcore_barrier()
    pltpu.sync_copy(acc_sh.at[sl], s2p_hbm.at[c, sl])


_k2 = pl.kernel(
    _p2_body,
    out_type=(jax.ShapeDtypeStruct((NP,), f32),
              jax.ShapeDtypeStruct((NC, NP), f32)),
    mesh=_mesh(),
    compiler_params=pltpu.CompilerParams(needs_layout_passes=False),
    scratch_types=[
        pltpu.VMEM_SHARED((NP,), f32),
        pltpu.VMEM_SHARED((NP,), f32),
        pltpu.VMEM((32,), f32),
        pltpu.VMEM((NSL,), f32),
        pltpu.VMEM((NSL,), f32),
        pltpu.VMEM((NSL,), f32),
        pltpu.VMEM((NSL,), f32),
        pltpu.VMEM((NSL,), f32),
        pltpu.VMEM((CE,), i32),
        pltpu.VMEM((CE,), i32),
        pltpu.VMEM((CE,), f32),
        pltpu.VMEM((CE,), i32),
        pltpu.VMEM((CE,), i32),
        pltpu.VMEM((CE,), f32),
        pltpu.SemaphoreType.DMA,
        pltpu.SemaphoreType.DMA,
        pltpu.SemaphoreType.DMA,
        pltpu.SemaphoreType.DMA,
        pltpu.SemaphoreType.DMA,
        pltpu.SemaphoreType.DMA,
    ],
)


def _p3_body(src_hbm, dst_hbm, dinv_hbm, g2_hbm, s2p_hbm, par_hbm,
             g3a_hbm, g3b_hbm, s3a_hbm, s3b_hbm,
             tpk_sh, acca_sh, accb_sh,
             pb, b0, b1, dq, gq, ga, gb2, pkb,
             ib0, jb0, wb0, va0, vb0, ib1, jb1, wb1, va1, vb1,
             si0, si1, sg0, sg1, ss0, ss1):
    c = lax.axis_index("c")
    s = lax.axis_index("s")
    sl = pl.ds(s * NSL, NSL)
    pltpu.sync_copy(par_hbm, pb)
    pltpu.sync_copy(s2p_hbm.at[0, sl], b0)
    pltpu.sync_copy(s2p_hbm.at[1, sl], b1)
    pltpu.sync_copy(dinv_hbm.at[sl], dq)
    pltpu.sync_copy(g2_hbm.at[sl], gq)
    pv = pb[pl.ds(0, 16)]
    w2a = pv[5]
    w2b = pv[6]
    b2a = pv[7]
    b2b = pv[8]

    def nodes(i, _):
        dd = pl.ds(i * V16, V16)
        d = dq[dd]
        u = d * (b0[dd] + b1[dd] + gq[dd])
        xa = d * jnp.maximum(u * w2a + b2a, 0.0)
        xb = d * jnp.maximum(u * w2b + b2b, 0.0)
        ga[dd] = xa
        gb2[dd] = xb
        pkb[dd] = plsc.bitcast(
            plsc.pack(xa, xb, format=plsc.PackFormat.INTERLEAVED), i32)
        return 0
    lax.fori_loop(0, NSL // V16, nodes, 0)
    pltpu.sync_copy(ga, g3a_hbm.at[sl])
    pltpu.sync_copy(gb2, g3b_hbm.at[sl])
    pltpu.sync_copy(pkb, tpk_sh.at[sl])
    _fill(b0, NSL, 0.0)
    pltpu.sync_copy(b0, acca_sh.at[sl])
    pltpu.sync_copy(b0, accb_sh.at[sl])
    plsc.subcore_barrier()
    base = _wid() * EW
    _sweep_gs2(src_hbm, dst_hbm, tpk_sh, acca_sh, accb_sh,
               ((ib0, jb0, wb0, va0, vb0, si0, sg0, ss0),
                (ib1, jb1, wb1, va1, vb1, si1, sg1, ss1)),
               base, EW // CE3, CE3)
    plsc.subcore_barrier()
    pltpu.sync_copy(acca_sh.at[sl], s3a_hbm.at[c, sl])
    pltpu.sync_copy(accb_sh.at[sl], s3b_hbm.at[c, sl])


_k3 = pl.kernel(
    _p3_body,
    out_type=(jax.ShapeDtypeStruct((NP,), f32),
              jax.ShapeDtypeStruct((NP,), f32),
              jax.ShapeDtypeStruct((NC, NP), f32),
              jax.ShapeDtypeStruct((NC, NP), f32)),
    mesh=_mesh(),
    compiler_params=pltpu.CompilerParams(needs_layout_passes=False),
    scratch_types=[
        pltpu.VMEM_SHARED((NP,), i32),
        pltpu.VMEM_SHARED((NP,), f32),
        pltpu.VMEM_SHARED((NP,), f32),
        pltpu.VMEM((32,), f32),
        pltpu.VMEM((NSL,), f32),
        pltpu.VMEM((NSL,), f32),
        pltpu.VMEM((NSL,), f32),
        pltpu.VMEM((NSL,), f32),
        pltpu.VMEM((NSL,), f32),
        pltpu.VMEM((NSL,), f32),
        pltpu.VMEM((NSL,), i32),
        pltpu.VMEM((CE3,), i32),
        pltpu.VMEM((CE3,), i32),
        pltpu.VMEM((CE3,), i32),
        pltpu.VMEM((CE3,), f32),
        pltpu.VMEM((CE3,), f32),
        pltpu.VMEM((CE3,), i32),
        pltpu.VMEM((CE3,), i32),
        pltpu.VMEM((CE3,), i32),
        pltpu.VMEM((CE3,), f32),
        pltpu.VMEM((CE3,), f32),
        pltpu.SemaphoreType.DMA,
        pltpu.SemaphoreType.DMA,
        pltpu.SemaphoreType.DMA,
        pltpu.SemaphoreType.DMA,
        pltpu.SemaphoreType.DMA,
        pltpu.SemaphoreType.DMA,
    ],
)


def _ro_body(src_hbm, dst_hbm, dinv_hbm, g3a_hbm, g3b_hbm,
             s3a_hbm, s3b_hbm, par_hbm, o_hbm,
             tza_sh, tzr_sh, tt_sh,
             pb, dq, a0, a1, e0, e1, gqa, gqb, zab, zrb,
             ib0, jb0, wa0, wr0, ft0, sb0,
             ib1, jb1, wa1, wr1, ft1, sb1,
             semi0, semi1, semg0, semg1, semo):
    s = lax.axis_index("s")
    sl = pl.ds(s * NSL, NSL)
    pltpu.sync_copy(par_hbm, pb)
    pltpu.sync_copy(s3a_hbm.at[0, sl], a0)
    pltpu.sync_copy(s3a_hbm.at[1, sl], a1)
    pltpu.sync_copy(s3b_hbm.at[0, sl], e0)
    pltpu.sync_copy(s3b_hbm.at[1, sl], e1)
    pltpu.sync_copy(dinv_hbm.at[sl], dq)
    pltpu.sync_copy(g3a_hbm.at[sl], gqa)
    pltpu.sync_copy(g3b_hbm.at[sl], gqb)
    pv = pb[pl.ds(0, 16)]
    g00 = pv[9]
    g01 = pv[10]
    g10 = pv[11]
    g11 = pv[12]
    c0 = pv[13]
    c1 = pv[14]
    k0 = pv[15]
    pv2 = pb[pl.ds(16, 16)]
    hasc = pv2[0] > 0.5

    def nodes(i, _):
        dd = pl.ds(i * V16, V16)
        d = dq[dd]
        va = d * (a0[dd] + a1[dd] + gqa[dd])
        vb = d * (e0[dd] + e1[dd] + gqb[dd])
        zab[dd] = plsc.bitcast(
            plsc.pack(va, vb, format=plsc.PackFormat.INTERLEAVED), i32)
        zrb[dd] = plsc.bitcast(
            plsc.pack(g00 * va + g01 * vb + c0, g10 * va + g11 * vb + c1,
                      format=plsc.PackFormat.INTERLEAVED), i32)
        gqa[dd] = c0 * va + c1 * vb + k0
        return 0
    lax.fori_loop(0, NSL // V16, nodes, 0)
    pltpu.sync_copy(zab, tza_sh.at[sl])
    pltpu.sync_copy(zrb, tzr_sh.at[sl])
    pltpu.sync_copy(gqa, tt_sh.at[sl])

    @pl.when(jnp.logical_not(hasc))
    def _():
        _fill(ft0, CP, 0.0)
        _fill(ft1, CP, 0.0)

        def addk(i, _):
            dd = pl.ds(i * V16, V16)
            ft0[dd] = ft0[dd] + k0
            ft1[dd] = ft1[dd] + k0
            return 0
        lax.fori_loop(0, CP // V16, addk, 0)
    plsc.subcore_barrier()
    base = _wid() * PW
    NCH = PW // CP

    sets = ((ib0, jb0, wa0, wr0, ft0, sb0, semi0, semg0),
            (ib1, jb1, wa1, wr1, ft1, sb1, semi1, semg1))

    def issue_idx(off, st):
        ib, jb = st[0], st[1]
        pltpu.async_copy(src_hbm.at[pl.ds(off, CP)], ib, st[6])
        pltpu.async_copy(dst_hbm.at[pl.ds(off, CP)], jb, st[6])

    def wait_idx(st):
        pltpu.make_async_copy(src_hbm.at[pl.ds(0, CP)], st[0], st[6]).wait()
        pltpu.make_async_copy(dst_hbm.at[pl.ds(0, CP)], st[1], st[6]).wait()

    def issue_g(st):
        pltpu.async_copy(tza_sh.at[st[0]], st[2], st[7])
        pltpu.async_copy(tzr_sh.at[st[1]], st[3], st[7])

        @pl.when(hasc)
        def _():
            pltpu.async_copy(tt_sh.at[st[1]], st[4], st[7])

    def wait_g(st):
        pltpu.make_async_copy(tza_sh.at[st[0]], st[2], st[7]).wait()
        pltpu.make_async_copy(tzr_sh.at[st[1]], st[3], st[7]).wait()

        @pl.when(hasc)
        def _():
            pltpu.make_async_copy(tt_sh.at[st[1]], st[4], st[7]).wait()

    s0 = sets[0]
    s1 = sets[1]
    pltpu.sync_copy(src_hbm.at[pl.ds(base, CP)], ib0)
    pltpu.sync_copy(dst_hbm.at[pl.ds(base, CP)], jb0)
    issue_g(s0)
    issue_idx(base + E2, s1)

    def chunk(i, _):
        off_next = base + (i + 1) * CP
        wait_idx(s1)
        issue_g(s1)
        wait_g(s0)

        @pl.when(i < NCH - 1)
        def _():
            issue_idx(off_next, s0)

        def dot1(j, _):
            dd = pl.ds(j * V16, V16)
            va, vb = plsc.unpack(plsc.bitcast(wa0[dd], jnp.bfloat16),
                                 format=plsc.PackFormat.INTERLEAVED)
            r0, r1 = plsc.unpack(plsc.bitcast(wr0[dd], jnp.bfloat16),
                                 format=plsc.PackFormat.INTERLEAVED)
            sb0[dd] = va * r0 + vb * r1 + ft0[dd]
            return 0
        lax.fori_loop(0, CP // V16, dot1, 0)

        @pl.when(i < NCH - 1)
        def _():
            wait_idx(s0)
            issue_g(s0)
        wait_g(s1)

        @pl.when(i < NCH - 1)
        def _():
            issue_idx(off_next + E2, s1)

        @pl.when(i > 0)
        def _():
            pltpu.make_async_copy(sb1, o_hbm.at[pl.ds(0, CP)], semo).wait()

        def dot2(j, _):
            dd = pl.ds(j * V16, V16)
            va, vb = plsc.unpack(plsc.bitcast(wa1[dd], jnp.bfloat16),
                                 format=plsc.PackFormat.INTERLEAVED)
            r0, r1 = plsc.unpack(plsc.bitcast(wr1[dd], jnp.bfloat16),
                                 format=plsc.PackFormat.INTERLEAVED)
            sv = 0.5 * (sb0[dd] + va * r0 + vb * r1 + ft1[dd])
            sb1[dd] = 1.0 / (1.0 + jnp.exp(-sv))
            return 0
        lax.fori_loop(0, CP // V16, dot2, 0)
        pltpu.async_copy(sb1, o_hbm.at[pl.ds(base + i * CP, CP)], semo)
        return 0
    lax.fori_loop(0, NCH, chunk, 0)
    pltpu.make_async_copy(sb1, o_hbm.at[pl.ds(0, CP)], semo).wait()


_k4 = pl.kernel(
    _ro_body,
    out_type=jax.ShapeDtypeStruct((E2,), f32),
    mesh=_mesh(),
    compiler_params=pltpu.CompilerParams(needs_layout_passes=False),
    scratch_types=[
        pltpu.VMEM_SHARED((NP,), i32),
        pltpu.VMEM_SHARED((NP,), i32),
        pltpu.VMEM_SHARED((NP,), f32),
        pltpu.VMEM((32,), f32),
        pltpu.VMEM((NSL,), f32),
        pltpu.VMEM((NSL,), f32),
        pltpu.VMEM((NSL,), f32),
        pltpu.VMEM((NSL,), f32),
        pltpu.VMEM((NSL,), f32),
        pltpu.VMEM((NSL,), f32),
        pltpu.VMEM((NSL,), f32),
        pltpu.VMEM((NSL,), i32),
        pltpu.VMEM((NSL,), i32),
        pltpu.VMEM((CP,), i32),
        pltpu.VMEM((CP,), i32),
        pltpu.VMEM((CP,), i32),
        pltpu.VMEM((CP,), i32),
        pltpu.VMEM((CP,), f32),
        pltpu.VMEM((CP,), f32),
        pltpu.VMEM((CP,), i32),
        pltpu.VMEM((CP,), i32),
        pltpu.VMEM((CP,), i32),
        pltpu.VMEM((CP,), i32),
        pltpu.VMEM((CP,), f32),
        pltpu.VMEM((CP,), f32),
        pltpu.SemaphoreType.DMA,
        pltpu.SemaphoreType.DMA,
        pltpu.SemaphoreType.DMA,
        pltpu.SemaphoreType.DMA,
        pltpu.SemaphoreType.DMA,
    ],
)


def kernel(x, edge_index, W1, b1, W2, b2, W3, b3):
    src = edge_index[0]
    dst = edge_index[1]
    xt = jnp.zeros((4, NP), f32).at[:, :NN].set(x.T)
    G = W3 @ W3.T
    cvec = W3 @ b3
    k0 = jnp.dot(b3, b3)
    hasc = jnp.any(cvec != 0).astype(f32)
    params = jnp.concatenate(
        [W1[:, 0], b1, W2[0], b2, G.ravel(), cvec, k0[None], hasc[None],
         jnp.zeros((15,), f32)]).astype(f32)
    degp = _deg(dst)
    dinv, g1, s1p = _k1(src, dst, xt, degp, params)
    g2, s2p = _k2(src, dst, dinv, g1, s1p, params)
    g3a, g3b, s3a, s3b = _k3(src, dst, dinv, g2, s2p, params)
    o = _k4(src, dst, dinv, g3a, g3b, s3a, s3b, params)
    return o[:, None]

# --- scband reference (transcript-rebuilt; emitter-appended) ---
"""Pipeline reference for scband-lattice-gnn-17832704213544 (READ-ONLY COPY).

The authoritative reference and input builder live on the scoring server;
editing this copy changes nothing except your own understanding.
"""

import jax, jax.numpy as jnp
import numpy as np

N = 100000
E = 6400000

def setup_inputs(seed: int = 0) -> dict:
    key = jax.random.key(seed)
    ks = jax.random.split(key, 10)
    x = jax.random.normal(ks[0], (N, 4), dtype=jnp.float32)
    edge_index = jax.random.randint(ks[1], (2, E), 0, N, dtype=jnp.int32)
    # GCNConv params: lin weight stored as [in, out] here, plus bias added after aggregation
    W1 = jax.random.normal(ks[2], (4, 1), dtype=jnp.float32) * 0.5
    b1 = jnp.zeros((1,), dtype=jnp.float32)
    W2 = jax.random.normal(ks[3], (1, 2), dtype=jnp.float32) * 0.5
    b2 = jnp.zeros((2,), dtype=jnp.float32)
    W3 = jax.random.normal(ks[4], (2, 4), dtype=jnp.float32) * 0.5
    b3 = jnp.zeros((4,), dtype=jnp.float32)
    return {"x": x, "edge_index": edge_index, "W1": W1, "b1": b1, "W2": W2, "b2": b2, "W3": W3, "b3": b3}

def reference(x, edge_index, W1, b1, W2, b2, W3, b3):
    src0 = edge_index[0]
    dst0 = edge_index[1]
    # GCN normalization with self-loops (PyG gcn_norm, add_self_loops=True)
    loop = jnp.arange(N, dtype=src0.dtype)
    src = jnp.concatenate([src0, loop])
    dst = jnp.concatenate([dst0, loop])
    deg = jax.ops.segment_sum(jnp.ones(src.shape[0], dtype=jnp.float32), dst, num_segments=N)
    dinv = jnp.where(deg > 0, 1.0 / jnp.sqrt(deg), 0.0)
    norm = dinv[src] * dinv[dst]

    def conv(h, W, b):
        hw = h @ W
        msg = hw[src] * norm[:, None]
        return jax.ops.segment_sum(msg, dst, num_segments=N) + b

    h = conv(x, W1, b1)
    h = jax.nn.relu(h)
    h = conv(h, W2, b2)
    h = jax.nn.relu(h)
    h = conv(h, W3, b3)
    # per-edge dot product of endpoint embeddings (original edges, no self-loops)
    s = jnp.sum(h[src0] * h[dst0], axis=-1)
    s = jnp.mean(s.reshape(2, E // 2), axis=0)[:, None]
    return jax.nn.sigmoid(s)

if __name__ == "__main__":
    import jax
    _d = setup_inputs()
    print(jax.jit(kernel)(*tuple(_d.values())))

</pallas_src>

<mosaic_0001>
#map = affine_map<(d0, d1) -> (0)>
#map1 = affine_map<(d0, d1) -> (0, 0)>
module attributes {stable_mosaic.version = 14 : i64} {
  func.func @_p1_body(%arg0: i32, %arg1: i32, %arg2: memref<6400000xi32, #tpu.memory_space<hbm>>, %arg3: memref<6400000xi32, #tpu.memory_space<hbm>>, %arg4: memref<4x102400xf32, #tpu.memory_space<hbm>>, %arg5: memref<2x102400xf32, #tpu.memory_space<hbm>>, %arg6: memref<32xf32, #tpu.memory_space<hbm>>, %arg7: memref<102400xf32, #tpu.memory_space<hbm>>, %arg8: memref<102400xf32, #tpu.memory_space<hbm>>, %arg9: memref<2x102400xf32, #tpu.memory_space<hbm>>, %arg10: memref<102400xf32, #tpu.memory_space<vmem_shared>>, %arg11: memref<102400xf32, #tpu.memory_space<vmem_shared>>, %arg12: memref<32xf32, #tpu.memory_space<vmem>>, %arg13: memref<6400xf32, #tpu.memory_space<vmem>>, %arg14: memref<6400xf32, #tpu.memory_space<vmem>>, %arg15: memref<6400xf32, #tpu.memory_space<vmem>>, %arg16: memref<6400xf32, #tpu.memory_space<vmem>>, %arg17: memref<6400xf32, #tpu.memory_space<vmem>>, %arg18: memref<6400xf32, #tpu.memory_space<vmem>>, %arg19: memref<6400xf32, #tpu.memory_space<vmem>>, %arg20: memref<6400xf32, #tpu.memory_space<vmem>>, %arg21: memref<10000xi32, #tpu.memory_space<vmem>>, %arg22: memref<10000xi32, #tpu.memory_space<vmem>>, %arg23: memref<10000xf32, #tpu.memory_space<vmem>>, %arg24: memref<10000xi32, #tpu.memory_space<vmem>>, %arg25: memref<10000xi32, #tpu.memory_space<vmem>>, %arg26: memref<10000xf32, #tpu.memory_space<vmem>>, %arg27: memref<!tpu.dma_semaphore, #tpu.memory_space<semaphore_mem>>, %arg28: memref<!tpu.dma_semaphore, #tpu.memory_space<semaphore_mem>>, %arg29: memref<!tpu.dma_semaphore, #tpu.memory_space<semaphore_mem>>, %arg30: memref<!tpu.dma_semaphore, #tpu.memory_space<semaphore_mem>>, %arg31: memref<!tpu.dma_semaphore, #tpu.memory_space<semaphore_mem>>, %arg32: memref<!tpu.dma_semaphore, #tpu.memory_space<semaphore_mem>>) attributes {dimension_semantics = [#tpu.dimension_semantics<core_parallel>, #tpu.dimension_semantics<subcore_parallel>], iteration_bounds = array<i64: 2, 16>, scalar_prefetch = 0 : i64, scratch_operands = 23 : i64, tpu.core_type = #tpu.core_type<sc_vector_subcore>, window_params = [{transform_indices = #map}, {transform_indices = #map}, {transform_indices = #map1}, {transform_indices = #map1}, {transform_indices = #map}, {transform_indices = #map}, {transform_indices = #map}, {transform_indices = #map1}]} {
    %mul3A = arith.constant 6400 : i32
    %mul3A_0 = arith.muli %arg1, %mul3A : i32
    "tpu.region"() ({
      %run_scoped3A_38 = tpu.sem_alloc : memref<!tpu.dma_semaphore, #tpu.memory_space<semaphore_mem>>
      tpu.enqueue_dma source(%arg6 : memref<32xf32, #tpu.memory_space<hbm>>) target(%arg12 : memref<32xf32, #tpu.memory_space<vmem>>) target_semaphore(%run_scoped3A_38 : memref<!tpu.dma_semaphore, #tpu.memory_space<semaphore_mem>>)
      tpu.wait_dma2 semaphore(%run_scoped3A_38 : memref<!tpu.dma_semaphore, #tpu.memory_space<semaphore_mem>>) src(%arg6 : memref<32xf32, #tpu.memory_space<hbm>>) dst(%arg12 : memref<32xf32, #tpu.memory_space<vmem>>)
      tpu.yield
    }) : () -> ()
    %run_scoped3A = arith.constant 0 : i32
    "tpu.region"() ({
      %run_scoped3A_38 = tpu.sem_alloc : memref<!tpu.dma_semaphore, #tpu.memory_space<semaphore_mem>>
      %dma_start3A = tpu.memref_slice %arg5[%run_scoped3A, %mul3A_0] : memref<2x102400xf32, #tpu.memory_space<hbm>> -> memref<1x6400xf32, #tpu.memory_space<hbm>>
      %dma_start3A_39 = tpu.memref_squeeze %dma_start3A : memref<1x6400xf32, #tpu.memory_space<hbm>> -> memref<6400xf32, #tpu.memory_space<hbm>>
      %dma_start3A_40 = tpu.memref_slice %arg5[%run_scoped3A, %mul3A_0] : memref<2x102400xf32, #tpu.memory_space<hbm>> -> memref<1x6400xf32, #tpu.memory_space<hbm>>
      %dma_start3A_41 = tpu.memref_squeeze %dma_start3A_40 : memref<1x6400xf32, #tpu.memory_space<hbm>> -> memref<6400xf32, #tpu.memory_space<hbm>>
      tpu.enqueue_dma source(%dma_start3A_41 : memref<6400xf32, #tpu.memory_space<hbm>>) target(%arg13 : memref<6400xf32, #tpu.memory_space<vmem>>) target_semaphore(%run_scoped3A_38 : memref<!tpu.dma_semaphore, #tpu.memory_space<semaphore_mem>>)
      %dma_wait3A = tpu.memref_slice %arg5[%run_scoped3A, %mul3A_0] : memref<2x102400xf32, #tpu.memory_space<hbm>> -> memref<1x6400xf32, #tpu.memory_space<hbm>>
      %dma_wait3A_42 = tpu.memref_squeeze %dma_wait3A : memref<1x6400xf32, #tpu.memory_space<hbm>> -> memref<6400xf32, #tpu.memory_space<hbm>>
      %dma_wait3A_43 = tpu.memref_slice %arg5[%run_scoped3A, %mul3A_0] : memref<2x102400xf32, #tpu.memory_space<hbm>> -> memref<1x6400xf32, #tpu.memory_space<hbm>>
      %dma_wait3A_44 = tpu.memref_squeeze %dma_wait3A_43 : memref<1x6400xf32, #tpu.memory_space<hbm>> -> memref<6400xf32, #tpu.memory_space<hbm>>
      tpu.wait_dma2 semaphore(%run_scoped3A_38 : memref<!tpu.dma_semaphore, #tpu.memory_space<semaphore_mem>>) src(%dma_wait3A_44 : memref<6400xf32, #tpu.memory_space<hbm>>) dst(%arg13 : memref<6400xf32, #tpu.memory_space<vmem>>)
      tpu.yield
    }) : () -> ()
    %run_scoped3A_1 = arith.constant 1 : i32
    "tpu.region"() ({
      %run_scoped3A_38 = tpu.sem_alloc : memref<!tpu.dma_semaphore, #tpu.memory_space<semaphore_mem>>
      %dma_start3A = tpu.memref_slice %arg5[%run_scoped3A_1, %mul3A_0] : memref<2x102400xf32, #tpu.memory_space<hbm>> -> memref<1x6400xf32, #tpu.memory_space<hbm>>
      %dma_start3A_39 = tpu.memref_squeeze %dma_start3A : memref<1x6400xf32, #tpu.memory_space<hbm>> -> memref<6400xf32, #tpu.memory_space<hbm>>
      %dma_start3A_40 = tpu.memref_slice %arg5[%run_scoped3A_1, %mul3A_0] : memref<2x102400xf32, #tpu.memory_space<hbm>> -> memref<1x6400xf32, #tpu.memory_space<hbm>>
      %dma_start3A_41 = tpu.memref_squeeze %dma_start3A_40 : memref<1x6400xf32, #tpu.memory_space<hbm>> -> memref<6400xf32, #tpu.memory_space<hbm>>
      tpu.enqueue_dma source(%dma_start3A_41 : memref<6400xf32, #tpu.memory_space<hbm>>) target(%arg14 : memref<6400xf32, #tpu.memory_space<vmem>>) target_semaphore(%run_scoped3A_38 : memref<!tpu.dma_semaphore, #tpu.memory_space<semaphore_mem>>)
      %dma_wait3A = tpu.memref_slice %arg5[%run_scoped3A_1, %mul3A_0] : memref<2x102400xf32, #tpu.memory_space<hbm>> -> memref<1x6400xf32, #tpu.memory_space<hbm>>
      %dma_wait3A_42 = tpu.memref_squeeze %dma_wait3A : memref<1x6400xf32, #tpu.memory_space<hbm>> -> memref<6400xf32, #tpu.memory_space<hbm>>
      %dma_wait3A_43 = tpu.memref_slice %arg5[%run_scoped3A_1, %mul3A_0] : memref<2x102400xf32, #tpu.memory_space<hbm>> -> memref<1x6400xf32, #tpu.memory_space<hbm>>
      %dma_wait3A_44 = tpu.memref_squeeze %dma_wait3A_43 : memref<1x6400xf32, #tpu.memory_space<hbm>> -> memref<6400xf32, #tpu.memory_space<hbm>>
      tpu.wait_dma2 semaphore(%run_scoped3A_38 : memref<!tpu.dma_semaphore, #tpu.memory_space<semaphore_mem>>) src(%dma_wait3A_44 : memref<6400xf32, #tpu.memory_space<hbm>>) dst(%arg14 : memref<6400xf32, #tpu.memory_space<vmem>>)
      tpu.yield
    }) : () -> ()
    %run_scoped3A_2 = arith.constant 0 : i32
    "tpu.region"() ({
      %run_scoped3A_38 = tpu.sem_alloc : memref<!tpu.dma_semaphore, #tpu.memory_space<semaphore_mem>>
      %dma_start3A = tpu.memref_slice %arg4[%run_scoped3A_2, %mul3A_0] : memref<4x102400xf32, #tpu.memory_space<hbm>> -> memref<1x6400xf32, #tpu.memory_space<hbm>>
      %dma_start3A_39 = tpu.memref_squeeze %dma_start3A : memref<1x6400xf32, #tpu.memory_space<hbm>> -> memref<6400xf32, #tpu.memory_space<hbm>>
      %dma_start3A_40 = tpu.memref_slice %arg4[%run_scoped3A_2, %mul3A_0] : memref<4x102400xf32, #tpu.memory_space<hbm>> -> memref<1x6400xf32, #tpu.memory_space<hbm>>
      %dma_start3A_41 = tpu.memref_squeeze %dma_start3A_40 : memref<1x6400xf32, #tpu.memory_space<hbm>> -> memref<6400xf32, #tpu.memory_space<hbm>>
      tpu.enqueue_dma source(%dma_start3A_41 : memref<6400xf32, #tpu.memory_space<hbm>>) target(%arg15 : memref<6400xf32, #tpu.memory_space<vmem>>) target_semaphore(%run_scoped3A_38 : memref<!tpu.dma_semaphore, #tpu.memory_space<semaphore_mem>>)
      %dma_wait3A = tpu.memref_slice %arg4[%run_scoped3A_2, %mul3A_0] : memref<4x102400xf32, #tpu.memory_space<hbm>> -> memref<1x6400xf32, #tpu.memory_space<hbm>>
      %dma_wait3A_42 = tpu.memref_squeeze %dma_wait3A : memref<1x6400xf32, #tpu.memory_space<hbm>> -> memref<6400xf32, #tpu.memory_space<hbm>>
      %dma_wait3A_43 = tpu.memref_slice %arg4[%run_scoped3A_2, %mul3A_0] : memref<4x102400xf32, #tpu.memory_space<hbm>> -> memref<1x6400xf32, #tpu.memory_space<hbm>>
      %dma_wait3A_44 = tpu.memref_squeeze %dma_wait3A_43 : memref<1x6400xf32, #tpu.memory_space<hbm>> -> memref<6400xf32, #tpu.memory_space<hbm>>
      tpu.wait_dma2 semaphore(%run_scoped3A_38 : memref<!tpu.dma_semaphore, #tpu.memory_space<semaphore_mem>>) src(%dma_wait3A_44 : memref<6400xf32, #tpu.memory_space<hbm>>) dst(%arg15 : memref<6400xf32, #tpu.memory_space<vmem>>)
      tpu.yield
    }) : () -> ()
    %run_scoped3A_3 = arith.constant 1 : i32
    "tpu.region"() ({
      %run_scoped3A_38 = tpu.sem_alloc : memref<!tpu.dma_semaphore, #tpu.memory_space<semaphore_mem>>
      %dma_start3A = tpu.memref_slice %arg4[%run_scoped3A_3, %mul3A_0] : memref<4x102400xf32, #tpu.memory_space<hbm>> -> memref<1x6400xf32, #tpu.memory_space<hbm>>
      %dma_start3A_39 = tpu.memref_squeeze %dma_start3A : memref<1x6400xf32, #tpu.memory_space<hbm>> -> memref<6400xf32, #tpu.memory_space<hbm>>
      %dma_start3A_40 = tpu.memref_slice %arg4[%run_scoped3A_3, %mul3A_0] : memref<4x102400xf32, #tpu.memory_space<hbm>> -> memref<1x6400xf32, #tpu.memory_space<hbm>>
      %dma_start3A_41 = tpu.memref_squeeze %dma_start3A_40 : memref<1x6400xf32, #tpu.memory_space<hbm>> -> memref<6400xf32, #tpu.memory_space<hbm>>
      tpu.enqueue_dma source(%dma_start3A_41 : memref<6400xf32, #tpu.memory_space<hbm>>) target(%arg16 : memref<6400xf32, #tpu.memory_space<vmem>>) target_semaphore(%run_scoped3A_38 : memref<!tpu.dma_semaphore, #tpu.memory_space<semaphore_mem>>)
      %dma_wait3A = tpu.memref_slice %arg4[%run_scoped3A_3, %mul3A_0] : memref<4x102400xf32, #tpu.memory_space<hbm>> -> memref<1x6400xf32, #tpu.memory_space<hbm>>
      %dma_wait3A_42 = tpu.memref_squeeze %dma_wait3A : memref<1x6400xf32, #tpu.memory_space<hbm>> -> memref<6400xf32, #tpu.memory_space<hbm>>
      %dma_wait3A_43 = tpu.memref_slice %arg4[%run_scoped3A_3, %mul3A_0] : memref<4x102400xf32, #tpu.memory_space<hbm>> -> memref<1x6400xf32, #tpu.memory_space<hbm>>
      %dma_wait3A_44 = tpu.memref_squeeze %dma_wait3A_43 : memref<1x6400xf32, #tpu.memory_space<hbm>> -> memref<6400xf32, #tpu.memory_space<hbm>>
      tpu.wait_dma2 semaphore(%run_scoped3A_38 : memref<!tpu.dma_semaphore, #tpu.memory_space<semaphore_mem>>) src(%dma_wait3A_44 : memref<6400xf32, #tpu.memory_space<hbm>>) dst(%arg16 : memref<6400xf32, #tpu.memory_space<vmem>>)
      tpu.yield
    }) : () -> ()
    %run_scoped3A_4 = arith.constant 2 : i32
    "tpu.region"() ({
      %run_scoped3A_38 = tpu.sem_alloc : memref<!tpu.dma_semaphore, #tpu.memory_space<semaphore_mem>>
      %dma_start3A = tpu.memref_slice %arg4[%run_scoped3A_4, %mul3A_0] : memref<4x102400xf32, #tpu.memory_space<hbm>> -> memref<1x6400xf32, #tpu.memory_space<hbm>>
      %dma_start3A_39 = tpu.memref_squeeze %dma_start3A : memref<1x6400xf32, #tpu.memory_space<hbm>> -> memref<6400xf32, #tpu.memory_space<hbm>>
      %dma_start3A_40 = tpu.memref_slice %arg4[%run_scoped3A_4, %mul3A_0] : memref<4x102400xf32, #tpu.memory_space<hbm>> -> memref<1x6400xf32, #tpu.memory_space<hbm>>
      %dma_start3A_41 = tpu.memref_squeeze %dma_start3A_40 : memref<1x6400xf32, #tpu.memory_space<hbm>> -> memref<6400xf32, #tpu.memory_space<hbm>>
      tpu.enqueue_dma source(%dma_start3A_41 : memref<6400xf32, #tpu.memory_space<hbm>>) target(%arg17 : memref<6400xf32, #tpu.memory_space<vmem>>) target_semaphore(%run_scoped3A_38 : memref<!tpu.dma_semaphore, #tpu.memory_space<semaphore_mem>>)
      %dma_wait3A = tpu.memref_slice %arg4[%run_scoped3A_4, %mul3A_0] : memref<4x102400xf32, #tpu.memory_space<hbm>> -> memref<1x6400xf32, #tpu.memory_space<hbm>>
      %dma_wait3A_42 = tpu.memref_squeeze %dma_wait3A : memref<1x6400xf32, #tpu.memory_space<hbm>> -> memref<6400xf32, #tpu.memory_space<hbm>>
      %dma_wait3A_43 = tpu.memref_slice %arg4[%run_scoped3A_4, %mul3A_0] : memref<4x102400xf32, #tpu.memory_space<hbm>> -> memref<1x6400xf32, #tpu.memory_space<hbm>>
      %dma_wait3A_44 = tpu.memref_squeeze %dma_wait3A_43 : memref<1x6400xf32, #tpu.memory_space<hbm>> -> memref<6400xf32, #tpu.memory_space<hbm>>
      tpu.wait_dma2 semaphore(%run_scoped3A_38 : memref<!tpu.dma_semaphore, #tpu.memory_space<semaphore_mem>>) src(%dma_wait3A_44 : memref<6400xf32, #tpu.memory_space<hbm>>) dst(%arg17 : memref<6400xf32, #tpu.memory_space<vmem>>)
      tpu.yield
    }) : () -> ()
    %run_scoped3A_5 = arith.constant 3 : i32
    "tpu.region"() ({
      %run_scoped3A_38 = tpu.sem_alloc : memref<!tpu.dma_semaphore, #tpu.memory_space<semaphore_mem>>
      %dma_start3A = tpu.memref_slice %arg4[%run_scoped3A_5, %mul3A_0] : memref<4x102400xf32, #tpu.memory_space<hbm>> -> memref<1x6400xf32, #tpu.memory_space<hbm>>
      %dma_start3A_39 = tpu.memref_squeeze %dma_start3A : memref<1x6400xf32, #tpu.memory_space<hbm>> -> memref<6400xf32, #tpu.memory_space<hbm>>
      %dma_start3A_40 = tpu.memref_slice %arg4[%run_scoped3A_5, %mul3A_0] : memref<4x102400xf32, #tpu.memory_space<hbm>> -> memref<1x6400xf32, #tpu.memory_space<hbm>>
      %dma_start3A_41 = tpu.memref_squeeze %dma_start3A_40 : memref<1x6400xf32, #tpu.memory_space<hbm>> -> memref<6400xf32, #tpu.memory_space<hbm>>
      tpu.enqueue_dma source(%dma_start3A_41 : memref<6400xf32, #tpu.memory_space<hbm>>) target(%arg18 : memref<6400xf32, #tpu.memory_space<vmem>>) target_semaphore(%run_scoped3A_38 : memref<!tpu.dma_semaphore, #tpu.memory_space<semaphore_mem>>)
      %dma_wait3A = tpu.memref_slice %arg4[%run_scoped3A_5, %mul3A_0] : memref<4x102400xf32, #tpu.memory_space<hbm>> -> memref<1x6400xf32, #tpu.memory_space<hbm>>
      %dma_wait3A_42 = tpu.memref_squeeze %dma_wait3A : memref<1x6400xf32, #tpu.memory_space<hbm>> -> memref<6400xf32, #tpu.memory_space<hbm>>
      %dma_wait3A_43 = tpu.memref_slice %arg4[%run_scoped3A_5, %mul3A_0] : memref<4x102400xf32, #tpu.memory_space<hbm>> -> memref<1x6400xf32, #tpu.memory_space<hbm>>
      %dma_wait3A_44 = tpu.memref_squeeze %dma_wait3A_43 : memref<1x6400xf32, #tpu.memory_space<hbm>> -> memref<6400xf32, #tpu.memory_space<hbm>>
      tpu.wait_dma2 semaphore(%run_scoped3A_38 : memref<!tpu.dma_semaphore, #tpu.memory_space<semaphore_mem>>) src(%dma_wait3A_44 : memref<6400xf32, #tpu.memory_space<hbm>>) dst(%arg18 : memref<6400xf32, #tpu.memory_space<vmem>>)
      tpu.yield
    }) : () -> ()
    %get3A = arith.constant 0 : index
    %get3A_6 = tpu.vector_load %arg12[%get3A] {strides = array<i32>} : memref<32xf32, #tpu.memory_space<vmem>>, vector<16xf32>,
    %slice3A = vector.extract_strided_slice %get3A_6 {offsets = [0], sizes = [1], strides = [1]} : vector<16xf32> to vector<1xf32>
    %squeeze3A = vector.extract %slice3A[0] : f32 from vector<1xf32>
    %slice3A_7 = vector.extract_strided_slice %get3A_6 {offsets = [1], sizes = [1], strides = [1]} : vector<16xf32> to vector<1xf32>
    %squeeze3A_8 = vector.extract %slice3A_7[0] : f32 from vector<1xf32>
    %slice3A_9 = vector.extract_strided_slice %get3A_6 {offsets = [2], sizes = [1], strides = [1]} : vector<16xf32> to vector<1xf32>
    %squeeze3A_10 = vector.extract %slice3A_9[0] : f32 from vector<1xf32>
    %slice3A_11 = vector.extract_strided_slice %get3A_6 {offsets = [3], sizes = [1], strides = [1]} : vector<16xf32> to vector<1xf32>
    %squeeze3A_12 = vector.extract %slice3A_11[0] : f32 from vector<1xf32>
    %scan3A = arith.constant 0 : i32
    %scan3A_13 = arith.constant 0 : i32
    %scan3A_14 = arith.constant 400 : i32
    %scan3A_15 = arith.addi %scan3A_13, %scan3A_14 : i32
    %scan3A_16 = arith.constant 1 : i32
    %scan3A_17 = scf.for %scan3A_38 = %scan3A_13 to %scan3A_15 step %scan3A_16 iter_args(%scan3A_39 = %scan3A) -> (i32)  : i32 {
      %mul3A_40 = arith.constant 16 : i32
      %mul3A_41 = arith.muli %scan3A_38, %mul3A_40 : i32
      %get3A_42 = arith.index_cast %mul3A_41 : i32 to index
      %get3A_43 = tpu.vector_load %arg13[%get3A_42] {strides = array<i32>} : memref<6400xf32, #tpu.memory_space<vmem>>, vector<16xf32>,
      %get3A_44 = arith.index_cast %mul3A_41 : i32 to index
      %get3A_45 = tpu.vector_load %arg14[%get3A_44] {strides = array<i32>} : memref<6400xf32, #tpu.memory_space<vmem>>, vector<16xf32>,
      %add3A_46 = arith.addf %get3A_43, %get3A_45 : vector<16xf32>
      %add3A_47 = arith.constant 1.000000e+00 : f32
      %add3A_48 = vector.broadcast %add3A_47 : f32 to vector<16xf32>
      %add3A_49 = arith.addf %add3A_46, %add3A_48 : vector<16xf32>
      %bitcast3A = vector.bitcast %add3A_49 : vector<16xf32> to vector<16xi32>
      %broadcast_in_dim3A = arith.constant 1597463007 : i32
      %broadcast_in_dim3A_50 = vector.broadcast %broadcast_in_dim3A : i32 to vector<16xi32>
      %broadcast_in_dim3A_51 = arith.constant 1 : i32
      %broadcast_in_dim3A_52 = vector.broadcast %broadcast_in_dim3A_51 : i32 to vector<16xi32>
      %shift_right_arithmetic3A = arith.shrsi %bitcast3A, %broadcast_in_dim3A_52 : vector<16xi32>
      %sub3A = arith.subi %broadcast_in_dim3A_50, %shift_right_arithmetic3A : vector<16xi32>
      %bitcast3A_53 = vector.bitcast %sub3A : vector<16xi32> to vector<16xf32>
      %mul3A_54 = arith.constant 5.000000e-01 : f32
      %mul3A_55 = vector.broadcast %mul3A_54 : f32 to vector<16xf32>
      %mul3A_56 = arith.mulf %mul3A_55, %add3A_49 : vector<16xf32>
      %mul3A_57 = arith.mulf %mul3A_56, %bitcast3A_53 : vector<16xf32>
      %mul3A_58 = arith.mulf %mul3A_57, %bitcast3A_53 : vector<16xf32>
      %sub3A_59 = arith.constant 1.500000e+00 : f32
      %sub3A_60 = vector.broadcast %sub3A_59 : f32 to vector<16xf32>
      %sub3A_61 = arith.subf %sub3A_60, %mul3A_58 : vector<16xf32>
      %mul3A_62 = arith.mulf %bitcast3A_53, %sub3A_61 : vector<16xf32>
      %mul3A_63 = arith.constant 5.000000e-01 : f32
      %mul3A_64 = vector.broadcast %mul3A_63 : f32 to vector<16xf32>
      %mul3A_65 = arith.mulf %mul3A_64, %add3A_49 : vector<16xf32>
      %mul3A_66 = arith.mulf %mul3A_65, %mul3A_62 : vector<16xf32>
      %mul3A_67 = arith.mulf %mul3A_66, %mul3A_62 : vector<16xf32>
      %sub3A_68 = arith.constant 1.500000e+00 : f32
      %sub3A_69 = vector.broadcast %sub3A_68 : f32 to vector<16xf32>
      %sub3A_70 = arith.subf %sub3A_69, %mul3A_67 : vector<16xf32>
      %mul3A_71 = arith.mulf %mul3A_62, %sub3A_70 : vector<16xf32>
      %mul3A_72 = arith.constant 5.000000e-01 : f32
      %mul3A_73 = vector.broadcast %mul3A_72 : f32 to vector<16xf32>
      %mul3A_74 = arith.mulf %mul3A_73, %add3A_49 : vector<16xf32>
      %mul3A_75 = arith.mulf %mul3A_74, %mul3A_71 : vector<16xf32>
      %mul3A_76 = arith.mulf %mul3A_75, %mul3A_71 : vector<16xf32>
      %sub3A_77 = arith.constant 1.500000e+00 : f32
      %sub3A_78 = vector.broadcast %sub3A_77 : f32 to vector<16xf32>
      %sub3A_79 = arith.subf %sub3A_78, %mul3A_76 : vector<16xf32>
      %mul3A_80 = arith.mulf %mul3A_71, %sub3A_79 : vector<16xf32>
      %get3A_81 = arith.index_cast %mul3A_41 : i32 to index
      %get3A_82 = tpu.vector_load %arg15[%get3A_81] {strides = array<i32>} : memref<6400xf32, #tpu.memory_space<vmem>>, vector<16xf32>,
      %mul3A_83 = vector.broadcast %squeeze3A : f32 to vector<16xf32>
      %mul3A_84 = arith.mulf %get3A_82, %mul3A_83 : vector<16xf32>
      %get3A_85 = arith.index_cast %mul3A_41 : i32 to index
      %get3A_86 = tpu.vector_load %arg16[%get3A_85] {strides = array<i32>} : memref<6400xf32, #tpu.memory_space<vmem>>, vector<16xf32>,
      %mul3A_87 = vector.broadcast %squeeze3A_8 : f32 to vector<16xf32>
      %mul3A_88 = arith.mulf %get3A_86, %mul3A_87 : vector<16xf32>
      %add3A_89 = arith.addf %mul3A_84, %mul3A_88 : vector<16xf32>
      %get3A_90 = arith.index_cast %mul3A_41 : i32 to index
      %get3A_91 = tpu.vector_load %arg17[%get3A_90] {strides = array<i32>} : memref<6400xf32, #tpu.memory_space<vmem>>, vector<16xf32>,
      %mul3A_92 = vector.broadcast %squeeze3A_10 : f32 to vector<16xf32>
      %mul3A_93 = arith.mulf %get3A_91, %mul3A_92 : vector<16xf32>
      %add3A_94 = arith.addf %add3A_89, %mul3A_93 : vector<16xf32>
      %get3A_95 = arith.index_cast %mul3A_41 : i32 to index
      %get3A_96 = tpu.vector_load %arg18[%get3A_95] {strides = array<i32>} : memref<6400xf32, #tpu.memory_space<vmem>>, vector<16xf32>,
      %mul3A_97 = vector.broadcast %squeeze3A_12 : f32 to vector<16xf32>
      %mul3A_98 = arith.mulf %get3A_96, %mul3A_97 : vector<16xf32>
      %add3A_99 = arith.addf %add3A_94, %mul3A_98 : vector<16xf32>
      %swap3A = arith.index_cast %mul3A_41 : i32 to index
      %swap3A_100 = tpu.vector_load %arg19[%swap3A] {strides = array<i32>} : memref<6400xf32, #tpu.memory_space<vmem>>, vector<16xf32>,
      tpu.vector_store %arg19[%swap3A], %mul3A_80 {strides = array<i32>} : memref<6400xf32, #tpu.memory_space<vmem>>, vector<16xf32>,
      %mul3A_101 = arith.mulf %mul3A_80, %add3A_99 : vector<16xf32>
      %swap3A_102 = arith.index_cast %mul3A_41 : i32 to index
      %swap3A_103 = tpu.vector_load %arg20[%swap3A_102] {strides = array<i32>} : memref<6400xf32, #tpu.memory_space<vmem>>, vector<16xf32>,
      tpu.vector_store %arg20[%swap3A_102], %mul3A_101 {strides = array<i32>} : memref<6400xf32, #tpu.memory_space<vmem>>, vector<16xf32>,
      %scan3A_104 = arith.constant 0 : i32
      scf.yield %scan3A_104 : i32
    }
    %scan3A_18 = arith.constant 400 : i32
    "tpu.region"() ({
      %run_scoped3A_38 = tpu.sem_alloc : memref<!tpu.dma_semaphore, #tpu.memory_space<semaphore_mem>>
      %dma_start3A = tpu.memref_slice %arg7[%mul3A_0] : memref<102400xf32, #tpu.memory_space<hbm>> -> memref<6400xf32, #tpu.memory_space<hbm>>
      %dma_start3A_39 = tpu.memref_slice %arg7[%mul3A_0] : memref<102400xf32, #tpu.memory_space<hbm>> -> memref<6400xf32, #tpu.memory_space<hbm>>
      tpu.enqueue_dma source(%arg19 : memref<6400xf32, #tpu.memory_space<vmem>>) target(%dma_start3A_39 : memref<6400xf32, #tpu.memory_space<hbm>>) target_semaphore(%run_scoped3A_38 : memref<!tpu.dma_semaphore, #tpu.memory_space<semaphore_mem>>)
      %dma_wait3A = tpu.memref_slice %arg7[%mul3A_0] : memref<102400xf32, #tpu.memory_space<hbm>> -> memref<6400xf32, #tpu.memory_space<hbm>>
      %dma_wait3A_40 = tpu.memref_slice %arg7[%mul3A_0] : memref<102400xf32, #tpu.memory_space<hbm>> -> memref<6400xf32, #tpu.memory_space<hbm>>
      tpu.wait_dma2 semaphore(%run_scoped3A_38 : memref<!tpu.dma_semaphore, #tpu.memory_space<semaphore_mem>>) src(%arg19 : memref<6400xf32, #tpu.memory_space<vmem>>) dst(%dma_wait3A_40 : memref<6400xf32, #tpu.memory_space<hbm>>)
      tpu.yield
    }) : () -> ()
    "tpu.region"() ({
      %run_scoped3A_38 = tpu.sem_alloc : memref<!tpu.dma_semaphore, #tpu.memory_space<semaphore_mem>>
      %dma_start3A = tpu.memref_slice %arg8[%mul3A_0] : memref<102400xf32, #tpu.memory_space<hbm>> -> memref<6400xf32, #tpu.memory_space<hbm>>
      %dma_start3A_39 = tpu.memref_slice %arg8[%mul3A_0] : memref<102400xf32, #tpu.memory_space<hbm>> -> memref<6400xf32, #tpu.memory_space<hbm>>
      tpu.enqueue_dma source(%arg20 : memref<6400xf32, #tpu.memory_space<vmem>>) target(%dma_start3A_39 : memref<6400xf32, #tpu.memory_space<hbm>>) target_semaphore(%run_scoped3A_38 : memref<!tpu.dma_semaphore, #tpu.memory_space<semaphore_mem>>)
      %dma_wait3A = tpu.memref_slice %arg8[%mul3A_0] : memref<102400xf32, #tpu.memory_space<hbm>> -> memref<6400xf32, #tpu.memory_space<hbm>>
      %dma_wait3A_40 = tpu.memref_slice %arg8[%mul3A_0] : memref<102400xf32, #tpu.memory_space<hbm>> -> memref<6400xf32, #tpu.memory_space<hbm>>
      tpu.wait_dma2 semaphore(%run_scoped3A_38 : memref<!tpu.dma_semaphore, #tpu.memory_space<semaphore_mem>>) src(%arg20 : memref<6400xf32, #tpu.memory_space<vmem>>) dst(%dma_wait3A_40 : memref<6400xf32, #tpu.memory_space<hbm>>)
      tpu.yield
    }) : () -> ()
    "tpu.region"() ({
      %run_scoped3A_38 = tpu.sem_alloc : memref<!tpu.dma_semaphore, #tpu.memory_space<semaphore_mem>>
      %dma_start3A = tpu.memref_slice %arg10[%mul3A_0] : memref<102400xf32, #tpu.memory_space<vmem_shared>> -> memref<6400xf32, #tpu.memory_space<vmem_shared>>
      %dma_start3A_39 = tpu.memref_slice %arg10[%mul3A_0] : memref<102400xf32, #tpu.memory_space<vmem_shared>> -> memref<6400xf32, #tpu.memory_space<vmem_shared>>
      tpu.enqueue_dma source(%arg20 : memref<6400xf32, #tpu.memory_space<vmem>>) target(%dma_start3A_39 : memref<6400xf32, #tpu.memory_space<vmem_shared>>) target_semaphore(%run_scoped3A_38 : memref<!tpu.dma_semaphore, #tpu.memory_space<semaphore_mem>>)
      %dma_wait3A = tpu.memref_slice %arg10[%mul3A_0] : memref<102400xf32, #tpu.memory_space<vmem_shared>> -> memref<6400xf32, #tpu.memory_space<vmem_shared>>
      %dma_wait3A_40 = tpu.memref_slice %arg10[%mul3A_0] : memref<102400xf32, #tpu.memory_space<vmem_shared>> -> memref<6400xf32, #tpu.memory_space<vmem_shared>>
      tpu.wait_dma2 semaphore(%run_scoped3A_38 : memref<!tpu.dma_semaphore, #tpu.memory_space<semaphore_mem>>) src(%arg20 : memref<6400xf32, #tpu.memory_space<vmem>>) dst(%dma_wait3A_40 : memref<6400xf32, #tpu.memory_space<vmem_shared>>)
      tpu.yield
    }) : () -> ()
    %scan3A_19 = arith.constant 0 : i32
    %scan3A_20 = arith.constant 0 : i32
    %scan3A_21 = arith.constant 400 : i32
    %scan3A_22 = arith.addi %scan3A_20, %scan3A_21 : i32
    %scan3A_23 = arith.constant 1 : i32
    %scan3A_24 = scf.for %scan3A_38 = %scan3A_20 to %scan3A_22 step %scan3A_23 iter_args(%scan3A_39 = %scan3A_19) -> (i32)  : i32 {
      %broadcast_in_dim3A = arith.constant 0.000000e+00 : f32
      %broadcast_in_dim3A_40 = vector.broadcast %broadcast_in_dim3A : f32 to vector<16xf32>
      %mul3A_41 = arith.constant 16 : i32
      %mul3A_42 = arith.muli %scan3A_38, %mul3A_41 : i32
      %swap3A = arith.index_cast %mul3A_42 : i32 to index
      %swap3A_43 = tpu.vector_load %arg13[%swap3A] {strides = array<i32>} : memref<6400xf32, #tpu.memory_space<vmem>>, vector<16xf32>,
      tpu.vector_store %arg13[%swap3A], %broadcast_in_dim3A_40 {strides = array<i32>} : memref<6400xf32, #tpu.memory_space<vmem>>, vector<16xf32>,
      %scan3A_44 = arith.constant 0 : i32
      scf.yield %scan3A_44 : i32
    }
    %scan3A_25 = arith.constant 400 : i32
    "tpu.region"() ({
      %run_scoped3A_38 = tpu.sem_alloc : memref<!tpu.dma_semaphore, #tpu.memory_space<semaphore_mem>>
      %dma_start3A = tpu.memref_slice %arg11[%mul3A_0] : memref<102400xf32, #tpu.memory_space<vmem_shared>> -> memref<6400xf32, #tpu.memory_space<vmem_shared>>
      %dma_start3A_39 = tpu.memref_slice %arg11[%mul3A_0] : memref<102400xf32, #tpu.memory_space<vmem_shared>> -> memref<6400xf32, #tpu.memory_space<vmem_shared>>
      tpu.enqueue_dma source(%arg13 : memref<6400xf32, #tpu.memory_space<vmem>>) target(%dma_start3A_39 : memref<6400xf32, #tpu.memory_space<vmem_shared>>) target_semaphore(%run_scoped3A_38 : memref<!tpu.dma_semaphore, #tpu.memory_space<semaphore_mem>>)
      %dma_wait3A = tpu.memref_slice %arg11[%mul3A_0] : memref<102400xf32, #tpu.memory_space<vmem_shared>> -> memref<6400xf32, #tpu.memory_space<vmem_shared>>
      %dma_wait3A_40 = tpu.memref_slice %arg11[%mul3A_0] : memref<102400xf32, #tpu.memory_space<vmem_shared>> -> memref<6400xf32, #tpu.memory_space<vmem_shared>>
      tpu.wait_dma2 semaphore(%run_scoped3A_38 : memref<!tpu.dma_semaphore, #tpu.memory_space<semaphore_mem>>) src(%arg13 : memref<6400xf32, #tpu.memory_space<vmem>>) dst(%dma_wait3A_40 : memref<6400xf32, #tpu.memory_space<vmem_shared>>)
      tpu.yield
    }) : () -> ()
    %barrier3A = arith.constant 0 : index
    tpu.barrier barrier_id(%barrier3A)
    %mul3A_26 = arith.constant 16 : i32
    %mul3A_27 = arith.muli %arg0, %mul3A_26 : i32
    %add3A = arith.addi %mul3A_27, %arg1 : i32
    %mul3A_28 = arith.constant 200000 : i32
    %mul3A_29 = arith.muli %add3A, %mul3A_28 : i32
    %scan3A_30 = arith.constant 0 : i32
    %scan3A_31 = arith.constant 0 : i32
    %scan3A_32 = arith.constant 20 : i32
    %scan3A_33 = arith.addi %scan3A_31, %scan3A_32 : i32
    %scan3A_34 = arith.constant 1 : i32
    %scan3A_35 = scf.for %scan3A_38 = %scan3A_31 to %scan3A_33 step %scan3A_34 iter_args(%scan3A_39 = %scan3A_30) -> (i32)  : i32 {
      %mul3A_40 = arith.constant 10000 : i32
      %mul3A_41 = arith.muli %scan3A_38, %mul3A_40 : i32
      %add3A_42 = arith.addi %mul3A_29, %mul3A_41 : i32
      "tpu.region"() ({
        %run_scoped3A_44 = tpu.sem_alloc : memref<!tpu.dma_semaphore, #tpu.memory_space<semaphore_mem>>
        %dma_start3A = tpu.memref_slice %arg2[%add3A_42] : memref<6400000xi32, #tpu.memory_space<hbm>> -> memref<10000xi32, #tpu.memory_space<hbm>>
        %dma_start3A_45 = tpu.memref_slice %arg2[%add3A_42] : memref<6400000xi32, #tpu.memory_space<hbm>> -> memref<10000xi32, #tpu.memory_space<hbm>>
        tpu.enqueue_dma source(%dma_start3A_45 : memref<10000xi32, #tpu.memory_space<hbm>>) target(%arg21 : memref<10000xi32, #tpu.memory_space<vmem>>) target_semaphore(%run_scoped3A_44 : memref<!tpu.dma_semaphore, #tpu.memory_space<semaphore_mem>>)
        %dma_wait3A = tpu.memref_slice %arg2[%add3A_42] : memref<6400000xi32, #tpu.memory_space<hbm>> -> memref<10000xi32, #tpu.memory_space<hbm>>
        %dma_wait3A_46 = tpu.memref_slice %arg2[%add3A_42] : memref<6400000xi32, #tpu.memory_space<hbm>> -> memref<10000xi32, #tpu.memory_space<hbm>>
        tpu.wait_dma2 semaphore(%run_scoped3A_44 : memref<!tpu.dma_semaphore, #tpu.memory_space<semaphore_mem>>) src(%dma_wait3A_46 : memref<10000xi32, #tpu.memory_space<hbm>>) dst(%arg21 : memref<10000xi32, #tpu.memory_space<vmem>>)
        tpu.yield
      }) : () -> ()
      "tpu.region"() ({
        %run_scoped3A_44 = tpu.sem_alloc : memref<!tpu.dma_semaphore, #tpu.memory_space<semaphore_mem>>
        %dma_start3A = tpu.memref_slice %arg3[%add3A_42] : memref<6400000xi32, #tpu.memory_space<hbm>> -> memref<10000xi32, #tpu.memory_space<hbm>>
        %dma_start3A_45 = tpu.memref_slice %arg3[%add3A_42] : memref<6400000xi32, #tpu.memory_space<hbm>> -> memref<10000xi32, #tpu.memory_space<hbm>>
        tpu.enqueue_dma source(%dma_start3A_45 : memref<10000xi32, #tpu.memory_space<hbm>>) target(%arg22 : memref<10000xi32, #tpu.memory_space<vmem>>) target_semaphore(%run_scoped3A_44 : memref<!tpu.dma_semaphore, #tpu.memory_space<semaphore_mem>>)
        %dma_wait3A = tpu.memref_slice %arg3[%add3A_42] : memref<6400000xi32, #tpu.memory_space<hbm>> -> memref<10000xi32, #tpu.memory_space<hbm>>
        %dma_wait3A_46 = tpu.memref_slice %arg3[%add3A_42] : memref<6400000xi32, #tpu.memory_space<hbm>> -> memref<10000xi32, #tpu.memory_space<hbm>>
        tpu.wait_dma2 semaphore(%run_scoped3A_44 : memref<!tpu.dma_semaphore, #tpu.memory_space<semaphore_mem>>) src(%dma_wait3A_46 : memref<10000xi32, #tpu.memory_space<hbm>>) dst(%arg22 : memref<10000xi32, #tpu.memory_space<vmem>>)
        tpu.yield
      }) : () -> ()
      "tpu.region"() ({
        %run_scoped3A_44 = tpu.sem_alloc : memref<!tpu.dma_semaphore, #tpu.memory_space<semaphore_mem>>
        %dma_start3A = arith.constant 0 : i32
        %dma_start3A_45 = tpu.memref_slice %arg10[%dma_start3A] : memref<102400xf32, #tpu.memory_space<vmem_shared>> -> memref<102400xf32, #tpu.memory_space<vmem_shared>>
        tpu.enqueue_indirect_dma source(%dma_start3A_45 : memref<102400xf32, #tpu.memory_space<vmem_shared>>) target(%arg23 : memref<10000xf32, #tpu.memory_space<vmem>>) offsets(%arg21 : memref<10000xi32, #tpu.memory_space<vmem>>) semaphore(%run_scoped3A_44 : memref<!tpu.dma_semaphore, #tpu.memory_space<semaphore_mem>>)
        %dma_wait3A = arith.constant 0 : i32
        %dma_wait3A_46 = tpu.memref_slice %arg10[%dma_wait3A] : memref<102400xf32, #tpu.memory_space<vmem_shared>> -> memref<102400xf32, #tpu.memory_space<vmem_shared>>
        tpu.wait_indirect_dma semaphore(%run_scoped3A_44 : memref<!tpu.dma_semaphore, #tpu.memory_space<semaphore_mem>>) src(%dma_wait3A_46 : memref<102400xf32, #tpu.memory_space<vmem_shared>>) dst(%arg23 : memref<10000xf32, #tpu.memory_space<vmem>>)
        tpu.yield
      }) : () -> ()
      "tpu.region"() ({
        %run_scoped3A_44 = tpu.sem_alloc : memref<!tpu.dma_semaphore, #tpu.memory_space<semaphore_mem>>
        %dma_start3A = arith.constant 0 : i32
        %dma_start3A_45 = tpu.memref_slice %arg11[%dma_start3A] : memref<102400xf32, #tpu.memory_space<vmem_shared>> -> memref<102400xf32, #tpu.memory_space<vmem_shared>>
        tpu.enqueue_indirect_dma source(%arg23 : memref<10000xf32, #tpu.memory_space<vmem>>) target(%dma_start3A_45 : memref<102400xf32, #tpu.memory_space<vmem_shared>>) offsets(%arg22 : memref<10000xi32, #tpu.memory_space<vmem>>) semaphore(%run_scoped3A_44 : memref<!tpu.dma_semaphore, #tpu.memory_space<semaphore_mem>>) {add = true}
        %dma_wait3A = arith.constant 0 : i32
        %dma_wait3A_46 = tpu.memref_slice %arg11[%dma_wait3A] : memref<102400xf32, #tpu.memory_space<vmem_shared>> -> memref<102400xf32, #tpu.memory_space<vmem_shared>>
        tpu.wait_indirect_dma semaphore(%run_scoped3A_44 : memref<!tpu.dma_semaphore, #tpu.memory_space<semaphore_mem>>) src(%arg23 : memref<10000xf32, #tpu.memory_space<vmem>>) dst(%dma_wait3A_46 : memref<102400xf32, #tpu.memory_space<vmem_shared>>)
        tpu.yield
      }) : () -> ()
      %scan3A_43 = arith.constant 0 : i32
      scf.yield %scan3A_43 : i32
    }
    %scan3A_36 = arith.constant 20 : i32
    %barrier3A_37 = arith.constant 0 : index
    tpu.barrier barrier_id(%barrier3A_37)
    "tpu.region"() ({
      %run_scoped3A_38 = tpu.sem_alloc : memref<!tpu.dma_semaphore, #tpu.memory_space<semaphore_mem>>
      %dma_start3A = tpu.memref_slice %arg9[%arg0, %mul3A_0] : memref<2x102400xf32, #tpu.memory_space<hbm>> -> memref<1x6400xf32, #tpu.memory_space<hbm>>
      %dma_start3A_39 = tpu.memref_squeeze %dma_start3A : memref<1x6400xf32, #tpu.memory_space<hbm>> -> memref<6400xf32, #tpu.memory_space<hbm>>
      %dma_start3A_40 = tpu.memref_slice %arg11[%mul3A_0] : memref<102400xf32, #tpu.memory_space<vmem_shared>> -> memref<6400xf32, #tpu.memory_space<vmem_shared>>
      tpu.enqueue_dma source(%dma_start3A_40 : memref<6400xf32, #tpu.memory_space<vmem_shared>>) target(%dma_start3A_39 : memref<6400xf32, #tpu.memory_space<hbm>>) target_semaphore(%run_scoped3A_38 : memref<!tpu.dma_semaphore, #tpu.memory_space<semaphore_mem>>)
      %dma_wait3A = tpu.memref_slice %arg9[%arg0, %mul3A_0] : memref<2x102400xf32, #tpu.memory_space<hbm>> -> memref<1x6400xf32, #tpu.memory_space<hbm>>
      %dma_wait3A_41 = tpu.memref_squeeze %dma_wait3A : memref<1x6400xf32, #tpu.memory_space<hbm>> -> memref<6400xf32, #tpu.memory_space<hbm>>
      %dma_wait3A_42 = tpu.memref_slice %arg11[%mul3A_0] : memref<102400xf32, #tpu.memory_space<vmem_shared>> -> memref<6400xf32, #tpu.memory_space<vmem_shared>>
      tpu.wait_dma2 semaphore(%run_scoped3A_38 : memref<!tpu.dma_semaphore, #tpu.memory_space<semaphore_mem>>) src(%dma_wait3A_42 : memref<6400xf32, #tpu.memory_space<vmem_shared>>) dst(%dma_wait3A_41 : memref<6400xf32, #tpu.memory_space<hbm>>)
      tpu.yield
    }) : () -> ()
    return
  }
}

#map = affine_map<(d0, d1) -> (0)>
#map1 = affine_map<(d0, d1) -> (0, 0)>
module attributes {stable_mosaic.version = 14 : i64} {
  func.func @_p2_body(%arg0: i32, %arg1: i32, %arg2: memref<6400000xi32, #tpu.memory_space<hbm>>, %arg3: memref<6400000xi32, #tpu.memory_space<hbm>>, %arg4: memref<102400xf32, #tpu.memory_space<hbm>>, %arg5: memref<102400xf32, #tpu.memory_space<hbm>>, %arg6: memref<2x102400xf32, #tpu.memory_space<hbm>>, %arg7: memref<32xf32, #tpu.memory_space<hbm>>, %arg8: memref<102400xf32, #tpu.memory_space<hbm>>, %arg9: memref<2x102400xf32, #tpu.memory_space<hbm>>, %arg10: memref<102400xf32, #tpu.memory_space<vmem_shared>>, %arg11: memref<102400xf32, #tpu.memory_space<vmem_shared>>, %arg12: memref<32xf32, #tpu.memory_space<vmem>>, %arg13: memref<6400xf32, #tpu.memory_space<vmem>>, %arg14: memref<6400xf32, #tpu.memory_space<vmem>>, %arg15: memref<6400xf32, #tpu.memory_space<vmem>>, %arg16: memref<6400xf32, #tpu.memory_space<vmem>>, %arg17: memref<6400xf32, #tpu.memory_space<vmem>>, %arg18: memref<10000xi32, #tpu.memory_space<vmem>>, %arg19: memref<10000xi32, #tpu.memory_space<vmem>>, %arg20: memref<10000xf32, #tpu.memory_space<vmem>>, %arg21: memref<10000xi32, #tpu.memory_space<vmem>>, %arg22: memref<10000xi32, #tpu.memory_space<vmem>>, %arg23: memref<10000xf32, #tpu.memory_space<vmem>>, %arg24: memref<!tpu.dma_semaphore, #tpu.memory_space<semaphore_mem>>, %arg25: memref<!tpu.dma_semaphore, #tpu.memory_space<semaphore_mem>>, %arg26: memref<!tpu.dma_semaphore, #tpu.memory_space<semaphore_mem>>, %arg27: memref<!tpu.dma_semaphore, #tpu.memory_space<semaphore_mem>>, %arg28: memref<!tpu.dma_semaphore, #tpu.memory_space<semaphore_mem>>, %arg29: memref<!tpu.dma_semaphore, #tpu.memory_space<semaphore_mem>>) attributes {dimension_semantics = [#tpu.dimension_semantics<core_parallel>, #tpu.dimension_semantics<subcore_parallel>], iteration_bounds = array<i64: 2, 16>, scalar_prefetch = 0 : i64, scratch_operands = 20 : i64, tpu.core_type = #tpu.core_type<sc_vector_subcore>, window_params = [{transform_indices = #map}, {transform_indices = #map}, {transform_indices = #map}, {transform_indices = #map}, {transform_indices = #map1}, {transform_indices = #map}, {transform_indices = #map}, {transform_indices = #map1}]} {
    %mul3A = arith.constant 6400 : i32
    %mul3A_0 = arith.muli %arg1, %mul3A : i32
    "tpu.region"() ({
      %run_scoped3A_28 = tpu.sem_alloc : memref<!tpu.dma_semaphore, #tpu.memory_space<semaphore_mem>>
      tpu.enqueue_dma source(%arg7 : memref<32xf32, #tpu.memory_space<hbm>>) target(%arg12 : memref<32xf32, #tpu.memory_space<vmem>>) target_semaphore(%run_scoped3A_28 : memref<!tpu.dma_semaphore, #tpu.memory_space<semaphore_mem>>)
      tpu.wait_dma2 semaphore(%run_scoped3A_28 : memref<!tpu.dma_semaphore, #tpu.memory_space<semaphore_mem>>) src(%arg7 : memref<32xf32, #tpu.memory_space<hbm>>) dst(%arg12 : memref<32xf32, #tpu.memory_space<vmem>>)
      tpu.yield
    }) : () -> ()
    %run_scoped3A = arith.constant 0 : i32
    "tpu.region"() ({
      %run_scoped3A_28 = tpu.sem_alloc : memref<!tpu.dma_semaphore, #tpu.memory_space<semaphore_mem>>
      %dma_start3A = tpu.memref_slice %arg6[%run_scoped3A, %mul3A_0] : memref<2x102400xf32, #tpu.memory_space<hbm>> -> memref<1x6400xf32, #tpu.memory_space<hbm>>
      %dma_start3A_29 = tpu.memref_squeeze %dma_start3A : memref<1x6400xf32, #tpu.memory_space<hbm>> -> memref<6400xf32, #tpu.memory_space<hbm>>
      %dma_start3A_30 = tpu.memref_slice %arg6[%run_scoped3A, %mul3A_0] : memref<2x102400xf32, #tpu.memory_space<hbm>> -> memref<1x6400xf32, #tpu.memory_space<hbm>>
      %dma_start3A_31 = tpu.memref_squeeze %dma_start3A_30 : memref<1x6400xf32, #tpu.memory_space<hbm>> -> memref<6400xf32, #tpu.memory_space<hbm>>
      tpu.enqueue_dma source(%dma_start3A_31 : memref<6400xf32, #tpu.memory_space<hbm>>) target(%arg13 : memref<6400xf32, #tpu.memory_space<vmem>>) target_semaphore(%run_scoped3A_28 : memref<!tpu.dma_semaphore, #tpu.memory_space<semaphore_mem>>)
      %dma_wait3A = tpu.memref_slice %arg6[%run_scoped3A, %mul3A_0] : memref<2x102400xf32, #tpu.memory_space<hbm>> -> memref<1x6400xf32, #tpu.memory_space<hbm>>
      %dma_wait3A_32 = tpu.memref_squeeze %dma_wait3A : memref<1x6400xf32, #tpu.memory_space<hbm>> -> memref<6400xf32, #tpu.memory_space<hbm>>
      %dma_wait3A_33 = tpu.memref_slice %arg6[%run_scoped3A, %mul3A_0] : memref<2x102400xf32, #tpu.memory_space<hbm>> -> memref<1x6400xf32, #tpu.memory_space<hbm>>
      %dma_wait3A_34 = tpu.memref_squeeze %dma_wait3A_33 : memref<1x6400xf32, #tpu.memory_space<hbm>> -> memref<6400xf32, #tpu.memory_space<hbm>>
      tpu.wait_dma2 semaphore(%run_scoped3A_28 : memref<!tpu.dma_semaphore, #tpu.memory_space<semaphore_mem>>) src(%dma_wait3A_34 : memref<6400xf32, #tpu.memory_space<hbm>>) dst(%arg13 : memref<6400xf32, #tpu.memory_space<vmem>>)
      tpu.yield
    }) : () -> ()
    %run_scoped3A_1 = arith.constant 1 : i32
    "tpu.region"() ({
      %run_scoped3A_28 = tpu.sem_alloc : memref<!tpu.dma_semaphore, #tpu.memory_space<semaphore_mem>>
      %dma_start3A = tpu.memref_slice %arg6[%run_scoped3A_1, %mul3A_0] : memref<2x102400xf32, #tpu.memory_space<hbm>> -> memref<1x6400xf32, #tpu.memory_space<hbm>>
      %dma_start3A_29 = tpu.memref_squeeze %dma_start3A : memref<1x6400xf32, #tpu.memory_space<hbm>> -> memref<6400xf32, #tpu.memory_space<hbm>>
      %dma_start3A_30 = tpu.memref_slice %arg6[%run_scoped3A_1, %mul3A_0] : memref<2x102400xf32, #tpu.memory_space<hbm>> -> memref<1x6400xf32, #tpu.memory_space<hbm>>
      %dma_start3A_31 = tpu.memref_squeeze %dma_start3A_30 : memref<1x6400xf32, #tpu.memory_space<hbm>> -> memref<6400xf32, #tpu.memory_space<hbm>>
      tpu.enqueue_dma source(%dma_start3A_31 : memref<6400xf32, #tpu.memory_space<hbm>>) target(%arg14 : memref<6400xf32, #tpu.memory_space<vmem>>) target_semaphore(%run_scoped3A_28 : memref<!tpu.dma_semaphore, #tpu.memory_space<semaphore_mem>>)
      %dma_wait3A = tpu.memref_slice %arg6[%run_scoped3A_1, %mul3A_0] : memref<2x102400xf32, #tpu.memory_space<hbm>> -> memref<1x6400xf32, #tpu.memory_space<hbm>>
      %dma_wait3A_32 = tpu.memref_squeeze %dma_wait3A : memref<1x6400xf32, #tpu.memory_space<hbm>> -> memref<6400xf32, #tpu.memory_space<hbm>>
      %dma_wait3A_33 = tpu.memref_slice %arg6[%run_scoped3A_1, %mul3A_0] : memref<2x102400xf32, #tpu.memory_space<hbm>> -> memref<1x6400xf32, #tpu.memory_space<hbm>>
      %dma_wait3A_34 = tpu.memref_squeeze %dma_wait3A_33 : memref<1x6400xf32, #tpu.memory_space<hbm>> -> memref<6400xf32, #tpu.memory_space<hbm>>
      tpu.wait_dma2 semaphore(%run_scoped3A_28 : memref<!tpu.dma_semaphore, #tpu.memory_space<semaphore_mem>>) src(%dma_wait3A_34 : memref<6400xf32, #tpu.memory_space<hbm>>) dst(%arg14 : memref<6400xf32, #tpu.memory_space<vmem>>)
      tpu.yield
    }) : () -> ()
    "tpu.region"() ({
      %run_scoped3A_28 = tpu.sem_alloc : memref<!tpu.dma_semaphore, #tpu.memory_space<semaphore_mem>>
      %dma_start3A = tpu.memref_slice %arg4[%mul3A_0] : memref<102400xf32, #tpu.memory_space<hbm>> -> memref<6400xf32, #tpu.memory_space<hbm>>
      %dma_start3A_29 = tpu.memref_slice %arg4[%mul3A_0] : memref<102400xf32, #tpu.memory_space<hbm>> -> memref<6400xf32, #tpu.memory_space<hbm>>
      tpu.enqueue_dma source(%dma_start3A_29 : memref<6400xf32, #tpu.memory_space<hbm>>) target(%arg15 : memref<6400xf32, #tpu.memory_space<vmem>>) target_semaphore(%run_scoped3A_28 : memref<!tpu.dma_semaphore, #tpu.memory_space<semaphore_mem>>)
      %dma_wait3A = tpu.memref_slice %arg4[%mul3A_0] : memref<102400xf32, #tpu.memory_space<hbm>> -> memref<6400xf32, #tpu.memory_space<hbm>>
      %dma_wait3A_30 = tpu.memref_slice %arg4[%mul3A_0] : memref<102400xf32, #tpu.memory_space<hbm>> -> memref<6400xf32, #tpu.memory_space<hbm>>
      tpu.wait_dma2 semaphore(%run_scoped3A_28 : memref<!tpu.dma_semaphore, #tpu.memory_space<semaphore_mem>>) src(%dma_wait3A_30 : memref<6400xf32, #tpu.memory_space<hbm>>) dst(%arg15 : memref<6400xf32, #tpu.memory_space<vmem>>)
      tpu.yield
    }) : () -> ()
    "tpu.region"() ({
      %run_scoped3A_28 = tpu.sem_alloc : memref<!tpu.dma_semaphore, #tpu.memory_space<semaphore_mem>>
      %dma_start3A = tpu.memref_slice %arg5[%mul3A_0] : memref<102400xf32, #tpu.memory_space<hbm>> -> memref<6400xf32, #tpu.memory_space<hbm>>
      %dma_start3A_29 = tpu.memref_slice %arg5[%mul3A_0] : memref<102400xf32, #tpu.memory_space<hbm>> -> memref<6400xf32, #tpu.memory_space<hbm>>
      tpu.enqueue_dma source(%dma_start3A_29 : memref<6400xf32, #tpu.memory_space<hbm>>) target(%arg16 : memref<6400xf32, #tpu.memory_space<vmem>>) target_semaphore(%run_scoped3A_28 : memref<!tpu.dma_semaphore, #tpu.memory_space<semaphore_mem>>)
      %dma_wait3A = tpu.memref_slice %arg5[%mul3A_0] : memref<102400xf32, #tpu.memory_space<hbm>> -> memref<6400xf32, #tpu.memory_space<hbm>>
      %dma_wait3A_30 = tpu.memref_slice %arg5[%mul3A_0] : memref<102400xf32, #tpu.memory_space<hbm>> -> memref<6400xf32, #tpu.memory_space<hbm>>
      tpu.wait_dma2 semaphore(%run_scoped3A_28 : memref<!tpu.dma_semaphore, #tpu.memory_space<semaphore_mem>>) src(%dma_wait3A_30 : memref<6400xf32, #tpu.memory_space<hbm>>) dst(%arg16 : memref<6400xf32, #tpu.memory_space<vmem>>)
      tpu.yield
    }) : () -> ()
    %get3A = arith.constant 0 : index
    %get3A_2 = tpu.vector_load %arg12[%get3A] {strides = array<i32>} : memref<32xf32, #tpu.memory_space<vmem>>, vector<16xf32>,
    %slice3A = vector.extract_strided_slice %get3A_2 {offsets = [4], sizes = [1], strides = [1]} : vector<16xf32> to vector<1xf32>
    %squeeze3A = vector.extract %slice3A[0] : f32 from vector<1xf32>
    %scan3A = arith.constant 0 : i32
    %scan3A_3 = arith.constant 0 : i32
    %scan3A_4 = arith.constant 400 : i32
    %scan3A_5 = arith.addi %scan3A_3, %scan3A_4 : i32
    %scan3A_6 = arith.constant 1 : i32
    %scan3A_7 = scf.for %scan3A_28 = %scan3A_3 to %scan3A_5 step %scan3A_6 iter_args(%scan3A_29 = %scan3A) -> (i32)  : i32 {
      %mul3A_30 = arith.constant 16 : i32
      %mul3A_31 = arith.muli %scan3A_28, %mul3A_30 : i32
      %get3A_32 = arith.index_cast %mul3A_31 : i32 to index
      %get3A_33 = tpu.vector_load %arg15[%get3A_32] {strides = array<i32>} : memref<6400xf32, #tpu.memory_space<vmem>>, vector<16xf32>,
      %get3A_34 = arith.index_cast %mul3A_31 : i32 to index
      %get3A_35 = tpu.vector_load %arg13[%get3A_34] {strides = array<i32>} : memref<6400xf32, #tpu.memory_space<vmem>>, vector<16xf32>,
      %get3A_36 = arith.index_cast %mul3A_31 : i32 to index
      %get3A_37 = tpu.vector_load %arg14[%get3A_36] {strides = array<i32>} : memref<6400xf32, #tpu.memory_space<vmem>>, vector<16xf32>,
      %add3A_38 = arith.addf %get3A_35, %get3A_37 : vector<16xf32>
      %get3A_39 = arith.index_cast %mul3A_31 : i32 to index
      %get3A_40 = tpu.vector_load %arg16[%get3A_39] {strides = array<i32>} : memref<6400xf32, #tpu.memory_space<vmem>>, vector<16xf32>,
      %add3A_41 = arith.addf %add3A_38, %get3A_40 : vector<16xf32>
      %mul3A_42 = arith.mulf %get3A_33, %add3A_41 : vector<16xf32>
      %add3A_43 = vector.broadcast %squeeze3A : f32 to vector<16xf32>
      %add3A_44 = arith.addf %mul3A_42, %add3A_43 : vector<16xf32>
      %max3A = arith.constant 0.000000e+00 : f32
      %max3A_45 = vector.broadcast %max3A : f32 to vector<16xf32>
      %max3A_46 = arith.maximumf %add3A_44, %max3A_45 : vector<16xf32>
      %mul3A_47 = arith.mulf %get3A_33, %max3A_46 : vector<16xf32>
      %swap3A = arith.index_cast %mul3A_31 : i32 to index
      %swap3A_48 = tpu.vector_load %arg17[%swap3A] {strides = array<i32>} : memref<6400xf32, #tpu.memory_space<vmem>>, vector<16xf32>,
      tpu.vector_store %arg17[%swap3A], %mul3A_47 {strides = array<i32>} : memref<6400xf32, #tpu.memory_space<vmem>>, vector<16xf32>,
      %scan3A_49 = arith.constant 0 : i32
      scf.yield %scan3A_49 : i32
    }
    %scan3A_8 = arith.constant 400 : i32
    "tpu.region"() ({
      %run_scoped3A_28 = tpu.sem_alloc : memref<!tpu.dma_semaphore, #tpu.memory_space<semaphore_mem>>
      %dma_start3A = tpu.memref_slice %arg8[%mul3A_0] : memref<102400xf32, #tpu.memory_space<hbm>> -> memref<6400xf32, #tpu.memory_space<hbm>>
      %dma_start3A_29 = tpu.memref_slice %arg8[%mul3A_0] : memref<102400xf32, #tpu.memory_space<hbm>> -> memref<6400xf32, #tpu.memory_space<hbm>>
      tpu.enqueue_dma source(%arg17 : memref<6400xf32, #tpu.memory_space<vmem>>) target(%dma_start3A_29 : memref<6400xf32, #tpu.memory_space<hbm>>) target_semaphore(%run_scoped3A_28 : memref<!tpu.dma_semaphore, #tpu.memory_space<semaphore_mem>>)
      %dma_wait3A = tpu.memref_slice %arg8[%mul3A_0] : memref<102400xf32, #tpu.memory_space<hbm>> -> memref<6400xf32, #tpu.memory_space<hbm>>
      %dma_wait3A_30 = tpu.memref_slice %arg8[%mul3A_0] : memref<102400xf32, #tpu.memory_space<hbm>> -> memref<6400xf32, #tpu.memory_space<hbm>>
      tpu.wait_dma2 semaphore(%run_scoped3A_28 : memref<!tpu.dma_semaphore, #tpu.memory_space<semaphore_mem>>) src(%arg17 : memref<6400xf32, #tpu.memory_space<vmem>>) dst(%dma_wait3A_30 : memref<6400xf32, #tpu.memory_space<hbm>>)
      tpu.yield
    }) : () -> ()
    "tpu.region"() ({
      %run_scoped3A_28 = tpu.sem_alloc : memref<!tpu.dma_semaphore, #tpu.memory_space<semaphore_mem>>
      %dma_start3A = tpu.memref_slice %arg10[%mul3A_0] : memref<102400xf32, #tpu.memory_space<vmem_shared>> -> memref<6400xf32, #tpu.memory_space<vmem_shared>>
      %dma_start3A_29 = tpu.memref_slice %arg10[%mul3A_0] : memref<102400xf32, #tpu.memory_space<vmem_shared>> -> memref<6400xf32, #tpu.memory_space<vmem_shared>>
      tpu.enqueue_dma source(%arg17 : memref<6400xf32, #tpu.memory_space<vmem>>) target(%dma_start3A_29 : memref<6400xf32, #tpu.memory_space<vmem_shared>>) target_semaphore(%run_scoped3A_28 : memref<!tpu.dma_semaphore, #tpu.memory_space<semaphore_mem>>)
      %dma_wait3A = tpu.memref_slice %arg10[%mul3A_0] : memref<102400xf32, #tpu.memory_space<vmem_shared>> -> memref<6400xf32, #tpu.memory_space<vmem_shared>>
      %dma_wait3A_30 = tpu.memref_slice %arg10[%mul3A_0] : memref<102400xf32, #tpu.memory_space<vmem_shared>> -> memref<6400xf32, #tpu.memory_space<vmem_shared>>
      tpu.wait_dma2 semaphore(%run_scoped3A_28 : memref<!tpu.dma_semaphore, #tpu.memory_space<semaphore_mem>>) src(%arg17 : memref<6400xf32, #tpu.memory_space<vmem>>) dst(%dma_wait3A_30 : memref<6400xf32, #tpu.memory_space<vmem_shared>>)
      tpu.yield
    }) : () -> ()
    %scan3A_9 = arith.constant 0 : i32
    %scan3A_10 = arith.constant 0 : i32
    %scan3A_11 = arith.constant 400 : i32
    %scan3A_12 = arith.addi %scan3A_10, %scan3A_11 : i32
    %scan3A_13 = arith.constant 1 : i32
    %scan3A_14 = scf.for %scan3A_28 = %scan3A_10 to %scan3A_12 step %scan3A_13 iter_args(%scan3A_29 = %scan3A_9) -> (i32)  : i32 {
      %broadcast_in_dim3A = arith.constant 0.000000e+00 : f32
      %broadcast_in_dim3A_30 = vector.broadcast %broadcast_in_dim3A : f32 to vector<16xf32>
      %mul3A_31 = arith.constant 16 : i32
      %mul3A_32 = arith.muli %scan3A_28, %mul3A_31 : i32
      %swap3A = arith.index_cast %mul3A_32 : i32 to index
      %swap3A_33 = tpu.vector_load %arg13[%swap3A] {strides = array<i32>} : memref<6400xf32, #tpu.memory_space<vmem>>, vector<16xf32>,
      tpu.vector_store %arg13[%swap3A], %broadcast_in_dim3A_30 {strides = array<i32>} : memref<6400xf32, #tpu.memory_space<vmem>>, vector<16xf32>,
      %scan3A_34 = arith.constant 0 : i32
      scf.yield %scan3A_34 : i32
    }
    %scan3A_15 = arith.constant 400 : i32
    "tpu.region"() ({
      %run_scoped3A_28 = tpu.sem_alloc : memref<!tpu.dma_semaphore, #tpu.memory_space<semaphore_mem>>
      %dma_start3A = tpu.memref_slice %arg11[%mul3A_0] : memref<102400xf32, #tpu.memory_space<vmem_shared>> -> memref<6400xf32, #tpu.memory_space<vmem_shared>>
      %dma_start3A_29 = tpu.memref_slice %arg11[%mul3A_0] : memref<102400xf32, #tpu.memory_space<vmem_shared>> -> memref<6400xf32, #tpu.memory_space<vmem_shared>>
      tpu.enqueue_dma source(%arg13 : memref<6400xf32, #tpu.memory_space<vmem>>) target(%dma_start3A_29 : memref<6400xf32, #tpu.memory_space<vmem_shared>>) target_semaphore(%run_scoped3A_28 : memref<!tpu.dma_semaphore, #tpu.memory_space<semaphore_mem>>)
      %dma_wait3A = tpu.memref_slice %arg11[%mul3A_0] : memref<102400xf32, #tpu.memory_space<vmem_shared>> -> memref<6400xf32, #tpu.memory_space<vmem_shared>>
      %dma_wait3A_30 = tpu.memref_slice %arg11[%mul3A_0] : memref<102400xf32, #tpu.memory_space<vmem_shared>> -> memref<6400xf32, #tpu.memory_space<vmem_shared>>
      tpu.wait_dma2 semaphore(%run_scoped3A_28 : memref<!tpu.dma_semaphore, #tpu.memory_space<semaphore_mem>>) src(%arg13 : memref<6400xf32, #tpu.memory_space<vmem>>) dst(%dma_wait3A_30 : memref<6400xf32, #tpu.memory_space<vmem_shared>>)
      tpu.yield
    }) : () -> ()
    %barrier3A = arith.constant 0 : index
    tpu.barrier barrier_id(%barrier3A)
    %mul3A_16 = arith.constant 16 : i32
    %mul3A_17 = arith.muli %arg0, %mul3A_16 : i32
    %add3A = arith.addi %mul3A_17, %arg1 : i32
    %mul3A_18 = arith.constant 200000 : i32
    %mul3A_19 = arith.muli %add3A, %mul3A_18 : i32
    %scan3A_20 = arith.constant 0 : i32
    %scan3A_21 = arith.constant 0 : i32
    %scan3A_22 = arith.constant 20 : i32
    %scan3A_23 = arith.addi %scan3A_21, %scan3A_22 : i32
    %scan3A_24 = arith.constant 1 : i32
    %scan3A_25 = scf.for %scan3A_28 = %scan3A_21 to %scan3A_23 step %scan3A_24 iter_args(%scan3A_29 = %scan3A_20) -> (i32)  : i32 {
      %mul3A_30 = arith.constant 10000 : i32
      %mul3A_31 = arith.muli %scan3A_28, %mul3A_30 : i32
      %add3A_32 = arith.addi %mul3A_19, %mul3A_31 : i32
      "tpu.region"() ({
        %run_scoped3A_34 = tpu.sem_alloc : memref<!tpu.dma_semaphore, #tpu.memory_space<semaphore_mem>>
        %dma_start3A = tpu.memref_slice %arg2[%add3A_32] : memref<6400000xi32, #tpu.memory_space<hbm>> -> memref<10000xi32, #tpu.memory_space<hbm>>
        %dma_start3A_35 = tpu.memref_slice %arg2[%add3A_32] : memref<6400000xi32, #tpu.memory_space<hbm>> -> memref<10000xi32, #tpu.memory_space<hbm>>
        tpu.enqueue_dma source(%dma_start3A_35 : memref<10000xi32, #tpu.memory_space<hbm>>) target(%arg18 : memref<10000xi32, #tpu.memory_space<vmem>>) target_semaphore(%run_scoped3A_34 : memref<!tpu.dma_semaphore, #tpu.memory_space<semaphore_mem>>)
        %dma_wait3A = tpu.memref_slice %arg2[%add3A_32] : memref<6400000xi32, #tpu.memory_space<hbm>> -> memref<10000xi32, #tpu.memory_space<hbm>>
        %dma_wait3A_36 = tpu.memref_slice %arg2[%add3A_32] : memref<6400000xi32, #tpu.memory_space<hbm>> -> memref<10000xi32, #tpu.memory_space<hbm>>
        tpu.wait_dma2 semaphore(%run_scoped3A_34 : memref<!tpu.dma_semaphore, #tpu.memory_space<semaphore_mem>>) src(%dma_wait3A_36 : memref<10000xi32, #tpu.memory_space<hbm>>) dst(%arg18 : memref<10000xi32, #tpu.memory_space<vmem>>)
        tpu.yield
      }) : () -> ()
      "tpu.region"() ({
        %run_scoped3A_34 = tpu.sem_alloc : memref<!tpu.dma_semaphore, #tpu.memory_space<semaphore_mem>>
        %dma_start3A = tpu.memref_slice %arg3[%add3A_32] : memref<6400000xi32, #tpu.memory_space<hbm>> -> memref<10000xi32, #tpu.memory_space<hbm>>
        %dma_start3A_35 = tpu.memref_slice %arg3[%add3A_32] : memref<6400000xi32, #tpu.memory_space<hbm>> -> memref<10000xi32, #tpu.memory_space<hbm>>
        tpu.enqueue_dma source(%dma_start3A_35 : memref<10000xi32, #tpu.memory_space<hbm>>) target(%arg19 : memref<10000xi32, #tpu.memory_space<vmem>>) target_semaphore(%run_scoped3A_34 : memref<!tpu.dma_semaphore, #tpu.memory_space<semaphore_mem>>)
        %dma_wait3A = tpu.memref_slice %arg3[%add3A_32] : memref<6400000xi32, #tpu.memory_space<hbm>> -> memref<10000xi32, #tpu.memory_space<hbm>>
        %dma_wait3A_36 = tpu.memref_slice %arg3[%add3A_32] : memref<6400000xi32, #tpu.memory_space<hbm>> -> memref<10000xi32, #tpu.memory_space<hbm>>
        tpu.wait_dma2 semaphore(%run_scoped3A_34 : memref<!tpu.dma_semaphore, #tpu.memory_space<semaphore_mem>>) src(%dma_wait3A_36 : memref<10000xi32, #tpu.memory_space<hbm>>) dst(%arg19 : memref<10000xi32, #tpu.memory_space<vmem>>)
        tpu.yield
      }) : () -> ()
      "tpu.region"() ({
        %run_scoped3A_34 = tpu.sem_alloc : memref<!tpu.dma_semaphore, #tpu.memory_space<semaphore_mem>>
        %dma_start3A = arith.constant 0 : i32
        %dma_start3A_35 = tpu.memref_slice %arg10[%dma_start3A] : memref<102400xf32, #tpu.memory_space<vmem_shared>> -> memref<102400xf32, #tpu.memory_space<vmem_shared>>
        tpu.enqueue_indirect_dma source(%dma_start3A_35 : memref<102400xf32, #tpu.memory_space<vmem_shared>>) target(%arg20 : memref<10000xf32, #tpu.memory_space<vmem>>) offsets(%arg18 : memref<10000xi32, #tpu.memory_space<vmem>>) semaphore(%run_scoped3A_34 : memref<!tpu.dma_semaphore, #tpu.memory_space<semaphore_mem>>)
        %dma_wait3A = arith.constant 0 : i32
        %dma_wait3A_36 = tpu.memref_slice %arg10[%dma_wait3A] : memref<102400xf32, #tpu.memory_space<vmem_shared>> -> memref<102400xf32, #tpu.memory_space<vmem_shared>>
        tpu.wait_indirect_dma semaphore(%run_scoped3A_34 : memref<!tpu.dma_semaphore, #tpu.memory_space<semaphore_mem>>) src(%dma_wait3A_36 : memref<102400xf32, #tpu.memory_space<vmem_shared>>) dst(%arg20 : memref<10000xf32, #tpu.memory_space<vmem>>)
        tpu.yield
      }) : () -> ()
      "tpu.region"() ({
        %run_scoped3A_34 = tpu.sem_alloc : memref<!tpu.dma_semaphore, #tpu.memory_space<semaphore_mem>>
        %dma_start3A = arith.constant 0 : i32
        %dma_start3A_35 = tpu.memref_slice %arg11[%dma_start3A] : memref<102400xf32, #tpu.memory_space<vmem_shared>> -> memref<102400xf32, #tpu.memory_space<vmem_shared>>
        tpu.enqueue_indirect_dma source(%arg20 : memref<10000xf32, #tpu.memory_space<vmem>>) target(%dma_start3A_35 : memref<102400xf32, #tpu.memory_space<vmem_shared>>) offsets(%arg19 : memref<10000xi32, #tpu.memory_space<vmem>>) semaphore(%run_scoped3A_34 : memref<!tpu.dma_semaphore, #tpu.memory_space<semaphore_mem>>) {add = true}
        %dma_wait3A = arith.constant 0 : i32
        %dma_wait3A_36 = tpu.memref_slice %arg11[%dma_wait3A] : memref<102400xf32, #tpu.memory_space<vmem_shared>> -> memref<102400xf32, #tpu.memory_space<vmem_shared>>
        tpu.wait_indirect_dma semaphore(%run_scoped3A_34 : memref<!tpu.dma_semaphore, #tpu.memory_space<semaphore_mem>>) src(%arg20 : memref<10000xf32, #tpu.memory_space<vmem>>) dst(%dma_wait3A_36 : memref<102400xf32, #tpu.memory_space<vmem_shared>>)
        tpu.yield
      }) : () -> ()
      %scan3A_33 = arith.constant 0 : i32
      scf.yield %scan3A_33 : i32
    }
    %scan3A_26 = arith.constant 20 : i32
    %barrier3A_27 = arith.constant 0 : index
    tpu.barrier barrier_id(%barrier3A_27)
    "tpu.region"() ({
      %run_scoped3A_28 = tpu.sem_alloc : memref<!tpu.dma_semaphore, #tpu.memory_space<semaphore_mem>>
      %dma_start3A = tpu.memref_slice %arg9[%arg0, %mul3A_0] : memref<2x102400xf32, #tpu.memory_space<hbm>> -> memref<1x6400xf32, #tpu.memory_space<hbm>>
      %dma_start3A_29 = tpu.memref_squeeze %dma_start3A : memref<1x6400xf32, #tpu.memory_space<hbm>> -> memref<6400xf32, #tpu.memory_space<hbm>>
      %dma_start3A_30 = tpu.memref_slice %arg11[%mul3A_0] : memref<102400xf32, #tpu.memory_space<vmem_shared>> -> memref<6400xf32, #tpu.memory_space<vmem_shared>>
      tpu.enqueue_dma source(%dma_start3A_30 : memref<6400xf32, #tpu.memory_space<vmem_shared>>) target(%dma_start3A_29 : memref<6400xf32, #tpu.memory_space<hbm>>) target_semaphore(%run_scoped3A_28 : memref<!tpu.dma_semaphore, #tpu.memory_space<semaphore_mem>>)
      %dma_wait3A = tpu.memref_slice %arg9[%arg0, %mul3A_0] : memref<2x102400xf32, #tpu.memory_space<hbm>> -> memref<1x6400xf32, #tpu.memory_space<hbm>>
      %dma_wait3A_31 = tpu.memref_squeeze %dma_wait3A : memref<1x6400xf32, #tpu.memory_space<hbm>> -> memref<6400xf32, #tpu.memory_space<hbm>>
      %dma_wait3A_32 = tpu.memref_slice %arg11[%mul3A_0] : memref<102400xf32, #tpu.memory_space<vmem_shared>> -> memref<6400xf32, #tpu.memory_space<vmem_shared>>
      tpu.wait_dma2 semaphore(%run_scoped3A_28 : memref<!tpu.dma_semaphore, #tpu.memory_space<semaphore_mem>>) src(%dma_wait3A_32 : memref<6400xf32, #tpu.memory_space<vmem_shared>>) dst(%dma_wait3A_31 : memref<6400xf32, #tpu.memory_space<hbm>>)
      tpu.yield
    }) : () -> ()
    return
  }
}

#map = affine_map<(d0, d1) -> (0)>
#map1 = affine_map<(d0, d1) -> (0, 0)>
module attributes {stable_mosaic.version = 14 : i64} {
  func.func @_deg_body(%arg0: i32, %arg1: i32, %arg2: memref<6400000xi32, #tpu.memory_space<hbm>>, %arg3: memref<2x102400xf32, #tpu.memory_space<hbm>>, %arg4: memref<102400xf32, #tpu.memory_space<vmem_shared>>, %arg5: memref<10000xf32, #tpu.memory_space<vmem>>, %arg6: memref<6400xf32, #tpu.memory_space<vmem>>, %arg7: memref<10000xi32, #tpu.memory_space<vmem>>, %arg8: memref<10000xi32, #tpu.memory_space<vmem>>, %arg9: memref<!tpu.dma_semaphore, #tpu.memory_space<semaphore_mem>>, %arg10: memref<!tpu.dma_semaphore, #tpu.memory_space<semaphore_mem>>, %arg11: memref<!tpu.dma_semaphore, #tpu.memory_space<semaphore_mem>>, %arg12: memref<!tpu.dma_semaphore, #tpu.memory_space<semaphore_mem>>) attributes {dimension_semantics = [#tpu.dimension_semantics<core_parallel>, #tpu.dimension_semantics<subcore_parallel>], iteration_bounds = array<i64: 2, 16>, scalar_prefetch = 0 : i64, scratch_operands = 9 : i64, tpu.core_type = #tpu.core_type<sc_vector_subcore>, window_params = [{transform_indices = #map}, {transform_indices = #map1}]} {
    %mul3A = arith.constant 6400 : i32
    %mul3A_0 = arith.muli %arg1, %mul3A : i32
    %scan3A = arith.constant 0 : i32
    %scan3A_1 = arith.constant 0 : i32
    %scan3A_2 = arith.constant 400 : i32
    %scan3A_3 = arith.addi %scan3A_1, %scan3A_2 : i32
    %scan3A_4 = arith.constant 1 : i32
    %scan3A_5 = scf.for %scan3A_26 = %scan3A_1 to %scan3A_3 step %scan3A_4 iter_args(%scan3A_27 = %scan3A) -> (i32)  : i32 {
      %broadcast_in_dim3A = arith.constant 0.000000e+00 : f32
      %broadcast_in_dim3A_28 = vector.broadcast %broadcast_in_dim3A : f32 to vector<16xf32>
      %mul3A_29 = arith.constant 16 : i32
      %mul3A_30 = arith.muli %scan3A_26, %mul3A_29 : i32
      %swap3A = arith.index_cast %mul3A_30 : i32 to index
      %swap3A_31 = tpu.vector_load %arg6[%swap3A] {strides = array<i32>} : memref<6400xf32, #tpu.memory_space<vmem>>, vector<16xf32>,
      tpu.vector_store %arg6[%swap3A], %broadcast_in_dim3A_28 {strides = array<i32>} : memref<6400xf32, #tpu.memory_space<vmem>>, vector<16xf32>,
      %scan3A_32 = arith.constant 0 : i32
      scf.yield %scan3A_32 : i32
    }
    %scan3A_6 = arith.constant 400 : i32
    "tpu.region"() ({
      %run_scoped3A = tpu.sem_alloc : memref<!tpu.dma_semaphore, #tpu.memory_space<semaphore_mem>>
      %dma_start3A = tpu.memref_slice %arg4[%mul3A_0] : memref<102400xf32, #tpu.memory_space<vmem_shared>> -> memref<6400xf32, #tpu.memory_space<vmem_shared>>
      %dma_start3A_26 = tpu.memref_slice %arg4[%mul3A_0] : memref<102400xf32, #tpu.memory_space<vmem_shared>> -> memref<6400xf32, #tpu.memory_space<vmem_shared>>
      tpu.enqueue_dma source(%arg6 : memref<6400xf32, #tpu.memory_space<vmem>>) target(%dma_start3A_26 : memref<6400xf32, #tpu.memory_space<vmem_shared>>) target_semaphore(%run_scoped3A : memref<!tpu.dma_semaphore, #tpu.memory_space<semaphore_mem>>)
      %dma_wait3A = tpu.memref_slice %arg4[%mul3A_0] : memref<102400xf32, #tpu.memory_space<vmem_shared>> -> memref<6400xf32, #tpu.memory_space<vmem_shared>>
      %dma_wait3A_27 = tpu.memref_slice %arg4[%mul3A_0] : memref<102400xf32, #tpu.memory_space<vmem_shared>> -> memref<6400xf32, #tpu.memory_space<vmem_shared>>
      tpu.wait_dma2 semaphore(%run_scoped3A : memref<!tpu.dma_semaphore, #tpu.memory_space<semaphore_mem>>) src(%arg6 : memref<6400xf32, #tpu.memory_space<vmem>>) dst(%dma_wait3A_27 : memref<6400xf32, #tpu.memory_space<vmem_shared>>)
      tpu.yield
    }) : () -> ()
    %scan3A_7 = arith.constant 0 : i32
    %scan3A_8 = arith.constant 0 : i32
    %scan3A_9 = arith.constant 625 : i32
    %scan3A_10 = arith.addi %scan3A_8, %scan3A_9 : i32
    %scan3A_11 = arith.constant 1 : i32
    %scan3A_12 = scf.for %scan3A_26 = %scan3A_8 to %scan3A_10 step %scan3A_11 iter_args(%scan3A_27 = %scan3A_7) -> (i32)  : i32 {
      %broadcast_in_dim3A = arith.constant 1.000000e+00 : f32
      %broadcast_in_dim3A_28 = vector.broadcast %broadcast_in_dim3A : f32 to vector<16xf32>
      %mul3A_29 = arith.constant 16 : i32
      %mul3A_30 = arith.muli %scan3A_26, %mul3A_29 : i32
      %swap3A = arith.index_cast %mul3A_30 : i32 to index
      %swap3A_31 = tpu.vector_load %arg5[%swap3A] {strides = array<i32>} : memref<10000xf32, #tpu.memory_space<vmem>>, vector<16xf32>,
      tpu.vector_store %arg5[%swap3A], %broadcast_in_dim3A_28 {strides = array<i32>} : memref<10000xf32, #tpu.memory_space<vmem>>, vector<16xf32>,
      %scan3A_32 = arith.constant 0 : i32
      scf.yield %scan3A_32 : i32
    }
    %scan3A_13 = arith.constant 625 : i32
    %barrier3A = arith.constant 0 : index
    tpu.barrier barrier_id(%barrier3A)
    %mul3A_14 = arith.constant 16 : i32
    %mul3A_15 = arith.muli %arg0, %mul3A_14 : i32
    %add3A = arith.addi %mul3A_15, %arg1 : i32
    %mul3A_16 = arith.constant 200000 : i32
    %mul3A_17 = arith.muli %add3A, %mul3A_16 : i32
    %scan3A_18 = arith.constant 0 : i32
    %scan3A_19 = arith.constant 0 : i32
    %scan3A_20 = arith.constant 20 : i32
    %scan3A_21 = arith.addi %scan3A_19, %scan3A_20 : i32
    %scan3A_22 = arith.constant 1 : i32
    %scan3A_23 = scf.for %scan3A_26 = %scan3A_19 to %scan3A_21 step %scan3A_22 iter_args(%scan3A_27 = %scan3A_18) -> (i32)  : i32 {
      %mul3A_28 = arith.constant 10000 : i32
      %mul3A_29 = arith.muli %scan3A_26, %mul3A_28 : i32
      %add3A_30 = arith.addi %mul3A_17, %mul3A_29 : i32
      "tpu.region"() ({
        %run_scoped3A = tpu.sem_alloc : memref<!tpu.dma_semaphore, #tpu.memory_space<semaphore_mem>>
        %dma_start3A = tpu.memref_slice %arg2[%add3A_30] : memref<6400000xi32, #tpu.memory_space<hbm>> -> memref<10000xi32, #tpu.memory_space<hbm>>
        %dma_start3A_32 = tpu.memref_slice %arg2[%add3A_30] : memref<6400000xi32, #tpu.memory_space<hbm>> -> memref<10000xi32, #tpu.memory_space<hbm>>
        tpu.enqueue_dma source(%dma_start3A_32 : memref<10000xi32, #tpu.memory_space<hbm>>) target(%arg7 : memref<10000xi32, #tpu.memory_space<vmem>>) target_semaphore(%run_scoped3A : memref<!tpu.dma_semaphore, #tpu.memory_space<semaphore_mem>>)
        %dma_wait3A = tpu.memref_slice %arg2[%add3A_30] : memref<6400000xi32, #tpu.memory_space<hbm>> -> memref<10000xi32, #tpu.memory_space<hbm>>
        %dma_wait3A_33 = tpu.memref_slice %arg2[%add3A_30] : memref<6400000xi32, #tpu.memory_space<hbm>> -> memref<10000xi32, #tpu.memory_space<hbm>>
        tpu.wait_dma2 semaphore(%run_scoped3A : memref<!tpu.dma_semaphore, #tpu.memory_space<semaphore_mem>>) src(%dma_wait3A_33 : memref<10000xi32, #tpu.memory_space<hbm>>) dst(%arg7 : memref<10000xi32, #tpu.memory_space<vmem>>)
        tpu.yield
      }) : () -> ()
      "tpu.region"() ({
        %run_scoped3A = tpu.sem_alloc : memref<!tpu.dma_semaphore, #tpu.memory_space<semaphore_mem>>
        %dma_start3A = arith.constant 0 : i32
        %dma_start3A_32 = tpu.memref_slice %arg4[%dma_start3A] : memref<102400xf32, #tpu.memory_space<vmem_shared>> -> memref<102400xf32, #tpu.memory_space<vmem_shared>>
        tpu.enqueue_indirect_dma source(%arg5 : memref<10000xf32, #tpu.memory_space<vmem>>) target(%dma_start3A_32 : memref<102400xf32, #tpu.memory_space<vmem_shared>>) offsets(%arg7 : memref<10000xi32, #tpu.memory_space<vmem>>) semaphore(%run_scoped3A : memref<!tpu.dma_semaphore, #tpu.memory_space<semaphore_mem>>) {add = true}
        %dma_wait3A = arith.constant 0 : i32
        %dma_wait3A_33 = tpu.memref_slice %arg4[%dma_wait3A] : memref<102400xf32, #tpu.memory_space<vmem_shared>> -> memref<102400xf32, #tpu.memory_space<vmem_shared>>
        tpu.wait_indirect_dma semaphore(%run_scoped3A : memref<!tpu.dma_semaphore, #tpu.memory_space<semaphore_mem>>) src(%arg5 : memref<10000xf32, #tpu.memory_space<vmem>>) dst(%dma_wait3A_33 : memref<102400xf32, #tpu.memory_space<vmem_shared>>)
        tpu.yield
      }) : () -> ()
      %scan3A_31 = arith.constant 0 : i32
      scf.yield %scan3A_31 : i32
    }
    %scan3A_24 = arith.constant 20 : i32
    %barrier3A_25 = arith.constant 0 : index
    tpu.barrier barrier_id(%barrier3A_25)
    "tpu.region"() ({
      %run_scoped3A = tpu.sem_alloc : memref<!tpu.dma_semaphore, #tpu.memory_space<semaphore_mem>>
      %dma_start3A = tpu.memref_slice %arg3[%arg0, %mul3A_0] : memref<2x102400xf32, #tpu.memory_space<hbm>> -> memref<1x6400xf32, #tpu.memory_space<hbm>>
      %dma_start3A_26 = tpu.memref_squeeze %dma_start3A : memref<1x6400xf32, #tpu.memory_space<hbm>> -> memref<6400xf32, #tpu.memory_space<hbm>>
      %dma_start3A_27 = tpu.memref_slice %arg4[%mul3A_0] : memref<102400xf32, #tpu.memory_space<vmem_shared>> -> memref<6400xf32, #tpu.memory_space<vmem_shared>>
      tpu.enqueue_dma source(%dma_start3A_27 : memref<6400xf32, #tpu.memory_space<vmem_shared>>) target(%dma_start3A_26 : memref<6400xf32, #tpu.memory_space<hbm>>) target_semaphore(%run_scoped3A : memref<!tpu.dma_semaphore, #tpu.memory_space<semaphore_mem>>)
      %dma_wait3A = tpu.memref_slice %arg3[%arg0, %mul3A_0] : memref<2x102400xf32, #tpu.memory_space<hbm>> -> memref<1x6400xf32, #tpu.memory_space<hbm>>
      %dma_wait3A_28 = tpu.memref_squeeze %dma_wait3A : memref<1x6400xf32, #tpu.memory_space<hbm>> -> memref<6400xf32, #tpu.memory_space<hbm>>
      %dma_wait3A_29 = tpu.memref_slice %arg4[%mul3A_0] : memref<102400xf32, #tpu.memory_space<vmem_shared>> -> memref<6400xf32, #tpu.memory_space<vmem_shared>>
      tpu.wait_dma2 semaphore(%run_scoped3A : memref<!tpu.dma_semaphore, #tpu.memory_space<semaphore_mem>>) src(%dma_wait3A_29 : memref<6400xf32, #tpu.memory_space<vmem_shared>>) dst(%dma_wait3A_28 : memref<6400xf32, #tpu.memory_space<hbm>>)
      tpu.yield
    }) : () -> ()
    return
  }
}

#map = affine_map<(d0, d1) -> (0)>
#map1 = affine_map<(d0, d1) -> (0, 0)>
module attributes {stable_mosaic.version = 14 : i64} {
  func.func @_p3_body(%arg0: i32, %arg1: i32, %arg2: memref<6400000xi32, #tpu.memory_space<hbm>>, %arg3: memref<6400000xi32, #tpu.memory_space<hbm>>, %arg4: memref<102400xf32, #tpu.memory_space<hbm>>, %arg5: memref<102400xf32, #tpu.memory_space<hbm>>, %arg6: memref<2x102400xf32, #tpu.memory_space<hbm>>, %arg7: memref<32xf32, #tpu.memory_space<hbm>>, %arg8: memref<102400xf32, #tpu.memory_space<hbm>>, %arg9: memref<102400xf32, #tpu.memory_space<hbm>>, %arg10: memref<2x102400xf32, #tpu.memory_space<hbm>>, %arg11: memref<2x102400xf32, #tpu.memory_space<hbm>>, %arg12: memref<102400xi32, #tpu.memory_space<vmem_shared>>, %arg13: memref<102400xf32, #tpu.memory_space<vmem_shared>>, %arg14: memref<102400xf32, #tpu.memory_space<vmem_shared>>, %arg15: memref<32xf32, #tpu.memory_space<vmem>>, %arg16: memref<6400xf32, #tpu.memory_space<vmem>>, %arg17: memref<6400xf32, #tpu.memory_space<vmem>>, %arg18: memref<6400xf32, #tpu.memory_space<vmem>>, %arg19: memref<6400xf32, #tpu.memory_space<vmem>>, %arg20: memref<6400xf32, #tpu.memory_space<vmem>>, %arg21: memref<6400xf32, #tpu.memory_space<vmem>>, %arg22: memref<6400xi32, #tpu.memory_space<vmem>>, %arg23: memref<4000xi32, #tpu.memory_space<vmem>>, %arg24: memref<4000xi32, #tpu.memory_space<vmem>>, %arg25: memref<4000xi32, #tpu.memory_space<vmem>>, %arg26: memref<4000xf32, #tpu.memory_space<vmem>>, %arg27: memref<4000xf32, #tpu.memory_space<vmem>>, %arg28: memref<4000xi32, #tpu.memory_space<vmem>>, %arg29: memref<4000xi32, #tpu.memory_space<vmem>>, %arg30: memref<4000xi32, #tpu.memory_space<vmem>>, %arg31: memref<4000xf32, #tpu.memory_space<vmem>>, %arg32: memref<4000xf32, #tpu.memory_space<vmem>>, %arg33: memref<!tpu.dma_semaphore, #tpu.memory_space<semaphore_mem>>, %arg34: memref<!tpu.dma_semaphore, #tpu.memory_space<semaphore_mem>>, %arg35: memref<!tpu.dma_semaphore, #tpu.memory_space<semaphore_mem>>, %arg36: memref<!tpu.dma_semaphore, #tpu.memory_space<semaphore_mem>>, %arg37: memref<!tpu.dma_semaphore, #tpu.memory_space<semaphore_mem>>, %arg38: memref<!tpu.dma_semaphore, #tpu.memory_space<semaphore_mem>>) attributes {dimension_semantics = [#tpu.dimension_semantics<core_parallel>, #tpu.dimension_semantics<subcore_parallel>], iteration_bounds = array<i64: 2, 16>, scalar_prefetch = 0 : i64, scratch_operands = 27 : i64, tpu.core_type = #tpu.core_type<sc_vector_subcore>, window_params = [{transform_indices = #map}, {transform_indices = #map}, {transform_indices = #map}, {transform_indices = #map}, {transform_indices = #map1}, {transform_indices = #map}, {transform_indices = #map}, {transform_indices = #map}, {transform_indices = #map1}, {transform_indices = #map1}]} {
    %mul3A = arith.constant 6400 : i32
    %mul3A_0 = arith.muli %arg1, %mul3A : i32
    "tpu.region"() ({
      %run_scoped3A_34 = tpu.sem_alloc : memref<!tpu.dma_semaphore, #tpu.memory_space<semaphore_mem>>
      tpu.enqueue_dma source(%arg7 : memref<32xf32, #tpu.memory_space<hbm>>) target(%arg15 : memref<32xf32, #tpu.memory_space<vmem>>) target_semaphore(%run_scoped3A_34 : memref<!tpu.dma_semaphore, #tpu.memory_space<semaphore_mem>>)
      tpu.wait_dma2 semaphore(%run_scoped3A_34 : memref<!tpu.dma_semaphore, #tpu.memory_space<semaphore_mem>>) src(%arg7 : memref<32xf32, #tpu.memory_space<hbm>>) dst(%arg15 : memref<32xf32, #tpu.memory_space<vmem>>)
      tpu.yield
    }) : () -> ()
    %run_scoped3A = arith.constant 0 : i32
    "tpu.region"() ({
      %run_scoped3A_34 = tpu.sem_alloc : memref<!tpu.dma_semaphore, #tpu.memory_space<semaphore_mem>>
      %dma_start3A = tpu.memref_slice %arg6[%run_scoped3A, %mul3A_0] : memref<2x102400xf32, #tpu.memory_space<hbm>> -> memref<1x6400xf32, #tpu.memory_space<hbm>>
      %dma_start3A_35 = tpu.memref_squeeze %dma_start3A : memref<1x6400xf32, #tpu.memory_space<hbm>> -> memref<6400xf32, #tpu.memory_space<hbm>>
      %dma_start3A_36 = tpu.memref_slice %arg6[%run_scoped3A, %mul3A_0] : memref<2x102400xf32, #tpu.memory_space<hbm>> -> memref<1x6400xf32, #tpu.memory_space<hbm>>
      %dma_start3A_37 = tpu.memref_squeeze %dma_start3A_36 : memref<1x6400xf32, #tpu.memory_space<hbm>> -> memref<6400xf32, #tpu.memory_space<hbm>>
      tpu.enqueue_dma source(%dma_start3A_37 : memref<6400xf32, #tpu.memory_space<hbm>>) target(%arg16 : memref<6400xf32, #tpu.memory_space<vmem>>) target_semaphore(%run_scoped3A_34 : memref<!tpu.dma_semaphore, #tpu.memory_space<semaphore_mem>>)
      %dma_wait3A = tpu.memref_slice %arg6[%run_scoped3A, %mul3A_0] : memref<2x102400xf32, #tpu.memory_space<hbm>> -> memref<1x6400xf32, #tpu.memory_space<hbm>>
      %dma_wait3A_38 = tpu.memref_squeeze %dma_wait3A : memref<1x6400xf32, #tpu.memory_space<hbm>> -> memref<6400xf32, #tpu.memory_space<hbm>>
      %dma_wait3A_39 = tpu.memref_slice %arg6[%run_scoped3A, %mul3A_0] : memref<2x102400xf32, #tpu.memory_space<hbm>> -> memref<1x6400xf32, #tpu.memory_space<hbm>>
      %dma_wait3A_40 = tpu.memref_squeeze %dma_wait3A_39 : memref<1x6400xf32, #tpu.memory_space<hbm>> -> memref<6400xf32, #tpu.memory_space<hbm>>
      tpu.wait_dma2 semaphore(%run_scoped3A_34 : memref<!tpu.dma_semaphore, #tpu.memory_space<semaphore_mem>>) src(%dma_wait3A_40 : memref<6400xf32, #tpu.memory_space<hbm>>) dst(%arg16 : memref<6400xf32, #tpu.memory_space<vmem>>)
      tpu.yield
    }) : () -> ()
    %run_scoped3A_1 = arith.constant 1 : i32
    "tpu.region"() ({
      %run_scoped3A_34 = tpu.sem_alloc : memref<!tpu.dma_semaphore, #tpu.memory_space<semaphore_mem>>
      %dma_start3A = tpu.memref_slice %arg6[%run_scoped3A_1, %mul3A_0] : memref<2x102400xf32, #tpu.memory_space<hbm>> -> memref<1x6400xf32, #tpu.memory_space<hbm>>
      %dma_start3A_35 = tpu.memref_squeeze %dma_start3A : memref<1x6400xf32, #tpu.memory_space<hbm>> -> memref<6400xf32, #tpu.memory_space<hbm>>
      %dma_start3A_36 = tpu.memref_slice %arg6[%run_scoped3A_1, %mul3A_0] : memref<2x102400xf32, #tpu.memory_space<hbm>> -> memref<1x6400xf32, #tpu.memory_space<hbm>>
      %dma_start3A_37 = tpu.memref_squeeze %dma_start3A_36 : memref<1x6400xf32, #tpu.memory_space<hbm>> -> memref<6400xf32, #tpu.memory_space<hbm>>
      tpu.enqueue_dma source(%dma_start3A_37 : memref<6400xf32, #tpu.memory_space<hbm>>) target(%arg17 : memref<6400xf32, #tpu.memory_space<vmem>>) target_semaphore(%run_scoped3A_34 : memref<!tpu.dma_semaphore, #tpu.memory_space<semaphore_mem>>)
      %dma_wait3A = tpu.memref_slice %arg6[%run_scoped3A_1, %mul3A_0] : memref<2x102400xf32, #tpu.memory_space<hbm>> -> memref<1x6400xf32, #tpu.memory_space<hbm>>
      %dma_wait3A_38 = tpu.memref_squeeze %dma_wait3A : memref<1x6400xf32, #tpu.memory_space<hbm>> -> memref<6400xf32, #tpu.memory_space<hbm>>
      %dma_wait3A_39 = tpu.memref_slice %arg6[%run_scoped3A_1, %mul3A_0] : memref<2x102400xf32, #tpu.memory_space<hbm>> -> memref<1x6400xf32, #tpu.memory_space<hbm>>
      %dma_wait3A_40 = tpu.memref_squeeze %dma_wait3A_39 : memref<1x6400xf32, #tpu.memory_space<hbm>> -> memref<6400xf32, #tpu.memory_space<hbm>>
      tpu.wait_dma2 semaphore(%run_scoped3A_34 : memref<!tpu.dma_semaphore, #tpu.memory_space<semaphore_mem>>) src(%dma_wait3A_40 : memref<6400xf32, #tpu.memory_space<hbm>>) dst(%arg17 : memref<6400xf32, #tpu.memory_space<vmem>>)
      tpu.yield
    }) : () -> ()
    "tpu.region"() ({
      %run_scoped3A_34 = tpu.sem_alloc : memref<!tpu.dma_semaphore, #tpu.memory_space<semaphore_mem>>
      %dma_start3A = tpu.memref_slice %arg4[%mul3A_0] : memref<102400xf32, #tpu.memory_space<hbm>> -> memref<6400xf32, #tpu.memory_space<hbm>>
      %dma_start3A_35 = tpu.memref_slice %arg4[%mul3A_0] : memref<102400xf32, #tpu.memory_space<hbm>> -> memref<6400xf32, #tpu.memory_space<hbm>>
      tpu.enqueue_dma source(%dma_start3A_35 : memref<6400xf32, #tpu.memory_space<hbm>>) target(%arg18 : memref<6400xf32, #tpu.memory_space<vmem>>) target_semaphore(%run_scoped3A_34 : memref<!tpu.dma_semaphore, #tpu.memory_space<semaphore_mem>>)
      %dma_wait3A = tpu.memref_slice %arg4[%mul3A_0] : memref<102400xf32, #tpu.memory_space<hbm>> -> memref<6400xf32, #tpu.memory_space<hbm>>
      %dma_wait3A_36 = tpu.memref_slice %arg4[%mul3A_0] : memref<102400xf32, #tpu.memory_space<hbm>> -> memref<6400xf32, #tpu.memory_space<hbm>>
      tpu.wait_dma2 semaphore(%run_scoped3A_34 : memref<!tpu.dma_semaphore, #tpu.memory_space<semaphore_mem>>) src(%dma_wait3A_36 : memref<6400xf32, #tpu.memory_space<hbm>>) dst(%arg18 : memref<6400xf32, #tpu.memory_space<vmem>>)
      tpu.yield
    }) : () -> ()
    "tpu.region"() ({
      %run_scoped3A_34 = tpu.sem_alloc : memref<!tpu.dma_semaphore, #tpu.memory_space<semaphore_mem>>
      %dma_start3A = tpu.memref_slice %arg5[%mul3A_0] : memref<102400xf32, #tpu.memory_space<hbm>> -> memref<6400xf32, #tpu.memory_space<hbm>>
      %dma_start3A_35 = tpu.memref_slice %arg5[%mul3A_0] : memref<102400xf32, #tpu.memory_space<hbm>> -> memref<6400xf32, #tpu.memory_space<hbm>>
      tpu.enqueue_dma source(%dma_start3A_35 : memref<6400xf32, #tpu.memory_space<hbm>>) target(%arg19 : memref<6400xf32, #tpu.memory_space<vmem>>) target_semaphore(%run_scoped3A_34 : memref<!tpu.dma_semaphore, #tpu.memory_space<semaphore_mem>>)
      %dma_wait3A = tpu.memref_slice %arg5[%mul3A_0] : memref<102400xf32, #tpu.memory_space<hbm>> -> memref<6400xf32, #tpu.memory_space<hbm>>
      %dma_wait3A_36 = tpu.memref_slice %arg5[%mul3A_0] : memref<102400xf32, #tpu.memory_space<hbm>> -> memref<6400xf32, #tpu.memory_space<hbm>>
      tpu.wait_dma2 semaphore(%run_scoped3A_34 : memref<!tpu.dma_semaphore, #tpu.memory_space<semaphore_mem>>) src(%dma_wait3A_36 : memref<6400xf32, #tpu.memory_space<hbm>>) dst(%arg19 : memref<6400xf32, #tpu.memory_space<vmem>>)
      tpu.yield
    }) : () -> ()
    %get3A = arith.constant 0 : index
    %get3A_2 = tpu.vector_load %arg15[%get3A] {strides = array<i32>} : memref<32xf32, #tpu.memory_space<vmem>>, vector<16xf32>,
    %slice3A = vector.extract_strided_slice %get3A_2 {offsets = [5], sizes = [1], strides = [1]} : vector<16xf32> to vector<1xf32>
    %squeeze3A = vector.extract %slice3A[0] : f32 from vector<1xf32>
    %slice3A_3 = vector.extract_strided_slice %get3A_2 {offsets = [6], sizes = [1], strides = [1]} : vector<16xf32> to vector<1xf32>
    %squeeze3A_4 = vector.extract %slice3A_3[0] : f32 from vector<1xf32>
    %slice3A_5 = vector.extract_strided_slice %get3A_2 {offsets = [7], sizes = [1], strides = [1]} : vector<16xf32> to vector<1xf32>
    %squeeze3A_6 = vector.extract %slice3A_5[0] : f32 from vector<1xf32>
    %slice3A_7 = vector.extract_strided_slice %get3A_2 {offsets = [8], sizes = [1], strides = [1]} : vector<16xf32> to vector<1xf32>
    %squeeze3A_8 = vector.extract %slice3A_7[0] : f32 from vector<1xf32>
    %scan3A = arith.constant 0 : i32
    %scan3A_9 = arith.constant 0 : i32
    %scan3A_10 = arith.constant 400 : i32
    %scan3A_11 = arith.addi %scan3A_9, %scan3A_10 : i32
    %scan3A_12 = arith.constant 1 : i32
    %scan3A_13 = scf.for %scan3A_34 = %scan3A_9 to %scan3A_11 step %scan3A_12 iter_args(%scan3A_35 = %scan3A) -> (i32)  : i32 {
      %mul3A_36 = arith.constant 16 : i32
      %mul3A_37 = arith.muli %scan3A_34, %mul3A_36 : i32
      %get3A_38 = arith.index_cast %mul3A_37 : i32 to index
      %get3A_39 = tpu.vector_load %arg18[%get3A_38] {strides = array<i32>} : memref<6400xf32, #tpu.memory_space<vmem>>, vector<16xf32>,
      %get3A_40 = arith.index_cast %mul3A_37 : i32 to index
      %get3A_41 = tpu.vector_load %arg16[%get3A_40] {strides = array<i32>} : memref<6400xf32, #tpu.memory_space<vmem>>, vector<16xf32>,
      %get3A_42 = arith.index_cast %mul3A_37 : i32 to index
      %get3A_43 = tpu.vector_load %arg17[%get3A_42] {strides = array<i32>} : memref<6400xf32, #tpu.memory_space<vmem>>, vector<16xf32>,
      %add3A_44 = arith.addf %get3A_41, %get3A_43 : vector<16xf32>
      %get3A_45 = arith.index_cast %mul3A_37 : i32 to index
      %get3A_46 = tpu.vector_load %arg19[%get3A_45] {strides = array<i32>} : memref<6400xf32, #tpu.memory_space<vmem>>, vector<16xf32>,
      %add3A_47 = arith.addf %add3A_44, %get3A_46 : vector<16xf32>
      %mul3A_48 = arith.mulf %get3A_39, %add3A_47 : vector<16xf32>
      %mul3A_49 = vector.broadcast %squeeze3A : f32 to vector<16xf32>
      %mul3A_50 = arith.mulf %mul3A_48, %mul3A_49 : vector<16xf32>
      %add3A_51 = vector.broadcast %squeeze3A_6 : f32 to vector<16xf32>
      %add3A_52 = arith.addf %mul3A_50, %add3A_51 : vector<16xf32>
      %max3A = arith.constant 0.000000e+00 : f32
      %max3A_53 = vector.broadcast %max3A : f32 to vector<16xf32>
      %max3A_54 = arith.maximumf %add3A_52, %max3A_53 : vector<16xf32>
      %mul3A_55 = arith.mulf %get3A_39, %max3A_54 : vector<16xf32>
      %mul3A_56 = vector.broadcast %squeeze3A_4 : f32 to vector<16xf32>
      %mul3A_57 = arith.mulf %mul3A_48, %mul3A_56 : vector<16xf32>
      %add3A_58 = vector.broadcast %squeeze3A_8 : f32 to vector<16xf32>
      %add3A_59 = arith.addf %mul3A_57, %add3A_58 : vector<16xf32>
      %max3A_60 = arith.constant 0.000000e+00 : f32
      %max3A_61 = vector.broadcast %max3A_60 : f32 to vector<16xf32>
      %max3A_62 = arith.maximumf %add3A_59, %max3A_61 : vector<16xf32>
      %mul3A_63 = arith.mulf %get3A_39, %max3A_62 : vector<16xf32>
      %swap3A = arith.index_cast %mul3A_37 : i32 to index
      %swap3A_64 = tpu.vector_load %arg20[%swap3A] {strides = array<i32>} : memref<6400xf32, #tpu.memory_space<vmem>>, vector<16xf32>,
      tpu.vector_store %arg20[%swap3A], %mul3A_55 {strides = array<i32>} : memref<6400xf32, #tpu.memory_space<vmem>>, vector<16xf32>,
      %swap3A_65 = arith.index_cast %mul3A_37 : i32 to index
      %swap3A_66 = tpu.vector_load %arg21[%swap3A_65] {strides = array<i32>} : memref<6400xf32, #tpu.memory_space<vmem>>, vector<16xf32>,
      tpu.vector_store %arg21[%swap3A_65], %mul3A_63 {strides = array<i32>} : memref<6400xf32, #tpu.memory_space<vmem>>, vector<16xf32>,
      %pack3A = tpu.pack_subelements %mul3A_55, %mul3A_63 {pack_format = #tpu.pack_format<interleaved>, positions = array<i32: 0, 1>} : vector<16xf32>, vector<16xf32> -> vector<32xbf16>
      %bitcast3A = vector.bitcast %pack3A : vector<32xbf16> to vector<16xi32>
      %swap3A_67 = arith.index_cast %mul3A_37 : i32 to index
      %swap3A_68 = tpu.vector_load %arg22[%swap3A_67] {strides = array<i32>} : memref<6400xi32, #tpu.memory_space<vmem>>, vector<16xi32>,
      tpu.vector_store %arg22[%swap3A_67], %bitcast3A {strides = array<i32>} : memref<6400xi32, #tpu.memory_space<vmem>>, vector<16xi32>,
      %scan3A_69 = arith.constant 0 : i32
      scf.yield %scan3A_69 : i32
    }
    %scan3A_14 = arith.constant 400 : i32
    "tpu.region"() ({
      %run_scoped3A_34 = tpu.sem_alloc : memref<!tpu.dma_semaphore, #tpu.memory_space<semaphore_mem>>
      %dma_start3A = tpu.memref_slice %arg8[%mul3A_0] : memref<102400xf32, #tpu.memory_space<hbm>> -> memref<6400xf32, #tpu.memory_space<hbm>>
      %dma_start3A_35 = tpu.memref_slice %arg8[%mul3A_0] : memref<102400xf32, #tpu.memory_space<hbm>> -> memref<6400xf32, #tpu.memory_space<hbm>>
      tpu.enqueue_dma source(%arg20 : memref<6400xf32, #tpu.memory_space<vmem>>) target(%dma_start3A_35 : memref<6400xf32, #tpu.memory_space<hbm>>) target_semaphore(%run_scoped3A_34 : memref<!tpu.dma_semaphore, #tpu.memory_space<semaphore_mem>>)
      %dma_wait3A = tpu.memref_slice %arg8[%mul3A_0] : memref<102400xf32, #tpu.memory_space<hbm>> -> memref<6400xf32, #tpu.memory_space<hbm>>
      %dma_wait3A_36 = tpu.memref_slice %arg8[%mul3A_0] : memref<102400xf32, #tpu.memory_space<hbm>> -> memref<6400xf32, #tpu.memory_space<hbm>>
      tpu.wait_dma2 semaphore(%run_scoped3A_34 : memref<!tpu.dma_semaphore, #tpu.memory_space<semaphore_mem>>) src(%arg20 : memref<6400xf32, #tpu.memory_space<vmem>>) dst(%dma_wait3A_36 : memref<6400xf32, #tpu.memory_space<hbm>>)
      tpu.yield
    }) : () -> ()
    "tpu.region"() ({
      %run_scoped3A_34 = tpu.sem_alloc : memref<!tpu.dma_semaphore, #tpu.memory_space<semaphore_mem>>
      %dma_start3A = tpu.memref_slice %arg9[%mul3A_0] : memref<102400xf32, #tpu.memory_space<hbm>> -> memref<6400xf32, #tpu.memory_space<hbm>>
      %dma_start3A_35 = tpu.memref_slice %arg9[%mul3A_0] : memref<102400xf32, #tpu.memory_space<hbm>> -> memref<6400xf32, #tpu.memory_space<hbm>>
      tpu.enqueue_dma source(%arg21 : memref<6400xf32, #tpu.memory_space<vmem>>) target(%dma_start3A_35 : memref<6400xf32, #tpu.memory_space<hbm>>) target_semaphore(%run_scoped3A_34 : memref<!tpu.dma_semaphore, #tpu.memory_space<semaphore_mem>>)
      %dma_wait3A = tpu.memref_slice %arg9[%mul3A_0] : memref<102400xf32, #tpu.memory_space<hbm>> -> memref<6400xf32, #tpu.memory_space<hbm>>
      %dma_wait3A_36 = tpu.memref_slice %arg9[%mul3A_0] : memref<102400xf32, #tpu.memory_space<hbm>> -> memref<6400xf32, #tpu.memory_space<hbm>>
      tpu.wait_dma2 semaphore(%run_scoped3A_34 : memref<!tpu.dma_semaphore, #tpu.memory_space<semaphore_mem>>) src(%arg21 : memref<6400xf32, #tpu.memory_space<vmem>>) dst(%dma_wait3A_36 : memref<6400xf32, #tpu.memory_space<hbm>>)
      tpu.yield
    }) : () -> ()
    "tpu.region"() ({
      %run_scoped3A_34 = tpu.sem_alloc : memref<!tpu.dma_semaphore, #tpu.memory_space<semaphore_mem>>
      %dma_start3A = tpu.memref_slice %arg12[%mul3A_0] : memref<102400xi32, #tpu.memory_space<vmem_shared>> -> memref<6400xi32, #tpu.memory_space<vmem_shared>>
      %dma_start3A_35 = tpu.memref_slice %arg12[%mul3A_0] : memref<102400xi32, #tpu.memory_space<vmem_shared>> -> memref<6400xi32, #tpu.memory_space<vmem_shared>>
      tpu.enqueue_dma source(%arg22 : memref<6400xi32, #tpu.memory_space<vmem>>) target(%dma_start3A_35 : memref<6400xi32, #tpu.memory_space<vmem_shared>>) target_semaphore(%run_scoped3A_34 : memref<!tpu.dma_semaphore, #tpu.memory_space<semaphore_mem>>)
      %dma_wait3A = tpu.memref_slice %arg12[%mul3A_0] : memref<102400xi32, #tpu.memory_space<vmem_shared>> -> memref<6400xi32, #tpu.memory_space<vmem_shared>>
      %dma_wait3A_36 = tpu.memref_slice %arg12[%mul3A_0] : memref<102400xi32, #tpu.memory_space<vmem_shared>> -> memref<6400xi32, #tpu.memory_space<vmem_shared>>
      tpu.wait_dma2 semaphore(%run_scoped3A_34 : memref<!tpu.dma_semaphore, #tpu.memory_space<semaphore_mem>>) src(%arg22 : memref<6400xi32, #tpu.memory_space<vmem>>) dst(%dma_wait3A_36 : memref<6400xi32, #tpu.memory_space<vmem_shared>>)
      tpu.yield
    }) : () -> ()
    %scan3A_15 = arith.constant 0 : i32
    %scan3A_16 = arith.constant 0 : i32
    %scan3A_17 = arith.constant 400 : i32
    %scan3A_18 = arith.addi %scan3A_16, %scan3A_17 : i32
    %scan3A_19 = arith.constant 1 : i32
    %scan3A_20 = scf.for %scan3A_34 = %scan3A_16 to %scan3A_18 step %scan3A_19 iter_args(%scan3A_35 = %scan3A_15) -> (i32)  : i32 {
      %broadcast_in_dim3A = arith.constant 0.000000e+00 : f32
      %broadcast_in_dim3A_36 = vector.broadcast %broadcast_in_dim3A : f32 to vector<16xf32>
      %mul3A_37 = arith.constant 16 : i32
      %mul3A_38 = arith.muli %scan3A_34, %mul3A_37 : i32
      %swap3A = arith.index_cast %mul3A_38 : i32 to index
      %swap3A_39 = tpu.vector_load %arg16[%swap3A] {strides = array<i32>} : memref<6400xf32, #tpu.memory_space<vmem>>, vector<16xf32>,
      tpu.vector_store %arg16[%swap3A], %broadcast_in_dim3A_36 {strides = array<i32>} : memref<6400xf32, #tpu.memory_space<vmem>>, vector<16xf32>,
      %scan3A_40 = arith.constant 0 : i32
      scf.yield %scan3A_40 : i32
    }
    %scan3A_21 = arith.constant 400 : i32
    "tpu.region"() ({
      %run_scoped3A_34 = tpu.sem_alloc : memref<!tpu.dma_semaphore, #tpu.memory_space<semaphore_mem>>
      %dma_start3A = tpu.memref_slice %arg13[%mul3A_0] : memref<102400xf32, #tpu.memory_space<vmem_shared>> -> memref<6400xf32, #tpu.memory_space<vmem_shared>>
      %dma_start3A_35 = tpu.memref_slice %arg13[%mul3A_0] : memref<102400xf32, #tpu.memory_space<vmem_shared>> -> memref<6400xf32, #tpu.memory_space<vmem_shared>>
      tpu.enqueue_dma source(%arg16 : memref<6400xf32, #tpu.memory_space<vmem>>) target(%dma_start3A_35 : memref<6400xf32, #tpu.memory_space<vmem_shared>>) target_semaphore(%run_scoped3A_34 : memref<!tpu.dma_semaphore, #tpu.memory_space<semaphore_mem>>)
      %dma_wait3A = tpu.memref_slice %arg13[%mul3A_0] : memref<102400xf32, #tpu.memory_space<vmem_shared>> -> memref<6400xf32, #tpu.memory_space<vmem_shared>>
      %dma_wait3A_36 = tpu.memref_slice %arg13[%mul3A_0] : memref<102400xf32, #tpu.memory_space<vmem_shared>> -> memref<6400xf32, #tpu.memory_space<vmem_shared>>
      tpu.wait_dma2 semaphore(%run_scoped3A_34 : memref<!tpu.dma_semaphore, #tpu.memory_space<semaphore_mem>>) src(%arg16 : memref<6400xf32, #tpu.memory_space<vmem>>) dst(%dma_wait3A_36 : memref<6400xf32, #tpu.memory_space<vmem_shared>>)
      tpu.yield
    }) : () -> ()
    "tpu.region"() ({
      %run_scoped3A_34 = tpu.sem_alloc : memref<!tpu.dma_semaphore, #tpu.memory_space<semaphore_mem>>
      %dma_start3A = tpu.memref_slice %arg14[%mul3A_0] : memref<102400xf32, #tpu.memory_space<vmem_shared>> -> memref<6400xf32, #tpu.memory_space<vmem_shared>>
      %dma_start3A_35 = tpu.memref_slice %arg14[%mul3A_0] : memref<102400xf32, #tpu.memory_space<vmem_shared>> -> memref<6400xf32, #tpu.memory_space<vmem_shared>>
      tpu.enqueue_dma source(%arg16 : memref<6400xf32, #tpu.memory_space<vmem>>) target(%dma_start3A_35 : memref<6400xf32, #tpu.memory_space<vmem_shared>>) target_semaphore(%run_scoped3A_34 : memref<!tpu.dma_semaphore, #tpu.memory_space<semaphore_mem>>)
      %dma_wait3A = tpu.memref_slice %arg14[%mul3A_0] : memref<102400xf32, #tpu.memory_space<vmem_shared>> -> memref<6400xf32, #tpu.memory_space<vmem_shared>>
      %dma_wait3A_36 = tpu.memref_slice %arg14[%mul3A_0] : memref<102400xf32, #tpu.memory_space<vmem_shared>> -> memref<6400xf32, #tpu.memory_space<vmem_shared>>
      tpu.wait_dma2 semaphore(%run_scoped3A_34 : memref<!tpu.dma_semaphore, #tpu.memory_space<semaphore_mem>>) src(%arg16 : memref<6400xf32, #tpu.memory_space<vmem>>) dst(%dma_wait3A_36 : memref<6400xf32, #tpu.memory_space<vmem_shared>>)
      tpu.yield
    }) : () -> ()
    %barrier3A = arith.constant 0 : index
    tpu.barrier barrier_id(%barrier3A)
    %mul3A_22 = arith.constant 16 : i32
    %mul3A_23 = arith.muli %arg0, %mul3A_22 : i32
    %add3A = arith.addi %mul3A_23, %arg1 : i32
    %mul3A_24 = arith.constant 200000 : i32
    %mul3A_25 = arith.muli %add3A, %mul3A_24 : i32
    %scan3A_26 = arith.constant 0 : i32
    %scan3A_27 = arith.constant 0 : i32
    %scan3A_28 = arith.constant 50 : i32
    %scan3A_29 = arith.addi %scan3A_27, %scan3A_28 : i32
    %scan3A_30 = arith.constant 1 : i32
    %scan3A_31 = scf.for %scan3A_34 = %scan3A_27 to %scan3A_29 step %scan3A_30 iter_args(%scan3A_35 = %scan3A_26) -> (i32)  : i32 {
      %mul3A_36 = arith.constant 4000 : i32
      %mul3A_37 = arith.muli %scan3A_34, %mul3A_36 : i32
      %add3A_38 = arith.addi %mul3A_25, %mul3A_37 : i32
      "tpu.region"() ({
        %run_scoped3A_47 = tpu.sem_alloc : memref<!tpu.dma_semaphore, #tpu.memory_space<semaphore_mem>>
        %dma_start3A = tpu.memref_slice %arg2[%add3A_38] : memref<6400000xi32, #tpu.memory_space<hbm>> -> memref<4000xi32, #tpu.memory_space<hbm>>
        %dma_start3A_48 = tpu.memref_slice %arg2[%add3A_38] : memref<6400000xi32, #tpu.memory_space<hbm>> -> memref<4000xi32, #tpu.memory_space<hbm>>
        tpu.enqueue_dma source(%dma_start3A_48 : memref<4000xi32, #tpu.memory_space<hbm>>) target(%arg23 : memref<4000xi32, #tpu.memory_space<vmem>>) target_semaphore(%run_scoped3A_47 : memref<!tpu.dma_semaphore, #tpu.memory_space<semaphore_mem>>)
        %dma_wait3A = tpu.memref_slice %arg2[%add3A_38] : memref<6400000xi32, #tpu.memory_space<hbm>> -> memref<4000xi32, #tpu.memory_space<hbm>>
        %dma_wait3A_49 = tpu.memref_slice %arg2[%add3A_38] : memref<6400000xi32, #tpu.memory_space<hbm>> -> memref<4000xi32, #tpu.memory_space<hbm>>
        tpu.wait_dma2 semaphore(%run_scoped3A_47 : memref<!tpu.dma_semaphore, #tpu.memory_space<semaphore_mem>>) src(%dma_wait3A_49 : memref<4000xi32, #tpu.memory_space<hbm>>) dst(%arg23 : memref<4000xi32, #tpu.memory_space<vmem>>)
        tpu.yield
      }) : () -> ()
      "tpu.region"() ({
        %run_scoped3A_47 = tpu.sem_alloc : memref<!tpu.dma_semaphore, #tpu.memory_space<semaphore_mem>>
        %dma_start3A = tpu.memref_slice %arg3[%add3A_38] : memref<6400000xi32, #tpu.memory_space<hbm>> -> memref<4000xi32, #tpu.memory_space<hbm>>
        %dma_start3A_48 = tpu.memref_slice %arg3[%add3A_38] : memref<6400000xi32, #tpu.memory_space<hbm>> -> memref<4000xi32, #tpu.memory_space<hbm>>
        tpu.enqueue_dma source(%dma_start3A_48 : memref<4000xi32, #tpu.memory_space<hbm>>) target(%arg24 : memref<4000xi32, #tpu.memory_space<vmem>>) target_semaphore(%run_scoped3A_47 : memref<!tpu.dma_semaphore, #tpu.memory_space<semaphore_mem>>)
        %dma_wait3A = tpu.memref_slice %arg3[%add3A_38] : memref<6400000xi32, #tpu.memory_space<hbm>> -> memref<4000xi32, #tpu.memory_space<hbm>>
        %dma_wait3A_49 = tpu.memref_slice %arg3[%add3A_38] : memref<6400000xi32, #tpu.memory_space<hbm>> -> memref<4000xi32, #tpu.memory_space<hbm>>
        tpu.wait_dma2 semaphore(%run_scoped3A_47 : memref<!tpu.dma_semaphore, #tpu.memory_space<semaphore_mem>>) src(%dma_wait3A_49 : memref<4000xi32, #tpu.memory_space<hbm>>) dst(%arg24 : memref<4000xi32, #tpu.memory_space<vmem>>)
        tpu.yield
      }) : () -> ()
      "tpu.region"() ({
        %run_scoped3A_47 = tpu.sem_alloc : memref<!tpu.dma_semaphore, #tpu.memory_space<semaphore_mem>>
        %dma_start3A = arith.constant 0 : i32
        %dma_start3A_48 = tpu.memref_slice %arg12[%dma_start3A] : memref<102400xi32, #tpu.memory_space<vmem_shared>> -> memref<102400xi32, #tpu.memory_space<vmem_shared>>
        tpu.enqueue_indirect_dma source(%dma_start3A_48 : memref<102400xi32, #tpu.memory_space<vmem_shared>>) target(%arg25 : memref<4000xi32, #tpu.memory_space<vmem>>) offsets(%arg23 : memref<4000xi32, #tpu.memory_space<vmem>>) semaphore(%run_scoped3A_47 : memref<!tpu.dma_semaphore, #tpu.memory_space<semaphore_mem>>)
        %dma_wait3A = arith.constant 0 : i32
        %dma_wait3A_49 = tpu.memref_slice %arg12[%dma_wait3A] : memref<102400xi32, #tpu.memory_space<vmem_shared>> -> memref<102400xi32, #tpu.memory_space<vmem_shared>>
        tpu.wait_indirect_dma semaphore(%run_scoped3A_47 : memref<!tpu.dma_semaphore, #tpu.memory_space<semaphore_mem>>) src(%dma_wait3A_49 : memref<102400xi32, #tpu.memory_space<vmem_shared>>) dst(%arg25 : memref<4000xi32, #tpu.memory_space<vmem>>)
        tpu.yield
      }) : () -> ()
      %scan3A_39 = arith.constant 0 : i32
      %scan3A_40 = arith.constant 0 : i32
      %scan3A_41 = arith.constant 250 : i32
      %scan3A_42 = arith.addi %scan3A_40, %scan3A_41 : i32
      %scan3A_43 = arith.constant 1 : i32
      %scan3A_44 = scf.for %scan3A_47 = %scan3A_40 to %scan3A_42 step %scan3A_43 iter_args(%scan3A_48 = %scan3A_39) -> (i32)  : i32 {
        %mul3A_49 = arith.constant 16 : i32
        %mul3A_50 = arith.muli %scan3A_47, %mul3A_49 : i32
        %get3A_51 = arith.index_cast %mul3A_50 : i32 to index
        %get3A_52 = tpu.vector_load %arg25[%get3A_51] {strides = array<i32>} : memref<4000xi32, #tpu.memory_space<vmem>>, vector<16xi32>,
        %bitcast3A = vector.bitcast %get3A_52 : vector<16xi32> to vector<32xbf16>
        %unpack3A = tpu.unpack_subelements %bitcast3A, 0 {pack_format = #tpu.pack_format<interleaved>} : vector<32xbf16> -> vector<16xf32>
        %unpack3A_53 = tpu.unpack_subelements %bitcast3A, 1 {pack_format = #tpu.pack_format<interleaved>} : vector<32xbf16> -> vector<16xf32>
        %swap3A = arith.index_cast %mul3A_50 : i32 to index
        %swap3A_54 = tpu.vector_load %arg26[%swap3A] {strides = array<i32>} : memref<4000xf32, #tpu.memory_space<vmem>>, vector<16xf32>,
        tpu.vector_store %arg26[%swap3A], %unpack3A {strides = array<i32>} : memref<4000xf32, #tpu.memory_space<vmem>>, vector<16xf32>,
        %swap3A_55 = arith.index_cast %mul3A_50 : i32 to index
        %swap3A_56 = tpu.vector_load %arg27[%swap3A_55] {strides = array<i32>} : memref<4000xf32, #tpu.memory_space<vmem>>, vector<16xf32>,
        tpu.vector_store %arg27[%swap3A_55], %unpack3A_53 {strides = array<i32>} : memref<4000xf32, #tpu.memory_space<vmem>>, vector<16xf32>,
        %scan3A_57 = arith.constant 0 : i32
        scf.yield %scan3A_57 : i32
      }
      %scan3A_45 = arith.constant 250 : i32
      "tpu.region"() ({
        %run_scoped3A_47 = tpu.sem_alloc : memref<!tpu.dma_semaphore, #tpu.memory_space<semaphore_mem>>
        %dma_start3A = arith.constant 0 : i32
        %dma_start3A_48 = tpu.memref_slice %arg13[%dma_start3A] : memref<102400xf32, #tpu.memory_space<vmem_shared>> -> memref<102400xf32, #tpu.memory_space<vmem_shared>>
        tpu.enqueue_indirect_dma source(%arg26 : memref<4000xf32, #tpu.memory_space<vmem>>) target(%dma_start3A_48 : memref<102400xf32, #tpu.memory_space<vmem_shared>>) offsets(%arg24 : memref<4000xi32, #tpu.memory_space<vmem>>) semaphore(%run_scoped3A_47 : memref<!tpu.dma_semaphore, #tpu.memory_space<semaphore_mem>>) {add = true}
        %dma_wait3A = arith.constant 0 : i32
        %dma_wait3A_49 = tpu.memref_slice %arg13[%dma_wait3A] : memref<102400xf32, #tpu.memory_space<vmem_shared>> -> memref<102400xf32, #tpu.memory_space<vmem_shared>>
        tpu.wait_indirect_dma semaphore(%run_scoped3A_47 : memref<!tpu.dma_semaphore, #tpu.memory_space<semaphore_mem>>) src(%arg26 : memref<4000xf32, #tpu.memory_space<vmem>>) dst(%dma_wait3A_49 : memref<102400xf32, #tpu.memory_space<vmem_shared>>)
        tpu.yield
      }) : () -> ()
      "tpu.region"() ({
        %run_scoped3A_47 = tpu.sem_alloc : memref<!tpu.dma_semaphore, #tpu.memory_space<semaphore_mem>>
        %dma_start3A = arith.constant 0 : i32
        %dma_start3A_48 = tpu.memref_slice %arg14[%dma_start3A] : memref<102400xf32, #tpu.memory_space<vmem_shared>> -> memref<102400xf32, #tpu.memory_space<vmem_shared>>
        tpu.enqueue_indirect_dma source(%arg27 : memref<4000xf32, #tpu.memory_space<vmem>>) target(%dma_start3A_48 : memref<102400xf32, #tpu.memory_space<vmem_shared>>) offsets(%arg24 : memref<4000xi32, #tpu.memory_space<vmem>>) semaphore(%run_scoped3A_47 : memref<!tpu.dma_semaphore, #tpu.memory_space<semaphore_mem>>) {add = true}
        %dma_wait3A = arith.constant 0 : i32
        %dma_wait3A_49 = tpu.memref_slice %arg14[%dma_wait3A] : memref<102400xf32, #tpu.memory_space<vmem_shared>> -> memref<102400xf32, #tpu.memory_space<vmem_shared>>
        tpu.wait_indirect_dma semaphore(%run_scoped3A_47 : memref<!tpu.dma_semaphore, #tpu.memory_space<semaphore_mem>>) src(%arg27 : memref<4000xf32, #tpu.memory_space<vmem>>) dst(%dma_wait3A_49 : memref<102400xf32, #tpu.memory_space<vmem_shared>>)
        tpu.yield
      }) : () -> ()
      %scan3A_46 = arith.constant 0 : i32
      scf.yield %scan3A_46 : i32
    }
    %scan3A_32 = arith.constant 50 : i32
    %barrier3A_33 = arith.constant 0 : index
    tpu.barrier barrier_id(%barrier3A_33)
    "tpu.region"() ({
      %run_scoped3A_34 = tpu.sem_alloc : memref<!tpu.dma_semaphore, #tpu.memory_space<semaphore_mem>>
      %dma_start3A = tpu.memref_slice %arg10[%arg0, %mul3A_0] : memref<2x102400xf32, #tpu.memory_space<hbm>> -> memref<1x6400xf32, #tpu.memory_space<hbm>>
      %dma_start3A_35 = tpu.memref_squeeze %dma_start3A : memref<1x6400xf32, #tpu.memory_space<hbm>> -> memref<6400xf32, #tpu.memory_space<hbm>>
      %dma_start3A_36 = tpu.memref_slice %arg13[%mul3A_0] : memref<102400xf32, #tpu.memory_space<vmem_shared>> -> memref<6400xf32, #tpu.memory_space<vmem_shared>>
      tpu.enqueue_dma source(%dma_start3A_36 : memref<6400xf32, #tpu.memory_space<vmem_shared>>) target(%dma_start3A_35 : memref<6400xf32, #tpu.memory_space<hbm>>) target_semaphore(%run_scoped3A_34 : memref<!tpu.dma_semaphore, #tpu.memory_space<semaphore_mem>>)
      %dma_wait3A = tpu.memref_slice %arg10[%arg0, %mul3A_0] : memref<2x102400xf32, #tpu.memory_space<hbm>> -> memref<1x6400xf32, #tpu.memory_space<hbm>>
      %dma_wait3A_37 = tpu.memref_squeeze %dma_wait3A : memref<1x6400xf32, #tpu.memory_space<hbm>> -> memref<6400xf32, #tpu.memory_space<hbm>>
      %dma_wait3A_38 = tpu.memref_slice %arg13[%mul3A_0] : memref<102400xf32, #tpu.memory_space<vmem_shared>> -> memref<6400xf32, #tpu.memory_space<vmem_shared>>
      tpu.wait_dma2 semaphore(%run_scoped3A_34 : memref<!tpu.dma_semaphore, #tpu.memory_space<semaphore_mem>>) src(%dma_wait3A_38 : memref<6400xf32, #tpu.memory_space<vmem_shared>>) dst(%dma_wait3A_37 : memref<6400xf32, #tpu.memory_space<hbm>>)
      tpu.yield
    }) : () -> ()
    "tpu.region"() ({
      %run_scoped3A_34 = tpu.sem_alloc : memref<!tpu.dma_semaphore, #tpu.memory_space<semaphore_mem>>
      %dma_start3A = tpu.memref_slice %arg11[%arg0, %mul3A_0] : memref<2x102400xf32, #tpu.memory_space<hbm>> -> memref<1x6400xf32, #tpu.memory_space<hbm>>
      %dma_start3A_35 = tpu.memref_squeeze %dma_start3A : memref<1x6400xf32, #tpu.memory_space<hbm>> -> memref<6400xf32, #tpu.memory_space<hbm>>
      %dma_start3A_36 = tpu.memref_slice %arg14[%mul3A_0] : memref<102400xf32, #tpu.memory_space<vmem_shared>> -> memref<6400xf32, #tpu.memory_space<vmem_shared>>
      tpu.enqueue_dma source(%dma_start3A_36 : memref<6400xf32, #tpu.memory_space<vmem_shared>>) target(%dma_start3A_35 : memref<6400xf32, #tpu.memory_space<hbm>>) target_semaphore(%run_scoped3A_34 : memref<!tpu.dma_semaphore, #tpu.memory_space<semaphore_mem>>)
      %dma_wait3A = tpu.memref_slice %arg11[%arg0, %mul3A_0] : memref<2x102400xf32, #tpu.memory_space<hbm>> -> memref<1x6400xf32, #tpu.memory_space<hbm>>
      %dma_wait3A_37 = tpu.memref_squeeze %dma_wait3A : memref<1x6400xf32, #tpu.memory_space<hbm>> -> memref<6400xf32, #tpu.memory_space<hbm>>
      %dma_wait3A_38 = tpu.memref_slice %arg14[%mul3A_0] : memref<102400xf32, #tpu.memory_space<vmem_shared>> -> memref<6400xf32, #tpu.memory_space<vmem_shared>>
      tpu.wait_dma2 semaphore(%run_scoped3A_34 : memref<!tpu.dma_semaphore, #tpu.memory_space<semaphore_mem>>) src(%dma_wait3A_38 : memref<6400xf32, #tpu.memory_space<vmem_shared>>) dst(%dma_wait3A_37 : memref<6400xf32, #tpu.memory_space<hbm>>)
      tpu.yield
    }) : () -> ()
    return
  }
}

#map = affine_map<(d0, d1) -> (0)>
#map1 = affine_map<(d0, d1) -> (0, 0)>
module attributes {stable_mosaic.version = 14 : i64} {
  func.func @_ro_body(%arg0: i32, %arg1: i32, %arg2: memref<6400000xi32, #tpu.memory_space<hbm>>, %arg3: memref<6400000xi32, #tpu.memory_space<hbm>>, %arg4: memref<102400xf32, #tpu.memory_space<hbm>>, %arg5: memref<102400xf32, #tpu.memory_space<hbm>>, %arg6: memref<102400xf32, #tpu.memory_space<hbm>>, %arg7: memref<2x102400xf32, #tpu.memory_space<hbm>>, %arg8: memref<2x102400xf32, #tpu.memory_space<hbm>>, %arg9: memref<32xf32, #tpu.memory_space<hbm>>, %arg10: memref<3200000xf32, #tpu.memory_space<hbm>>, %arg11: memref<102400xi32, #tpu.memory_space<vmem_shared>>, %arg12: memref<102400xi32, #tpu.memory_space<vmem_shared>>, %arg13: memref<102400xf32, #tpu.memory_space<vmem_shared>>, %arg14: memref<32xf32, #tpu.memory_space<vmem>>, %arg15: memref<6400xf32, #tpu.memory_space<vmem>>, %arg16: memref<6400xf32, #tpu.memory_space<vmem>>, %arg17: memref<6400xf32, #tpu.memory_space<vmem>>, %arg18: memref<6400xf32, #tpu.memory_space<vmem>>, %arg19: memref<6400xf32, #tpu.memory_space<vmem>>, %arg20: memref<6400xf32, #tpu.memory_space<vmem>>, %arg21: memref<6400xf32, #tpu.memory_space<vmem>>, %arg22: memref<6400xi32, #tpu.memory_space<vmem>>, %arg23: memref<6400xi32, #tpu.memory_space<vmem>>, %arg24: memref<4000xi32, #tpu.memory_space<vmem>>, %arg25: memref<4000xi32, #tpu.memory_space<vmem>>, %arg26: memref<4000xi32, #tpu.memory_space<vmem>>, %arg27: memref<4000xi32, #tpu.memory_space<vmem>>, %arg28: memref<4000xf32, #tpu.memory_space<vmem>>, %arg29: memref<4000xf32, #tpu.memory_space<vmem>>, %arg30: memref<4000xi32, #tpu.memory_space<vmem>>, %arg31: memref<4000xi32, #tpu.memory_space<vmem>>, %arg32: memref<4000xi32, #tpu.memory_space<vmem>>, %arg33: memref<4000xi32, #tpu.memory_space<vmem>>, %arg34: memref<4000xf32, #tpu.memory_space<vmem>>, %arg35: memref<4000xf32, #tpu.memory_space<vmem>>, %arg36: memref<!tpu.dma_semaphore, #tpu.memory_space<semaphore_mem>>, %arg37: memref<!tpu.dma_semaphore, #tpu.memory_space<semaphore_mem>>, %arg38: memref<!tpu.dma_semaphore, #tpu.memory_space<semaphore_mem>>, %arg39: memref<!tpu.dma_semaphore, #tpu.memory_space<semaphore_mem>>, %arg40: memref<!tpu.dma_semaphore, #tpu.memory_space<semaphore_mem>>) attributes {dimension_semantics = [#tpu.dimension_semantics<core_parallel>, #tpu.dimension_semantics<subcore_parallel>], iteration_bounds = array<i64: 2, 16>, scalar_prefetch = 0 : i64, scratch_operands = 30 : i64, tpu.core_type = #tpu.core_type<sc_vector_subcore>, window_params = [{transform_indices = #map}, {transform_indices = #map}, {transform_indices = #map}, {transform_indices = #map}, {transform_indices = #map}, {transform_indices = #map1}, {transform_indices = #map1}, {transform_indices = #map}, {transform_indices = #map}]} {
    %mul3A = arith.constant 6400 : i32
    %mul3A_0 = arith.muli %arg1, %mul3A : i32
    "tpu.region"() ({
      %run_scoped3A_56 = tpu.sem_alloc : memref<!tpu.dma_semaphore, #tpu.memory_space<semaphore_mem>>
      tpu.enqueue_dma source(%arg9 : memref<32xf32, #tpu.memory_space<hbm>>) target(%arg14 : memref<32xf32, #tpu.memory_space<vmem>>) target_semaphore(%run_scoped3A_56 : memref<!tpu.dma_semaphore, #tpu.memory_space<semaphore_mem>>)
      tpu.wait_dma2 semaphore(%run_scoped3A_56 : memref<!tpu.dma_semaphore, #tpu.memory_space<semaphore_mem>>) src(%arg9 : memref<32xf32, #tpu.memory_space<hbm>>) dst(%arg14 : memref<32xf32, #tpu.memory_space<vmem>>)
      tpu.yield
    }) : () -> ()
    %run_scoped3A = arith.constant 0 : i32
    "tpu.region"() ({
      %run_scoped3A_56 = tpu.sem_alloc : memref<!tpu.dma_semaphore, #tpu.memory_space<semaphore_mem>>
      %dma_start3A_57 = tpu.memref_slice %arg7[%run_scoped3A, %mul3A_0] : memref<2x102400xf32, #tpu.memory_space<hbm>> -> memref<1x6400xf32, #tpu.memory_space<hbm>>
      %dma_start3A_58 = tpu.memref_squeeze %dma_start3A_57 : memref<1x6400xf32, #tpu.memory_space<hbm>> -> memref<6400xf32, #tpu.memory_space<hbm>>
      %dma_start3A_59 = tpu.memref_slice %arg7[%run_scoped3A, %mul3A_0] : memref<2x102400xf32, #tpu.memory_space<hbm>> -> memref<1x6400xf32, #tpu.memory_space<hbm>>
      %dma_start3A_60 = tpu.memref_squeeze %dma_start3A_59 : memref<1x6400xf32, #tpu.memory_space<hbm>> -> memref<6400xf32, #tpu.memory_space<hbm>>
      tpu.enqueue_dma source(%dma_start3A_60 : memref<6400xf32, #tpu.memory_space<hbm>>) target(%arg16 : memref<6400xf32, #tpu.memory_space<vmem>>) target_semaphore(%run_scoped3A_56 : memref<!tpu.dma_semaphore, #tpu.memory_space<semaphore_mem>>)
      %dma_wait3A_61 = tpu.memref_slice %arg7[%run_scoped3A, %mul3A_0] : memref<2x102400xf32, #tpu.memory_space<hbm>> -> memref<1x6400xf32, #tpu.memory_space<hbm>>
      %dma_wait3A_62 = tpu.memref_squeeze %dma_wait3A_61 : memref<1x6400xf32, #tpu.memory_space<hbm>> -> memref<6400xf32, #tpu.memory_space<hbm>>
      %dma_wait3A_63 = tpu.memref_slice %arg7[%run_scoped3A, %mul3A_0] : memref<2x102400xf32, #tpu.memory_space<hbm>> -> memref<1x6400xf32, #tpu.memory_space<hbm>>
      %dma_wait3A_64 = tpu.memref_squeeze %dma_wait3A_63 : memref<1x6400xf32, #tpu.memory_space<hbm>> -> memref<6400xf32, #tpu.memory_space<hbm>>
      tpu.wait_dma2 semaphore(%run_scoped3A_56 : memref<!tpu.dma_semaphore, #tpu.memory_space<semaphore_mem>>) src(%dma_wait3A_64 : memref<6400xf32, #tpu.memory_space<hbm>>) dst(%arg16 : memref<6400xf32, #tpu.memory_space<vmem>>)
      tpu.yield
    }) : () -> ()
    %run_scoped3A_1 = arith.constant 1 : i32
    "tpu.region"() ({
      %run_scoped3A_56 = tpu.sem_alloc : memref<!tpu.dma_semaphore, #tpu.memory_space<semaphore_mem>>
      %dma_start3A_57 = tpu.memref_slice %arg7[%run_scoped3A_1, %mul3A_0] : memref<2x102400xf32, #tpu.memory_space<hbm>> -> memref<1x6400xf32, #tpu.memory_space<hbm>>
      %dma_start3A_58 = tpu.memref_squeeze %dma_start3A_57 : memref<1x6400xf32, #tpu.memory_space<hbm>> -> memref<6400xf32, #tpu.memory_space<hbm>>
      %dma_start3A_59 = tpu.memref_slice %arg7[%run_scoped3A_1, %mul3A_0] : memref<2x102400xf32, #tpu.memory_space<hbm>> -> memref<1x6400xf32, #tpu.memory_space<hbm>>
      %dma_start3A_60 = tpu.memref_squeeze %dma_start3A_59 : memref<1x6400xf32, #tpu.memory_space<hbm>> -> memref<6400xf32, #tpu.memory_space<hbm>>
      tpu.enqueue_dma source(%dma_start3A_60 : memref<6400xf32, #tpu.memory_space<hbm>>) target(%arg17 : memref<6400xf32, #tpu.memory_space<vmem>>) target_semaphore(%run_scoped3A_56 : memref<!tpu.dma_semaphore, #tpu.memory_space<semaphore_mem>>)
      %dma_wait3A_61 = tpu.memref_slice %arg7[%run_scoped3A_1, %mul3A_0] : memref<2x102400xf32, #tpu.memory_space<hbm>> -> memref<1x6400xf32, #tpu.memory_space<hbm>>
      %dma_wait3A_62 = tpu.memref_squeeze %dma_wait3A_61 : memref<1x6400xf32, #tpu.memory_space<hbm>> -> memref<6400xf32, #tpu.memory_space<hbm>>
      %dma_wait3A_63 = tpu.memref_slice %arg7[%run_scoped3A_1, %mul3A_0] : memref<2x102400xf32, #tpu.memory_space<hbm>> -> memref<1x6400xf32, #tpu.memory_space<hbm>>
      %dma_wait3A_64 = tpu.memref_squeeze %dma_wait3A_63 : memref<1x6400xf32, #tpu.memory_space<hbm>> -> memref<6400xf32, #tpu.memory_space<hbm>>
      tpu.wait_dma2 semaphore(%run_scoped3A_56 : memref<!tpu.dma_semaphore, #tpu.memory_space<semaphore_mem>>) src(%dma_wait3A_64 : memref<6400xf32, #tpu.memory_space<hbm>>) dst(%arg17 : memref<6400xf32, #tpu.memory_space<vmem>>)
      tpu.yield
    }) : () -> ()
    %run_scoped3A_2 = arith.constant 0 : i32
    "tpu.region"() ({
      %run_scoped3A_56 = tpu.sem_alloc : memref<!tpu.dma_semaphore, #tpu.memory_space<semaphore_mem>>
      %dma_start3A_57 = tpu.memref_slice %arg8[%run_scoped3A_2, %mul3A_0] : memref<2x102400xf32, #tpu.memory_space<hbm>> -> memref<1x6400xf32, #tpu.memory_space<hbm>>
      %dma_start3A_58 = tpu.memref_squeeze %dma_start3A_57 : memref<1x6400xf32, #tpu.memory_space<hbm>> -> memref<6400xf32, #tpu.memory_space<hbm>>
      %dma_start3A_59 = tpu.memref_slice %arg8[%run_scoped3A_2, %mul3A_0] : memref<2x102400xf32, #tpu.memory_space<hbm>> -> memref<1x6400xf32, #tpu.memory_space<hbm>>
      %dma_start3A_60 = tpu.memref_squeeze %dma_start3A_59 : memref<1x6400xf32, #tpu.memory_space<hbm>> -> memref<6400xf32, #tpu.memory_space<hbm>>
      tpu.enqueue_dma source(%dma_start3A_60 : memref<6400xf32, #tpu.memory_space<hbm>>) target(%arg18 : memref<6400xf32, #tpu.memory_space<vmem>>) target_semaphore(%run_scoped3A_56 : memref<!tpu.dma_semaphore, #tpu.memory_space<semaphore_mem>>)
      %dma_wait3A_61 = tpu.memref_slice %arg8[%run_scoped3A_2, %mul3A_0] : memref<2x102400xf32, #tpu.memory_space<hbm>> -> memref<1x6400xf32, #tpu.memory_space<hbm>>
      %dma_wait3A_62 = tpu.memref_squeeze %dma_wait3A_61 : memref<1x6400xf32, #tpu.memory_space<hbm>> -> memref<6400xf32, #tpu.memory_space<hbm>>
      %dma_wait3A_63 = tpu.memref_slice %arg8[%run_scoped3A_2, %mul3A_0] : memref<2x102400xf32, #tpu.memory_space<hbm>> -> memref<1x6400xf32, #tpu.memory_space<hbm>>
      %dma_wait3A_64 = tpu.memref_squeeze %dma_wait3A_63 : memref<1x6400xf32, #tpu.memory_space<hbm>> -> memref<6400xf32, #tpu.memory_space<hbm>>
      tpu.wait_dma2 semaphore(%run_scoped3A_56 : memref<!tpu.dma_semaphore, #tpu.memory_space<semaphore_mem>>) src(%dma_wait3A_64 : memref<6400xf32, #tpu.memory_space<hbm>>) dst(%arg18 : memref<6400xf32, #tpu.memory_space<vmem>>)
      tpu.yield
    }) : () -> ()
    %run_scoped3A_3 = arith.constant 1 : i32
    "tpu.region"() ({
      %run_scoped3A_56 = tpu.sem_alloc : memref<!tpu.dma_semaphore, #tpu.memory_space<semaphore_mem>>
      %dma_start3A_57 = tpu.memref_slice %arg8[%run_scoped3A_3, %mul3A_0] : memref<2x102400xf32, #tpu.memory_space<hbm>> -> memref<1x6400xf32, #tpu.memory_space<hbm>>
      %dma_start3A_58 = tpu.memref_squeeze %dma_start3A_57 : memref<1x6400xf32, #tpu.memory_space<hbm>> -> memref<6400xf32, #tpu.memory_space<hbm>>
      %dma_start3A_59 = tpu.memref_slice %arg8[%run_scoped3A_3, %mul3A_0] : memref<2x102400xf32, #tpu.memory_space<hbm>> -> memref<1x6400xf32, #tpu.memory_space<hbm>>
      %dma_start3A_60 = tpu.memref_squeeze %dma_start3A_59 : memref<1x6400xf32, #tpu.memory_space<hbm>> -> memref<6400xf32, #tpu.memory_space<hbm>>
      tpu.enqueue_dma source(%dma_start3A_60 : memref<6400xf32, #tpu.memory_space<hbm>>) target(%arg19 : memref<6400xf32, #tpu.memory_space<vmem>>) target_semaphore(%run_scoped3A_56 : memref<!tpu.dma_semaphore, #tpu.memory_space<semaphore_mem>>)
      %dma_wait3A_61 = tpu.memref_slice %arg8[%run_scoped3A_3, %mul3A_0] : memref<2x102400xf32, #tpu.memory_space<hbm>> -> memref<1x6400xf32, #tpu.memory_space<hbm>>
      %dma_wait3A_62 = tpu.memref_squeeze %dma_wait3A_61 : memref<1x6400xf32, #tpu.memory_space<hbm>> -> memref<6400xf32, #tpu.memory_space<hbm>>
      %dma_wait3A_63 = tpu.memref_slice %arg8[%run_scoped3A_3, %mul3A_0] : memref<2x102400xf32, #tpu.memory_space<hbm>> -> memref<1x6400xf32, #tpu.memory_space<hbm>>
      %dma_wait3A_64 = tpu.memref_squeeze %dma_wait3A_63 : memref<1x6400xf32, #tpu.memory_space<hbm>> -> memref<6400xf32, #tpu.memory_space<hbm>>
      tpu.wait_dma2 semaphore(%run_scoped3A_56 : memref<!tpu.dma_semaphore, #tpu.memory_space<semaphore_mem>>) src(%dma_wait3A_64 : memref<6400xf32, #tpu.memory_space<hbm>>) dst(%arg19 : memref<6400xf32, #tpu.memory_space<vmem>>)
      tpu.yield
    }) : () -> ()
    "tpu.region"() ({
      %run_scoped3A_56 = tpu.sem_alloc : memref<!tpu.dma_semaphore, #tpu.memory_space<semaphore_mem>>
      %dma_start3A_57 = tpu.memref_slice %arg4[%mul3A_0] : memref<102400xf32, #tpu.memory_space<hbm>> -> memref<6400xf32, #tpu.memory_space<hbm>>
      %dma_start3A_58 = tpu.memref_slice %arg4[%mul3A_0] : memref<102400xf32, #tpu.memory_space<hbm>> -> memref<6400xf32, #tpu.memory_space<hbm>>
      tpu.enqueue_dma source(%dma_start3A_58 : memref<6400xf32, #tpu.memory_space<hbm>>) target(%arg15 : memref<6400xf32, #tpu.memory_space<vmem>>) target_semaphore(%run_scoped3A_56 : memref<!tpu.dma_semaphore, #tpu.memory_space<semaphore_mem>>)
      %dma_wait3A_59 = tpu.memref_slice %arg4[%mul3A_0] : memref<102400xf32, #tpu.memory_space<hbm>> -> memref<6400xf32, #tpu.memory_space<hbm>>
      %dma_wait3A_60 = tpu.memref_slice %arg4[%mul3A_0] : memref<102400xf32, #tpu.memory_space<hbm>> -> memref<6400xf32, #tpu.memory_space<hbm>>
      tpu.wait_dma2 semaphore(%run_scoped3A_56 : memref<!tpu.dma_semaphore, #tpu.memory_space<semaphore_mem>>) src(%dma_wait3A_60 : memref<6400xf32, #tpu.memory_space<hbm>>) dst(%arg15 : memref<6400xf32, #tpu.memory_space<vmem>>)
      tpu.yield
    }) : () -> ()
    "tpu.region"() ({
      %run_scoped3A_56 = tpu.sem_alloc : memref<!tpu.dma_semaphore, #tpu.memory_space<semaphore_mem>>
      %dma_start3A_57 = tpu.memref_slice %arg5[%mul3A_0] : memref<102400xf32, #tpu.memory_space<hbm>> -> memref<6400xf32, #tpu.memory_space<hbm>>
      %dma_start3A_58 = tpu.memref_slice %arg5[%mul3A_0] : memref<102400xf32, #tpu.memory_space<hbm>> -> memref<6400xf32, #tpu.memory_space<hbm>>
      tpu.enqueue_dma source(%dma_start3A_58 : memref<6400xf32, #tpu.memory_space<hbm>>) target(%arg20 : memref<6400xf32, #tpu.memory_space<vmem>>) target_semaphore(%run_scoped3A_56 : memref<!tpu.dma_semaphore, #tpu.memory_space<semaphore_mem>>)
      %dma_wait3A_59 = tpu.memref_slice %arg5[%mul3A_0] : memref<102400xf32, #tpu.memory_space<hbm>> -> memref<6400xf32, #tpu.memory_space<hbm>>
      %dma_wait3A_60 = tpu.memref_slice %arg5[%mul3A_0] : memref<102400xf32, #tpu.memory_space<hbm>> -> memref<6400xf32, #tpu.memory_space<hbm>>
      tpu.wait_dma2 semaphore(%run_scoped3A_56 : memref<!tpu.dma_semaphore, #tpu.memory_space<semaphore_mem>>) src(%dma_wait3A_60 : memref<6400xf32, #tpu.memory_space<hbm>>) dst(%arg20 : memref<6400xf32, #tpu.memory_space<vmem>>)
      tpu.yield
    }) : () -> ()
    "tpu.region"() ({
      %run_scoped3A_56 = tpu.sem_alloc : memref<!tpu.dma_semaphore, #tpu.memory_space<semaphore_mem>>
      %dma_start3A_57 = tpu.memref_slice %arg6[%mul3A_0] : memref<102400xf32, #tpu.memory_space<hbm>> -> memref<6400xf32, #tpu.memory_space<hbm>>
      %dma_start3A_58 = tpu.memref_slice %arg6[%mul3A_0] : memref<102400xf32, #tpu.memory_space<hbm>> -> memref<6400xf32, #tpu.memory_space<hbm>>
      tpu.enqueue_dma source(%dma_start3A_58 : memref<6400xf32, #tpu.memory_space<hbm>>) target(%arg21 : memref<6400xf32, #tpu.memory_space<vmem>>) target_semaphore(%run_scoped3A_56 : memref<!tpu.dma_semaphore, #tpu.memory_space<semaphore_mem>>)
      %dma_wait3A_59 = tpu.memref_slice %arg6[%mul3A_0] : memref<102400xf32, #tpu.memory_space<hbm>> -> memref<6400xf32, #tpu.memory_space<hbm>>
      %dma_wait3A_60 = tpu.memref_slice %arg6[%mul3A_0] : memref<102400xf32, #tpu.memory_space<hbm>> -> memref<6400xf32, #tpu.memory_space<hbm>>
      tpu.wait_dma2 semaphore(%run_scoped3A_56 : memref<!tpu.dma_semaphore, #tpu.memory_space<semaphore_mem>>) src(%dma_wait3A_60 : memref<6400xf32, #tpu.memory_space<hbm>>) dst(%arg21 : memref<6400xf32, #tpu.memory_space<vmem>>)
      tpu.yield
    }) : () -> ()
    %get3A = arith.constant 0 : index
    %get3A_4 = tpu.vector_load %arg14[%get3A] {strides = array<i32>} : memref<32xf32, #tpu.memory_space<vmem>>, vector<16xf32>,
    %slice3A = vector.extract_strided_slice %get3A_4 {offsets = [9], sizes = [1], strides = [1]} : vector<16xf32> to vector<1xf32>
    %squeeze3A = vector.extract %slice3A[0] : f32 from vector<1xf32>
    %slice3A_5 = vector.extract_strided_slice %get3A_4 {offsets = [10], sizes = [1], strides = [1]} : vector<16xf32> to vector<1xf32>
    %squeeze3A_6 = vector.extract %slice3A_5[0] : f32 from vector<1xf32>
    %slice3A_7 = vector.extract_strided_slice %get3A_4 {offsets = [11], sizes = [1], strides = [1]} : vector<16xf32> to vector<1xf32>
    %squeeze3A_8 = vector.extract %slice3A_7[0] : f32 from vector<1xf32>
    %slice3A_9 = vector.extract_strided_slice %get3A_4 {offsets = [12], sizes = [1], strides = [1]} : vector<16xf32> to vector<1xf32>
    %squeeze3A_10 = vector.extract %slice3A_9[0] : f32 from vector<1xf32>
    %slice3A_11 = vector.extract_strided_slice %get3A_4 {offsets = [13], sizes = [1], strides = [1]} : vector<16xf32> to vector<1xf32>
    %squeeze3A_12 = vector.extract %slice3A_11[0] : f32 from vector<1xf32>
    %slice3A_13 = vector.extract_strided_slice %get3A_4 {offsets = [14], sizes = [1], strides = [1]} : vector<16xf32> to vector<1xf32>
    %squeeze3A_14 = vector.extract %slice3A_13[0] : f32 from vector<1xf32>
    %slice3A_15 = vector.extract_strided_slice %get3A_4 {offsets = [15], sizes = [1], strides = [1]} : vector<16xf32> to vector<1xf32>
    %squeeze3A_16 = vector.extract %slice3A_15[0] : f32 from vector<1xf32>
    %get3A_17 = arith.constant 16 : index
    %get3A_18 = tpu.vector_load %arg14[%get3A_17] {strides = array<i32>} : memref<32xf32, #tpu.memory_space<vmem>>, vector<16xf32>,
    %slice3A_19 = vector.extract_strided_slice %get3A_18 {offsets = [0], sizes = [1], strides = [1]} : vector<16xf32> to vector<1xf32>
    %squeeze3A_20 = vector.extract %slice3A_19[0] : f32 from vector<1xf32>
    %gt3A = arith.constant 5.000000e-01 : f32
    %gt3A_21 = arith.cmpf ogt, %squeeze3A_20, %gt3A : f32
    %scan3A = arith.constant 0 : i32
    %scan3A_22 = arith.constant 0 : i32
    %scan3A_23 = arith.constant 400 : i32
    %scan3A_24 = arith.addi %scan3A_22, %scan3A_23 : i32
    %scan3A_25 = arith.constant 1 : i32
    %scan3A_26 = scf.for %scan3A_56 = %scan3A_22 to %scan3A_24 step %scan3A_25 iter_args(%scan3A_57 = %scan3A) -> (i32)  : i32 {
      %mul3A_58 = arith.constant 16 : i32
      %mul3A_59 = arith.muli %scan3A_56, %mul3A_58 : i32
      %get3A_60 = arith.index_cast %mul3A_59 : i32 to index
      %get3A_61 = tpu.vector_load %arg15[%get3A_60] {strides = array<i32>} : memref<6400xf32, #tpu.memory_space<vmem>>, vector<16xf32>,
      %get3A_62 = arith.index_cast %mul3A_59 : i32 to index
      %get3A_63 = tpu.vector_load %arg16[%get3A_62] {strides = array<i32>} : memref<6400xf32, #tpu.memory_space<vmem>>, vector<16xf32>,
      %get3A_64 = arith.index_cast %mul3A_59 : i32 to index
      %get3A_65 = tpu.vector_load %arg17[%get3A_64] {strides = array<i32>} : memref<6400xf32, #tpu.memory_space<vmem>>, vector<16xf32>,
      %add3A_66 = arith.addf %get3A_63, %get3A_65 : vector<16xf32>
      %get3A_67 = arith.index_cast %mul3A_59 : i32 to index
      %get3A_68 = tpu.vector_load %arg20[%get3A_67] {strides = array<i32>} : memref<6400xf32, #tpu.memory_space<vmem>>, vector<16xf32>,
      %add3A_69 = arith.addf %add3A_66, %get3A_68 : vector<16xf32>
      %mul3A_70 = arith.mulf %get3A_61, %add3A_69 : vector<16xf32>
      %get3A_71 = arith.index_cast %mul3A_59 : i32 to index
      %get3A_72 = tpu.vector_load %arg18[%get3A_71] {strides = array<i32>} : memref<6400xf32, #tpu.memory_space<vmem>>, vector<16xf32>,
      %get3A_73 = arith.index_cast %mul3A_59 : i32 to index
      %get3A_74 = tpu.vector_load %arg19[%get3A_73] {strides = array<i32>} : memref<6400xf32, #tpu.memory_space<vmem>>, vector<16xf32>,
      %add3A_75 = arith.addf %get3A_72, %get3A_74 : vector<16xf32>
      %get3A_76 = arith.index_cast %mul3A_59 : i32 to index
      %get3A_77 = tpu.vector_load %arg21[%get3A_76] {strides = array<i32>} : memref<6400xf32, #tpu.memory_space<vmem>>, vector<16xf32>,
      %add3A_78 = arith.addf %add3A_75, %get3A_77 : vector<16xf32>
      %mul3A_79 = arith.mulf %get3A_61, %add3A_78 : vector<16xf32>
      %pack3A = tpu.pack_subelements %mul3A_70, %mul3A_79 {pack_format = #tpu.pack_format<interleaved>, positions = array<i32: 0, 1>} : vector<16xf32>, vector<16xf32> -> vector<32xbf16>
      %bitcast3A = vector.bitcast %pack3A : vector<32xbf16> to vector<16xi32>
      %swap3A = arith.index_cast %mul3A_59 : i32 to index
      %swap3A_80 = tpu.vector_load %arg22[%swap3A] {strides = array<i32>} : memref<6400xi32, #tpu.memory_space<vmem>>, vector<16xi32>,
      tpu.vector_store %arg22[%swap3A], %bitcast3A {strides = array<i32>} : memref<6400xi32, #tpu.memory_space<vmem>>, vector<16xi32>,
      %mul3A_81 = vector.broadcast %squeeze3A : f32 to vector<16xf32>
      %mul3A_82 = arith.mulf %mul3A_81, %mul3A_70 : vector<16xf32>
      %mul3A_83 = vector.broadcast %squeeze3A_6 : f32 to vector<16xf32>
      %mul3A_84 = arith.mulf %mul3A_83, %mul3A_79 : vector<16xf32>
      %add3A_85 = arith.addf %mul3A_82, %mul3A_84 : vector<16xf32>
      %add3A_86 = vector.broadcast %squeeze3A_12 : f32 to vector<16xf32>
      %add3A_87 = arith.addf %add3A_85, %add3A_86 : vector<16xf32>
      %mul3A_88 = vector.broadcast %squeeze3A_8 : f32 to vector<16xf32>
      %mul3A_89 = arith.mulf %mul3A_88, %mul3A_70 : vector<16xf32>
      %mul3A_90 = vector.broadcast %squeeze3A_10 : f32 to vector<16xf32>
      %mul3A_91 = arith.mulf %mul3A_90, %mul3A_79 : vector<16xf32>
      %add3A_92 = arith.addf %mul3A_89, %mul3A_91 : vector<16xf32>
      %add3A_93 = vector.broadcast %squeeze3A_14 : f32 to vector<16xf32>
      %add3A_94 = arith.addf %add3A_92, %add3A_93 : vector<16xf32>
      %pack3A_95 = tpu.pack_subelements %add3A_87, %add3A_94 {pack_format = #tpu.pack_format<interleaved>, positions = array<i32: 0, 1>} : vector<16xf32>, vector<16xf32> -> vector<32xbf16>
      %bitcast3A_96 = vector.bitcast %pack3A_95 : vector<32xbf16> to vector<16xi32>
      %swap3A_97 = arith.index_cast %mul3A_59 : i32 to index
      %swap3A_98 = tpu.vector_load %arg23[%swap3A_97] {strides = array<i32>} : memref<6400xi32, #tpu.memory_space<vmem>>, vector<16xi32>,
      tpu.vector_store %arg23[%swap3A_97], %bitcast3A_96 {strides = array<i32>} : memref<6400xi32, #tpu.memory_space<vmem>>, vector<16xi32>,
      %mul3A_99 = vector.broadcast %squeeze3A_12 : f32 to vector<16xf32>
      %mul3A_100 = arith.mulf %mul3A_99, %mul3A_70 : vector<16xf32>
      %mul3A_101 = vector.broadcast %squeeze3A_14 : f32 to vector<16xf32>
      %mul3A_102 = arith.mulf %mul3A_101, %mul3A_79 : vector<16xf32>
      %add3A_103 = arith.addf %mul3A_100, %mul3A_102 : vector<16xf32>
      %add3A_104 = vector.broadcast %squeeze3A_16 : f32 to vector<16xf32>
      %add3A_105 = arith.addf %add3A_103, %add3A_104 : vector<16xf32>
      %swap3A_106 = arith.index_cast %mul3A_59 : i32 to index
      %swap3A_107 = tpu.vector_load %arg20[%swap3A_106] {strides = array<i32>} : memref<6400xf32, #tpu.memory_space<vmem>>, vector<16xf32>,
      tpu.vector_store %arg20[%swap3A_106], %add3A_105 {strides = array<i32>} : memref<6400xf32, #tpu.memory_space<vmem>>, vector<16xf32>,
      %scan3A_108 = arith.constant 0 : i32
      scf.yield %scan3A_108 : i32
    }
    %scan3A_27 = arith.constant 400 : i32
    "tpu.region"() ({
      %run_scoped3A_56 = tpu.sem_alloc : memref<!tpu.dma_semaphore, #tpu.memory_space<semaphore_mem>>
      %dma_start3A_57 = tpu.memref_slice %arg11[%mul3A_0] : memref<102400xi32, #tpu.memory_space<vmem_shared>> -> memref<6400xi32, #tpu.memory_space<vmem_shared>>
      %dma_start3A_58 = tpu.memref_slice %arg11[%mul3A_0] : memref<102400xi32, #tpu.memory_space<vmem_shared>> -> memref<6400xi32, #tpu.memory_space<vmem_shared>>
      tpu.enqueue_dma source(%arg22 : memref<6400xi32, #tpu.memory_space<vmem>>) target(%dma_start3A_58 : memref<6400xi32, #tpu.memory_space<vmem_shared>>) target_semaphore(%run_scoped3A_56 : memref<!tpu.dma_semaphore, #tpu.memory_space<semaphore_mem>>)
      %dma_wait3A_59 = tpu.memref_slice %arg11[%mul3A_0] : memref<102400xi32, #tpu.memory_space<vmem_shared>> -> memref<6400xi32, #tpu.memory_space<vmem_shared>>
      %dma_wait3A_60 = tpu.memref_slice %arg11[%mul3A_0] : memref<102400xi32, #tpu.memory_space<vmem_shared>> -> memref<6400xi32, #tpu.memory_space<vmem_shared>>
      tpu.wait_dma2 semaphore(%run_scoped3A_56 : memref<!tpu.dma_semaphore, #tpu.memory_space<semaphore_mem>>) src(%arg22 : memref<6400xi32, #tpu.memory_space<vmem>>) dst(%dma_wait3A_60 : memref<6400xi32, #tpu.memory_space<vmem_shared>>)
      tpu.yield
    }) : () -> ()
    "tpu.region"() ({
      %run_scoped3A_56 = tpu.sem_alloc : memref<!tpu.dma_semaphore, #tpu.memory_space<semaphore_mem>>
      %dma_start3A_57 = tpu.memref_slice %arg12[%mul3A_0] : memref<102400xi32, #tpu.memory_space<vmem_shared>> -> memref<6400xi32, #tpu.memory_space<vmem_shared>>
      %dma_start3A_58 = tpu.memref_slice %arg12[%mul3A_0] : memref<102400xi32, #tpu.memory_space<vmem_shared>> -> memref<6400xi32, #tpu.memory_space<vmem_shared>>
      tpu.enqueue_dma source(%arg23 : memref<6400xi32, #tpu.memory_space<vmem>>) target(%dma_start3A_58 : memref<6400xi32, #tpu.memory_space<vmem_shared>>) target_semaphore(%run_scoped3A_56 : memref<!tpu.dma_semaphore, #tpu.memory_space<semaphore_mem>>)
      %dma_wait3A_59 = tpu.memref_slice %arg12[%mul3A_0] : memref<102400xi32, #tpu.memory_space<vmem_shared>> -> memref<6400xi32, #tpu.memory_space<vmem_shared>>
      %dma_wait3A_60 = tpu.memref_slice %arg12[%mul3A_0] : memref<102400xi32, #tpu.memory_space<vmem_shared>> -> memref<6400xi32, #tpu.memory_space<vmem_shared>>
      tpu.wait_dma2 semaphore(%run_scoped3A_56 : memref<!tpu.dma_semaphore, #tpu.memory_space<semaphore_mem>>) src(%arg23 : memref<6400xi32, #tpu.memory_space<vmem>>) dst(%dma_wait3A_60 : memref<6400xi32, #tpu.memory_space<vmem_shared>>)
      tpu.yield
    }) : () -> ()
    "tpu.region"() ({
      %run_scoped3A_56 = tpu.sem_alloc : memref<!tpu.dma_semaphore, #tpu.memory_space<semaphore_mem>>
      %dma_start3A_57 = tpu.memref_slice %arg13[%mul3A_0] : memref<102400xf32, #tpu.memory_space<vmem_shared>> -> memref<6400xf32, #tpu.memory_space<vmem_shared>>
      %dma_start3A_58 = tpu.memref_slice %arg13[%mul3A_0] : memref<102400xf32, #tpu.memory_space<vmem_shared>> -> memref<6400xf32, #tpu.memory_space<vmem_shared>>
      tpu.enqueue_dma source(%arg20 : memref<6400xf32, #tpu.memory_space<vmem>>) target(%dma_start3A_58 : memref<6400xf32, #tpu.memory_space<vmem_shared>>) target_semaphore(%run_scoped3A_56 : memref<!tpu.dma_semaphore, #tpu.memory_space<semaphore_mem>>)
      %dma_wait3A_59 = tpu.memref_slice %arg13[%mul3A_0] : memref<102400xf32, #tpu.memory_space<vmem_shared>> -> memref<6400xf32, #tpu.memory_space<vmem_shared>>
      %dma_wait3A_60 = tpu.memref_slice %arg13[%mul3A_0] : memref<102400xf32, #tpu.memory_space<vmem_shared>> -> memref<6400xf32, #tpu.memory_space<vmem_shared>>
      tpu.wait_dma2 semaphore(%run_scoped3A_56 : memref<!tpu.dma_semaphore, #tpu.memory_space<semaphore_mem>>) src(%arg20 : memref<6400xf32, #tpu.memory_space<vmem>>) dst(%dma_wait3A_60 : memref<6400xf32, #tpu.memory_space<vmem_shared>>)
      tpu.yield
    }) : () -> ()
    %not3A = arith.constant true
    %not3A_28 = arith.xori %gt3A_21, %not3A : i1
    %convert_element_type3A = arith.extui %not3A_28 : i1 to i32
    %cond3A = arith.constant 0 : i32
    %cond3A_29 = arith.cmpi ne, %convert_element_type3A, %cond3A : i32
    scf.if %cond3A_29 {
      %scan3A_56 = arith.constant 0 : i32
      %scan3A_57 = arith.constant 0 : i32
      %scan3A_58 = arith.constant 250 : i32
      %scan3A_59 = arith.addi %scan3A_57, %scan3A_58 : i32
      %scan3A_60 = arith.constant 1 : i32
      %scan3A_61 = scf.for %scan3A_77 = %scan3A_57 to %scan3A_59 step %scan3A_60 iter_args(%scan3A_78 = %scan3A_56) -> (i32)  : i32 {
        %broadcast_in_dim3A = arith.constant 0.000000e+00 : f32
        %broadcast_in_dim3A_79 = vector.broadcast %broadcast_in_dim3A : f32 to vector<16xf32>
        %mul3A_80 = arith.constant 16 : i32
        %mul3A_81 = arith.muli %scan3A_77, %mul3A_80 : i32
        %swap3A = arith.index_cast %mul3A_81 : i32 to index
        %swap3A_82 = tpu.vector_load %arg28[%swap3A] {strides = array<i32>} : memref<4000xf32, #tpu.memory_space<vmem>>, vector<16xf32>,
        tpu.vector_store %arg28[%swap3A], %broadcast_in_dim3A_79 {strides = array<i32>} : memref<4000xf32, #tpu.memory_space<vmem>>, vector<16xf32>,
        %scan3A_83 = arith.constant 0 : i32
        scf.yield %scan3A_83 : i32
      }
      %scan3A_62 = arith.constant 250 : i32
      %scan3A_63 = arith.constant 0 : i32
      %scan3A_64 = arith.constant 0 : i32
      %scan3A_65 = arith.constant 250 : i32
      %scan3A_66 = arith.addi %scan3A_64, %scan3A_65 : i32
      %scan3A_67 = arith.constant 1 : i32
      %scan3A_68 = scf.for %scan3A_77 = %scan3A_64 to %scan3A_66 step %scan3A_67 iter_args(%scan3A_78 = %scan3A_63) -> (i32)  : i32 {
        %broadcast_in_dim3A = arith.constant 0.000000e+00 : f32
        %broadcast_in_dim3A_79 = vector.broadcast %broadcast_in_dim3A : f32 to vector<16xf32>
        %mul3A_80 = arith.constant 16 : i32
        %mul3A_81 = arith.muli %scan3A_77, %mul3A_80 : i32
        %swap3A = arith.index_cast %mul3A_81 : i32 to index
        %swap3A_82 = tpu.vector_load %arg34[%swap3A] {strides = array<i32>} : memref<4000xf32, #tpu.memory_space<vmem>>, vector<16xf32>,
        tpu.vector_store %arg34[%swap3A], %broadcast_in_dim3A_79 {strides = array<i32>} : memref<4000xf32, #tpu.memory_space<vmem>>, vector<16xf32>,
        %scan3A_83 = arith.constant 0 : i32
        scf.yield %scan3A_83 : i32
      }
      %scan3A_69 = arith.constant 250 : i32
      %scan3A_70 = arith.constant 0 : i32
      %scan3A_71 = arith.constant 0 : i32
      %scan3A_72 = arith.constant 250 : i32
      %scan3A_73 = arith.addi %scan3A_71, %scan3A_72 : i32
      %scan3A_74 = arith.constant 1 : i32
      %scan3A_75 = scf.for %scan3A_77 = %scan3A_71 to %scan3A_73 step %scan3A_74 iter_args(%scan3A_78 = %scan3A_70) -> (i32)  : i32 {
        %mul3A_79 = arith.constant 16 : i32
        %mul3A_80 = arith.muli %scan3A_77, %mul3A_79 : i32
        %get3A_81 = arith.index_cast %mul3A_80 : i32 to index
        %get3A_82 = tpu.vector_load %arg28[%get3A_81] {strides = array<i32>} : memref<4000xf32, #tpu.memory_space<vmem>>, vector<16xf32>,
        %add3A_83 = vector.broadcast %squeeze3A_16 : f32 to vector<16xf32>
        %add3A_84 = arith.addf %get3A_82, %add3A_83 : vector<16xf32>
        %swap3A = arith.index_cast %mul3A_80 : i32 to index
        %swap3A_85 = tpu.vector_load %arg28[%swap3A] {strides = array<i32>} : memref<4000xf32, #tpu.memory_space<vmem>>, vector<16xf32>,
        tpu.vector_store %arg28[%swap3A], %add3A_84 {strides = array<i32>} : memref<4000xf32, #tpu.memory_space<vmem>>, vector<16xf32>,
        %get3A_86 = arith.index_cast %mul3A_80 : i32 to index
        %get3A_87 = tpu.vector_load %arg34[%get3A_86] {strides = array<i32>} : memref<4000xf32, #tpu.memory_space<vmem>>, vector<16xf32>,
        %add3A_88 = vector.broadcast %squeeze3A_16 : f32 to vector<16xf32>
        %add3A_89 = arith.addf %get3A_87, %add3A_88 : vector<16xf32>
        %swap3A_90 = arith.index_cast %mul3A_80 : i32 to index
        %swap3A_91 = tpu.vector_load %arg34[%swap3A_90] {strides = array<i32>} : memref<4000xf32, #tpu.memory_space<vmem>>, vector<16xf32>,
        tpu.vector_store %arg34[%swap3A_90], %add3A_89 {strides = array<i32>} : memref<4000xf32, #tpu.memory_space<vmem>>, vector<16xf32>,
        %scan3A_92 = arith.constant 0 : i32
        scf.yield %scan3A_92 : i32
      }
      %scan3A_76 = arith.constant 250 : i32
    } else {
    }
    %barrier3A = arith.constant 0 : index
    tpu.barrier barrier_id(%barrier3A)
    %mul3A_30 = arith.constant 16 : i32
    %mul3A_31 = arith.muli %arg0, %mul3A_30 : i32
    %add3A = arith.addi %mul3A_31, %arg1 : i32
    %mul3A_32 = arith.constant 100000 : i32
    %mul3A_33 = arith.muli %add3A, %mul3A_32 : i32
    "tpu.region"() ({
      %run_scoped3A_56 = tpu.sem_alloc : memref<!tpu.dma_semaphore, #tpu.memory_space<semaphore_mem>>
      %dma_start3A_57 = tpu.memref_slice %arg2[%mul3A_33] : memref<6400000xi32, #tpu.memory_space<hbm>> -> memref<4000xi32, #tpu.memory_space<hbm>>
      %dma_start3A_58 = tpu.memref_slice %arg2[%mul3A_33] : memref<6400000xi32, #tpu.memory_space<hbm>> -> memref<4000xi32, #tpu.memory_space<hbm>>
      tpu.enqueue_dma source(%dma_start3A_58 : memref<4000xi32, #tpu.memory_space<hbm>>) target(%arg24 : memref<4000xi32, #tpu.memory_space<vmem>>) target_semaphore(%run_scoped3A_56 : memref<!tpu.dma_semaphore, #tpu.memory_space<semaphore_mem>>)
      %dma_wait3A_59 = tpu.memref_slice %arg2[%mul3A_33] : memref<6400000xi32, #tpu.memory_space<hbm>> -> memref<4000xi32, #tpu.memory_space<hbm>>
      %dma_wait3A_60 = tpu.memref_slice %arg2[%mul3A_33] : memref<6400000xi32, #tpu.memory_space<hbm>> -> memref<4000xi32, #tpu.memory_space<hbm>>
      tpu.wait_dma2 semaphore(%run_scoped3A_56 : memref<!tpu.dma_semaphore, #tpu.memory_space<semaphore_mem>>) src(%dma_wait3A_60 : memref<4000xi32, #tpu.memory_space<hbm>>) dst(%arg24 : memref<4000xi32, #tpu.memory_space<vmem>>)
      tpu.yield
    }) : () -> ()
    "tpu.region"() ({
      %run_scoped3A_56 = tpu.sem_alloc : memref<!tpu.dma_semaphore, #tpu.memory_space<semaphore_mem>>
      %dma_start3A_57 = tpu.memref_slice %arg3[%mul3A_33] : memref<6400000xi32, #tpu.memory_space<hbm>> -> memref<4000xi32, #tpu.memory_space<hbm>>
      %dma_start3A_58 = tpu.memref_slice %arg3[%mul3A_33] : memref<6400000xi32, #tpu.memory_space<hbm>> -> memref<4000xi32, #tpu.memory_space<hbm>>
      tpu.enqueue_dma source(%dma_start3A_58 : memref<4000xi32, #tpu.memory_space<hbm>>) target(%arg25 : memref<4000xi32, #tpu.memory_space<vmem>>) target_semaphore(%run_scoped3A_56 : memref<!tpu.dma_semaphore, #tpu.memory_space<semaphore_mem>>)
      %dma_wait3A_59 = tpu.memref_slice %arg3[%mul3A_33] : memref<6400000xi32, #tpu.memory_space<hbm>> -> memref<4000xi32, #tpu.memory_space<hbm>>
      %dma_wait3A_60 = tpu.memref_slice %arg3[%mul3A_33] : memref<6400000xi32, #tpu.memory_space<hbm>> -> memref<4000xi32, #tpu.memory_space<hbm>>
      tpu.wait_dma2 semaphore(%run_scoped3A_56 : memref<!tpu.dma_semaphore, #tpu.memory_space<semaphore_mem>>) src(%dma_wait3A_60 : memref<4000xi32, #tpu.memory_space<hbm>>) dst(%arg25 : memref<4000xi32, #tpu.memory_space<vmem>>)
      tpu.yield
    }) : () -> ()
    %dma_start3A = arith.constant 0 : i32
    %dma_start3A_34 = tpu.memref_slice %arg11[%dma_start3A] : memref<102400xi32, #tpu.memory_space<vmem_shared>> -> memref<102400xi32, #tpu.memory_space<vmem_shared>>
    tpu.enqueue_indirect_dma source(%dma_start3A_34 : memref<102400xi32, #tpu.memory_space<vmem_shared>>) target(%arg26 : memref<4000xi32, #tpu.memory_space<vmem>>) offsets(%arg24 : memref<4000xi32, #tpu.memory_space<vmem>>) semaphore(%arg38 : memref<!tpu.dma_semaphore, #tpu.memory_space<semaphore_mem>>)
    %dma_start3A_35 = arith.constant 0 : i32
    %dma_start3A_36 = tpu.memref_slice %arg12[%dma_start3A_35] : memref<102400xi32, #tpu.memory_space<vmem_shared>> -> memref<102400xi32, #tpu.memory_space<vmem_shared>>
    tpu.enqueue_indirect_dma source(%dma_start3A_36 : memref<102400xi32, #tpu.memory_space<vmem_shared>>) target(%arg27 : memref<4000xi32, #tpu.memory_space<vmem>>) offsets(%arg25 : memref<4000xi32, #tpu.memory_space<vmem>>) semaphore(%arg38 : memref<!tpu.dma_semaphore, #tpu.memory_space<semaphore_mem>>)
    %convert_element_type3A_37 = arith.extui %gt3A_21 : i1 to i32
    %cond3A_38 = arith.constant 0 : i32
    %cond3A_39 = arith.cmpi ne, %convert_element_type3A_37, %cond3A_38 : i32
    scf.if %cond3A_39 {
      %dma_start3A_56 = arith.constant 0 : i32
      %dma_start3A_57 = tpu.memref_slice %arg13[%dma_start3A_56] : memref<102400xf32, #tpu.memory_space<vmem_shared>> -> memref<102400xf32, #tpu.memory_space<vmem_shared>>
      tpu.enqueue_indirect_dma source(%dma_start3A_57 : memref<102400xf32, #tpu.memory_space<vmem_shared>>) target(%arg28 : memref<4000xf32, #tpu.memory_space<vmem>>) offsets(%arg25 : memref<4000xi32, #tpu.memory_space<vmem>>) semaphore(%arg38 : memref<!tpu.dma_semaphore, #tpu.memory_space<semaphore_mem>>)
    } else {
    }
    %add3A_40 = arith.constant 3200000 : i32
    %add3A_41 = arith.addi %mul3A_33, %add3A_40 : i32
    %dma_start3A_42 = tpu.memref_slice %arg2[%add3A_41] : memref<6400000xi32, #tpu.memory_space<hbm>> -> memref<4000xi32, #tpu.memory_space<hbm>>
    %dma_start3A_43 = tpu.memref_slice %arg2[%add3A_41] : memref<6400000xi32, #tpu.memory_space<hbm>> -> memref<4000xi32, #tpu.memory_space<hbm>>
    tpu.enqueue_dma source(%dma_start3A_43 : memref<4000xi32, #tpu.memory_space<hbm>>) target(%arg30 : memref<4000xi32, #tpu.memory_space<vmem>>) target_semaphore(%arg37 : memref<!tpu.dma_semaphore, #tpu.memory_space<semaphore_mem>>)
    %dma_start3A_44 = tpu.memref_slice %arg3[%add3A_41] : memref<6400000xi32, #tpu.memory_space<hbm>> -> memref<4000xi32, #tpu.memory_space<hbm>>
    %dma_start3A_45 = tpu.memref_slice %arg3[%add3A_41] : memref<6400000xi32, #tpu.memory_space<hbm>> -> memref<4000xi32, #tpu.memory_space<hbm>>
    tpu.enqueue_dma source(%dma_start3A_45 : memref<4000xi32, #tpu.memory_space<hbm>>) target(%arg31 : memref<4000xi32, #tpu.memory_space<vmem>>) target_semaphore(%arg37 : memref<!tpu.dma_semaphore, #tpu.memory_space<semaphore_mem>>)
    %scan3A_46 = arith.constant 0 : i32
    %scan3A_47 = arith.constant 0 : i32
    %scan3A_48 = arith.constant 25 : i32
    %scan3A_49 = arith.addi %scan3A_47, %scan3A_48 : i32
    %scan3A_50 = arith.constant 1 : i32
    %scan3A_51 = scf.for %scan3A_56 = %scan3A_47 to %scan3A_49 step %scan3A_50 iter_args(%scan3A_57 = %scan3A_46) -> (i32)  : i32 {
      %add3A_58 = arith.constant 1 : i32
      %add3A_59 = arith.addi %scan3A_56, %add3A_58 : i32
      %mul3A_60 = arith.constant 4000 : i32
      %mul3A_61 = arith.muli %add3A_59, %mul3A_60 : i32
      %add3A_62 = arith.addi %mul3A_33, %mul3A_61 : i32
      %dma_wait3A_63 = arith.constant 0 : i32
      %dma_wait3A_64 = tpu.memref_slice %arg2[%dma_wait3A_63] : memref<6400000xi32, #tpu.memory_space<hbm>> -> memref<4000xi32, #tpu.memory_space<hbm>>
      %dma_wait3A_65 = arith.constant 0 : i32
      %dma_wait3A_66 = tpu.memref_slice %arg2[%dma_wait3A_65] : memref<6400000xi32, #tpu.memory_space<hbm>> -> memref<4000xi32, #tpu.memory_space<hbm>>
      tpu.wait_dma2 semaphore(%arg37 : memref<!tpu.dma_semaphore, #tpu.memory_space<semaphore_mem>>) src(%dma_wait3A_66 : memref<4000xi32, #tpu.memory_space<hbm>>) dst(%arg30 : memref<4000xi32, #tpu.memory_space<vmem>>)
      %dma_wait3A_67 = arith.constant 0 : i32
      %dma_wait3A_68 = tpu.memref_slice %arg3[%dma_wait3A_67] : memref<6400000xi32, #tpu.memory_space<hbm>> -> memref<4000xi32, #tpu.memory_space<hbm>>
      %dma_wait3A_69 = arith.constant 0 : i32
      %dma_wait3A_70 = tpu.memref_slice %arg3[%dma_wait3A_69] : memref<6400000xi32, #tpu.memory_space<hbm>> -> memref<4000xi32, #tpu.memory_space<hbm>>
      tpu.wait_dma2 semaphore(%arg37 : memref<!tpu.dma_semaphore, #tpu.memory_space<semaphore_mem>>) src(%dma_wait3A_70 : memref<4000xi32, #tpu.memory_space<hbm>>) dst(%arg31 : memref<4000xi32, #tpu.memory_space<vmem>>)
      %dma_start3A_71 = arith.constant 0 : i32
      %dma_start3A_72 = tpu.memref_slice %arg11[%dma_start3A_71] : memref<102400xi32, #tpu.memory_space<vmem_shared>> -> memref<102400xi32, #tpu.memory_space<vmem_shared>>
      tpu.enqueue_indirect_dma source(%dma_start3A_72 : memref<102400xi32, #tpu.memory_space<vmem_shared>>) target(%arg32 : memref<4000xi32, #tpu.memory_space<vmem>>) offsets(%arg30 : memref<4000xi32, #tpu.memory_space<vmem>>) semaphore(%arg39 : memref<!tpu.dma_semaphore, #tpu.memory_space<semaphore_mem>>)
      %dma_start3A_73 = arith.constant 0 : i32
      %dma_start3A_74 = tpu.memref_slice %arg12[%dma_start3A_73] : memref<102400xi32, #tpu.memory_space<vmem_shared>> -> memref<102400xi32, #tpu.memory_space<vmem_shared>>
      tpu.enqueue_indirect_dma source(%dma_start3A_74 : memref<102400xi32, #tpu.memory_space<vmem_shared>>) target(%arg33 : memref<4000xi32, #tpu.memory_space<vmem>>) offsets(%arg31 : memref<4000xi32, #tpu.memory_space<vmem>>) semaphore(%arg39 : memref<!tpu.dma_semaphore, #tpu.memory_space<semaphore_mem>>)
      %convert_element_type3A_75 = arith.extui %gt3A_21 : i1 to i32
      %cond3A_76 = arith.constant 0 : i32
      %cond3A_77 = arith.cmpi ne, %convert_element_type3A_75, %cond3A_76 : i32
      scf.if %cond3A_77 {
        %dma_start3A_131 = arith.constant 0 : i32
        %dma_start3A_132 = tpu.memref_slice %arg13[%dma_start3A_131] : memref<102400xf32, #tpu.memory_space<vmem_shared>> -> memref<102400xf32, #tpu.memory_space<vmem_shared>>
        tpu.enqueue_indirect_dma source(%dma_start3A_132 : memref<102400xf32, #tpu.memory_space<vmem_shared>>) target(%arg34 : memref<4000xf32, #tpu.memory_space<vmem>>) offsets(%arg31 : memref<4000xi32, #tpu.memory_space<vmem>>) semaphore(%arg39 : memref<!tpu.dma_semaphore, #tpu.memory_space<semaphore_mem>>)
      } else {
      }
      %dma_wait3A_78 = arith.constant 0 : i32
      %dma_wait3A_79 = tpu.memref_slice %arg11[%dma_wait3A_78] : memref<102400xi32, #tpu.memory_space<vmem_shared>> -> memref<102400xi32, #tpu.memory_space<vmem_shared>>
      tpu.wait_indirect_dma semaphore(%arg38 : memref<!tpu.dma_semaphore, #tpu.memory_space<semaphore_mem>>) src(%dma_wait3A_79 : memref<102400xi32, #tpu.memory_space<vmem_shared>>) dst(%arg26 : memref<4000xi32, #tpu.memory_space<vmem>>)
      %dma_wait3A_80 = arith.constant 0 : i32
      %dma_wait3A_81 = tpu.memref_slice %arg12[%dma_wait3A_80] : memref<102400xi32, #tpu.memory_space<vmem_shared>> -> memref<102400xi32, #tpu.memory_space<vmem_shared>>
      tpu.wait_indirect_dma semaphore(%arg38 : memref<!tpu.dma_semaphore, #tpu.memory_space<semaphore_mem>>) src(%dma_wait3A_81 : memref<102400xi32, #tpu.memory_space<vmem_shared>>) dst(%arg27 : memref<4000xi32, #tpu.memory_space<vmem>>)
      %convert_element_type3A_82 = arith.extui %gt3A_21 : i1 to i32
      %cond3A_83 = arith.constant 0 : i32
      %cond3A_84 = arith.cmpi ne, %convert_element_type3A_82, %cond3A_83 : i32
      scf.if %cond3A_84 {
        %dma_wait3A_131 = arith.constant 0 : i32
        %dma_wait3A_132 = tpu.memref_slice %arg13[%dma_wait3A_131] : memref<102400xf32, #tpu.memory_space<vmem_shared>> -> memref<102400xf32, #tpu.memory_space<vmem_shared>>
        tpu.wait_indirect_dma semaphore(%arg38 : memref<!tpu.dma_semaphore, #tpu.memory_space<semaphore_mem>>) src(%dma_wait3A_132 : memref<102400xf32, #tpu.memory_space<vmem_shared>>) dst(%arg28 : memref<4000xf32, #tpu.memory_space<vmem>>)
      } else {
      }
      %lt3A = arith.constant 24 : i32
      %lt3A_85 = arith.cmpi slt, %scan3A_56, %lt3A : i32
      %convert_element_type3A_86 = arith.extui %lt3A_85 : i1 to i32
      %cond3A_87 = arith.constant 0 : i32
      %cond3A_88 = arith.cmpi ne, %convert_element_type3A_86, %cond3A_87 : i32
      scf.if %cond3A_88 {
        %dma_start3A_131 = tpu.memref_slice %arg2[%add3A_62] : memref<6400000xi32, #tpu.memory_space<hbm>> -> memref<4000xi32, #tpu.memory_space<hbm>>
        %dma_start3A_132 = tpu.memref_slice %arg2[%add3A_62] : memref<6400000xi32, #tpu.memory_space<hbm>> -> memref<4000xi32, #tpu.memory_space<hbm>>
        tpu.enqueue_dma source(%dma_start3A_132 : memref<4000xi32, #tpu.memory_space<hbm>>) target(%arg24 : memref<4000xi32, #tpu.memory_space<vmem>>) target_semaphore(%arg36 : memref<!tpu.dma_semaphore, #tpu.memory_space<semaphore_mem>>)
        %dma_start3A_133 = tpu.memref_slice %arg3[%add3A_62] : memref<6400000xi32, #tpu.memory_space<hbm>> -> memref<4000xi32, #tpu.memory_space<hbm>>
        %dma_start3A_134 = tpu.memref_slice %arg3[%add3A_62] : memref<6400000xi32, #tpu.memory_space<hbm>> -> memref<4000xi32, #tpu.memory_space<hbm>>
        tpu.enqueue_dma source(%dma_start3A_134 : memref<4000xi32, #tpu.memory_space<hbm>>) target(%arg25 : memref<4000xi32, #tpu.memory_space<vmem>>) target_semaphore(%arg36 : memref<!tpu.dma_semaphore, #tpu.memory_space<semaphore_mem>>)
      } else {
      }
      %scan3A_89 = arith.constant 0 : i32
      %scan3A_90 = arith.constant 0 : i32
      %scan3A_91 = arith.constant 250 : i32
      %scan3A_92 = arith.addi %scan3A_90, %scan3A_91 : i32
      %scan3A_93 = arith.constant 1 : i32
      %scan3A_94 = scf.for %scan3A_131 = %scan3A_90 to %scan3A_92 step %scan3A_93 iter_args(%scan3A_132 = %scan3A_89) -> (i32)  : i32 {
        %mul3A_133 = arith.constant 16 : i32
        %mul3A_134 = arith.muli %scan3A_131, %mul3A_133 : i32
        %get3A_135 = arith.index_cast %mul3A_134 : i32 to index
        %get3A_136 = tpu.vector_load %arg26[%get3A_135] {strides = array<i32>} : memref<4000xi32, #tpu.memory_space<vmem>>, vector<16xi32>,
        %bitcast3A = vector.bitcast %get3A_136 : vector<16xi32> to vector<32xbf16>
        %unpack3A = tpu.unpack_subelements %bitcast3A, 0 {pack_format = #tpu.pack_format<interleaved>} : vector<32xbf16> -> vector<16xf32>
        %unpack3A_137 = tpu.unpack_subelements %bitcast3A, 1 {pack_format = #tpu.pack_format<interleaved>} : vector<32xbf16> -> vector<16xf32>
        %get3A_138 = arith.index_cast %mul3A_134 : i32 to index
        %get3A_139 = tpu.vector_load %arg27[%get3A_138] {strides = array<i32>} : memref<4000xi32, #tpu.memory_space<vmem>>, vector<16xi32>,
        %bitcast3A_140 = vector.bitcast %get3A_139 : vector<16xi32> to vector<32xbf16>
        %unpack3A_141 = tpu.unpack_subelements %bitcast3A_140, 0 {pack_format = #tpu.pack_format<interleaved>} : vector<32xbf16> -> vector<16xf32>
        %unpack3A_142 = tpu.unpack_subelements %bitcast3A_140, 1 {pack_format = #tpu.pack_format<interleaved>} : vector<32xbf16> -> vector<16xf32>
        %mul3A_143 = arith.mulf %unpack3A, %unpack3A_141 : vector<16xf32>
        %mul3A_144 = arith.mulf %unpack3A_137, %unpack3A_142 : vector<16xf32>
        %add3A_145 = arith.addf %mul3A_143, %mul3A_144 : vector<16xf32>
        %get3A_146 = arith.index_cast %mul3A_134 : i32 to index
        %get3A_147 = tpu.vector_load %arg28[%get3A_146] {strides = array<i32>} : memref<4000xf32, #tpu.memory_space<vmem>>, vector<16xf32>,
        %add3A_148 = arith.addf %add3A_145, %get3A_147 : vector<16xf32>
        %swap3A = arith.index_cast %mul3A_134 : i32 to index
        %swap3A_149 = tpu.vector_load %arg29[%swap3A] {strides = array<i32>} : memref<4000xf32, #tpu.memory_space<vmem>>, vector<16xf32>,
        tpu.vector_store %arg29[%swap3A], %add3A_148 {strides = array<i32>} : memref<4000xf32, #tpu.memory_space<vmem>>, vector<16xf32>,
        %scan3A_150 = arith.constant 0 : i32
        scf.yield %scan3A_150 : i32
      }
      %scan3A_95 = arith.constant 250 : i32
      %lt3A_96 = arith.constant 24 : i32
      %lt3A_97 = arith.cmpi slt, %scan3A_56, %lt3A_96 : i32
      %convert_element_type3A_98 = arith.extui %lt3A_97 : i1 to i32
      %cond3A_99 = arith.constant 0 : i32
      %cond3A_100 = arith.cmpi ne, %convert_element_type3A_98, %cond3A_99 : i32
      scf.if %cond3A_100 {
        %dma_wait3A_131 = arith.constant 0 : i32
        %dma_wait3A_132 = tpu.memref_slice %arg2[%dma_wait3A_131] : memref<6400000xi32, #tpu.memory_space<hbm>> -> memref<4000xi32, #tpu.memory_space<hbm>>
        %dma_wait3A_133 = arith.constant 0 : i32
        %dma_wait3A_134 = tpu.memref_slice %arg2[%dma_wait3A_133] : memref<6400000xi32, #tpu.memory_space<hbm>> -> memref<4000xi32, #tpu.memory_space<hbm>>
        tpu.wait_dma2 semaphore(%arg36 : memref<!tpu.dma_semaphore, #tpu.memory_space<semaphore_mem>>) src(%dma_wait3A_134 : memref<4000xi32, #tpu.memory_space<hbm>>) dst(%arg24 : memref<4000xi32, #tpu.memory_space<vmem>>)
        %dma_wait3A_135 = arith.constant 0 : i32
        %dma_wait3A_136 = tpu.memref_slice %arg3[%dma_wait3A_135] : memref<6400000xi32, #tpu.memory_space<hbm>> -> memref<4000xi32, #tpu.memory_space<hbm>>
        %dma_wait3A_137 = arith.constant 0 : i32
        %dma_wait3A_138 = tpu.memref_slice %arg3[%dma_wait3A_137] : memref<6400000xi32, #tpu.memory_space<hbm>> -> memref<4000xi32, #tpu.memory_space<hbm>>
        tpu.wait_dma2 semaphore(%arg36 : memref<!tpu.dma_semaphore, #tpu.memory_space<semaphore_mem>>) src(%dma_wait3A_138 : memref<4000xi32, #tpu.memory_space<hbm>>) dst(%arg25 : memref<4000xi32, #tpu.memory_space<vmem>>)
        %dma_start3A_139 = arith.constant 0 : i32
        %dma_start3A_140 = tpu.memref_slice %arg11[%dma_start3A_139] : memref<102400xi32, #tpu.memory_space<vmem_shared>> -> memref<102400xi32, #tpu.memory_space<vmem_shared>>
        tpu.enqueue_indirect_dma source(%dma_start3A_140 : memref<102400xi32, #tpu.memory_space<vmem_shared>>) target(%arg26 : memref<4000xi32, #tpu.memory_space<vmem>>) offsets(%arg24 : memref<4000xi32, #tpu.memory_space<vmem>>) semaphore(%arg38 : memref<!tpu.dma_semaphore, #tpu.memory_space<semaphore_mem>>)
        %dma_start3A_141 = arith.constant 0 : i32
        %dma_start3A_142 = tpu.memref_slice %arg12[%dma_start3A_141] : memref<102400xi32, #tpu.memory_space<vmem_shared>> -> memref<102400xi32, #tpu.memory_space<vmem_shared>>
        tpu.enqueue_indirect_dma source(%dma_start3A_142 : memref<102400xi32, #tpu.memory_space<vmem_shared>>) target(%arg27 : memref<4000xi32, #tpu.memory_space<vmem>>) offsets(%arg25 : memref<4000xi32, #tpu.memory_space<vmem>>) semaphore(%arg38 : memref<!tpu.dma_semaphore, #tpu.memory_space<semaphore_mem>>)
        %convert_element_type3A_143 = arith.extui %gt3A_21 : i1 to i32
        %cond3A_144 = arith.constant 0 : i32
        %cond3A_145 = arith.cmpi ne, %convert_element_type3A_143, %cond3A_144 : i32
        scf.if %cond3A_145 {
          %dma_start3A_146 = arith.constant 0 : i32
          %dma_start3A_147 = tpu.memref_slice %arg13[%dma_start3A_146] : memref<102400xf32, #tpu.memory_space<vmem_shared>> -> memref<102400xf32, #tpu.memory_space<vmem_shared>>
          tpu.enqueue_indirect_dma source(%dma_start3A_147 : memref<102400xf32, #tpu.memory_space<vmem_shared>>) target(%arg28 : memref<4000xf32, #tpu.memory_space<vmem>>) offsets(%arg25 : memref<4000xi32, #tpu.memory_space<vmem>>) semaphore(%arg38 : memref<!tpu.dma_semaphore, #tpu.memory_space<semaphore_mem>>)
        } else {
        }
      } else {
      }
      %dma_wait3A_101 = arith.constant 0 : i32
      %dma_wait3A_102 = tpu.memref_slice %arg11[%dma_wait3A_101] : memref<102400xi32, #tpu.memory_space<vmem_shared>> -> memref<102400xi32, #tpu.memory_space<vmem_shared>>
      tpu.wait_indirect_dma semaphore(%arg39 : memref<!tpu.dma_semaphore, #tpu.memory_space<semaphore_mem>>) src(%dma_wait3A_102 : memref<102400xi32, #tpu.memory_space<vmem_shared>>) dst(%arg32 : memref<4000xi32, #tpu.memory_space<vmem>>)
      %dma_wait3A_103 = arith.constant 0 : i32
      %dma_wait3A_104 = tpu.memref_slice %arg12[%dma_wait3A_103] : memref<102400xi32, #tpu.memory_space<vmem_shared>> -> memref<102400xi32, #tpu.memory_space<vmem_shared>>
      tpu.wait_indirect_dma semaphore(%arg39 : memref<!tpu.dma_semaphore, #tpu.memory_space<semaphore_mem>>) src(%dma_wait3A_104 : memref<102400xi32, #tpu.memory_space<vmem_shared>>) dst(%arg33 : memref<4000xi32, #tpu.memory_space<vmem>>)
      %convert_element_type3A_105 = arith.extui %gt3A_21 : i1 to i32
      %cond3A_106 = arith.constant 0 : i32
      %cond3A_107 = arith.cmpi ne, %convert_element_type3A_105, %cond3A_106 : i32
      scf.if %cond3A_107 {
        %dma_wait3A_131 = arith.constant 0 : i32
        %dma_wait3A_132 = tpu.memref_slice %arg13[%dma_wait3A_131] : memref<102400xf32, #tpu.memory_space<vmem_shared>> -> memref<102400xf32, #tpu.memory_space<vmem_shared>>
        tpu.wait_indirect_dma semaphore(%arg39 : memref<!tpu.dma_semaphore, #tpu.memory_space<semaphore_mem>>) src(%dma_wait3A_132 : memref<102400xf32, #tpu.memory_space<vmem_shared>>) dst(%arg34 : memref<4000xf32, #tpu.memory_space<vmem>>)
      } else {
      }
      %lt3A_108 = arith.constant 24 : i32
      %lt3A_109 = arith.cmpi slt, %scan3A_56, %lt3A_108 : i32
      %convert_element_type3A_110 = arith.extui %lt3A_109 : i1 to i32
      %cond3A_111 = arith.constant 0 : i32
      %cond3A_112 = arith.cmpi ne, %convert_element_type3A_110, %cond3A_111 : i32
      scf.if %cond3A_112 {
        %add3A_131 = arith.constant 3200000 : i32
        %add3A_132 = arith.addi %add3A_62, %add3A_131 : i32
        %dma_start3A_133 = tpu.memref_slice %arg2[%add3A_132] : memref<6400000xi32, #tpu.memory_space<hbm>> -> memref<4000xi32, #tpu.memory_space<hbm>>
        %dma_start3A_134 = tpu.memref_slice %arg2[%add3A_132] : memref<6400000xi32, #tpu.memory_space<hbm>> -> memref<4000xi32, #tpu.memory_space<hbm>>
        tpu.enqueue_dma source(%dma_start3A_134 : memref<4000xi32, #tpu.memory_space<hbm>>) target(%arg30 : memref<4000xi32, #tpu.memory_space<vmem>>) target_semaphore(%arg37 : memref<!tpu.dma_semaphore, #tpu.memory_space<semaphore_mem>>)
        %dma_start3A_135 = tpu.memref_slice %arg3[%add3A_132] : memref<6400000xi32, #tpu.memory_space<hbm>> -> memref<4000xi32, #tpu.memory_space<hbm>>
        %dma_start3A_136 = tpu.memref_slice %arg3[%add3A_132] : memref<6400000xi32, #tpu.memory_space<hbm>> -> memref<4000xi32, #tpu.memory_space<hbm>>
        tpu.enqueue_dma source(%dma_start3A_136 : memref<4000xi32, #tpu.memory_space<hbm>>) target(%arg31 : memref<4000xi32, #tpu.memory_space<vmem>>) target_semaphore(%arg37 : memref<!tpu.dma_semaphore, #tpu.memory_space<semaphore_mem>>)
      } else {
      }
      %gt3A_113 = arith.constant 0 : i32
      %gt3A_114 = arith.cmpi sgt, %scan3A_56, %gt3A_113 : i32
      %convert_element_type3A_115 = arith.extui %gt3A_114 : i1 to i32
      %cond3A_116 = arith.constant 0 : i32
      %cond3A_117 = arith.cmpi ne, %convert_element_type3A_115, %cond3A_116 : i32
      scf.if %cond3A_117 {
        %dma_wait3A_131 = arith.constant 0 : i32
        %dma_wait3A_132 = tpu.memref_slice %arg10[%dma_wait3A_131] : memref<3200000xf32, #tpu.memory_space<hbm>> -> memref<4000xf32, #tpu.memory_space<hbm>>
        %dma_wait3A_133 = arith.constant 0 : i32
        %dma_wait3A_134 = tpu.memref_slice %arg10[%dma_wait3A_133] : memref<3200000xf32, #tpu.memory_space<hbm>> -> memref<4000xf32, #tpu.memory_space<hbm>>
        tpu.wait_dma2 semaphore(%arg40 : memref<!tpu.dma_semaphore, #tpu.memory_space<semaphore_mem>>) src(%arg35 : memref<4000xf32, #tpu.memory_space<vmem>>) dst(%dma_wait3A_134 : memref<4000xf32, #tpu.memory_space<hbm>>)
      } else {
      }
      %scan3A_118 = arith.constant 0 : i32
      %scan3A_119 = arith.constant 0 : i32
      %scan3A_120 = arith.constant 250 : i32
      %scan3A_121 = arith.addi %scan3A_119, %scan3A_120 : i32
      %scan3A_122 = arith.constant 1 : i32
      %scan3A_123 = scf.for %scan3A_131 = %scan3A_119 to %scan3A_121 step %scan3A_122 iter_args(%scan3A_132 = %scan3A_118) -> (i32)  : i32 {
        %mul3A_133 = arith.constant 16 : i32
        %mul3A_134 = arith.muli %scan3A_131, %mul3A_133 : i32
        %get3A_135 = arith.index_cast %mul3A_134 : i32 to index
        %get3A_136 = tpu.vector_load %arg32[%get3A_135] {strides = array<i32>} : memref<4000xi32, #tpu.memory_space<vmem>>, vector<16xi32>,
        %bitcast3A = vector.bitcast %get3A_136 : vector<16xi32> to vector<32xbf16>
        %unpack3A = tpu.unpack_subelements %bitcast3A, 0 {pack_format = #tpu.pack_format<interleaved>} : vector<32xbf16> -> vector<16xf32>
        %unpack3A_137 = tpu.unpack_subelements %bitcast3A, 1 {pack_format = #tpu.pack_format<interleaved>} : vector<32xbf16> -> vector<16xf32>
        %get3A_138 = arith.index_cast %mul3A_134 : i32 to index
        %get3A_139 = tpu.vector_load %arg33[%get3A_138] {strides = array<i32>} : memref<4000xi32, #tpu.memory_space<vmem>>, vector<16xi32>,
        %bitcast3A_140 = vector.bitcast %get3A_139 : vector<16xi32> to vector<32xbf16>
        %unpack3A_141 = tpu.unpack_subelements %bitcast3A_140, 0 {pack_format = #tpu.pack_format<interleaved>} : vector<32xbf16> -> vector<16xf32>
        %unpack3A_142 = tpu.unpack_subelements %bitcast3A_140, 1 {pack_format = #tpu.pack_format<interleaved>} : vector<32xbf16> -> vector<16xf32>
        %get3A_143 = arith.index_cast %mul3A_134 : i32 to index
        %get3A_144 = tpu.vector_load %arg29[%get3A_143] {strides = array<i32>} : memref<4000xf32, #tpu.memory_space<vmem>>, vector<16xf32>,
        %mul3A_145 = arith.mulf %unpack3A, %unpack3A_141 : vector<16xf32>
        %add3A_146 = arith.addf %get3A_144, %mul3A_145 : vector<16xf32>
        %mul3A_147 = arith.mulf %unpack3A_137, %unpack3A_142 : vector<16xf32>
        %add3A_148 = arith.addf %add3A_146, %mul3A_147 : vector<16xf32>
        %get3A_149 = arith.index_cast %mul3A_134 : i32 to index
        %get3A_150 = tpu.vector_load %arg34[%get3A_149] {strides = array<i32>} : memref<4000xf32, #tpu.memory_space<vmem>>, vector<16xf32>,
        %add3A_151 = arith.addf %add3A_148, %get3A_150 : vector<16xf32>
        %mul3A_152 = arith.constant 5.000000e-01 : f32
        %mul3A_153 = vector.broadcast %mul3A_152 : f32 to vector<16xf32>
        %mul3A_154 = arith.mulf %mul3A_153, %add3A_151 : vector<16xf32>
        %neg3A = arith.constant 0.000000e+00 : f32
        %neg3A_155 = vector.broadcast %neg3A : f32 to vector<16xf32>
        %neg3A_156 = arith.subf %neg3A_155, %mul3A_154 : vector<16xf32>
        %exp3A = math.exp %neg3A_156 : vector<16xf32>
        %add3A_157 = arith.constant 1.000000e+00 : f32
        %add3A_158 = vector.broadcast %add3A_157 : f32 to vector<16xf32>
        %add3A_159 = arith.addf %add3A_158, %exp3A : vector<16xf32>
        %div3A = arith.constant 1.000000e+00 : f32
        %div3A_160 = vector.broadcast %div3A : f32 to vector<16xf32>
        %div3A_161 = arith.divf %div3A_160, %add3A_159 : vector<16xf32>
        %swap3A = arith.index_cast %mul3A_134 : i32 to index
        %swap3A_162 = tpu.vector_load %arg35[%swap3A] {strides = array<i32>} : memref<4000xf32, #tpu.memory_space<vmem>>, vector<16xf32>,
        tpu.vector_store %arg35[%swap3A], %div3A_161 {strides = array<i32>} : memref<4000xf32, #tpu.memory_space<vmem>>, vector<16xf32>,
        %scan3A_163 = arith.constant 0 : i32
        scf.yield %scan3A_163 : i32
      }
      %scan3A_124 = arith.constant 250 : i32
      %mul3A_125 = arith.constant 4000 : i32
      %mul3A_126 = arith.muli %scan3A_56, %mul3A_125 : i32
      %add3A_127 = arith.addi %mul3A_33, %mul3A_126 : i32
      %dma_start3A_128 = tpu.memref_slice %arg10[%add3A_127] : memref<3200000xf32, #tpu.memory_space<hbm>> -> memref<4000xf32, #tpu.memory_space<hbm>>
      %dma_start3A_129 = tpu.memref_slice %arg10[%add3A_127] : memref<3200000xf32, #tpu.memory_space<hbm>> -> memref<4000xf32, #tpu.memory_space<hbm>>
      tpu.enqueue_dma source(%arg35 : memref<4000xf32, #tpu.memory_space<vmem>>) target(%dma_start3A_129 : memref<4000xf32, #tpu.memory_space<hbm>>) target_semaphore(%arg40 : memref<!tpu.dma_semaphore, #tpu.memory_space<semaphore_mem>>)
      %scan3A_130 = arith.constant 0 : i32
      scf.yield %scan3A_130 : i32
    }
    %scan3A_52 = arith.constant 25 : i32
    %dma_wait3A = arith.constant 0 : i32
    %dma_wait3A_53 = tpu.memref_slice %arg10[%dma_wait3A] : memref<3200000xf32, #tpu.memory_space<hbm>> -> memref<4000xf32, #tpu.memory_space<hbm>>
    %dma_wait3A_54 = arith.constant 0 : i32
    %dma_wait3A_55 = tpu.memref_slice %arg10[%dma_wait3A_54] : memref<3200000xf32, #tpu.memory_space<hbm>> -> memref<4000xf32, #tpu.memory_space<hbm>>
    tpu.wait_dma2 semaphore(%arg40 : memref<!tpu.dma_semaphore, #tpu.memory_space<semaphore_mem>>) src(%arg35 : memref<4000xf32, #tpu.memory_space<vmem>>) dst(%dma_wait3A_55 : memref<4000xf32, #tpu.memory_space<hbm>>)
    return
  }
}

</mosaic_0001>

<sc_bundles>
// kernel: kernel.10.cloned.1.call-start
scs
__scs_entry_jumppad:
0x0: {  	(pc) =	sbr.rel $0x88, $3  }
0x1: {  	(tag) =	ssettag $0x0;
	lr =	simm.s32 $0x1  }
0x2: {  	[smem:$0x3F99] =	sst lr;
	_ =	strace $0xD0000000  }
0x3: {  	_ = 	snop  }
0x4: {  	_ = 	snop  }
0x5: {  	_ = 	snop  }
0x6: {  	_ = 	snop  }
0x7: {  	_ = 	snop  }
__scs_overlays_trampoline_lowered:
0x8: {  	[smem:$0x3FA8] =	sst s0  }
0x9: {  	[smem:$0x3FA9] =	sst s1  }
0xa: {  	[smem:$0x3FAA] =	sst s2  }
0xb: {  	[smem:$0x3FAB] =	sst s3  }
0xc: {  	[smem:$0x3FAC] =	sst s4  }
0xd: {  	[smem:$0x3FAD] =	sst s5  }
0xe: {  	[smem:$0x3FAE] =	sst s6  }
0xf: {  	[smem:$0x3FAF] =	sst s7  }
0x10: {  	[smem:$0x3FB0] =	sst s8  }
0x11: {  	[smem:$0x3FB1] =	sst s9;
	s0 =	simm.s32 @!p0 $0x0  }
0x12: {  	s1 =	sld [smem:$0x3F97];
	s0 =	simm.s32 @p0 $0x1  }
0x13: {  	[smem:$0x3FB2] =	sst s0;
	s0 =	simm.s32 @!p1 $0x0  }
0x14: {  	s2 =	sld [smem:$0x3F96];
	s0 =	simm.s32 @p1 $0x1  }
0x15: {  	[smem:$0x3FB3] =	sst s0;
	s0 =	simm.s32 @!p2 $0x0  }
0x16: {  	s3 =	sld [smem:$0x3FDB];
	s0 =	simm.s32 @p2 $0x1  }
0x17: {  	s4 =	simm.s32 $0x1BF5;
	[smem:$0x3FB5] =	sst s0  }
0x18: {  	s0 =	sld [smem:$0x3F98];
	_ =	swait.ge [sflag:s4], $0x0  }
0x19: {  	s7 =	sld [smem:$0x3F99]  }
0x1a: {  	s8 =	sadd.s32 $0xFFFFE003, lr  }
0x1b: {  	s9 =	sadd.s32 $0xFFFFFEF7, lr;
	s5 =	simm.s32 $0xFFFFFFFF;
	p2 =	slt.u32 s8, $0xFFFFF086  }
0x1c: {  	p1 =	slt.u32 s9, $0xF7A;
	s5 =	simm.s32 @!p2 $0x0  }
0x1d: {  	s5 =	simm.s32 @p1 $0x1;
	p0 =	seq.s32 s7, s2  }
0x1e: {  	s7 =	smul.u32 @!p0 $0xF7A, s2;
	p2 =	seq.s32 @!p0 s5, $0x0  }
0x1f: {  	s9 =	smul.u32 $0xF7A, s1;
	s8 =	simm.s32 @!p0 $0x1BF5;
	p2 =	por !p2, p0  }
0x20: {  	[sflag:s8] =	ssyncset.s32 @!p0 $0xFFFFF086;
	s6 =	sadd.s32 @!p0 s3, s7;
	s7 =	simm.s32 @!p0 $0x108  }
0x21: {  	s3 =	sadd.s32 s3, s9;
	s6 =	sadd.s32 @!p0 $0x88, s6;
	s7 =	simm.s32 @p2 $0x1082  }
0x22: {  	[simem:s7], [sflag:s8] =	dma.local @!p0 [hbm:s6], $0xF7A  }
0x23: {  	s9 =	sor.u32 $0xD0000000, s2;
	s6 =	simm.s32 $0x108;
	_ =	swait.ge @!p0 [sflag:s8], $0x0  }
0x24: {  	s3 =	sadd.s32 $0x88, s3;
	s6 =	simm.s32 @!p1 $0x1082;
	[sflag:s4] =	ssyncset.s32 $0xFFFFF086  }
0x25: {  	[simem:s6], [sflag:s4] =	dma.local [hbm:s3], $0xF7A  }
0x26: {  	[smem:$0x3F99] =	sst s1;
	(tag) =	ssettag s2;
	_ =	strace s9  }
0x27: {  	s1 =	sld [smem:$0x3FA9]  }
0x28: {  	s2 =	sld [smem:$0x3FAA]  }
0x29: {  	s4 =	sld [smem:$0x3FAC]  }
0x2a: {  	p0 =	seq.s32 s5, $0x0;
	s5 =	sld [smem:$0x3FAD]  }
0x2b: {  	s6 =	sld [smem:$0x3FAE]  }
0x2c: {  	s7 =	sld [smem:$0x3FAF]  }
0x2d: {  	s3 =	simm.s32 $0x108;
	s8 =	sld [smem:$0x3FB0]  }
0x2e: {  	s3 =	simm.s32 @!p0 $0x1082;
	s9 =	sld [smem:$0x3FB1]  }
0x2f: {  	lr =	sadd.s32 s0, s3;
	s0 =	sld [smem:$0x3FA8]  }
0x30: {  	s3 =	sld [smem:$0x3FAB]  }
0x31: {  	[smem:$0x3FB4] =	sst s10  }
0x32: {  	s10 =	sld [smem:$0x3FB2];
	_ =	sdelay $0x3  }
0x33: {  	p0 =	seq.s32 s10, $0x1;
	s10 =	sld [smem:$0x3FB4];
	_ =	sdelay $0x3  }
0x34: {  	[smem:$0x3FB4] =	sst s10  }
0x35: {  	s10 =	sld [smem:$0x3FB3];
	_ =	sdelay $0x3  }
0x36: {  	p1 =	seq.s32 s10, $0x1;
	s10 =	sld [smem:$0x3FB4];
	_ =	sdelay $0x3  }
0x37: {  	[smem:$0x3FB4] =	sst s10  }
0x38: {  	s10 =	sld [smem:$0x3FB5]  }
0x39: {  	_ = 	snop;
	(pc) =	sbr.ind lr, $3  }
0x3a: {  	_ = 	snop  }
0x3b: {  	_ = 	snop  }
0x3c: {  	p2 =	seq.s32 s10, $0x1;
	s10 =	sld [smem:$0x3FB4]  }
0x3d: {  	_ =	shalt  }
0x3e: {  	_ =	shalt  }
0x3f: {  	_ =	shalt  }
0x40: {  	_ =	shalt  }
0x41: {  	_ =	shalt  }
0x42: {  	_ =	shalt  }
0x43: {  	_ =	shalt  }
0x44: {  	_ =	shalt  }
0x45: {  	_ =	shalt  }
0x46: {  	_ =	shalt  }
0x47: {  	_ =	shalt  }
0x48: {  	_ =	shalt  }
0x49: {  	_ =	shalt  }
0x4a: {  	_ =	shalt  }
0x4b: {  	_ =	shalt  }
0x4c: {  	_ =	shalt  }
0x4d: {  	_ =	shalt  }
0x4e: {  	_ =	shalt  }
0x4f: {  	_ =	shalt  }
0x50: {  	_ =	shalt  }
0x51: {  	_ =	shalt  }
0x52: {  	_ =	shalt  }
0x53: {  	_ =	shalt  }
0x54: {  	_ =	shalt  }
0x55: {  	_ =	shalt  }
0x56: {  	_ =	shalt  }
0x57: {  	_ =	shalt  }
0x58: {  	_ =	shalt  }
0x59: {  	_ =	shalt  }
0x5a: {  	_ =	shalt  }
0x5b: {  	_ =	shalt  }
0x5c: {  	_ =	shalt  }
0x5d: {  	_ =	shalt  }
0x5e: {  	_ =	shalt  }
0x5f: {  	_ =	shalt  }
0x60: {  	_ =	shalt  }
0x61: {  	_ =	shalt  }
0x62: {  	_ =	shalt  }
0x63: {  	_ =	shalt  }
0x64: {  	_ =	shalt  }
0x65: {  	_ =	shalt  }
0x66: {  	_ =	shalt  }
0x67: {  	_ =	shalt  }
0x68: {  	_ =	shalt  }
0x69: {  	_ =	shalt  }
0x6a: {  	_ =	shalt  }
0x6b: {  	_ =	shalt  }
0x6c: {  	_ =	shalt  }
0x6d: {  	_ =	shalt  }
0x6e: {  	_ =	shalt  }
0x6f: {  	_ =	shalt  }
0x70: {  	_ =	shalt  }
0x71: {  	_ =	shalt  }
0x72: {  	_ =	shalt  }
0x73: {  	_ =	shalt  }
0x74: {  	_ =	shalt  }
0x75: {  	_ =	shalt  }
0x76: {  	_ =	shalt  }
0x77: {  	_ =	shalt  }
0x78: {  	_ =	shalt  }
0x79: {  	_ =	shalt  }
0x7a: {  	_ =	shalt  }
0x7b: {  	_ =	shalt  }
0x7c: {  	_ =	shalt  }
0x7d: {  	_ =	shalt  }
0x7e: {  	_ =	shalt  }
0x7f: {  	_ =	shalt  }
0x80: {  	_ =	shalt  }
0x81: {  	_ =	shalt  }
0x82: {  	_ =	shalt  }
0x83: {  	_ =	shalt  }
0x84: {  	_ =	shalt  }
0x85: {  	_ =	shalt  }
0x86: {  	_ =	shalt  }
0x87: {  	_ =	shalt  }
.Lfunc_end0:
.L_simem_size_0:
called_computation.1_lowered:
.L_overlay_start_0:
0x88: {  	s2 =	sld [smem:$0x3FD9]  }
0x89: {  	s3 =	sld [smem:$0x3FFE];
	_ =	sdelay $0x1  }
0x8a: {  	s1 =	srdreg.scid  }
0x8b: {  	s0 =	sand.u32 $0x1, s1  }
0x8c: {  	s17 =	sshll.u32 s0, $0xA;
	s2 =	sadd.s32 s3, s2  }
0x8d: {  	s2 =	sadd.s32 s2, s17  }
0x8e: {  	[smem:$0x3FC0] =	sst s2  }
0x8f: {  	_ = 	snop  }
0x90: {  	s2 =	sld [smem:$0x3FD0];
	(tm) =	ssettm $0x1  }
0x91: {  	s18 =	sld [smem:$0x3FFB];
	_ =	sdelay $0x3  }
0x92: {  	_ =	strace s18  }
0x93: {  	s3 =	sld [smem:$0x3FFC];
	_ =	sdelay $0x3  }
0x94: {  	_ =	strace s3  }
0x95: {  	s3 =	sld [smem:$0x3FFD];
	_ =	sdelay $0x3  }
0x96: {  	_ =	strace s3  }
0x97: {  	_ =	strace $0x8FFFFFFF  }
0x98: {  	s19 =	sld [smem:$0x3FDB];
	_ =	sdelay $0x1  }
0x99: {  	s4 =	simm.s32 $_scs_section_size  }
0x9a: {  	s5 =	simm.s32 $_size__tile_overlayer_lowered;
	s6 =	simm.s32 $_tile_overlayer_lowered  }
0x9b: {  	s22 =	simm.s32 $0x1BFF;
	s21 =	sshll.u32 s6, $0x1;
	s3 =	sadd.s32 s4, s19  }
0x9c: {  	s7 =	simm.s32 $0x0;
	s20 =	sshll.u32 s5, $0x1;
	s5 =	sadd.s32 s21, s3  }
0x9d: {  	[timem:s7], [sflag:s22] =	dma.local [hbm:s5], s20  }
0x9e: {  	_ =	swait.ge [sflag:s22], s20  }
0x9f: {  	s4 =	ssub.s32 $0x0, s20;
	[sflag:s22] =	ssyncset.done $0x0  }
0xa0: {  	[sflag:s22] =	ssyncadd.s32 s4;
	_ =	sdelay $0x1  }
0xa1: {  	s23 =	simm.s32 $0x1B8B  }
0xa2: {  	_ =	swait.ge [sflag:s23], $0x1  }
0xa3: {  	[sflag:s23] =	ssyncset.done $0x0  }
0xa4: {  	s25 =	simm.s32 $0x1B8E;
	s24 =	sld [smem:$0x3FFE];
	[sflag:s23] =	ssyncadd.s32 $0xFFFFFFFF  }
0xa5: {  	s26 =	simm.s32 $execute0_lowered;
	[smem:$0x3FD2] =	sst s25  }
0xa6: {  	s5 =	sshll.u32 s26, $0x1;
	_ =	strace $0x80000049;
	[dreg:$0x1] =	wrdreg $0xFFFFFFFF  }
0xa7: {  	s28 =	simm.s32 $_size_execute0_lowered;
	s3 =	sadd.s32 s3, s5;
	[dreg:$0x0] =	wrdreg $0x0  }
0xa8: {  	s5 =	sshll.u32 s28, $0x1;
	[dreg:$0x2] =	wrdreg s3  }
0xa9: {  	[dreg:$0x3] =	wrdreg s5  }
0xaa: {  	[dreg:$0x4] =	wrdreg $0xC0  }
0xab: {  	_ =	task [dreg:s7], $0x5FFFF  }
0xac: {  	[dreg:$0x1] =	wrdreg $0xFFFFFFFF  }
0xad: {  	[dreg:$0x0] =	wrdreg $0x60  }
0xae: {  	[dreg:$0x2] =	wrdreg s24  }
0xaf: {  	[dreg:$0x3] =	wrdreg s2  }
0xb0: {  	[dreg:$0x4] =	wrdreg $0x0  }
0xb1: {  	[dreg:$0x5] =	wrdreg $0x19000  }
0xb2: {  	[dreg:$0x6] =	wrdreg $0x9  }
0xb3: {  	_ =	task.clear_ibuf [dreg:s7], $0x7FFFF;
	_ =	strace $0x90000049  }
0xb4: {  	s29 =	simm.s32 $0x9;
	_ =	strace $0x8000004B  }
0xb5: {  	_ =	swait.ge [sflag:s29], $0x1  }
0xb6: {  	[sflag:s29] =	ssyncadd.s32 $0xFFFFFFFF  }
0xb7: {  	_ =	strace $0x9000004B  }
0xb8: {  	_ =	sfence  }
0xb9: {  	s30 =	sld [smem:$0x0];
	_ =	sdelay $0x2  }
0xba: {  	s31 =	sshll.u32 s1, $0xD;
	s1 =	sshrl.u32 s1, $0x2  }
0xbb: {  	s3 =	sand.u32 $0x4000, s31;
	s1 =	sadd.s32 s1, s30  }
0xbc: {  	s0 =	sor.u32 s3, s0;
	s1 =	sshll.u32 s1, $0x11  }
0xbd: {  	s0 =	sor.u32 s1, s0  }
0xbe: {  	s0 =	sadd.s32 $0x8F2B, s0  }
0xbf: {  	[sflag:s0] =	ssyncadd.remote.s32 $0x1  }
0xc0: {  	_ =	sfence.sel $0xFFFF  }
0xc1: {  	[dreg:$0x0] =	wrdreg $0xFFFFFFFF;
	(pc) =	sbr.abs _section_cstart, $3  }
0xc2: {  	[dreg:$0x1] =	wrdreg $0xFFFFFFFF  }
0xc3: {  	_ =	task.clear_ibuf [dreg:s7], $0x2FFFF;
	_ =	strace $0x9FFFFFFF  }
0xc4: {  	(tm) =	ssettm $0x7FFFFFFF  }
0xc5: {  	_ =	shalt  }
tec
execute0_lowered:
.L_overlay_start_1:
0x0: {  	(tag) =	ssettag $0x1  }
0x1: {  	s0 =	rddreg [dreg:$0x0]  }
0x2: {  	s1 =	rddreg [dreg:$0x1];
	s3 =	srdreg.scid  }
0x3: {  	s2 =	rddreg [dreg:$0x2];
	s11 =	stileid.u32  }
0x4: {  	s4 =	simm.s32 $0x0;
	s28 =	simm.s32 $0x12200;
	s7 =	smul.u32 $0x30D40, s11  }
0x5: {  	s29 =	simm.s32 $0x2710;
	s30 =	simm.s32 $0x14980;
	s8 =	smul.u32 $0x3200, s11  }
0x6: {  	s31 =	simm.s32 $0x0;
	s5 =	sand.u32 $0x1, s3;
	s9 =	smul.u32 $0x1900, s11  }
0x7: {  	[smem:$0x7FF] =	sst s4;
	s18 =	sadd.s32 $0x18F600, s0;
	s21 =	smul.u32 $0xC80, s11  }
0x8: {  	s3 =	rddreg [dreg:$0x3];
	s6 =	smul.u32 $0x30D400, s5;
	_ =	strace $0x8000004A  }
0x9: {  	[dreg:$0x5] =	wrdreg s18;
	s10 =	sshll.u32 s5, $0x7;
	s5 =	ssub.s32 $0x2, s5  }
0xa: {  	s17 =	sshrl.u32 s8, $0x3;
	s20 =	sshrl.u32 s9, $0x3;
	s8 =	sor.u32 s10, s8  }
0xb: {  	s23 =	sshrl.u32 s5, $0x1;
	s14 =	sadd.s32 s9, s2;
	s15 =	sadd.s32 s9, s3  }
0xc: {  	s6 =	sadd.s32 s7, s6;
	s7 =	sadd.s32 s17, s0;
	s13 =	sadd.s32 s20, s0  }
0xd: {  	s22 =	sshrl.u32 s8, $0x3;
	s5 =	ssub.s32 s5, s23;
	s20 =	simm.s32 $0xE180  }
0xe: {  	s23 =	simm.s32 $0x100;
	s24 =	sadd.s32 $0x188E00, s7;
	s25 =	sadd.s32 $0x188E10, s7  }
0xf: {  	s6 =	sshrl.u32 s6, $0x3;
	s12 =	sadd.s32 $0x198E00, s13;
	s13 =	sadd.s32 $0x18F800, s13  }
0x10: {  	s17 =	smax.u32 s5, $0x1;
	s19 =	sadd.s32 s6, s0;
	[dreg:$0x6] =	wrdreg s24  }
0x11: {  	s0 =	sadd.s32 s22, s0;
	s6 =	sadd.s32 s1, s21;
	[dreg:$0x7] =	wrdreg s25  }
0x12: {  	s21 =	simm.s32 $0x1;
	s22 =	simm.s32 $0x80;
	s24 =	simm.s32 $0x3280  }
0x13: {  	s25 =	simm.s32 $0xFA80;
	s26 =	sadd.s32 $0x10, s6;
	s10 =	sadd.s32 $0x20, s6  }
0x14: {  	s11 =	sadd.s32 $0x30, s6;
	s16 =	sadd.s32 $0x192A00, s0;
	s18 =	sadd.s32 $0x2200, s19  }
0x15: {  	v0 =	vimm.f32 $0.0e+00;
	s19 =	sadd.s32 $0xC5800, s19;
	[dreg:$0x8] =	wrdreg s26;
	s26 =	simm.s32 $0x200  }
.LBB2_1:
0x16: {  	s0 =	rddreg [dreg:$0x5];
	s1 =	simm.s32 $0x3200  }
0x17: {  	[tilespmem:s1], [sflag:$0x1] =	stream.linear.gather [hbm4b:s0+s4], $0x80, $0x38;
	[tilespmem:$0x17100] =	vst v63  }
0x18: {  	_ =	swait.ge [sflag:s21], $0x80  }
0x19: {  	[sflag:s21] =	ssyncset.done $0x0  }
0x1a: {  	s7 =	rddreg [dreg:$0x6];
	[sflag:s21] =	ssyncadd.s32 $0xFFFFFF80  }
0x1b: {  	[tilespmem:s24], [sflag:$0x1] =	stream.strided.gather [hbm4b:s7+s22], $0x1900, s23, s22, $0x38;
	[tilespmem:$0x17100] =	vst v63  }
0x1c: {  	_ =	swait.ge [sflag:s21], $0x1900  }
0x1d: {  	[sflag:s21] =	ssyncset.done $0x0  }
0x1e: {  	s9 =	simm.s32 $0x4B80;
	s8 =	rddreg [dreg:$0x7];
	[sflag:s21] =	ssyncadd.s32 $0xFFFFE700  }
0x1f: {  	[tilespmem:s9], [sflag:$0x1] =	stream.strided.gather [hbm4b:s8+s22], $0x1900, s23, s22, $0x38;
	[tilespmem:$0x17100] =	vst v63  }
0x20: {  	_ =	swait.ge [sflag:s21], $0x1900  }
0x21: {  	[sflag:s21] =	ssyncset.done $0x0  }
0x22: {  	s1 =	simm.s32 $0x6480;
	[sflag:s21] =	ssyncadd.s32 $0xFFFFE700  }
0x23: {  	[tilespmem:s1], [sflag:$0x1] =	stream.strided.gather [hbm4b:s6+s22], $0x1900, s26, s22, $0x38;
	[tilespmem:$0x17100] =	vst v63  }
0x24: {  	_ =	swait.ge [sflag:s21], $0x1900  }
0x25: {  	[sflag:s21] =	ssyncset.done $0x0  }
0x26: {  	s7 =	simm.s32 $0x7D80;
	s5 =	rddreg [dreg:$0x8];
	[sflag:s21] =	ssyncadd.s32 $0xFFFFE700  }
0x27: {  	[tilespmem:s7], [sflag:$0x1] =	stream.strided.gather [hbm4b:s5+s22], $0x1900, s26, s22, $0x38;
	[tilespmem:$0x17100] =	vst v63  }
0x28: {  	_ =	swait.ge [sflag:s21], $0x1900  }
0x29: {  	[sflag:s21] =	ssyncset.done $0x0  }
0x2a: {  	s8 =	simm.s32 $0x9680;
	[sflag:s21] =	ssyncadd.s32 $0xFFFFE700  }
0x2b: {  	[tilespmem:s8], [sflag:$0x1] =	stream.strided.gather [hbm4b:s10+s22], $0x1900, s26, s22, $0x38;
	[tilespmem:$0x17100] =	vst v63  }
0x2c: {  	_ =	swait.ge [sflag:s21], $0x1900  }
0x2d: {  	[sflag:s21] =	ssyncset.done $0x0  }
0x2e: {  	s9 =	simm.s32 $0xAF80;
	[sflag:s21] =	ssyncadd.s32 $0xFFFFE700  }
0x2f: {  	[tilespmem:s9], [sflag:$0x1] =	stream.strided.gather [hbm4b:s11+s22], $0x1900, s26, s22, $0x38;
	[tilespmem:$0x17100] =	vst v63  }
0x30: {  	_ =	swait.ge [sflag:s21], $0x1900  }
0x31: {  	[sflag:s21] =	ssyncset.done $0x0  }
0x32: {  	s7 =	simm.s32 $0x0;
	[sflag:s21] =	ssyncadd.s32 $0xFFFFE700  }
0x33: {  	v1 =	vld [tilespmem:s7+$0x3280]  }
0x34: {  	v2 =	vld [tilespmem:s7+$0x4B80];
	_ =	sdelay $0x4  }
0x35: {  	v1 =	vadd.f32 v2, v1;
	_ =	sdelay $0x1  }
0x36: {  	s5 =	simm.s32 $0x10;
	v1 =	vadd.f32 $1.000000000e+00, v1  }
0x37: {  	v3 =	vld [tilespmem:s5+$0x4B80]  }
0x38: {  	v2 =	vld [tilespmem:s5+$0x3280];
	v4 =	vshra.s32 v1, $0x1;
	v7 =	vmul.f32 $5.000000000e-01, v1  }
0x39: {  	v1 =	vsub.s32 $0x5F3759DF, v4  }
0x3a: {  	v4 =	vmul.f32 v1, v7;
	_ =	sdelay $0x1  }
0x3b: {  	v4 =	vmul.f32 v1, v4  }
0x3c: {  	v2 =	vadd.f32 v3, v2  }
0x3d: {  	s1 =	simm.s32 $0x20;
	v6 =	vld [tilespmem:$0x3200];
	v3 =	vsub.f32 $1.500000000e+00, v4  }
0x3e: {  	v8 =	vld [tilespmem:s1+$0x3280];
	v2 =	vadd.f32 $1.000000000e+00, v2  }
0x3f: {  	v11 =	vld [tilespmem:s7+$0x6480];
	v9 =	vmul.f32 v1, v3  }
0x40: {  	v5 =	vmul.f32 $5.000000000e-01, v2;
	v1 =	vld [tilespmem:s1+$0x4B80];
	v3 =	vshra.s32 v2, $0x1  }
0x41: {  	v10 =	vsub.s32 $0x5F3759DF, v3;
	v2 =	vmul.f32 v9, v7  }
0x42: {  	v12 =	vld [tilespmem:s7+$0x7D80];
	v3 =	vbroadcast v6, $0x0;
	v4 =	vmul.f32 v10, v5  }
0x43: {  	v15 =	vld [tilespmem:s7+$0x9680];
	v2 =	vmul.f32 v2, v9  }
0x44: {  	v11 =	vmul.f32 v11, v3;
	v13 =	vmul.f32 v10, v4  }
0x45: {  	v4 =	vbroadcast v6, $0x1;
	v8 =	vadd.f32 v1, v8;
	v14 =	vsub.f32 $1.500000000e+00, v2  }
0x46: {  	v16 =	vld [tilespmem:s5+$0x6480];
	v1 =	vbroadcast v6, $0x3;
	v2 =	vbroadcast v6, $0x2;
	v6 =	vsub.f32 $1.500000000e+00, v13  }
0x47: {  	s0 =	simm.s32 $0x30;
	v13 =	vld [tilespmem:s7+$0xAF80];
	v12 =	vmul.f32 v12, v4;
	v8 =	vadd.f32 $1.000000000e+00, v8;
	v9 =	vmul.f32 v14, v9  }
0x48: {  	v14 =	vld [tilespmem:s0+$0x3280];
	v17 =	vmul.f32 v10, v6;
	v15 =	vmul.f32 v15, v2  }
0x49: {  	v10 =	vld [tilespmem:s0+$0x4B80];
	v18 =	vshra.s32 v8, $0x1;
	v6 =	vmul.f32 $5.000000000e-01, v8;
	v7 =	vmul.f32 v9, v7  }
0x4a: {  	v11 =	vadd.f32 v12, v11;
	v8 =	vsub.s32 $0x5F3759DF, v18;
	v18 =	vmul.f32 v17, v5  }
0x4b: {  	v20 =	vld [tilespmem:s5+$0x7D80];
	v19 =	vmul.f32 v8, v6;
	v7 =	vmul.f32 v7, v9  }
0x4c: {  	v15 =	vadd.f32 v15, v11;
	v18 =	vmul.f32 v18, v17  }
0x4d: {  	v13 =	vmul.f32 v13, v1;
	v19 =	vmul.f32 v8, v19;
	v7 =	vsub.f32 $1.500000000e+00, v7  }
0x4e: {  	v12 =	vld [tilespmem:s5+$0x9680];
	v21 =	vadd.f32 v10, v14;
	v10 =	vmul.f32 v16, v3;
	v14 =	vsub.f32 $1.500000000e+00, v18  }
0x4f: {  	s8 =	simm.s32 $0x40;
	v11 =	vld [tilespmem:s5+$0xAF80];
	v16 =	vsub.f32 $1.500000000e+00, v19;
	v19 =	vadd.f32 v13, v15;
	v18 =	vmul.f32 v7, v9  }
0x50: {  	v13 =	vld [tilespmem:s8+$0x3280];
	v15 =	vadd.f32 $1.000000000e+00, v21;
	v7 =	vmul.f32 v14, v17;
	v14 =	vmul.f32 v20, v4  }
0x51: {  	s9 =	simm.s32 $0x140;
	v9 =	vld [tilespmem:s1+$0x6480];
	v8 =	vmul.f32 v8, v16;
	[tilespmem:s7+$0xC880] =	vst v18;
	v16 =	vmul.f32 v18, v19  }
.LBB2_2:
0x52: {  	p0 =	sne.s32 s9, $0x63C0;
	v17 =	vld [tilespmem:s8+$0x4B80];
	v18 =	vshra.s32 v15, $0x1;
	v19 =	vmul.f32 v7, v5;
	v5 =	vmovc v6;
	v6 =	vmul.f32 $5.000000000e-01, v15  }
0x53: {  	v18 =	vsub.s32 $0x5F3759DF, v18;
	v15 =	vmul.f32 v8, v5;
	v12 =	vmul.f32 v12, v2;
	[tilespmem:s7+$0xE180] =	vst v16;
	s7 =	smov.u32 s5;
	s5 =	smov.u32 s1;
	s1 =	smov.u32 s0  }
0x54: {  	v10 =	vadd.f32 v14, v10;
	s0 =	smov.u32 s8;
	v16 =	vmul.f32 v18, v6;
	v20 =	vld [tilespmem:s5+$0x7D80];
	v19 =	vmul.f32 v19, v7  }
0x55: {  	v14 =	vmul.f32 v15, v8;
	v15 =	vmul.f32 v11, v1  }
.Ltmp0:
0x56: {  	v11 =	vmul.f32 v18, v16;
	v16 =	vsub.f32 $1.500000000e+00, v19;
	v19 =	vadd.f32 v12, v10;
	(pc) =	sbr.rel @p0 .LBB2_2-.Ltmp0, $4  }
0x57: {  	v10 =	vmul.f32 v9, v3;
	v13 =	vadd.f32 v17, v13;
	v14 =	vsub.f32 $1.500000000e+00, v14;
	v12 =	vld [tilespmem:s5+$0x9680]  }
0x58: {  	v17 =	vsub.f32 $1.500000000e+00, v11;
	v11 =	vld [tilespmem:s5+$0xAF80];
	v16 =	vmul.f32 v16, v7;
	v19 =	vadd.f32 v15, v19  }
0x59: {  	s8 =	sshra.s32 s9, $0x2;
	v15 =	vadd.f32 $1.000000000e+00, v13;
	v9 =	vld [tilespmem:s1+$0x6480];
	v7 =	vmul.f32 v14, v8;
	v14 =	vmul.f32 v20, v4  }
0x5a: {  	s9 =	sadd.s32 $0x40, s9;
	v13 =	vld [tilespmem:s8+$0x3280];
	v8 =	vmul.f32 v18, v17;
	[tilespmem:s7+$0xC880] =	vst v16;
	v16 =	vmul.f32 v16, v19  }
0x5b: {  	v17 =	vld [tilespmem:s8+$0x4B80];
	_ =	sdelay $0x2  }
0x5c: {  	v19 =	vshra.s32 v15, $0x1;
	v29 =	vmul.f32 $5.000000000e-01, v15;
	v18 =	vmul.f32 v8, v6  }
0x5d: {  	v5 =	vmul.f32 v7, v5;
	v10 =	vadd.f32 v14, v10;
	v12 =	vmul.f32 v12, v2;
	[tilespmem:s7+$0xE180] =	vst v16  }
0x5e: {  	v19 =	vsub.s32 $0x5F3759DF, v19;
	v31 =	vld [tilespmem:s1+$0x7D80];
	v18 =	vmul.f32 v18, v8;
	v13 =	vadd.f32 v17, v13  }
0x5f: {  	v30 =	vmul.f32 v19, v29;
	v5 =	vmul.f32 v5, v7;
	v10 =	vadd.f32 v12, v10  }
0x60: {  	v11 =	vmul.f32 v11, v1;
	v33 =	vld [tilespmem:s1+$0x9680];
	v32 =	vsub.f32 $1.500000000e+00, v18;
	v13 =	vadd.f32 $1.000000000e+00, v13  }
0x61: {  	v9 =	vmul.f32 v9, v3;
	v16 =	vmul.f32 v19, v30;
	v5 =	vsub.f32 $1.500000000e+00, v5  }
0x62: {  	v34 =	vmul.f32 v32, v8;
	v35 =	vshra.s32 v13, $0x1;
	v13 =	vmul.f32 $5.000000000e-01, v13  }
0x63: {  	v36 =	vld [tilespmem:s1+$0xAF80];
	v5 =	vmul.f32 v5, v7;
	v38 =	vmul.f32 v31, v4;
	v7 =	vsub.s32 $0x5F3759DF, v35  }
0x64: {  	v10 =	vadd.f32 v11, v10;
	v37 =	vmul.f32 v34, v6;
	v39 =	vmul.f32 v7, v13  }
0x65: {  	v16 =	vsub.f32 $1.500000000e+00, v16;
	v12 =	vmul.f32 v33, v2;
	v9 =	vadd.f32 v38, v9  }
0x66: {  	v6 =	vmul.f32 v37, v34;
	v41 =	vmul.f32 v7, v39  }
0x67: {  	v10 =	vmul.f32 v5, v10;
	v16 =	vmul.f32 v19, v16;
	v9 =	vadd.f32 v12, v9  }
0x68: {  	v40 =	vld [tilespmem:s0+$0x6480];
	v43 =	vmul.f32 v36, v1;
	[tilespmem:s5+$0xC880] =	vst v5;
	v42 =	vsub.f32 $1.500000000e+00, v6;
	v44 =	vsub.f32 $1.500000000e+00, v41  }
0x69: {  	[tilespmem:s5+$0xE180] =	vst v10;
	v45 =	vmul.f32 v16, v29  }
0x6a: {  	v46 =	vld [tilespmem:s0+$0x7D80];
	v6 =	vadd.f32 v43, v9;
	v5 =	vmul.f32 v42, v34;
	v7 =	vmul.f32 v7, v44  }
0x6b: {  	v47 =	vld [tilespmem:s0+$0x9680];
	v48 =	vmul.f32 v45, v16  }
0x6c: {  	v49 =	vld [tilespmem:s0+$0xAF80];
	v6 =	vmul.f32 v5, v6;
	v51 =	vmul.f32 v7, v13  }
0x6d: {  	v50 =	vld [tilespmem:s8+$0x6480];
	v8 =	vsub.f32 $1.500000000e+00, v48;
	[tilespmem:s1+$0xC880] =	vst v5  }
0x6e: {  	[tilespmem:s1+$0xE180] =	vst v6;
	v52 =	vmul.f32 v51, v7  }
0x6f: {  	v53 =	vmul.f32 v8, v16;
	v54 =	vld [tilespmem:s8+$0x7D80]  }
0x70: {  	v55 =	vmul.f32 v40, v3;
	v5 =	vsub.f32 $1.500000000e+00, v52  }
0x71: {  	v12 =	vmul.f32 v46, v4;
	v15 =	vmul.f32 v53, v29;
	v56 =	vld [tilespmem:s8+$0x9680]  }
0x72: {  	v14 =	vmul.f32 v47, v2;
	v58 =	vld [tilespmem:s8+$0xAF80];
	v5 =	vmul.f32 v5, v7  }
0x73: {  	v3 =	vmul.f32 v50, v3;
	v11 =	vadd.f32 v12, v55;
	v57 =	vmul.f32 v15, v53  }
0x74: {  	v59 =	vmul.f32 v54, v4;
	v60 =	vmul.f32 v5, v13  }
0x75: {  	v9 =	vmul.f32 v49, v1;
	v11 =	vadd.f32 v14, v11;
	v7 =	vsub.f32 $1.500000000e+00, v57  }
0x76: {  	v2 =	vmul.f32 v56, v2;
	v3 =	vadd.f32 v59, v3;
	v8 =	vmul.f32 v60, v5  }
0x77: {  	v62 =	vadd.f32 v9, v11;
	v1 =	vmul.f32 v58, v1  }
0x78: {  	v61 =	vmul.f32 v7, v53;
	v2 =	vadd.f32 v2, v3;
	v63 =	vsub.f32 $1.500000000e+00, v8;
	_ =	sdelay $0x1  }
0x79: {  	v3 =	vmul.f32 v61, v62;
	v1 =	vadd.f32 v1, v2;
	v5 =	vmul.f32 v63, v5  }
0x7a: {  	[tilespmem:s0+$0xC880] =	vst v61  }
0x7b: {  	[tilespmem:s0+$0xE180] =	vst v3;
	v1 =	vmul.f32 v5, v1  }
0x7c: {  	[tilespmem:s8+$0xC880] =	vst v5  }
0x7d: {  	s9 =	simm.s32 $0xC880;
	[tilespmem:s8+$0xE180] =	vst v1;
	s8 =	simm.s32 $0x0  }
0x7e: {  	[hbm4b:s12+s8] =	stream.linear.scatter [tilespmem:s9], [sflag:$0x1], $0x1900, $0x38;
	[tilespmem:$0x17100] =	vst v63  }
0x7f: {  	_ =	swait.ge [sflag:s21], $0x1900  }
0x80: {  	[sflag:s21] =	ssyncset.done $0x0  }
0x81: {  	[sflag:s21] =	ssyncadd.s32 $0xFFFFE700  }
0x82: {  	[hbm4b:s13+s8] =	stream.linear.scatter [tilespmem:s20], [sflag:$0x1], $0x1900, $0x38;
	[tilespmem:$0x17100] =	vst v63  }
0x83: {  	_ =	swait.ge [sflag:s21], $0x1900  }
0x84: {  	[sflag:s21] =	ssyncset.done $0x0  }
0x85: {  	[sflag:s21] =	ssyncadd.s32 $0xFFFFE700  }
0x86: {  	[spmem:s14] =	stream.linear.scatter [tilespmem:s20], [sflag:$0x1], $0x1900, $0x38;
	[tilespmem:$0x17100] =	vst v63  }
0x87: {  	_ =	swait.ge [sflag:s21], $0x1900  }
0x88: {  	[sflag:s21] =	ssyncset.done $0x0  }
0x89: {  	s1 =	simm.s32 $0x0;
	s0 =	simm.s32 $0x40;
	[sflag:s21] =	ssyncadd.s32 $0xFFFFE700  }
.LBB2_4:
0x8a: {  	p0 =	sne.s32 s0, $0x63C0;
	[tilespmem:s1+$0x3280] =	vst v0;
	s1 =	smov.u32 s0;
	s0 =	sadd.s32 $0x40, s0  }
.Ltmp1:
0x8b: {  	(pc) =	sbr.rel @p0 .LBB2_4-.Ltmp1, $2  }
0x8c: {  	_ =	sdelay $0x2  }
0x8d: {  	s1 =	sshra.s32 s1, $0x2  }
0x8e: {  	[tilespmem:s1+$0x3280] =	vst v0  }
0x8f: {  	[spmem:s15] =	stream.linear.scatter [tilespmem:s24], [sflag:$0x1], $0x1900, $0x38;
	[tilespmem:$0x17100] =	vst v63  }
0x90: {  	_ =	swait.ge [sflag:s21], $0x1900  }
0x91: {  	[sflag:s21] =	ssyncset.done $0x0  }
0x92: {  	[sflag:s21] =	ssyncadd.s32 $0xFFFFE700  }
0x93: {  	s0 =	sadd.s32 $0x0, s19;
	[bflag:$0x0] =	sbarrier.arrive $0xFFFF  }
0x94: {  	[tilespmem:s25], [sflag:$0x1] =	stream.linear.gather [hbm4b:s0+s4], $0x2710, $0x38;
	[tilespmem:$0x17100] =	vst v63  }
0x95: {  	_ =	swait.ge [sflag:s21], $0x2710  }
0x96: {  	[sflag:s21] =	ssyncset.done $0x0  }
0x97: {  	s9 =	sadd.s32 $0x0, s18;
	[sflag:s21] =	ssyncadd.s32 $0xFFFFD8F0  }
0x98: {  	[tilespmem:s28], [sflag:$0x1] =	stream.linear.gather [hbm4b:s9+s4], $0x2710, $0x38;
	[tilespmem:$0x17100] =	vst v63  }
0x99: {  	_ =	swait.ge [sflag:s21], $0x2710  }
0x9a: {  	[sflag:s21] =	ssyncset.done $0x0  }
0x9b: {  	[sflag:s21] =	ssyncadd.s32 $0xFFFFD8F0  }
0x9c: {  	[tilespmem:s30], [sflag:$0x1] =	stream.indirect.gather [spmem:s2], $0x1, s25, s29, $0xb8;
	[tilespmem:$0x17100] =	vst v63  }
0x9d: {  	_ =	swait.ge [sflag:s21], $0x2710  }
0x9e: {  	[sflag:s21] =	ssyncset.done $0x0  }
0x9f: {  	[sflag:s21] =	ssyncadd.s32 $0xFFFFD8F0  }
0xa0: {  	[spmem:s3] =	stream.indirect.scatter.add.f32 [tilespmem:s30], [sflag:$0x1], $0x1, s28, s29, $0xb8;
	[tilespmem:$0x17100] =	vst v63  }
0xa1: {  	_ =	swait.ge [sflag:s21], $0x2710  }
0xa2: {  	s1 =	simm.s32 $0x9C4;
	s0 =	simm.s32 $0x4E2;
	[sflag:s21] =	ssyncset.done $0x0  }
.LBB2_6:
0xa3: {  	s5 =	sadd.s32 s0, s19  }
0xa4: {  	[sflag:s21] =	ssyncadd.s32 $0xFFFFD8F0;
	s7 =	smov.u32 s1;
	s8 =	sadd.s32 $0x4E2, s1  }
0xa5: {  	[tilespmem:s25], [sflag:$0x1] =	stream.linear.gather [hbm4b:s5+s4], $0x2710, $0x38;
	[tilespmem:$0x17100] =	vst v63  }
0xa6: {  	p0 =	sne.s32 s1, $0x5CC6;
	_ =	swait.ge [sflag:s21], $0x2710  }
0xa7: {  	[sflag:s21] =	ssyncset.done $0x0  }
0xa8: {  	s1 =	sadd.s32 s0, s18;
	s0 =	smov.u32 s7;
	[sflag:s21] =	ssyncadd.s32 $0xFFFFD8F0  }
0xa9: {  	[tilespmem:s28], [sflag:$0x1] =	stream.linear.gather [hbm4b:s1+s4], $0x2710, $0x38;
	[tilespmem:$0x17100] =	vst v63  }
0xaa: {  	_ =	swait.ge [sflag:s21], $0x2710  }
0xab: {  	[sflag:s21] =	ssyncset.done $0x0  }
0xac: {  	[sflag:s21] =	ssyncadd.s32 $0xFFFFD8F0  }
0xad: {  	[tilespmem:s30], [sflag:$0x1] =	stream.indirect.gather [spmem:s2], $0x1, s25, s29, $0xb8;
	[tilespmem:$0x17100] =	vst v63  }
0xae: {  	_ =	swait.ge [sflag:s21], $0x2710  }
.Ltmp2:
0xaf: {  	[sflag:s21] =	ssyncset.done $0x0;
	(pc) =	sbr.rel @p0 .LBB2_6-.Ltmp2, $4  }
0xb0: {  	[sflag:s21] =	ssyncadd.s32 $0xFFFFD8F0  }
0xb1: {  	[spmem:s3] =	stream.indirect.scatter.add.f32 [tilespmem:s30], [sflag:$0x1], $0x1, s28, s29, $0xb8;
	[tilespmem:$0x17100] =	vst v63  }
0xb2: {  	_ =	swait.ge [sflag:s21], $0x2710  }
0xb3: {  	s1 =	smov.u32 s8;
	[sflag:s21] =	ssyncset.done $0x0  }
0xb4: {  	s1 =	sadd.s32 s0, s19;
	[sflag:s21] =	ssyncadd.s32 $0xFFFFD8F0  }
0xb5: {  	[tilespmem:s25], [sflag:$0x1] =	stream.linear.gather [hbm4b:s1+s4], $0x2710, $0x38;
	[tilespmem:$0x17100] =	vst v63  }
0xb6: {  	_ =	swait.ge [sflag:s21], $0x2710  }
0xb7: {  	[sflag:s21] =	ssyncset.done $0x0  }
0xb8: {  	s7 =	sadd.s32 s0, s18;
	[sflag:s21] =	ssyncadd.s32 $0xFFFFD8F0  }
0xb9: {  	[tilespmem:s28], [sflag:$0x1] =	stream.linear.gather [hbm4b:s7+s4], $0x2710, $0x38;
	[tilespmem:$0x17100] =	vst v63  }
0xba: {  	_ =	swait.ge [sflag:s21], $0x2710  }
0xbb: {  	[sflag:s21] =	ssyncset.done $0x0  }
0xbc: {  	[sflag:s21] =	ssyncadd.s32 $0xFFFFD8F0  }
0xbd: {  	[tilespmem:s30], [sflag:$0x1] =	stream.indirect.gather [spmem:s2], $0x1, s25, s29, $0xb8;
	[tilespmem:$0x17100] =	vst v63  }
0xbe: {  	_ =	swait.ge [sflag:s21], $0x2710  }
0xbf: {  	[sflag:s21] =	ssyncset.done $0x0  }
0xc0: {  	s8 =	stileid.u32;
	[sflag:s21] =	ssyncadd.s32 $0xFFFFD8F0  }
0xc1: {  	[spmem:s3] =	stream.indirect.scatter.add.f32 [tilespmem:s30], [sflag:$0x1], $0x1, s28, s29, $0xb8;
	[tilespmem:$0x17100] =	vst v63  }
0xc2: {  	s9 =	sshrl.u32 s15, $0x3;
	s5 =	simm.s32 $0x20;
	_ =	swait.ge [sflag:s21], $0x2710  }
0xc3: {  	s31 =	sadd.s32 $0x1, s31;
	s0 =	sshll.u32 s8, $0x6;
	[sflag:s21] =	ssyncset.done $0x0  }
0xc4: {  	p0 =	sne.s32 s31, s17;
	s0 =	sor.u32 $0x1C01, s0;
	[sflag:s21] =	ssyncadd.s32 $0xFFFFD8F0  }
.Ltmp3:
0xc5: {  	s7 =	simm.s32 $0x10;
	[bflag:$0x0] =	sbarrier.arrive $0xFFFF;
	(pc) =	sbr.rel @p0 .LBB2_1-.Ltmp3, $4  }
0xc6: {  	[hbm:s16@s5], [sflag:s0] =	dma.strided [spmem:s9@s7], $0x320, s21, $0x10   }
0xc7: {  	_ =	swait.ge [sflag:s21], $0x320  }
0xc8: {  	[sflag:s21] =	ssyncset.done $0x0  }
0xc9: {  	[sflag:s21] =	ssyncadd.s32 $0xFFFFFCE0  }
0xca: {  	_ =	sfence.sel $0x180000  }
0xcb: {  	[bflag:$0x0] =	sbarrier.arrive $0xFFFF  }
0xcc: {  	_ =	strace $0x9000004A  }
0xcd: {  	s0 =	stileid.u32;
	[bflag:$0x2] =	sbarrier.arrive $0xFFFF  }
0xce: {  	p0 =	sne.s32 s0, $0x0;
	s0 =	rddreg [dreg:$0x4]  }
0xcf: {  	s0 =	sadd.s32 @!p0 $0x100000, s0  }
0xd0: {  	[sflag:s0] =	ssyncadd.tile.s32 @!p0 $0x1;
	_ =	shalt  }
.Lfunc_end2:
_tile_overlayer_lowered:
.L_overlay_start_2:
0xd1: {  	(tag) =	ssettag $0x2  }
0xd2: {  	s0 =	rddreg [dreg:$0x0];
	s2 =	stileid.u32  }
0xd3: {  	s1 =	rddreg [dreg:$0x1];
	p0 =	sne.s32 s2, $0x0  }
0xd4: {  	s3 =	rddreg [dreg:$0x2];
	[bflag:$0x3] =	sbarrier.arrive $0xFFFF;
	s2 =	simm.s32 @!p0 $0x1C01  }
0xd5: {  	[timem:s3], [sflag:s2] =	dma.local @!p0 [hbm:s0], s1  }
0xd6: {  	s0 =	simm.s32 @!p0 $0x1  }
0xd7: {  	_ =	swait.ge @!p0 [sflag:s0], s1  }
0xd8: {  	s1 =	ssub.s32 @!p0 $0x0, s1;
	[sflag:s0] =	ssyncset.done @!p0 $0x0  }
0xd9: {  	[sflag:s0] =	ssyncadd.s32 @!p0 s1  }
0xda: {  	[bflag:$0x3] =	sbarrier.arrive $0xFFFF  }
0xdb: {  	_ =	shalt  }

// kernel: kernel.13.cloned.1.call-start
scs
__scs_entry_jumppad:
0x0: {  	(pc) =	sbr.rel $0x88, $3  }
0x1: {  	(tag) =	ssettag $0x0;
	lr =	simm.s32 $0x1  }
0x2: {  	[smem:$0x3F99] =	sst lr;
	_ =	strace $0xD0000000  }
0x3: {  	_ = 	snop  }
0x4: {  	_ = 	snop  }
0x5: {  	_ = 	snop  }
0x6: {  	_ = 	snop  }
0x7: {  	_ = 	snop  }
__scs_overlays_trampoline_lowered:
0x8: {  	[smem:$0x3FA8] =	sst s0  }
0x9: {  	[smem:$0x3FA9] =	sst s1  }
0xa: {  	[smem:$0x3FAA] =	sst s2  }
0xb: {  	[smem:$0x3FAB] =	sst s3  }
0xc: {  	[smem:$0x3FAC] =	sst s4  }
0xd: {  	[smem:$0x3FAD] =	sst s5  }
0xe: {  	[smem:$0x3FAE] =	sst s6  }
0xf: {  	[smem:$0x3FAF] =	sst s7  }
0x10: {  	[smem:$0x3FB0] =	sst s8  }
0x11: {  	[smem:$0x3FB1] =	sst s9;
	s0 =	simm.s32 @!p0 $0x0  }
0x12: {  	s1 =	sld [smem:$0x3F97];
	s0 =	simm.s32 @p0 $0x1  }
0x13: {  	[smem:$0x3FB2] =	sst s0;
	s0 =	simm.s32 @!p1 $0x0  }
0x14: {  	s2 =	sld [smem:$0x3F96];
	s0 =	simm.s32 @p1 $0x1  }
0x15: {  	[smem:$0x3FB3] =	sst s0;
	s0 =	simm.s32 @!p2 $0x0  }
0x16: {  	s3 =	sld [smem:$0x3FDB];
	s0 =	simm.s32 @p2 $0x1  }
0x17: {  	s4 =	simm.s32 $0x1BF5;
	[smem:$0x3FB5] =	sst s0  }
0x18: {  	s0 =	sld [smem:$0x3F98];
	_ =	swait.ge [sflag:s4], $0x0  }
0x19: {  	s7 =	sld [smem:$0x3F99]  }
0x1a: {  	s8 =	sadd.s32 $0xFFFFE003, lr  }
0x1b: {  	s9 =	sadd.s32 $0xFFFFFEF7, lr;
	s5 =	simm.s32 $0xFFFFFFFF;
	p2 =	slt.u32 s8, $0xFFFFF086  }
0x1c: {  	p1 =	slt.u32 s9, $0xF7A;
	s5 =	simm.s32 @!p2 $0x0  }
0x1d: {  	s5 =	simm.s32 @p1 $0x1;
	p0 =	seq.s32 s7, s2  }
0x1e: {  	s7 =	smul.u32 @!p0 $0xF7A, s2;
	p2 =	seq.s32 @!p0 s5, $0x0  }
0x1f: {  	s9 =	smul.u32 $0xF7A, s1;
	s8 =	simm.s32 @!p0 $0x1BF5;
	p2 =	por !p2, p0  }
0x20: {  	[sflag:s8] =	ssyncset.s32 @!p0 $0xFFFFF086;
	s6 =	sadd.s32 @!p0 s3, s7;
	s7 =	simm.s32 @!p0 $0x108  }
0x21: {  	s3 =	sadd.s32 s3, s9;
	s6 =	sadd.s32 @!p0 $0x88, s6;
	s7 =	simm.s32 @p2 $0x1082  }
0x22: {  	[simem:s7], [sflag:s8] =	dma.local @!p0 [hbm:s6], $0xF7A  }
0x23: {  	s9 =	sor.u32 $0xD0000000, s2;
	s6 =	simm.s32 $0x108;
	_ =	swait.ge @!p0 [sflag:s8], $0x0  }
0x24: {  	s3 =	sadd.s32 $0x88, s3;
	s6 =	simm.s32 @!p1 $0x1082;
	[sflag:s4] =	ssyncset.s32 $0xFFFFF086  }
0x25: {  	[simem:s6], [sflag:s4] =	dma.local [hbm:s3], $0xF7A  }
0x26: {  	[smem:$0x3F99] =	sst s1;
	(tag) =	ssettag s2;
	_ =	strace s9  }
0x27: {  	s1 =	sld [smem:$0x3FA9]  }
0x28: {  	s2 =	sld [smem:$0x3FAA]  }
0x29: {  	s4 =	sld [smem:$0x3FAC]  }
0x2a: {  	p0 =	seq.s32 s5, $0x0;
	s5 =	sld [smem:$0x3FAD]  }
0x2b: {  	s6 =	sld [smem:$0x3FAE]  }
0x2c: {  	s7 =	sld [smem:$0x3FAF]  }
0x2d: {  	s3 =	simm.s32 $0x108;
	s8 =	sld [smem:$0x3FB0]  }
0x2e: {  	s3 =	simm.s32 @!p0 $0x1082;
	s9 =	sld [smem:$0x3FB1]  }
0x2f: {  	lr =	sadd.s32 s0, s3;
	s0 =	sld [smem:$0x3FA8]  }
0x30: {  	s3 =	sld [smem:$0x3FAB]  }
0x31: {  	[smem:$0x3FB4] =	sst s10  }
0x32: {  	s10 =	sld [smem:$0x3FB2];
	_ =	sdelay $0x3  }
0x33: {  	p0 =	seq.s32 s10, $0x1;
	s10 =	sld [smem:$0x3FB4];
	_ =	sdelay $0x3  }
0x34: {  	[smem:$0x3FB4] =	sst s10  }
0x35: {  	s10 =	sld [smem:$0x3FB3];
	_ =	sdelay $0x3  }
0x36: {  	p1 =	seq.s32 s10, $0x1;
	s10 =	sld [smem:$0x3FB4];
	_ =	sdelay $0x3  }
0x37: {  	[smem:$0x3FB4] =	sst s10  }
0x38: {  	s10 =	sld [smem:$0x3FB5]  }
0x39: {  	_ = 	snop;
	(pc) =	sbr.ind lr, $3  }
0x3a: {  	_ = 	snop  }
0x3b: {  	_ = 	snop  }
0x3c: {  	p2 =	seq.s32 s10, $0x1;
	s10 =	sld [smem:$0x3FB4]  }
0x3d: {  	_ =	shalt  }
0x3e: {  	_ =	shalt  }
0x3f: {  	_ =	shalt  }
0x40: {  	_ =	shalt  }
0x41: {  	_ =	shalt  }
0x42: {  	_ =	shalt  }
0x43: {  	_ =	shalt  }
0x44: {  	_ =	shalt  }
0x45: {  	_ =	shalt  }
0x46: {  	_ =	shalt  }
0x47: {  	_ =	shalt  }
0x48: {  	_ =	shalt  }
0x49: {  	_ =	shalt  }
0x4a: {  	_ =	shalt  }
0x4b: {  	_ =	shalt  }
0x4c: {  	_ =	shalt  }
0x4d: {  	_ =	shalt  }
0x4e: {  	_ =	shalt  }
0x4f: {  	_ =	shalt  }
0x50: {  	_ =	shalt  }
0x51: {  	_ =	shalt  }
0x52: {  	_ =	shalt  }
0x53: {  	_ =	shalt  }
0x54: {  	_ =	shalt  }
0x55: {  	_ =	shalt  }
0x56: {  	_ =	shalt  }
0x57: {  	_ =	shalt  }
0x58: {  	_ =	shalt  }
0x59: {  	_ =	shalt  }
0x5a: {  	_ =	shalt  }
0x5b: {  	_ =	shalt  }
0x5c: {  	_ =	shalt  }
0x5d: {  	_ =	shalt  }
0x5e: {  	_ =	shalt  }
0x5f: {  	_ =	shalt  }
0x60: {  	_ =	shalt  }
0x61: {  	_ =	shalt  }
0x62: {  	_ =	shalt  }
0x63: {  	_ =	shalt  }
0x64: {  	_ =	shalt  }
0x65: {  	_ =	shalt  }
0x66: {  	_ =	shalt  }
0x67: {  	_ =	shalt  }
0x68: {  	_ =	shalt  }
0x69: {  	_ =	shalt  }
0x6a: {  	_ =	shalt  }
0x6b: {  	_ =	shalt  }
0x6c: {  	_ =	shalt  }
0x6d: {  	_ =	shalt  }
0x6e: {  	_ =	shalt  }
0x6f: {  	_ =	shalt  }
0x70: {  	_ =	shalt  }
0x71: {  	_ =	shalt  }
0x72: {  	_ =	shalt  }
0x73: {  	_ =	shalt  }
0x74: {  	_ =	shalt  }
0x75: {  	_ =	shalt  }
0x76: {  	_ =	shalt  }
0x77: {  	_ =	shalt  }
0x78: {  	_ =	shalt  }
0x79: {  	_ =	shalt  }
0x7a: {  	_ =	shalt  }
0x7b: {  	_ =	shalt  }
0x7c: {  	_ =	shalt  }
0x7d: {  	_ =	shalt  }
0x7e: {  	_ =	shalt  }
0x7f: {  	_ =	shalt  }
0x80: {  	_ =	shalt  }
0x81: {  	_ =	shalt  }
0x82: {  	_ =	shalt  }
0x83: {  	_ =	shalt  }
0x84: {  	_ =	shalt  }
0x85: {  	_ =	shalt  }
0x86: {  	_ =	shalt  }
0x87: {  	_ =	shalt  }
.Lfunc_end0:
.L_simem_size_0:
called_computation.2_lowered:
.L_overlay_start_0:
0x88: {  	s2 =	sld [smem:$0x3FD9]  }
0x89: {  	s3 =	sld [smem:$0x3FFE];
	_ =	sdelay $0x1  }
0x8a: {  	s1 =	srdreg.scid  }
0x8b: {  	s0 =	sand.u32 $0x1, s1  }
0x8c: {  	s17 =	sshll.u32 s0, $0xA;
	s2 =	sadd.s32 s3, s2  }
0x8d: {  	s2 =	sadd.s32 s2, s17  }
0x8e: {  	[smem:$0x3FC0] =	sst s2  }
0x8f: {  	_ = 	snop  }
0x90: {  	s2 =	sld [smem:$0x3FD0];
	(tm) =	ssettm $0x1  }
0x91: {  	s18 =	sld [smem:$0x3FFB];
	_ =	sdelay $0x3  }
0x92: {  	_ =	strace s18  }
0x93: {  	s3 =	sld [smem:$0x3FFC];
	_ =	sdelay $0x3  }
0x94: {  	_ =	strace s3  }
0x95: {  	s3 =	sld [smem:$0x3FFD];
	_ =	sdelay $0x3  }
0x96: {  	_ =	strace s3  }
0x97: {  	_ =	strace $0x8FFFFFFF  }
0x98: {  	s19 =	sld [smem:$0x3FDB];
	_ =	sdelay $0x1  }
0x99: {  	s4 =	simm.s32 $_scs_section_size  }
0x9a: {  	s5 =	simm.s32 $_size__tile_overlayer_lowered;
	s6 =	simm.s32 $_tile_overlayer_lowered  }
0x9b: {  	s22 =	simm.s32 $0x1BFF;
	s21 =	sshll.u32 s6, $0x1;
	s3 =	sadd.s32 s4, s19  }
0x9c: {  	s7 =	simm.s32 $0x0;
	s20 =	sshll.u32 s5, $0x1;
	s5 =	sadd.s32 s21, s3  }
0x9d: {  	[timem:s7], [sflag:s22] =	dma.local [hbm:s5], s20  }
0x9e: {  	_ =	swait.ge [sflag:s22], s20  }
0x9f: {  	s4 =	ssub.s32 $0x0, s20;
	[sflag:s22] =	ssyncset.done $0x0  }
0xa0: {  	[sflag:s22] =	ssyncadd.s32 s4;
	_ =	sdelay $0x1  }
0xa1: {  	s23 =	simm.s32 $0x1B8B  }
0xa2: {  	_ =	swait.ge [sflag:s23], $0x1  }
0xa3: {  	[sflag:s23] =	ssyncset.done $0x0  }
0xa4: {  	s25 =	simm.s32 $0x1B8E;
	s24 =	sld [smem:$0x3FFE];
	[sflag:s23] =	ssyncadd.s32 $0xFFFFFFFF  }
0xa5: {  	s26 =	simm.s32 $execute0_lowered;
	[smem:$0x3FD2] =	sst s25  }
0xa6: {  	s5 =	sshll.u32 s26, $0x1;
	_ =	strace $0x8000004C;
	[dreg:$0x1] =	wrdreg $0xFFFFFFFF  }
0xa7: {  	s28 =	simm.s32 $_size_execute0_lowered;
	s3 =	sadd.s32 s3, s5;
	[dreg:$0x0] =	wrdreg $0x0  }
0xa8: {  	s5 =	sshll.u32 s28, $0x1;
	[dreg:$0x2] =	wrdreg s3  }
0xa9: {  	[dreg:$0x3] =	wrdreg s5  }
0xaa: {  	[dreg:$0x4] =	wrdreg $0xC0  }
0xab: {  	_ =	task [dreg:s7], $0x5FFFF  }
0xac: {  	[dreg:$0x1] =	wrdreg $0xFFFFFFFF  }
0xad: {  	[dreg:$0x0] =	wrdreg $0x60  }
0xae: {  	[dreg:$0x2] =	wrdreg s24  }
0xaf: {  	[dreg:$0x3] =	wrdreg s2  }
0xb0: {  	[dreg:$0x4] =	wrdreg $0x0  }
0xb1: {  	[dreg:$0x5] =	wrdreg $0x19000  }
0xb2: {  	[dreg:$0x6] =	wrdreg $0x9  }
0xb3: {  	_ =	task.clear_ibuf [dreg:s7], $0x7FFFF;
	_ =	strace $0x9000004C  }
0xb4: {  	s29 =	simm.s32 $0x9;
	_ =	strace $0x8000004E  }
0xb5: {  	_ =	swait.ge [sflag:s29], $0x1  }
0xb6: {  	[sflag:s29] =	ssyncadd.s32 $0xFFFFFFFF  }
0xb7: {  	_ =	strace $0x9000004E  }
0xb8: {  	_ =	sfence  }
0xb9: {  	s30 =	sld [smem:$0x0];
	_ =	sdelay $0x2  }
0xba: {  	s31 =	sshll.u32 s1, $0xD;
	s1 =	sshrl.u32 s1, $0x2  }
0xbb: {  	s3 =	sand.u32 $0x4000, s31;
	s1 =	sadd.s32 s1, s30  }
0xbc: {  	s0 =	sor.u32 s3, s0;
	s1 =	sshll.u32 s1, $0x11  }
0xbd: {  	s0 =	sor.u32 s1, s0  }
0xbe: {  	s0 =	sadd.s32 $0x8F2B, s0  }
0xbf: {  	[sflag:s0] =	ssyncadd.remote.s32 $0x1  }
0xc0: {  	_ =	sfence.sel $0xFFFF  }
0xc1: {  	[dreg:$0x0] =	wrdreg $0xFFFFFFFF;
	(pc) =	sbr.abs _section_cstart, $3  }
0xc2: {  	[dreg:$0x1] =	wrdreg $0xFFFFFFFF  }
0xc3: {  	_ =	task.clear_ibuf [dreg:s7], $0x2FFFF;
	_ =	strace $0x9FFFFFFF  }
0xc4: {  	(tm) =	ssettm $0x7FFFFFFF  }
0xc5: {  	_ =	shalt  }
tec
execute0_lowered:
.L_overlay_start_1:
0x0: {  	(tag) =	ssettag $0x1  }
0x1: {  	s0 =	rddreg [dreg:$0x0]  }
0x2: {  	s1 =	rddreg [dreg:$0x1];
	s3 =	srdreg.scid  }
0x3: {  	s2 =	rddreg [dreg:$0x2];
	s7 =	stileid.u32  }
0x4: {  	s4 =	simm.s32 $0x0;
	s18 =	simm.s32 $0x1;
	s19 =	simm.s32 $0x80  }
0x5: {  	s20 =	simm.s32 $0x100;
	s21 =	simm.s32 $0x3280;
	s6 =	smul.u32 $0x30D40, s7  }
0x6: {  	s28 =	simm.s32 $0xD700;
	s29 =	simm.s32 $0x2710;
	s10 =	smul.u32 $0x3200, s7  }
0x7: {  	s8 =	sand.u32 $0x1, s3;
	s3 =	rddreg [dreg:$0x3];
	s12 =	smul.u32 $0x1900, s7  }
0x8: {  	s30 =	simm.s32 $0xFE80;
	[smem:$0x7FF] =	sst s4;
	s5 =	smul.u32 $0x30D400, s8  }
0x9: {  	_ =	strace $0x8000004D;
	s24 =	ssub.s32 $0x2, s8;
	s26 =	sshll.u32 s8, $0x7  }
0xa: {  	s23 =	sshrl.u32 s10, $0x3;
	s9 =	sshrl.u32 s12, $0x3;
	s11 =	sshrl.u32 s24, $0x1  }
0xb: {  	s13 =	sor.u32 s26, s10;
	s26 =	simm.s32 $0xAF80;
	s5 =	sadd.s32 s6, s5  }
0xc: {  	s25 =	sadd.s32 s23, s0;
	s14 =	ssub.s32 s24, s11;
	s11 =	sadd.s32 s12, s2  }
0xd: {  	s31 =	sshrl.u32 s13, $0x3;
	s12 =	sadd.s32 s12, s3;
	s5 =	sshrl.u32 s5, $0x3  }
0xe: {  	s6 =	sadd.s32 $0x192A00, s25;
	s7 =	sadd.s32 $0x192A10, s25;
	s13 =	sadd.s32 s1, s31  }
0xf: {  	s16 =	sadd.s32 s5, s0;
	s5 =	sadd.s32 $0x18F600, s0;
	s0 =	sadd.s32 s9, s0  }
0x10: {  	s14 =	smax.u32 s14, $0x1;
	s25 =	simm.s32 $0x9680;
	s8 =	sadd.s32 $0x198E00, s0  }
0x11: {  	s1 =	simm.s32 $0x10;
	s9 =	sadd.s32 $0x18F800, s0;
	s10 =	sadd.s32 $0x188E00, s0  }
0x12: {  	v0 =	vimm.f32 $0.0e+00;
	s15 =	sadd.s32 $0x2200, s16;
	s16 =	sadd.s32 $0xC5800, s16;
	s0 =	simm.s32 $0x0  }
.LBB2_1:
0x13: {  	s17 =	simm.s32 $0x3200  }
0x14: {  	[tilespmem:s17], [sflag:$0x1] =	stream.linear.gather [hbm4b:s5+s4], $0x80, $0x38;
	[tilespmem:$0x12600] =	vst v63  }
0x15: {  	_ =	swait.ge [sflag:s18], $0x80  }
0x16: {  	[sflag:s18] =	ssyncset.done $0x0  }
0x17: {  	[sflag:s18] =	ssyncadd.s32 $0xFFFFFF80  }
0x18: {  	[tilespmem:s21], [sflag:$0x1] =	stream.strided.gather [hbm4b:s6+s19], $0x1900, s20, s19, $0x38;
	[tilespmem:$0x12600] =	vst v63  }
0x19: {  	_ =	swait.ge [sflag:s18], $0x1900  }
0x1a: {  	[sflag:s18] =	ssyncset.done $0x0  }
0x1b: {  	s23 =	simm.s32 $0x4B80;
	[sflag:s18] =	ssyncadd.s32 $0xFFFFE700  }
0x1c: {  	[tilespmem:s23], [sflag:$0x1] =	stream.strided.gather [hbm4b:s7+s19], $0x1900, s20, s19, $0x38;
	[tilespmem:$0x12600] =	vst v63  }
0x1d: {  	_ =	swait.ge [sflag:s18], $0x1900  }
0x1e: {  	[sflag:s18] =	ssyncset.done $0x0  }
0x1f: {  	s24 =	simm.s32 $0x6480;
	[sflag:s18] =	ssyncadd.s32 $0xFFFFE700  }
0x20: {  	[tilespmem:s24], [sflag:$0x1] =	stream.linear.gather [hbm4b:s8+s4], $0x1900, $0x38;
	[tilespmem:$0x12600] =	vst v63  }
0x21: {  	_ =	swait.ge [sflag:s18], $0x1900  }
0x22: {  	[sflag:s18] =	ssyncset.done $0x0  }
0x23: {  	s31 =	simm.s32 $0x7D80;
	[sflag:s18] =	ssyncadd.s32 $0xFFFFE700  }
0x24: {  	[tilespmem:s31], [sflag:$0x1] =	stream.linear.gather [hbm4b:s9+s4], $0x1900, $0x38;
	[tilespmem:$0x12600] =	vst v63  }
0x25: {  	_ =	swait.ge [sflag:s18], $0x1900  }
0x26: {  	[sflag:s18] =	ssyncset.done $0x0  }
0x27: {  	s17 =	simm.s32 $0x0;
	[sflag:s18] =	ssyncadd.s32 $0xFFFFE700  }
0x28: {  	v1 =	vld [tilespmem:s17+$0x3280]  }
0x29: {  	v2 =	vld [tilespmem:s17+$0x4B80];
	_ =	sdelay $0x1  }
0x2a: {  	v4 =	vld [tilespmem:s17+$0x7D80]  }
0x2b: {  	v3 =	vld [tilespmem:$0x3200]  }
0x2c: {  	s22 =	simm.s32 $0x10;
	v6 =	vld [tilespmem:s17+$0x6480]  }
0x2d: {  	v5 =	vld [tilespmem:s22+$0x3280];
	v1 =	vadd.f32 v2, v1  }
0x2e: {  	v7 =	vld [tilespmem:s22+$0x4B80]  }
0x2f: {  	v2 =	vadd.f32 v4, v1  }
0x30: {  	v4 =	vld [tilespmem:s22+$0x7D80]  }
0x31: {  	v1 =	vbroadcast v3, $0x4;
	v3 =	vmul.f32 v2, v6  }
0x32: {  	v2 =	vld [tilespmem:s22+$0x6480]  }
0x33: {  	s23 =	simm.s32 $0x20;
	v5 =	vadd.f32 v7, v5;
	v7 =	vadd.f32 v3, v1  }
0x34: {  	v3 =	vld [tilespmem:s23+$0x3280]  }
0x35: {  	v8 =	vadd.f32 v4, v5;
	v4 =	vld [tilespmem:s23+$0x4B80];
	v7 =	vmax.f32 v7, $0.0e+00  }
0x36: {  	v7 =	vmul.f32 v7, v6  }
0x37: {  	s24 =	simm.s32 $0xC0;
	v5 =	vld [tilespmem:s23+$0x7D80];
	v6 =	vmul.f32 v8, v2  }
.LBB2_2:
0x38: {  	v8 =	vld [tilespmem:s23+$0x6480];
	[tilespmem:s17+$0x9680] =	vst v7;
	s17 =	smov.u32 s22  }
0x39: {  	s22 =	smov.u32 s23;
	s23 =	sshra.s32 s24, $0x2;
	p0 =	sne.s32 s24, $0x63C0  }
.Ltmp0:
0x3a: {  	s24 =	sadd.s32 $0x40, s24;
	v7 =	vadd.f32 v4, v3;
	v3 =	vld [tilespmem:s23+$0x3280];
	v6 =	vadd.f32 v6, v1;
	(pc) =	sbr.rel @p0 .LBB2_2-.Ltmp0, $4  }
0x3b: {  	v4 =	vld [tilespmem:s23+$0x4B80]  }
0x3c: {  	v9 =	vadd.f32 v5, v7;
	v6 =	vmax.f32 v6, $0.0e+00  }
0x3d: {  	v5 =	vld [tilespmem:s23+$0x7D80];
	v7 =	vmul.f32 v6, v2  }
0x3e: {  	v6 =	vmul.f32 v9, v8;
	v2 =	vmov v8  }
0x3f: {  	v8 =	vld [tilespmem:s23+$0x6480]  }
0x40: {  	v3 =	vadd.f32 v4, v3;
	_ =	sdelay $0x1  }
0x41: {  	v3 =	vadd.f32 v5, v3;
	_ =	sdelay $0x1  }
0x42: {  	v3 =	vmul.f32 v3, v8  }
0x43: {  	v63 =	vadd.f32 v6, v1  }
0x44: {  	v1 =	vadd.f32 v3, v1  }
0x45: {  	v3 =	vmax.f32 v63, $0.0e+00  }
0x46: {  	v2 =	vmul.f32 v3, v2;
	v1 =	vmax.f32 v1, $0.0e+00  }
0x47: {  	[tilespmem:s17+$0x9680] =	vst v7;
	v1 =	vmul.f32 v1, v8  }
0x48: {  	[tilespmem:s22+$0x9680] =	vst v2  }
0x49: {  	s31 =	simm.s32 $0x0;
	[tilespmem:s23+$0x9680] =	vst v1  }
0x4a: {  	[hbm4b:s10+s31] =	stream.linear.scatter [tilespmem:s25], [sflag:$0x1], $0x1900, $0x38;
	[tilespmem:$0x12600] =	vst v63  }
0x4b: {  	_ =	swait.ge [sflag:s18], $0x1900  }
0x4c: {  	[sflag:s18] =	ssyncset.done $0x0  }
0x4d: {  	[sflag:s18] =	ssyncadd.s32 $0xFFFFE700  }
0x4e: {  	[spmem:s11] =	stream.linear.scatter [tilespmem:s25], [sflag:$0x1], $0x1900, $0x38;
	[tilespmem:$0x12600] =	vst v63  }
0x4f: {  	_ =	swait.ge [sflag:s18], $0x1900  }
0x50: {  	[sflag:s18] =	ssyncset.done $0x0  }
0x51: {  	s17 =	simm.s32 $0x40;
	s22 =	simm.s32 $0x0;
	[sflag:s18] =	ssyncadd.s32 $0xFFFFE700  }
.LBB2_4:
0x52: {  	p0 =	sne.s32 s17, $0x63C0;
	[tilespmem:s22+$0x3280] =	vst v0;
	s22 =	smov.u32 s17;
	s17 =	sadd.s32 $0x40, s17  }
.Ltmp1:
0x53: {  	(pc) =	sbr.rel @p0 .LBB2_4-.Ltmp1, $2  }
0x54: {  	_ =	sdelay $0x2  }
0x55: {  	s22 =	sshra.s32 s22, $0x2  }
0x56: {  	[tilespmem:s22+$0x3280] =	vst v0  }
0x57: {  	[spmem:s12] =	stream.linear.scatter [tilespmem:s21], [sflag:$0x1], $0x1900, $0x38;
	[tilespmem:$0x12600] =	vst v63  }
0x58: {  	_ =	swait.ge [sflag:s18], $0x1900  }
0x59: {  	[sflag:s18] =	ssyncset.done $0x0  }
0x5a: {  	[sflag:s18] =	ssyncadd.s32 $0xFFFFE700  }
0x5b: {  	s17 =	sadd.s32 $0x0, s16;
	[bflag:$0x0] =	sbarrier.arrive $0xFFFF  }
0x5c: {  	[tilespmem:s26], [sflag:$0x1] =	stream.linear.gather [hbm4b:s17+s4], $0x2710, $0x38;
	[tilespmem:$0x12600] =	vst v63  }
0x5d: {  	_ =	swait.ge [sflag:s18], $0x2710  }
0x5e: {  	[sflag:s18] =	ssyncset.done $0x0  }
0x5f: {  	s31 =	sadd.s32 $0x0, s15;
	[sflag:s18] =	ssyncadd.s32 $0xFFFFD8F0  }
0x60: {  	[tilespmem:s28], [sflag:$0x1] =	stream.linear.gather [hbm4b:s31+s4], $0x2710, $0x38;
	[tilespmem:$0x12600] =	vst v63  }
0x61: {  	_ =	swait.ge [sflag:s18], $0x2710  }
0x62: {  	[sflag:s18] =	ssyncset.done $0x0  }
0x63: {  	[sflag:s18] =	ssyncadd.s32 $0xFFFFD8F0  }
0x64: {  	[tilespmem:s30], [sflag:$0x1] =	stream.indirect.gather [spmem:s2], $0x1, s26, s29, $0xb8;
	[tilespmem:$0x12600] =	vst v63  }
0x65: {  	_ =	swait.ge [sflag:s18], $0x2710  }
0x66: {  	[sflag:s18] =	ssyncset.done $0x0  }
0x67: {  	[sflag:s18] =	ssyncadd.s32 $0xFFFFD8F0  }
0x68: {  	[spmem:s3] =	stream.indirect.scatter.add.f32 [tilespmem:s30], [sflag:$0x1], $0x1, s28, s29, $0xb8;
	[tilespmem:$0x12600] =	vst v63  }
0x69: {  	_ =	swait.ge [sflag:s18], $0x2710  }
0x6a: {  	s22 =	simm.s32 $0x9C4;
	s17 =	simm.s32 $0x4E2;
	[sflag:s18] =	ssyncset.done $0x0  }
.LBB2_6:
0x6b: {  	s23 =	sadd.s32 s17, s16  }
0x6c: {  	[sflag:s18] =	ssyncadd.s32 $0xFFFFD8F0;
	s24 =	smov.u32 s22;
	s31 =	sadd.s32 $0x4E2, s22  }
0x6d: {  	[tilespmem:s26], [sflag:$0x1] =	stream.linear.gather [hbm4b:s23+s4], $0x2710, $0x38;
	[tilespmem:$0x12600] =	vst v63  }
0x6e: {  	p0 =	sne.s32 s22, $0x5CC6;
	_ =	swait.ge [sflag:s18], $0x2710  }
0x6f: {  	[sflag:s18] =	ssyncset.done $0x0  }
0x70: {  	s22 =	sadd.s32 s17, s15;
	s17 =	smov.u32 s24;
	[sflag:s18] =	ssyncadd.s32 $0xFFFFD8F0  }
0x71: {  	[tilespmem:s28], [sflag:$0x1] =	stream.linear.gather [hbm4b:s22+s4], $0x2710, $0x38;
	[tilespmem:$0x12600] =	vst v63  }
0x72: {  	_ =	swait.ge [sflag:s18], $0x2710  }
0x73: {  	[sflag:s18] =	ssyncset.done $0x0  }
0x74: {  	[sflag:s18] =	ssyncadd.s32 $0xFFFFD8F0  }
0x75: {  	[tilespmem:s30], [sflag:$0x1] =	stream.indirect.gather [spmem:s2], $0x1, s26, s29, $0xb8;
	[tilespmem:$0x12600] =	vst v63  }
0x76: {  	_ =	swait.ge [sflag:s18], $0x2710  }
.Ltmp2:
0x77: {  	[sflag:s18] =	ssyncset.done $0x0;
	(pc) =	sbr.rel @p0 .LBB2_6-.Ltmp2, $4  }
0x78: {  	[sflag:s18] =	ssyncadd.s32 $0xFFFFD8F0  }
0x79: {  	[spmem:s3] =	stream.indirect.scatter.add.f32 [tilespmem:s30], [sflag:$0x1], $0x1, s28, s29, $0xb8;
	[tilespmem:$0x12600] =	vst v63  }
0x7a: {  	_ =	swait.ge [sflag:s18], $0x2710  }
0x7b: {  	s22 =	smov.u32 s31;
	[sflag:s18] =	ssyncset.done $0x0  }
0x7c: {  	s22 =	sadd.s32 s17, s16;
	[sflag:s18] =	ssyncadd.s32 $0xFFFFD8F0  }
0x7d: {  	[tilespmem:s26], [sflag:$0x1] =	stream.linear.gather [hbm4b:s22+s4], $0x2710, $0x38;
	[tilespmem:$0x12600] =	vst v63  }
0x7e: {  	_ =	swait.ge [sflag:s18], $0x2710  }
0x7f: {  	[sflag:s18] =	ssyncset.done $0x0  }
0x80: {  	s23 =	sadd.s32 s17, s15;
	[sflag:s18] =	ssyncadd.s32 $0xFFFFD8F0  }
0x81: {  	[tilespmem:s28], [sflag:$0x1] =	stream.linear.gather [hbm4b:s23+s4], $0x2710, $0x38;
	[tilespmem:$0x12600] =	vst v63  }
0x82: {  	_ =	swait.ge [sflag:s18], $0x2710  }
0x83: {  	[sflag:s18] =	ssyncset.done $0x0  }
0x84: {  	[sflag:s18] =	ssyncadd.s32 $0xFFFFD8F0  }
0x85: {  	[tilespmem:s30], [sflag:$0x1] =	stream.indirect.gather [spmem:s2], $0x1, s26, s29, $0xb8;
	[tilespmem:$0x12600] =	vst v63  }
0x86: {  	_ =	swait.ge [sflag:s18], $0x2710  }
0x87: {  	[sflag:s18] =	ssyncset.done $0x0  }
0x88: {  	[sflag:s18] =	ssyncadd.s32 $0xFFFFD8F0  }
0x89: {  	[spmem:s3] =	stream.indirect.scatter.add.f32 [tilespmem:s30], [sflag:$0x1], $0x1, s28, s29, $0xb8;
	[tilespmem:$0x12600] =	vst v63  }
0x8a: {  	s24 =	stileid.u32;
	s31 =	sshrl.u32 s12, $0x3;
	_ =	swait.ge [sflag:s18], $0x2710  }
0x8b: {  	s0 =	sadd.s32 $0x1, s0;
	s17 =	sshll.u32 s24, $0x6;
	[sflag:s18] =	ssyncset.done $0x0  }
0x8c: {  	p0 =	sne.s32 s0, s14;
	s17 =	sor.u32 $0x1C01, s17;
	[sflag:s18] =	ssyncadd.s32 $0xFFFFD8F0  }
.Ltmp3:
0x8d: {  	s23 =	simm.s32 $0x20;
	[bflag:$0x0] =	sbarrier.arrive $0xFFFF;
	(pc) =	sbr.rel @p0 .LBB2_1-.Ltmp3, $4  }
0x8e: {  	[hbm:s13@s23], [sflag:s17] =	dma.strided [spmem:s31@s1], $0x320, s18, $0x10   }
0x8f: {  	_ =	swait.ge [sflag:s18], $0x320  }
0x90: {  	[sflag:s18] =	ssyncset.done $0x0  }
0x91: {  	[sflag:s18] =	ssyncadd.s32 $0xFFFFFCE0  }
0x92: {  	_ =	sfence.sel $0x180000  }
0x93: {  	[bflag:$0x0] =	sbarrier.arrive $0xFFFF  }
0x94: {  	_ =	strace $0x9000004D  }
0x95: {  	s0 =	stileid.u32;
	[bflag:$0x2] =	sbarrier.arrive $0xFFFF  }
0x96: {  	p0 =	sne.s32 s0, $0x0;
	s0 =	rddreg [dreg:$0x4]  }
0x97: {  	s0 =	sadd.s32 @!p0 $0x100000, s0  }
0x98: {  	[sflag:s0] =	ssyncadd.tile.s32 @!p0 $0x1;
	_ =	shalt  }
.Lfunc_end2:
_tile_overlayer_lowered:
.L_overlay_start_2:
0x99: {  	(tag) =	ssettag $0x2  }
0x9a: {  	s0 =	rddreg [dreg:$0x0];
	s2 =	stileid.u32  }
0x9b: {  	s1 =	rddreg [dreg:$0x1];
	p0 =	sne.s32 s2, $0x0  }
0x9c: {  	s3 =	rddreg [dreg:$0x2];
	[bflag:$0x3] =	sbarrier.arrive $0xFFFF;
	s2 =	simm.s32 @!p0 $0x1C01  }
0x9d: {  	[timem:s3], [sflag:s2] =	dma.local @!p0 [hbm:s0], s1  }
0x9e: {  	s0 =	simm.s32 @!p0 $0x1  }
0x9f: {  	_ =	swait.ge @!p0 [sflag:s0], s1  }
0xa0: {  	s1 =	ssub.s32 @!p0 $0x0, s1;
	[sflag:s0] =	ssyncset.done @!p0 $0x0  }
0xa1: {  	[sflag:s0] =	ssyncadd.s32 @!p0 s1  }
0xa2: {  	[bflag:$0x3] =	sbarrier.arrive $0xFFFF  }
0xa3: {  	_ =	shalt  }

// kernel: kernel.16.cloned.1.call-start
scs
__scs_entry_jumppad:
0x0: {  	(pc) =	sbr.rel $0x88, $3  }
0x1: {  	(tag) =	ssettag $0x0;
	lr =	simm.s32 $0x1  }
0x2: {  	[smem:$0x3F99] =	sst lr;
	_ =	strace $0xD0000000  }
0x3: {  	_ = 	snop  }
0x4: {  	_ = 	snop  }
0x5: {  	_ = 	snop  }
0x6: {  	_ = 	snop  }
0x7: {  	_ = 	snop  }
__scs_overlays_trampoline_lowered:
0x8: {  	[smem:$0x3FA8] =	sst s0  }
0x9: {  	[smem:$0x3FA9] =	sst s1  }
0xa: {  	[smem:$0x3FAA] =	sst s2  }
0xb: {  	[smem:$0x3FAB] =	sst s3  }
0xc: {  	[smem:$0x3FAC] =	sst s4  }
0xd: {  	[smem:$0x3FAD] =	sst s5  }
0xe: {  	[smem:$0x3FAE] =	sst s6  }
0xf: {  	[smem:$0x3FAF] =	sst s7  }
0x10: {  	[smem:$0x3FB0] =	sst s8  }
0x11: {  	[smem:$0x3FB1] =	sst s9;
	s0 =	simm.s32 @!p0 $0x0  }
0x12: {  	s1 =	sld [smem:$0x3F97];
	s0 =	simm.s32 @p0 $0x1  }
0x13: {  	[smem:$0x3FB2] =	sst s0;
	s0 =	simm.s32 @!p1 $0x0  }
0x14: {  	s2 =	sld [smem:$0x3F96];
	s0 =	simm.s32 @p1 $0x1  }
0x15: {  	[smem:$0x3FB3] =	sst s0;
	s0 =	simm.s32 @!p2 $0x0  }
0x16: {  	s3 =	sld [smem:$0x3FDB];
	s0 =	simm.s32 @p2 $0x1  }
0x17: {  	s4 =	simm.s32 $0x1BF5;
	[smem:$0x3FB5] =	sst s0  }
0x18: {  	s0 =	sld [smem:$0x3F98];
	_ =	swait.ge [sflag:s4], $0x0  }
0x19: {  	s7 =	sld [smem:$0x3F99]  }
0x1a: {  	s8 =	sadd.s32 $0xFFFFE003, lr  }
0x1b: {  	s9 =	sadd.s32 $0xFFFFFEF7, lr;
	s5 =	simm.s32 $0xFFFFFFFF;
	p2 =	slt.u32 s8, $0xFFFFF086  }
0x1c: {  	p1 =	slt.u32 s9, $0xF7A;
	s5 =	simm.s32 @!p2 $0x0  }
0x1d: {  	s5 =	simm.s32 @p1 $0x1;
	p0 =	seq.s32 s7, s2  }
0x1e: {  	s7 =	smul.u32 @!p0 $0xF7A, s2;
	p2 =	seq.s32 @!p0 s5, $0x0  }
0x1f: {  	s9 =	smul.u32 $0xF7A, s1;
	s8 =	simm.s32 @!p0 $0x1BF5;
	p2 =	por !p2, p0  }
0x20: {  	[sflag:s8] =	ssyncset.s32 @!p0 $0xFFFFF086;
	s6 =	sadd.s32 @!p0 s3, s7;
	s7 =	simm.s32 @!p0 $0x108  }
0x21: {  	s3 =	sadd.s32 s3, s9;
	s6 =	sadd.s32 @!p0 $0x88, s6;
	s7 =	simm.s32 @p2 $0x1082  }
0x22: {  	[simem:s7], [sflag:s8] =	dma.local @!p0 [hbm:s6], $0xF7A  }
0x23: {  	s9 =	sor.u32 $0xD0000000, s2;
	s6 =	simm.s32 $0x108;
	_ =	swait.ge @!p0 [sflag:s8], $0x0  }
0x24: {  	s3 =	sadd.s32 $0x88, s3;
	s6 =	simm.s32 @!p1 $0x1082;
	[sflag:s4] =	ssyncset.s32 $0xFFFFF086  }
0x25: {  	[simem:s6], [sflag:s4] =	dma.local [hbm:s3], $0xF7A  }
0x26: {  	[smem:$0x3F99] =	sst s1;
	(tag) =	ssettag s2;
	_ =	strace s9  }
0x27: {  	s1 =	sld [smem:$0x3FA9]  }
0x28: {  	s2 =	sld [smem:$0x3FAA]  }
0x29: {  	s4 =	sld [smem:$0x3FAC]  }
0x2a: {  	p0 =	seq.s32 s5, $0x0;
	s5 =	sld [smem:$0x3FAD]  }
0x2b: {  	s6 =	sld [smem:$0x3FAE]  }
0x2c: {  	s7 =	sld [smem:$0x3FAF]  }
0x2d: {  	s3 =	simm.s32 $0x108;
	s8 =	sld [smem:$0x3FB0]  }
0x2e: {  	s3 =	simm.s32 @!p0 $0x1082;
	s9 =	sld [smem:$0x3FB1]  }
0x2f: {  	lr =	sadd.s32 s0, s3;
	s0 =	sld [smem:$0x3FA8]  }
0x30: {  	s3 =	sld [smem:$0x3FAB]  }
0x31: {  	[smem:$0x3FB4] =	sst s10  }
0x32: {  	s10 =	sld [smem:$0x3FB2];
	_ =	sdelay $0x3  }
0x33: {  	p0 =	seq.s32 s10, $0x1;
	s10 =	sld [smem:$0x3FB4];
	_ =	sdelay $0x3  }
0x34: {  	[smem:$0x3FB4] =	sst s10  }
0x35: {  	s10 =	sld [smem:$0x3FB3];
	_ =	sdelay $0x3  }
0x36: {  	p1 =	seq.s32 s10, $0x1;
	s10 =	sld [smem:$0x3FB4];
	_ =	sdelay $0x3  }
0x37: {  	[smem:$0x3FB4] =	sst s10  }
0x38: {  	s10 =	sld [smem:$0x3FB5]  }
0x39: {  	_ = 	snop;
	(pc) =	sbr.ind lr, $3  }
0x3a: {  	_ = 	snop  }
0x3b: {  	_ = 	snop  }
0x3c: {  	p2 =	seq.s32 s10, $0x1;
	s10 =	sld [smem:$0x3FB4]  }
0x3d: {  	_ =	shalt  }
0x3e: {  	_ =	shalt  }
0x3f: {  	_ =	shalt  }
0x40: {  	_ =	shalt  }
0x41: {  	_ =	shalt  }
0x42: {  	_ =	shalt  }
0x43: {  	_ =	shalt  }
0x44: {  	_ =	shalt  }
0x45: {  	_ =	shalt  }
0x46: {  	_ =	shalt  }
0x47: {  	_ =	shalt  }
0x48: {  	_ =	shalt  }
0x49: {  	_ =	shalt  }
0x4a: {  	_ =	shalt  }
0x4b: {  	_ =	shalt  }
0x4c: {  	_ =	shalt  }
0x4d: {  	_ =	shalt  }
0x4e: {  	_ =	shalt  }
0x4f: {  	_ =	shalt  }
0x50: {  	_ =	shalt  }
0x51: {  	_ =	shalt  }
0x52: {  	_ =	shalt  }
0x53: {  	_ =	shalt  }
0x54: {  	_ =	shalt  }
0x55: {  	_ =	shalt  }
0x56: {  	_ =	shalt  }
0x57: {  	_ =	shalt  }
0x58: {  	_ =	shalt  }
0x59: {  	_ =	shalt  }
0x5a: {  	_ =	shalt  }
0x5b: {  	_ =	shalt  }
0x5c: {  	_ =	shalt  }
0x5d: {  	_ =	shalt  }
0x5e: {  	_ =	shalt  }
0x5f: {  	_ =	shalt  }
0x60: {  	_ =	shalt  }
0x61: {  	_ =	shalt  }
0x62: {  	_ =	shalt  }
0x63: {  	_ =	shalt  }
0x64: {  	_ =	shalt  }
0x65: {  	_ =	shalt  }
0x66: {  	_ =	shalt  }
0x67: {  	_ =	shalt  }
0x68: {  	_ =	shalt  }
0x69: {  	_ =	shalt  }
0x6a: {  	_ =	shalt  }
0x6b: {  	_ =	shalt  }
0x6c: {  	_ =	shalt  }
0x6d: {  	_ =	shalt  }
0x6e: {  	_ =	shalt  }
0x6f: {  	_ =	shalt  }
0x70: {  	_ =	shalt  }
0x71: {  	_ =	shalt  }
0x72: {  	_ =	shalt  }
0x73: {  	_ =	shalt  }
0x74: {  	_ =	shalt  }
0x75: {  	_ =	shalt  }
0x76: {  	_ =	shalt  }
0x77: {  	_ =	shalt  }
0x78: {  	_ =	shalt  }
0x79: {  	_ =	shalt  }
0x7a: {  	_ =	shalt  }
0x7b: {  	_ =	shalt  }
0x7c: {  	_ =	shalt  }
0x7d: {  	_ =	shalt  }
0x7e: {  	_ =	shalt  }
0x7f: {  	_ =	shalt  }
0x80: {  	_ =	shalt  }
0x81: {  	_ =	shalt  }
0x82: {  	_ =	shalt  }
0x83: {  	_ =	shalt  }
0x84: {  	_ =	shalt  }
0x85: {  	_ =	shalt  }
0x86: {  	_ =	shalt  }
0x87: {  	_ =	shalt  }
.Lfunc_end0:
.L_simem_size_0:
called_computation.3_lowered:
.L_overlay_start_0:
0x88: {  	s2 =	sld [smem:$0x3FD9]  }
0x89: {  	s3 =	sld [smem:$0x3FFE];
	_ =	sdelay $0x1  }
0x8a: {  	s1 =	srdreg.scid  }
0x8b: {  	s0 =	sand.u32 $0x1, s1  }
0x8c: {  	s17 =	sshll.u32 s0, $0xA;
	s2 =	sadd.s32 s3, s2  }
0x8d: {  	s2 =	sadd.s32 s2, s17  }
0x8e: {  	[smem:$0x3FC0] =	sst s2  }
0x8f: {  	_ = 	snop  }
0x90: {  	s2 =	sld [smem:$0x3FD0];
	(tm) =	ssettm $0x1  }
0x91: {  	s18 =	sld [smem:$0x3FFB];
	_ =	sdelay $0x3  }
0x92: {  	_ =	strace s18  }
0x93: {  	s3 =	sld [smem:$0x3FFC];
	_ =	sdelay $0x3  }
0x94: {  	_ =	strace s3  }
0x95: {  	s3 =	sld [smem:$0x3FFD];
	_ =	sdelay $0x3  }
0x96: {  	_ =	strace s3  }
0x97: {  	_ =	strace $0x8FFFFFFF  }
0x98: {  	s19 =	sld [smem:$0x3FDB];
	_ =	sdelay $0x1  }
0x99: {  	s4 =	simm.s32 $_scs_section_size  }
0x9a: {  	s5 =	simm.s32 $_size__tile_overlayer_lowered;
	s6 =	simm.s32 $_tile_overlayer_lowered  }
0x9b: {  	s22 =	simm.s32 $0x1BFF;
	s21 =	sshll.u32 s6, $0x1;
	s3 =	sadd.s32 s4, s19  }
0x9c: {  	s7 =	simm.s32 $0x0;
	s20 =	sshll.u32 s5, $0x1;
	s5 =	sadd.s32 s21, s3  }
0x9d: {  	[timem:s7], [sflag:s22] =	dma.local [hbm:s5], s20  }
0x9e: {  	_ =	swait.ge [sflag:s22], s20  }
0x9f: {  	s4 =	ssub.s32 $0x0, s20;
	[sflag:s22] =	ssyncset.done $0x0  }
0xa0: {  	[sflag:s22] =	ssyncadd.s32 s4;
	_ =	sdelay $0x1  }
0xa1: {  	s23 =	simm.s32 $0x1B8B  }
0xa2: {  	_ =	swait.ge [sflag:s23], $0x1  }
0xa3: {  	[sflag:s23] =	ssyncset.done $0x0  }
0xa4: {  	s25 =	simm.s32 $0x1B8E;
	s24 =	sld [smem:$0x3FFE];
	[sflag:s23] =	ssyncadd.s32 $0xFFFFFFFF  }
0xa5: {  	s26 =	simm.s32 $execute0_lowered;
	[smem:$0x3FD2] =	sst s25  }
0xa6: {  	s5 =	sshll.u32 s26, $0x1;
	_ =	strace $0x8000004F;
	[dreg:$0x1] =	wrdreg $0xFFFFFFFF  }
0xa7: {  	s28 =	simm.s32 $_size_execute0_lowered;
	s3 =	sadd.s32 s3, s5;
	[dreg:$0x0] =	wrdreg $0x0  }
0xa8: {  	s5 =	sshll.u32 s28, $0x1;
	[dreg:$0x2] =	wrdreg s3  }
0xa9: {  	[dreg:$0x3] =	wrdreg s5  }
0xaa: {  	[dreg:$0x4] =	wrdreg $0xC0  }
0xab: {  	_ =	task [dreg:s7], $0x5FFFF  }
0xac: {  	[dreg:$0x1] =	wrdreg $0xFFFFFFFF  }
0xad: {  	[dreg:$0x0] =	wrdreg $0x60  }
0xae: {  	[dreg:$0x2] =	wrdreg s24  }
0xaf: {  	[dreg:$0x3] =	wrdreg s2  }
0xb0: {  	[dreg:$0x4] =	wrdreg $0x0  }
0xb1: {  	[dreg:$0x5] =	wrdreg $0x19000  }
0xb2: {  	[dreg:$0x6] =	wrdreg $0x32000  }
0xb3: {  	[dreg:$0x7] =	wrdreg $0x9  }
0xb4: {  	_ =	task.clear_ibuf [dreg:s7], $0x8FFFF;
	_ =	strace $0x9000004F  }
0xb5: {  	s29 =	simm.s32 $0x9;
	_ =	strace $0x80000051  }
0xb6: {  	_ =	swait.ge [sflag:s29], $0x1  }
0xb7: {  	[sflag:s29] =	ssyncadd.s32 $0xFFFFFFFF  }
0xb8: {  	_ =	strace $0x90000051  }
0xb9: {  	_ =	sfence  }
0xba: {  	s30 =	sld [smem:$0x0];
	_ =	sdelay $0x2  }
0xbb: {  	s31 =	sshll.u32 s1, $0xD;
	s1 =	sshrl.u32 s1, $0x2  }
0xbc: {  	s3 =	sand.u32 $0x4000, s31;
	s1 =	sadd.s32 s1, s30  }
0xbd: {  	s0 =	sor.u32 s3, s0;
	s1 =	sshll.u32 s1, $0x11  }
0xbe: {  	s0 =	sor.u32 s1, s0  }
0xbf: {  	s0 =	sadd.s32 $0x8F2B, s0  }
0xc0: {  	[sflag:s0] =	ssyncadd.remote.s32 $0x1  }
0xc1: {  	_ =	sfence.sel $0xFFFF  }
0xc2: {  	[dreg:$0x0] =	wrdreg $0xFFFFFFFF;
	(pc) =	sbr.abs _section_cstart, $3  }
0xc3: {  	[dreg:$0x1] =	wrdreg $0xFFFFFFFF  }
0xc4: {  	_ =	task.clear_ibuf [dreg:s7], $0x2FFFF;
	_ =	strace $0x9FFFFFFF  }
0xc5: {  	(tm) =	ssettm $0x7FFFFFFF  }
tec
execute0_lowered:
.L_overlay_start_1:
0x0: {  	(tag) =	ssettag $0x1  }
0x1: {  	s0 =	rddreg [dreg:$0x0]  }
0x2: {  	s3 =	rddreg [dreg:$0x1]  }
0x3: {  	s1 =	rddreg [dreg:$0x2]  }
0x4: {  	s2 =	rddreg [dreg:$0x3]  }
0x5: {  	s4 =	rddreg [dreg:$0x4];
	s5 =	simm.s32 $0x0;
	s14 =	stileid.u32  }
0x6: {  	s6 =	srdreg.scid;
	s28 =	simm.s32 $0x10A80;
	s29 =	simm.s32 $0xFA0  }
0x7: {  	s30 =	simm.s32 $0x11A80;
	s31 =	simm.s32 $0x12A80;
	s8 =	smul.u32 $0x1900, s14  }
0x8: {  	[smem:$0x7FF] =	sst s5;
	s10 =	sand.u32 $0x1, s6;
	s9 =	smul.u32 $0x3200, s14  }
0x9: {  	s6 =	sadd.s32 $0xC5800, s0;
	s7 =	sadd.s32 $0x2200, s0;
	s12 =	sadd.s32 $0x18F600, s0  }
0xa: {  	_ =	strace $0x80000050;
	s11 =	sshll.u32 s10, $0x7;
	[dreg:$0x6] =	wrdreg s12  }
0xb: {  	s13 =	ssub.s32 $0x2, s10;
	s26 =	sshll.u32 s10, $0x4;
	s10 =	simm.s32 $0x0  }
0xc: {  	s18 =	sshrl.u32 s8, $0x3;
	s11 =	sor.u32 s11, s9;
	s19 =	sshrl.u32 s13, $0x1  }
0xd: {  	s9 =	sshrl.u32 s9, $0x3;
	s25 =	sadd.s32 s8, s1;
	s16 =	sadd.s32 s8, s2  }
0xe: {  	s17 =	sadd.s32 s8, s4;
	s8 =	simm.s32 $0x10;
	s12 =	sadd.s32 s18, s0  }
0xf: {  	s11 =	sshrl.u32 s11, $0x3;
	s9 =	sadd.s32 s3, s9;
	[dreg:$0xc] =	wrdreg s25  }
0x10: {  	s3 =	sor.u32 s14, s26;
	s25 =	simm.s32 $0x100;
	s20 =	sadd.s32 $0x198E00, s12  }
0x11: {  	s26 =	simm.s32 $0x4B80;
	s21 =	sadd.s32 $0x10, s9;
	[dreg:$0x7] =	wrdreg s20  }
0x12: {  	s0 =	sadd.s32 s11, s0;
	s22 =	sadd.s32 $0x188E00, s12;
	[dreg:$0x8] =	wrdreg s21  }
0x13: {  	s11 =	ssub.s32 s13, s19;
	s23 =	sadd.s32 $0x18C000, s12;
	[dreg:$0x9] =	wrdreg s22  }
0x14: {  	s24 =	sadd.s32 $0x18F800, s12;
	s18 =	smul.u32 $0x30D40, s3;
	[dreg:$0xa] =	wrdreg s23  }
0x15: {  	s3 =	simm.s32 $0x20;
	[dreg:$0xb] =	wrdreg s24;
	s19 =	sadd.s32 $0x192A00, s0  }
0x16: {  	s20 =	sadd.s32 $0x19C000, s0;
	s21 =	smax.u32 s11, $0x1;
	s23 =	simm.s32 $0x1  }
0x17: {  	v0 =	vimm.f32 $0.0e+00;
	s24 =	simm.s32 $0x80;
	s22 =	simm.s32 $0xFA80;
	s0 =	simm.s32 $0x13A80  }
.LBB2_1:
0x18: {  	s11 =	rddreg [dreg:$0x6];
	s12 =	simm.s32 $0x4B00  }
0x19: {  	[tilespmem:s12], [sflag:$0x1] =	stream.linear.gather [hbm4b:s11+s5], $0x80, $0x38;
	[tilespmem:$0x14A80] =	vst v63  }
0x1a: {  	_ =	swait.ge [sflag:s23], $0x80  }
0x1b: {  	[sflag:s23] =	ssyncset.done $0x0  }
0x1c: {  	[sflag:s23] =	ssyncadd.s32 $0xFFFFFF80  }
0x1d: {  	[tilespmem:s26], [sflag:$0x1] =	stream.strided.gather [hbm4b:s9+s24], $0x1900, s25, s24, $0x38;
	[tilespmem:$0x14A80] =	vst v63  }
0x1e: {  	_ =	swait.ge [sflag:s23], $0x1900  }
0x1f: {  	[sflag:s23] =	ssyncset.done $0x0  }
0x20: {  	s15 =	simm.s32 $0x6480;
	s14 =	rddreg [dreg:$0x8];
	[sflag:s23] =	ssyncadd.s32 $0xFFFFE700  }
0x21: {  	[tilespmem:s15], [sflag:$0x1] =	stream.strided.gather [hbm4b:s14+s24], $0x1900, s25, s24, $0x38;
	[tilespmem:$0x14A80] =	vst v63  }
0x22: {  	_ =	swait.ge [sflag:s23], $0x1900  }
0x23: {  	[sflag:s23] =	ssyncset.done $0x0  }
0x24: {  	s13 =	simm.s32 $0x7D80;
	s12 =	rddreg [dreg:$0x7];
	[sflag:s23] =	ssyncadd.s32 $0xFFFFE700  }
0x25: {  	[tilespmem:s13], [sflag:$0x1] =	stream.linear.gather [hbm4b:s12+s5], $0x1900, $0x38;
	[tilespmem:$0x14A80] =	vst v63  }
0x26: {  	_ =	swait.ge [sflag:s23], $0x1900  }
0x27: {  	[sflag:s23] =	ssyncset.done $0x0  }
0x28: {  	s15 =	simm.s32 $0x9680;
	s14 =	rddreg [dreg:$0x9];
	[sflag:s23] =	ssyncadd.s32 $0xFFFFE700  }
0x29: {  	[tilespmem:s15], [sflag:$0x1] =	stream.linear.gather [hbm4b:s14+s5], $0x1900, $0x38;
	[tilespmem:$0x14A80] =	vst v63  }
0x2a: {  	_ =	swait.ge [sflag:s23], $0x1900  }
0x2b: {  	[sflag:s23] =	ssyncset.done $0x0  }
0x2c: {  	s12 =	simm.s32 $0x0;
	[sflag:s23] =	ssyncadd.s32 $0xFFFFE700  }
0x2d: {  	v1 =	vld [tilespmem:s12+$0x4B80]  }
0x2e: {  	v2 =	vld [tilespmem:s12+$0x6480]  }
0x2f: {  	v6 =	vld [tilespmem:$0x4B00]  }
0x30: {  	v4 =	vld [tilespmem:s12+$0x9680]  }
0x31: {  	s11 =	simm.s32 $0x10;
	v3 =	vld [tilespmem:s12+$0x7D80]  }
0x32: {  	v7 =	vld [tilespmem:s11+$0x4B80]  }
0x33: {  	v8 =	vld [tilespmem:s11+$0x6480]  }
0x34: {  	v1 =	vadd.f32 v2, v1;
	_ =	sdelay $0x1  }
0x35: {  	v10 =	vld [tilespmem:s11+$0x9680];
	v1 =	vadd.f32 v4, v1  }
0x36: {  	s13 =	simm.s32 $0x20;
	v5 =	vbroadcast v6, $0x6  }
0x37: {  	v8 =	vadd.f32 v8, v7;
	v7 =	vld [tilespmem:s13+$0x4B80];
	v4 =	vbroadcast v6, $0x5;
	v9 =	vmul.f32 v1, v3  }
0x38: {  	v2 =	vbroadcast v6, $0x8;
	v1 =	vbroadcast v6, $0x7;
	v6 =	vld [tilespmem:s11+$0x7D80]  }
0x39: {  	v11 =	vmul.f32 v9, v4;
	v13 =	vmul.f32 v9, v5;
	v9 =	vld [tilespmem:s13+$0x6480]  }
0x3a: {  	v10 =	vadd.f32 v10, v8  }
0x3b: {  	v8 =	vld [tilespmem:s13+$0x9680];
	v12 =	vadd.f32 v11, v1;
	v11 =	vadd.f32 v13, v2  }
0x3c: {  	s14 =	simm.s32 $0xC0  }
.LBB2_2:
0x3d: {  	s15 =	sshra.s32 s14, $0x2;
	v13 =	vld [tilespmem:s13+$0x7D80];
	v10 =	vmul.f32 v10, v6;
	v12 =	vmax.f32 v12, $0.0e+00;
	v11 =	vmax.f32 v11, $0.0e+00;
	p0 =	sne.s32 s14, $0x63C0  }
.Ltmp0:
0x3e: {  	v14 =	vadd.f32 v9, v7;
	v7 =	vld [tilespmem:s15+$0x4B80];
	v12 =	vmul.f32 v12, v3;
	v15 =	vmul.f32 v11, v3;
	v3 =	vmovc v6;
	(pc) =	sbr.rel @p0 .LBB2_2-.Ltmp0, $4  }
0x3f: {  	s14 =	sadd.s32 $0x40, s14;
	v9 =	vld [tilespmem:s15+$0x6480];
	v16 =	vmul.f32 v10, v4;
	v11 =	vmul.f32 v10, v5  }
0x40: {  	v10 =	vadd.f32 v8, v14;
	[tilespmem:s12+$0xAF80] =	vst v12;
	v14 =	vpack.i.f32.bf16 v15, v12  }
0x41: {  	v8 =	vld [tilespmem:s15+$0x9680];
	v12 =	vadd.f32 v16, v1;
	v11 =	vadd.f32 v11, v2;
	[tilespmem:s12+$0xE180] =	vst v14  }
0x42: {  	[tilespmem:s12+$0xC880] =	vst v15;
	v6 =	vmov v13;
	s12 =	smov.u32 s11;
	s11 =	smov.u32 s13;
	s13 =	smov.u32 s15  }
0x43: {  	v13 =	vld [tilespmem:s13+$0x7D80]  }
0x44: {  	v7 =	vadd.f32 v9, v7  }
0x45: {  	v10 =	vmul.f32 v10, v6  }
0x46: {  	v7 =	vadd.f32 v8, v7  }
0x47: {  	v58 =	vmax.f32 v12, $0.0e+00;
	v57 =	vmul.f32 v10, v4  }
0x48: {  	v11 =	vmax.f32 v11, $0.0e+00;
	v10 =	vmul.f32 v10, v5;
	v7 =	vmul.f32 v7, v13  }
0x49: {  	v8 =	vmul.f32 v58, v3;
	v3 =	vmul.f32 v11, v3;
	v9 =	vadd.f32 v57, v1  }
0x4a: {  	v10 =	vadd.f32 v10, v2;
	v59 =	vmul.f32 v7, v4  }
0x4b: {  	[tilespmem:s12+$0xAF80] =	vst v8;
	v61 =	vpack.i.f32.bf16 v3, v8;
	v9 =	vmax.f32 v9, $0.0e+00;
	v60 =	vmul.f32 v7, v5  }
0x4c: {  	[tilespmem:s12+$0xC880] =	vst v3;
	v62 =	vmax.f32 v10, $0.0e+00;
	v9 =	vmul.f32 v9, v6;
	v1 =	vadd.f32 v59, v1  }
0x4d: {  	[tilespmem:s12+$0xE180] =	vst v61;
	v63 =	vmul.f32 v62, v6;
	v2 =	vadd.f32 v60, v2  }
0x4e: {  	[tilespmem:s11+$0xAF80] =	vst v9;
	v1 =	vmax.f32 v1, $0.0e+00  }
0x4f: {  	v3 =	vpack.i.f32.bf16 v63, v9;
	[tilespmem:s11+$0xC880] =	vst v63;
	v2 =	vmax.f32 v2, $0.0e+00;
	v1 =	vmul.f32 v1, v13  }
0x50: {  	[tilespmem:s11+$0xE180] =	vst v3;
	v2 =	vmul.f32 v2, v13  }
0x51: {  	[tilespmem:s13+$0xAF80] =	vst v1  }
0x52: {  	v1 =	vpack.i.f32.bf16 v2, v1;
	[tilespmem:s13+$0xC880] =	vst v2  }
0x53: {  	s14 =	rddreg [dreg:$0xa];
	s15 =	simm.s32 $0xAF80;
	s11 =	simm.s32 $0x0;
	[tilespmem:s13+$0xE180] =	vst v1  }
0x54: {  	[hbm4b:s14+s11] =	stream.linear.scatter [tilespmem:s15], [sflag:$0x1], $0x1900, $0x38;
	[tilespmem:$0x14A80] =	vst v63  }
0x55: {  	_ =	swait.ge [sflag:s23], $0x1900  }
0x56: {  	[sflag:s23] =	ssyncset.done $0x0  }
0x57: {  	s15 =	simm.s32 $0xC880;
	s14 =	rddreg [dreg:$0xb];
	[sflag:s23] =	ssyncadd.s32 $0xFFFFE700  }
0x58: {  	[hbm4b:s14+s11] =	stream.linear.scatter [tilespmem:s15], [sflag:$0x1], $0x1900, $0x38;
	[tilespmem:$0x14A80] =	vst v63  }
0x59: {  	_ =	swait.ge [sflag:s23], $0x1900  }
0x5a: {  	[sflag:s23] =	ssyncset.done $0x0  }
0x5b: {  	s15 =	simm.s32 $0xE180;
	s14 =	rddreg [dreg:$0xc];
	[sflag:s23] =	ssyncadd.s32 $0xFFFFE700  }
0x5c: {  	[spmem:s14] =	stream.linear.scatter [tilespmem:s15], [sflag:$0x1], $0x1900, $0x38;
	[tilespmem:$0x14A80] =	vst v63  }
0x5d: {  	_ =	swait.ge [sflag:s23], $0x1900  }
0x5e: {  	[sflag:s23] =	ssyncset.done $0x0  }
0x5f: {  	s12 =	simm.s32 $0x0;
	s11 =	simm.s32 $0x40;
	[sflag:s23] =	ssyncadd.s32 $0xFFFFE700  }
.LBB2_4:
0x60: {  	p0 =	sne.s32 s11, $0x63C0;
	[tilespmem:s12+$0x4B80] =	vst v0;
	s12 =	smov.u32 s11;
	s11 =	sadd.s32 $0x40, s11  }
.Ltmp1:
0x61: {  	(pc) =	sbr.rel @p0 .LBB2_4-.Ltmp1, $2  }
0x62: {  	_ =	sdelay $0x2  }
0x63: {  	s12 =	sshra.s32 s12, $0x2  }
0x64: {  	[tilespmem:s12+$0x4B80] =	vst v0  }
0x65: {  	[spmem:s16] =	stream.linear.scatter [tilespmem:s26], [sflag:$0x1], $0x1900, $0x38;
	[tilespmem:$0x14A80] =	vst v63  }
0x66: {  	_ =	swait.ge [sflag:s23], $0x1900  }
0x67: {  	[sflag:s23] =	ssyncset.done $0x0  }
0x68: {  	[sflag:s23] =	ssyncadd.s32 $0xFFFFE700  }
0x69: {  	[spmem:s17] =	stream.linear.scatter [tilespmem:s26], [sflag:$0x1], $0x1900, $0x38;
	[tilespmem:$0x14A80] =	vst v63  }
0x6a: {  	_ =	swait.ge [sflag:s23], $0x1900  }
0x6b: {  	[sflag:s23] =	ssyncset.done $0x0  }
0x6c: {  	[sflag:s23] =	ssyncadd.s32 $0xFFFFE700  }
0x6d: {  	s11 =	simm.s32 $0x0;
	s12 =	simm.s32 $0x0;
	[bflag:$0x0] =	sbarrier.arrive $0xFFFF  }
.LBB2_6:
0x6e: {  	s13 =	smul.u32 $0xFA0, s12;
	_ =	sdelay $0x1  }
0x6f: {  	s13 =	sadd.s32 s18, s13  }
0x70: {  	s13 =	sshrl.u32 s13, $0x3  }
0x71: {  	s14 =	sadd.s32 s6, s13  }
0x72: {  	[tilespmem:s22], [sflag:$0x1] =	stream.linear.gather [hbm4b:s14+s11], $0xFA0, $0x38;
	[tilespmem:$0x14A80] =	vst v63  }
0x73: {  	_ =	swait.ge [sflag:s23], $0xFA0  }
0x74: {  	[sflag:s23] =	ssyncset.done $0x0  }
0x75: {  	s13 =	sadd.s32 s7, s13;
	[sflag:s23] =	ssyncadd.s32 $0xFFFFF060  }
0x76: {  	[tilespmem:s28], [sflag:$0x1] =	stream.linear.gather [hbm4b:s13+s11], $0xFA0, $0x38;
	[tilespmem:$0x14A80] =	vst v63  }
0x77: {  	_ =	swait.ge [sflag:s23], $0xFA0  }
0x78: {  	[sflag:s23] =	ssyncset.done $0x0  }
0x79: {  	[sflag:s23] =	ssyncadd.s32 $0xFFFFF060  }
0x7a: {  	[tilespmem:s30], [sflag:$0x1] =	stream.indirect.gather [spmem:s1], $0x1, s22, s29, $0xb8;
	[tilespmem:$0x14A80] =	vst v63  }
0x7b: {  	_ =	swait.ge [sflag:s23], $0xFA0  }
0x7c: {  	[sflag:s23] =	ssyncset.done $0x0  }
0x7d: {  	s13 =	simm.s32 $0x0;
	[sflag:s23] =	ssyncadd.s32 $0xFFFFF060  }
0x7e: {  	v1 =	vld [tilespmem:s13+$0x11A80]  }
0x7f: {  	s14 =	simm.s32 $0x40  }
.LBB2_7:
0x80: {  	p0 =	sne.s32 s14, $0x3E40  }
.Ltmp2:
0x81: {  	_ = 	snop;
	(pc) =	sbr.rel @p0 .LBB2_7-.Ltmp2, $4  }
0x82: {  	_ = 	snop  }
0x83: {  	s15 =	sshra.s32 s14, $0x2;
	s14 =	sadd.s32 $0x40, s14;
	v2 =	vunpack.i.u.bf16.f32 v1;
	v3 =	vunpack.i.l.bf16.f32 v1  }
0x84: {  	v1 =	vld [tilespmem:s15+$0x11A80];
	[tilespmem:s13+$0x13A80] =	vst v2  }
0x85: {  	[tilespmem:s13+$0x12A80] =	vst v3;
	s13 =	smov.u32 s15  }
0x86: {  	_ =	sdelay $0x2  }
0x87: {  	v2 =	vunpack.i.u.bf16.f32 v1  }
0x88: {  	v1 =	vunpack.i.l.bf16.f32 v1;
	[tilespmem:s13+$0x13A80] =	vst v2  }
0x89: {  	[tilespmem:s13+$0x12A80] =	vst v1  }
0x8a: {  	[spmem:s2] =	stream.indirect.scatter.add.f32 [tilespmem:s31], [sflag:$0x1], $0x1, s28, s29, $0xb8;
	[tilespmem:$0x14A80] =	vst v63  }
0x8b: {  	s12 =	sadd.s32 $0x1, s12;
	_ =	swait.ge [sflag:s23], $0xFA0  }
0x8c: {  	p0 =	sne.s32 s12, $0x32;
	[sflag:s23] =	ssyncset.done $0x0  }
.Ltmp3:
0x8d: {  	[sflag:s23] =	ssyncadd.s32 $0xFFFFF060;
	(pc) =	sbr.rel @p0 .LBB2_6-.Ltmp3, $4  }
0x8e: {  	[spmem:s4] =	stream.indirect.scatter.add.f32 [tilespmem:s0], [sflag:$0x1], $0x1, s28, s29, $0xb8;
	[tilespmem:$0x14A80] =	vst v63  }
0x8f: {  	_ =	swait.ge [sflag:s23], $0xFA0  }
0x90: {  	[sflag:s23] =	ssyncset.done $0x0  }
0x91: {  	[sflag:s23] =	ssyncadd.s32 $0xFFFFF060  }
0x92: {  	s11 =	stileid.u32  }
0x93: {  	s11 =	sshll.u32 s11, $0x6  }
0x94: {  	[bflag:$0x0] =	sbarrier.arrive $0xFFFF;
	s12 =	sshrl.u32 s16, $0x3;
	s11 =	sor.u32 $0x1C01, s11  }
0x95: {  	[hbm:s19@s3], [sflag:s11] =	dma.strided [spmem:s12@s8], $0x320, s23, $0x10   }
0x96: {  	s10 =	sadd.s32 $0x1, s10;
	_ =	swait.ge [sflag:s23], $0x320  }
0x97: {  	p0 =	sne.s32 s10, s21;
	[sflag:s23] =	ssyncset.done $0x0  }
.Ltmp4:
0x98: {  	s15 =	sshrl.u32 s17, $0x3;
	[sflag:s23] =	ssyncadd.s32 $0xFFFFFCE0;
	(pc) =	sbr.rel @p0 .LBB2_1-.Ltmp4, $4  }
0x99: {  	[hbm:s20@s3], [sflag:s11] =	dma.strided [spmem:s15@s8], $0x320, s23, $0x10   }
0x9a: {  	_ =	swait.ge [sflag:s23], $0x320  }
0x9b: {  	[sflag:s23] =	ssyncset.done $0x0  }
0x9c: {  	[sflag:s23] =	ssyncadd.s32 $0xFFFFFCE0  }
0x9d: {  	_ =	sfence.sel $0x180000  }
0x9e: {  	[bflag:$0x0] =	sbarrier.arrive $0xFFFF  }
0x9f: {  	_ =	strace $0x90000050  }
0xa0: {  	s0 =	stileid.u32;
	[bflag:$0x2] =	sbarrier.arrive $0xFFFF  }
0xa1: {  	p0 =	sne.s32 s0, $0x0;
	s0 =	rddreg [dreg:$0x5]  }
0xa2: {  	s0 =	sadd.s32 @!p0 $0x100000, s0  }
0xa3: {  	[sflag:s0] =	ssyncadd.tile.s32 @!p0 $0x1;
	_ =	shalt  }
.Lfunc_end2:
_tile_overlayer_lowered:
.L_overlay_start_2:
0xa4: {  	(tag) =	ssettag $0x2  }
0xa5: {  	s0 =	rddreg [dreg:$0x0];
	s2 =	stileid.u32  }
0xa6: {  	s1 =	rddreg [dreg:$0x1];
	p0 =	sne.s32 s2, $0x0  }
0xa7: {  	s3 =	rddreg [dreg:$0x2];
	[bflag:$0x3] =	sbarrier.arrive $0xFFFF;
	s2 =	simm.s32 @!p0 $0x1C01  }
0xa8: {  	[timem:s3], [sflag:s2] =	dma.local @!p0 [hbm:s0], s1  }
0xa9: {  	s0 =	simm.s32 @!p0 $0x1  }
0xaa: {  	_ =	swait.ge @!p0 [sflag:s0], s1  }
0xab: {  	s1 =	ssub.s32 @!p0 $0x0, s1;
	[sflag:s0] =	ssyncset.done @!p0 $0x0  }
0xac: {  	[sflag:s0] =	ssyncadd.s32 @!p0 s1  }
0xad: {  	[bflag:$0x3] =	sbarrier.arrive $0xFFFF  }
0xae: {  	_ =	shalt  }

// kernel: kernel.19.cloned.1.call-start
scs
__scs_entry_jumppad:
0x0: {  	(pc) =	sbr.rel $0x88, $3  }
0x1: {  	(tag) =	ssettag $0x0;
	lr =	simm.s32 $0x1  }
0x2: {  	[smem:$0x3F99] =	sst lr;
	_ =	strace $0xD0000000  }
0x3: {  	_ = 	snop  }
0x4: {  	_ = 	snop  }
0x5: {  	_ = 	snop  }
0x6: {  	_ = 	snop  }
0x7: {  	_ = 	snop  }
__scs_overlays_trampoline_lowered:
0x8: {  	[smem:$0x3FA8] =	sst s0  }
0x9: {  	[smem:$0x3FA9] =	sst s1  }
0xa: {  	[smem:$0x3FAA] =	sst s2  }
0xb: {  	[smem:$0x3FAB] =	sst s3  }
0xc: {  	[smem:$0x3FAC] =	sst s4  }
0xd: {  	[smem:$0x3FAD] =	sst s5  }
0xe: {  	[smem:$0x3FAE] =	sst s6  }
0xf: {  	[smem:$0x3FAF] =	sst s7  }
0x10: {  	[smem:$0x3FB0] =	sst s8  }
0x11: {  	[smem:$0x3FB1] =	sst s9;
	s0 =	simm.s32 @!p0 $0x0  }
0x12: {  	s1 =	sld [smem:$0x3F97];
	s0 =	simm.s32 @p0 $0x1  }
0x13: {  	[smem:$0x3FB2] =	sst s0;
	s0 =	simm.s32 @!p1 $0x0  }
0x14: {  	s2 =	sld [smem:$0x3F96];
	s0 =	simm.s32 @p1 $0x1  }
0x15: {  	[smem:$0x3FB3] =	sst s0;
	s0 =	simm.s32 @!p2 $0x0  }
0x16: {  	s3 =	sld [smem:$0x3FDB];
	s0 =	simm.s32 @p2 $0x1  }
0x17: {  	s4 =	simm.s32 $0x1BF5;
	[smem:$0x3FB5] =	sst s0  }
0x18: {  	s0 =	sld [smem:$0x3F98];
	_ =	swait.ge [sflag:s4], $0x0  }
0x19: {  	s7 =	sld [smem:$0x3F99]  }
0x1a: {  	s8 =	sadd.s32 $0xFFFFE003, lr  }
0x1b: {  	s9 =	sadd.s32 $0xFFFFFEF7, lr;
	s5 =	simm.s32 $0xFFFFFFFF;
	p2 =	slt.u32 s8, $0xFFFFF086  }
0x1c: {  	p1 =	slt.u32 s9, $0xF7A;
	s5 =	simm.s32 @!p2 $0x0  }
0x1d: {  	s5 =	simm.s32 @p1 $0x1;
	p0 =	seq.s32 s7, s2  }
0x1e: {  	s7 =	smul.u32 @!p0 $0xF7A, s2;
	p2 =	seq.s32 @!p0 s5, $0x0  }
0x1f: {  	s9 =	smul.u32 $0xF7A, s1;
	s8 =	simm.s32 @!p0 $0x1BF5;
	p2 =	por !p2, p0  }
0x20: {  	[sflag:s8] =	ssyncset.s32 @!p0 $0xFFFFF086;
	s6 =	sadd.s32 @!p0 s3, s7;
	s7 =	simm.s32 @!p0 $0x108  }
0x21: {  	s3 =	sadd.s32 s3, s9;
	s6 =	sadd.s32 @!p0 $0x88, s6;
	s7 =	simm.s32 @p2 $0x1082  }
0x22: {  	[simem:s7], [sflag:s8] =	dma.local @!p0 [hbm:s6], $0xF7A  }
0x23: {  	s9 =	sor.u32 $0xD0000000, s2;
	s6 =	simm.s32 $0x108;
	_ =	swait.ge @!p0 [sflag:s8], $0x0  }
0x24: {  	s3 =	sadd.s32 $0x88, s3;
	s6 =	simm.s32 @!p1 $0x1082;
	[sflag:s4] =	ssyncset.s32 $0xFFFFF086  }
0x25: {  	[simem:s6], [sflag:s4] =	dma.local [hbm:s3], $0xF7A  }
0x26: {  	[smem:$0x3F99] =	sst s1;
	(tag) =	ssettag s2;
	_ =	strace s9  }
0x27: {  	s1 =	sld [smem:$0x3FA9]  }
0x28: {  	s2 =	sld [smem:$0x3FAA]  }
0x29: {  	s4 =	sld [smem:$0x3FAC]  }
0x2a: {  	p0 =	seq.s32 s5, $0x0;
	s5 =	sld [smem:$0x3FAD]  }
0x2b: {  	s6 =	sld [smem:$0x3FAE]  }
0x2c: {  	s7 =	sld [smem:$0x3FAF]  }
0x2d: {  	s3 =	simm.s32 $0x108;
	s8 =	sld [smem:$0x3FB0]  }
0x2e: {  	s3 =	simm.s32 @!p0 $0x1082;
	s9 =	sld [smem:$0x3FB1]  }
0x2f: {  	lr =	sadd.s32 s0, s3;
	s0 =	sld [smem:$0x3FA8]  }
0x30: {  	s3 =	sld [smem:$0x3FAB]  }
0x31: {  	[smem:$0x3FB4] =	sst s10  }
0x32: {  	s10 =	sld [smem:$0x3FB2];
	_ =	sdelay $0x3  }
0x33: {  	p0 =	seq.s32 s10, $0x1;
	s10 =	sld [smem:$0x3FB4];
	_ =	sdelay $0x3  }
0x34: {  	[smem:$0x3FB4] =	sst s10  }
0x35: {  	s10 =	sld [smem:$0x3FB3];
	_ =	sdelay $0x3  }
0x36: {  	p1 =	seq.s32 s10, $0x1;
	s10 =	sld [smem:$0x3FB4];
	_ =	sdelay $0x3  }
0x37: {  	[smem:$0x3FB4] =	sst s10  }
0x38: {  	s10 =	sld [smem:$0x3FB5]  }
0x39: {  	_ = 	snop;
	(pc) =	sbr.ind lr, $3  }
0x3a: {  	_ = 	snop  }
0x3b: {  	_ = 	snop  }
0x3c: {  	p2 =	seq.s32 s10, $0x1;
	s10 =	sld [smem:$0x3FB4]  }
0x3d: {  	_ =	shalt  }
0x3e: {  	_ =	shalt  }
0x3f: {  	_ =	shalt  }
0x40: {  	_ =	shalt  }
0x41: {  	_ =	shalt  }
0x42: {  	_ =	shalt  }
0x43: {  	_ =	shalt  }
0x44: {  	_ =	shalt  }
0x45: {  	_ =	shalt  }
0x46: {  	_ =	shalt  }
0x47: {  	_ =	shalt  }
0x48: {  	_ =	shalt  }
0x49: {  	_ =	shalt  }
0x4a: {  	_ =	shalt  }
0x4b: {  	_ =	shalt  }
0x4c: {  	_ =	shalt  }
0x4d: {  	_ =	shalt  }
0x4e: {  	_ =	shalt  }
0x4f: {  	_ =	shalt  }
0x50: {  	_ =	shalt  }
0x51: {  	_ =	shalt  }
0x52: {  	_ =	shalt  }
0x53: {  	_ =	shalt  }
0x54: {  	_ =	shalt  }
0x55: {  	_ =	shalt  }
0x56: {  	_ =	shalt  }
0x57: {  	_ =	shalt  }
0x58: {  	_ =	shalt  }
0x59: {  	_ =	shalt  }
0x5a: {  	_ =	shalt  }
0x5b: {  	_ =	shalt  }
0x5c: {  	_ =	shalt  }
0x5d: {  	_ =	shalt  }
0x5e: {  	_ =	shalt  }
0x5f: {  	_ =	shalt  }
0x60: {  	_ =	shalt  }
0x61: {  	_ =	shalt  }
0x62: {  	_ =	shalt  }
0x63: {  	_ =	shalt  }
0x64: {  	_ =	shalt  }
0x65: {  	_ =	shalt  }
0x66: {  	_ =	shalt  }
0x67: {  	_ =	shalt  }
0x68: {  	_ =	shalt  }
0x69: {  	_ =	shalt  }
0x6a: {  	_ =	shalt  }
0x6b: {  	_ =	shalt  }
0x6c: {  	_ =	shalt  }
0x6d: {  	_ =	shalt  }
0x6e: {  	_ =	shalt  }
0x6f: {  	_ =	shalt  }
0x70: {  	_ =	shalt  }
0x71: {  	_ =	shalt  }
0x72: {  	_ =	shalt  }
0x73: {  	_ =	shalt  }
0x74: {  	_ =	shalt  }
0x75: {  	_ =	shalt  }
0x76: {  	_ =	shalt  }
0x77: {  	_ =	shalt  }
0x78: {  	_ =	shalt  }
0x79: {  	_ =	shalt  }
0x7a: {  	_ =	shalt  }
0x7b: {  	_ =	shalt  }
0x7c: {  	_ =	shalt  }
0x7d: {  	_ =	shalt  }
0x7e: {  	_ =	shalt  }
0x7f: {  	_ =	shalt  }
0x80: {  	_ =	shalt  }
0x81: {  	_ =	shalt  }
0x82: {  	_ =	shalt  }
0x83: {  	_ =	shalt  }
0x84: {  	_ =	shalt  }
0x85: {  	_ =	shalt  }
0x86: {  	_ =	shalt  }
0x87: {  	_ =	shalt  }
.Lfunc_end0:
.L_simem_size_0:
called_computation.4_lowered:
.L_overlay_start_0:
0x88: {  	s2 =	sld [smem:$0x3FD9]  }
0x89: {  	s3 =	sld [smem:$0x3FFE];
	_ =	sdelay $0x1  }
0x8a: {  	s1 =	srdreg.scid  }
0x8b: {  	s0 =	sand.u32 $0x1, s1  }
0x8c: {  	s17 =	sshll.u32 s0, $0xA;
	s2 =	sadd.s32 s3, s2  }
0x8d: {  	s2 =	sadd.s32 s2, s17  }
0x8e: {  	[smem:$0x3FC0] =	sst s2  }
0x8f: {  	_ = 	snop  }
0x90: {  	s2 =	sld [smem:$0x3FD0];
	(tm) =	ssettm $0x1  }
0x91: {  	s18 =	sld [smem:$0x3FFB];
	_ =	sdelay $0x3  }
0x92: {  	_ =	strace s18  }
0x93: {  	s3 =	sld [smem:$0x3FFC];
	_ =	sdelay $0x3  }
0x94: {  	_ =	strace s3  }
0x95: {  	s3 =	sld [smem:$0x3FFD];
	_ =	sdelay $0x3  }
0x96: {  	_ =	strace s3  }
0x97: {  	_ =	strace $0x8FFFFFFF  }
0x98: {  	s19 =	sld [smem:$0x3FDB];
	_ =	sdelay $0x1  }
0x99: {  	s4 =	simm.s32 $_scs_section_size  }
0x9a: {  	s5 =	simm.s32 $_size__tile_overlayer_lowered;
	s6 =	simm.s32 $_tile_overlayer_lowered  }
0x9b: {  	s22 =	simm.s32 $0x1BFF;
	s21 =	sshll.u32 s6, $0x1;
	s3 =	sadd.s32 s4, s19  }
0x9c: {  	s7 =	simm.s32 $0x0;
	s20 =	sshll.u32 s5, $0x1;
	s5 =	sadd.s32 s21, s3  }
0x9d: {  	[timem:s7], [sflag:s22] =	dma.local [hbm:s5], s20  }
0x9e: {  	_ =	swait.ge [sflag:s22], s20  }
0x9f: {  	s4 =	ssub.s32 $0x0, s20;
	[sflag:s22] =	ssyncset.done $0x0  }
0xa0: {  	[sflag:s22] =	ssyncadd.s32 s4;
	_ =	sdelay $0x1  }
0xa1: {  	s23 =	simm.s32 $0x1B8B  }
0xa2: {  	_ =	swait.ge [sflag:s23], $0x1  }
0xa3: {  	[sflag:s23] =	ssyncset.done $0x0  }
0xa4: {  	s25 =	simm.s32 $0x1B8E;
	s24 =	sld [smem:$0x3FFE];
	[sflag:s23] =	ssyncadd.s32 $0xFFFFFFFF  }
0xa5: {  	s26 =	simm.s32 $execute0_lowered;
	[smem:$0x3FD2] =	sst s25  }
0xa6: {  	s5 =	sshll.u32 s26, $0x1;
	_ =	strace $0x80000052;
	[dreg:$0x1] =	wrdreg $0xFFFFFFFF  }
0xa7: {  	s28 =	simm.s32 $_size_execute0_lowered;
	s3 =	sadd.s32 s3, s5;
	[dreg:$0x0] =	wrdreg $0x0  }
0xa8: {  	s5 =	sshll.u32 s28, $0x1;
	[dreg:$0x2] =	wrdreg s3  }
0xa9: {  	[dreg:$0x3] =	wrdreg s5  }
0xaa: {  	[dreg:$0x4] =	wrdreg $0xC0  }
0xab: {  	_ =	task [dreg:s7], $0x5FFFF  }
0xac: {  	[dreg:$0x1] =	wrdreg $0xFFFFFFFF  }
0xad: {  	[dreg:$0x0] =	wrdreg $0x60  }
0xae: {  	[dreg:$0x2] =	wrdreg s24  }
0xaf: {  	[dreg:$0x3] =	wrdreg s2  }
0xb0: {  	[dreg:$0x4] =	wrdreg $0x0  }
0xb1: {  	[dreg:$0x5] =	wrdreg $0x19000  }
0xb2: {  	[dreg:$0x6] =	wrdreg $0x32000  }
0xb3: {  	[dreg:$0x7] =	wrdreg $0x9  }
0xb4: {  	_ =	task.clear_ibuf [dreg:s7], $0x8FFFF;
	_ =	strace $0x90000052  }
0xb5: {  	s29 =	simm.s32 $0x9;
	_ =	strace $0x80000054  }
0xb6: {  	_ =	swait.ge [sflag:s29], $0x1  }
0xb7: {  	[sflag:s29] =	ssyncadd.s32 $0xFFFFFFFF  }
0xb8: {  	_ =	strace $0x90000054  }
0xb9: {  	_ =	sfence  }
0xba: {  	s30 =	sld [smem:$0x0];
	_ =	sdelay $0x2  }
0xbb: {  	s31 =	sshll.u32 s1, $0xD;
	s1 =	sshrl.u32 s1, $0x2  }
0xbc: {  	s3 =	sand.u32 $0x4000, s31;
	s1 =	sadd.s32 s1, s30  }
0xbd: {  	s0 =	sor.u32 s3, s0;
	s1 =	sshll.u32 s1, $0x11  }
0xbe: {  	s0 =	sor.u32 s1, s0  }
0xbf: {  	s0 =	sadd.s32 $0x8F2B, s0  }
0xc0: {  	[sflag:s0] =	ssyncadd.remote.s32 $0x1  }
0xc1: {  	_ =	sfence.sel $0xFFFF  }
0xc2: {  	[dreg:$0x0] =	wrdreg $0xFFFFFFFF;
	(pc) =	sbr.abs _section_cstart, $3  }
0xc3: {  	[dreg:$0x1] =	wrdreg $0xFFFFFFFF  }
0xc4: {  	_ =	task.clear_ibuf [dreg:s7], $0x2FFFF;
	_ =	strace $0x9FFFFFFF  }
0xc5: {  	(tm) =	ssettm $0x7FFFFFFF  }
tec
execute0_lowered:
.L_overlay_start_1:
0x0: {  	(tag) =	ssettag $0x1  }
0x1: {  	s0 =	rddreg [dreg:$0x0]  }
0x2: {  	s2 =	rddreg [dreg:$0x2]  }
0x3: {  	s4 =	rddreg [dreg:$0x3]  }
0x4: {  	s5 =	rddreg [dreg:$0x4]  }
0x5: {  	s6 =	simm.s32 $0x0;
	s1 =	stileid.u32;
	s8 =	srdreg.scid  }
0x6: {  	s28 =	simm.s32 $0x6;
	s31 =	simm.s32 $0xFA0;
	[smem:$0x7FF] =	sst s6  }
0x7: {  	s3 =	smul.u32 $0x1900, s1;
	s7 =	sadd.s32 $0xC5800, s0;
	s10 =	sand.u32 $0x1, s8  }
0x8: {  	s8 =	sadd.s32 $0x2200, s0;
	s12 =	sadd.s32 $0x192A00, s0;
	s14 =	smul.u32 $0x640, s1  }
0x9: {  	s15 =	sadd.s32 $0x19C000, s0;
	_ =	strace $0x80000053;
	s11 =	ssub.s32 $0x2, s10  }
0xa: {  	s10 =	sshll.u32 s10, $0x4;
	s9 =	sshrl.u32 s3, $0x3;
	s30 =	sadd.s32 s12, s14  }
0xb: {  	s13 =	sshrl.u32 s11, $0x1;
	s16 =	sadd.s32 s15, s14;
	[dreg:$0x7] =	wrdreg s30  }
0xc: {  	s10 =	sor.u32 s1, s10;
	s21 =	sadd.s32 s3, s2;
	[dreg:$0x9] =	wrdreg s16  }
0xd: {  	s22 =	sadd.s32 s3, s4;
	s23 =	sadd.s32 s3, s5;
	[dreg:$0xe] =	wrdreg s21  }
0xe: {  	s1 =	simm.s32 $0x0;
	s9 =	sadd.s32 s9, s0;
	[dreg:$0xf] =	wrdreg s22  }
0xf: {  	s0 =	sadd.s32 $0x18F600, s0;
	[dreg:$0x10] =	wrdreg s23;
	s16 =	simm.s32 $0x1BC80  }
0x10: {  	s21 =	simm.s32 $0x1;
	[dreg:$0x6] =	wrdreg s0;
	s0 =	ssub.s32 s11, s13  }
0x11: {  	s13 =	sor.u32 $0x10, s14;
	s18 =	sadd.s32 $0x198E00, s9;
	s19 =	sadd.s32 $0x18C000, s9  }
0x12: {  	s20 =	sadd.s32 $0x18F800, s9;
	s11 =	simm.s32 $0x18C80;
	[dreg:$0xb] =	wrdreg s18  }
0x13: {  	s14 =	simm.s32 $0x1AC80;
	s12 =	sadd.s32 s12, s13;
	[dreg:$0xc] =	wrdreg s19  }
0x14: {  	s17 =	sadd.s32 s15, s13;
	s15 =	smul.u32 $0x186A0, s10;
	[dreg:$0xd] =	wrdreg s20  }
0x15: {  	s0 =	smax.u32 s0, $0x1;
	s10 =	simm.s32 $0xC880;
	[dreg:$0x8] =	wrdreg s12  }
0x16: {  	s13 =	simm.s32 $0x2;
	[dreg:$0xa] =	wrdreg s17;
	s24 =	sshrl.u32 s15, $0x3  }
0x17: {  	s18 =	simm.s32 $0x4;
	[dreg:$0x15] =	wrdreg s0;
	s25 =	sadd.s32 s7, s24  }
0x18: {  	s26 =	sadd.s32 s8, s24;
	s3 =	sadd.s32 $0x61A80, s24;
	[dreg:$0x11] =	wrdreg s25  }
0x19: {  	s19 =	simm.s32 $0x5;
	[dreg:$0x12] =	wrdreg s26;
	s29 =	sadd.s32 s7, s3  }
0x1a: {  	s20 =	simm.s32 $0x1DC80;
	s30 =	sadd.s32 s8, s3;
	[dreg:$0x13] =	wrdreg s29  }
0x1b: {  	v0 =	vimm.f32 $0.0e+00;
	s12 =	simm.s32 $0x19C80;
	s17 =	simm.s32 $0x3;
	[dreg:$0x14] =	wrdreg s30  }
.LBB2_1:
0x1c: {  	[dreg:$0x16] =	wrdreg s1  }
0x1d: {  	s0 =	rddreg [dreg:$0x6];
	s22 =	simm.s32 $0x4B00  }
0x1e: {  	[tilespmem:s22], [sflag:$0x6] =	stream.linear.gather [hbm4b:s0+s6], $0x80, $0x38;
	[tilespmem:$0x1EC80] =	vst v63  }
0x1f: {  	_ =	swait.ge [sflag:s28], $0x80  }
0x20: {  	s24 =	simm.s32 $0x80;
	s3 =	simm.s32 $0x100;
	[sflag:s28] =	ssyncset.done $0x0  }
0x21: {  	s9 =	simm.s32 $0x6480;
	s23 =	rddreg [dreg:$0x7];
	[sflag:s28] =	ssyncadd.s32 $0xFFFFFF80  }
0x22: {  	[tilespmem:s9], [sflag:$0x6] =	stream.strided.gather [hbm4b:s23+s24], $0x1900, s3, s24, $0x38;
	[tilespmem:$0x1EC80] =	vst v63  }
0x23: {  	_ =	swait.ge [sflag:s28], $0x1900  }
0x24: {  	[sflag:s28] =	ssyncset.done $0x0  }
0x25: {  	s26 =	simm.s32 $0x7D80;
	s25 =	rddreg [dreg:$0x8];
	[sflag:s28] =	ssyncadd.s32 $0xFFFFE700  }
0x26: {  	[tilespmem:s26], [sflag:$0x6] =	stream.strided.gather [hbm4b:s25+s24], $0x1900, s3, s24, $0x38;
	[tilespmem:$0x1EC80] =	vst v63  }
0x27: {  	_ =	swait.ge [sflag:s28], $0x1900  }
0x28: {  	[sflag:s28] =	ssyncset.done $0x0  }
0x29: {  	s30 =	simm.s32 $0x9680;
	s29 =	rddreg [dreg:$0x9];
	[sflag:s28] =	ssyncadd.s32 $0xFFFFE700  }
0x2a: {  	[tilespmem:s30], [sflag:$0x6] =	stream.strided.gather [hbm4b:s29+s24], $0x1900, s3, s24, $0x38;
	[tilespmem:$0x1EC80] =	vst v63  }
0x2b: {  	_ =	swait.ge [sflag:s28], $0x1900  }
0x2c: {  	[sflag:s28] =	ssyncset.done $0x0  }
0x2d: {  	s23 =	simm.s32 $0xAF80;
	s22 =	rddreg [dreg:$0xa];
	[sflag:s28] =	ssyncadd.s32 $0xFFFFE700  }
0x2e: {  	[tilespmem:s23], [sflag:$0x6] =	stream.strided.gather [hbm4b:s22+s24], $0x1900, s3, s24, $0x38;
	[tilespmem:$0x1EC80] =	vst v63  }
0x2f: {  	_ =	swait.ge [sflag:s28], $0x1900  }
0x30: {  	[sflag:s28] =	ssyncset.done $0x0  }
0x31: {  	s25 =	simm.s32 $0x4B80;
	s24 =	rddreg [dreg:$0xb];
	[sflag:s28] =	ssyncadd.s32 $0xFFFFE700  }
0x32: {  	[tilespmem:s25], [sflag:$0x6] =	stream.linear.gather [hbm4b:s24+s6], $0x1900, $0x38;
	[tilespmem:$0x1EC80] =	vst v63  }
0x33: {  	_ =	swait.ge [sflag:s28], $0x1900  }
0x34: {  	[sflag:s28] =	ssyncset.done $0x0  }
0x35: {  	s26 =	rddreg [dreg:$0xc];
	[sflag:s28] =	ssyncadd.s32 $0xFFFFE700  }
0x36: {  	[tilespmem:s10], [sflag:$0x6] =	stream.linear.gather [hbm4b:s26+s6], $0x1900, $0x38;
	[tilespmem:$0x1EC80] =	vst v63  }
0x37: {  	_ =	swait.ge [sflag:s28], $0x1900  }
0x38: {  	[sflag:s28] =	ssyncset.done $0x0  }
0x39: {  	s30 =	simm.s32 $0xE180;
	s29 =	rddreg [dreg:$0xd];
	[sflag:s28] =	ssyncadd.s32 $0xFFFFE700  }
0x3a: {  	[tilespmem:s30], [sflag:$0x6] =	stream.linear.gather [hbm4b:s29+s6], $0x1900, $0x38;
	[tilespmem:$0x1EC80] =	vst v63  }
0x3b: {  	_ =	swait.ge [sflag:s28], $0x1900  }
0x3c: {  	[sflag:s28] =	ssyncset.done $0x0  }
0x3d: {  	[sflag:s28] =	ssyncadd.s32 $0xFFFFE700  }
0x3e: {  	s0 =	simm.s32 $0x0;
	v1 =	vld [tilespmem:$0x4B00]  }
0x3f: {  	v2 =	vld [tilespmem:s0+$0x6480]  }
0x40: {  	v3 =	vld [tilespmem:s0+$0x7D80]  }
0x41: {  	v4 =	vld [tilespmem:s0+$0x9680]  }
0x42: {  	v5 =	vld [tilespmem:s0+$0xAF80]  }
0x43: {  	v7 =	vld [tilespmem:s0+$0xC880]  }
0x44: {  	v6 =	vld [tilespmem:s0+$0xE180]  }
0x45: {  	v8 =	vld [tilespmem:s0+$0x4B80]  }
0x46: {  	v2 =	vadd.f32 v3, v2  }
0x47: {  	v3 =	vadd.f32 v5, v4  }
0x48: {  	v4 =	vbroadcast v1, $0x9;
	v7 =	vadd.f32 v7, v2  }
0x49: {  	v5 =	vbroadcast v1, $0xA;
	v6 =	vadd.f32 v6, v3;
	v2 =	vbroadcast v1, $0xD  }
0x4a: {  	v3 =	vbroadcast v1, $0xE;
	v10 =	vmul.f32 v7, v8  }
0x4b: {  	v12 =	vmul.f32 v6, v8;
	v6 =	vbroadcast v1, $0xB  }
0x4c: {  	v7 =	vbroadcast v1, $0xC;
	v1 =	vbroadcast v1, $0xF  }
0x4d: {  	v9 =	vpack.i.f32.bf16 v12, v10;
	v13 =	vmul.f32 v10, v2;
	v14 =	vmul.f32 v12, v3  }
0x4e: {  	s3 =	simm.s32 $0x10;
	v8 =	vld [tilespmem:$0x4B10];
	v15 =	vmul.f32 v10, v4;
	v16 =	vmul.f32 v12, v5;
	[tilespmem:s0+$0xFA80] =	vst v9  }
0x4f: {  	v11 =	vmul.f32 v10, v6;
	v12 =	vmul.f32 v12, v7;
	v9 =	vld [tilespmem:s3+$0x6480];
	v14 =	vadd.f32 v14, v13  }
0x50: {  	s9 =	simm.s32 $0x80;
	v10 =	vld [tilespmem:s3+$0x7D80];
	v13 =	vadd.f32 v16, v15  }
.LBB2_2:
0x51: {  	p0 =	sne.s32 s9, $0x63C0;
	v15 =	vld [tilespmem:s3+$0x9680];
	v11 =	vadd.f32 v12, v11;
	v12 =	vadd.f32 v14, v1  }
0x52: {  	v14 =	vld [tilespmem:s3+$0xAF80];
	v13 =	vadd.f32 v13, v2  }
0x53: {  	v16 =	vld [tilespmem:s3+$0xE180];
	v11 =	vadd.f32 v11, v3;
	[tilespmem:s0+$0xC880] =	vst v12  }
0x54: {  	v12 =	vld [tilespmem:s3+$0xC880]  }
0x55: {  	v11 =	vpack.i.f32.bf16 v11, v13  }
0x56: {  	v13 =	vld [tilespmem:s3+$0x4B80];
	[tilespmem:s0+$0x11380] =	vst v11;
	s0 =	smov.u32 s3  }
0x57: {  	v9 =	vadd.f32 v10, v9;
	v10 =	vadd.f32 v14, v15;
	_ =	sdelay $0x1  }
0x58: {  	v9 =	vadd.f32 v12, v9;
	v10 =	vadd.f32 v16, v10;
	_ =	sdelay $0x1  }
0x59: {  	v11 =	vmul.f32 v9, v13;
	v10 =	vmul.f32 v10, v13  }
.Ltmp0:
0x5a: {  	(pc) =	sbr.rel @p0 .LBB2_2-.Ltmp0, $4  }
0x5b: {  	v9 =	vpack.i.f32.bf16 v10, v11;
	v13 =	vmul.f32 v11, v2;
	v14 =	vmul.f32 v10, v3  }
0x5c: {  	s3 =	sshra.s32 s9, $0x2;
	v15 =	vmul.f32 v11, v4;
	v16 =	vmul.f32 v10, v5;
	[tilespmem:s0+$0xFA80] =	vst v9  }
0x5d: {  	v11 =	vmul.f32 v11, v6;
	v12 =	vmul.f32 v10, v7;
	v9 =	vld [tilespmem:s3+$0x6480];
	v14 =	vadd.f32 v14, v13  }
0x5e: {  	s9 =	sadd.s32 $0x40, s9;
	v13 =	vadd.f32 v16, v15;
	v10 =	vld [tilespmem:s3+$0x7D80]  }
0x5f: {  	v15 =	vld [tilespmem:s3+$0x9680]  }
0x60: {  	v14 =	vadd.f32 v14, v1;
	v16 =	vld [tilespmem:s3+$0xAF80];
	_ =	sdelay $0x1  }
0x61: {  	v17 =	vld [tilespmem:s3+$0xE180];
	[tilespmem:s0+$0xC880] =	vst v14  }
0x62: {  	v14 =	vld [tilespmem:s3+$0xC880]  }
0x63: {  	v54 =	vld [tilespmem:s3+$0x4B80]  }
0x64: {  	(v2sf) =	vpush v8, $0x0;
	v15 =	vadd.f32 v16, v15  }
0x65: {  	v9 =	vadd.f32 v10, v9  }
0x66: {  	v56 =	vadd.f32 v17, v15  }
0x67: {  	v55 =	vadd.f32 v14, v9  }
0x68: {  	v9 =	vmul.f32 v56, v54  }
0x69: {  	v8 =	vmul.f32 v55, v54  }
0x6a: {  	v58 =	vmul.f32 v9, v3;
	v5 =	vmul.f32 v9, v5  }
0x6b: {  	v11 =	vadd.f32 v12, v11;
	v7 =	vmul.f32 v9, v7;
	v57 =	vmul.f32 v8, v2  }
0x6c: {  	v59 =	vadd.f32 v13, v2;
	v4 =	vmul.f32 v8, v4;
	v6 =	vmul.f32 v8, v6  }
0x6d: {  	v11 =	vadd.f32 v11, v3;
	v10 =	vadd.f32 v58, v57  }
0x6e: {  	v4 =	vadd.f32 v5, v4;
	v60 =	vadd.f32 v7, v6  }
0x6f: {  	v61 =	vpack.i.f32.bf16 v11, v59;
	v62 =	vadd.f32 v10, v1  }
0x70: {  	[tilespmem:s0+$0x11380] =	vst v61;
	v63 =	vpack.i.f32.bf16 v9, v8;
	v2 =	vadd.f32 v4, v2;
	v3 =	vadd.f32 v60, v3  }
0x71: {  	[tilespmem:s3+$0xFA80] =	vst v63  }
0x72: {  	[tilespmem:s3+$0xC880] =	vst v62;
	v2 =	vpack.i.f32.bf16 v3, v2  }
0x73: {  	s1 =	rddreg [dreg:$0xe];
	s25 =	simm.s32 $0xFA80;
	s24 =	spop (v2sf);
	[tilespmem:s3+$0x11380] =	vst v2  }
0x74: {  	[spmem:s1] =	stream.linear.scatter [tilespmem:s25], [sflag:$0x6], $0x1900, $0x38;
	[tilespmem:$0x1EC80] =	vst v63  }
0x75: {  	_ =	swait.ge [sflag:s28], $0x1900  }
0x76: {  	[sflag:s28] =	ssyncset.done $0x0  }
0x77: {  	s29 =	simm.s32 $0x11380;
	s26 =	rddreg [dreg:$0xf];
	[sflag:s28] =	ssyncadd.s32 $0xFFFFE700  }
0x78: {  	[spmem:s26] =	stream.linear.scatter [tilespmem:s29], [sflag:$0x6], $0x1900, $0x38;
	[tilespmem:$0x1EC80] =	vst v63  }
0x79: {  	_ =	swait.ge [sflag:s28], $0x1900  }
0x7a: {  	p0 =	sgt.f32 s24, $5.000000000e-01;
	[sflag:s28] =	ssyncset.done $0x0  }
.Ltmp1:
0x7b: {  	s30 =	rddreg [dreg:$0x10];
	[sflag:s28] =	ssyncadd.s32 $0xFFFFE700;
	(pc) =	sbr.rel @p0 .LBB2_11-.Ltmp1, $4  }
0x7c: {  	[spmem:s30] =	stream.linear.scatter [tilespmem:s10], [sflag:$0x6], $0x1900, $0x38;
	[tilespmem:$0x1EC80] =	vst v63  }
0x7d: {  	_ =	swait.ge [sflag:s28], $0x1900  }
0x7e: {  	[sflag:s28] =	ssyncset.done $0x0  }
0x7f: {  	s0 =	simm.s32 $0x0;
	[sflag:s28] =	ssyncadd.s32 $0xFFFFE700  }
0x80: {  	s3 =	simm.s32 $0x40;
	s9 =	simm.s32 $0x0  }
.LBB2_5:
0x81: {  	p1 =	sne.s32 s3, $0x3E40;
	[tilespmem:s9+$0x16C80] =	vst v0;
	s9 =	smov.u32 s3;
	s3 =	sadd.s32 $0x40, s3  }
.Ltmp2:
0x82: {  	(pc) =	sbr.rel @p1 .LBB2_5-.Ltmp2, $2  }
0x83: {  	_ =	sdelay $0x2  }
0x84: {  	s9 =	sshra.s32 s9, $0x2  }
0x85: {  	[tilespmem:s9+$0x16C80] =	vst v0  }
.LBB2_7:
0x86: {  	p1 =	sne.s32 s0, $0x3E40  }
.Ltmp3:
0x87: {  	_ = 	snop;
	(pc) =	sbr.rel @p1 .LBB2_7-.Ltmp3, $3  }
0x88: {  	_ =	sdelay $0x1  }
0x89: {  	s3 =	sshra.s32 s0, $0x2  }
0x8a: {  	s0 =	sadd.s32 $0x40, s0;
	[tilespmem:s3+$0x1CC80] =	vst v0  }
0x8b: {  	s0 =	simm.s32 $0x0  }
0x8c: {  	s3 =	simm.s32 $0x40;
	v2 =	vld [tilespmem:s0+$0x16C80]  }
.LBB2_9:
0x8d: {  	p1 =	sne.s32 s3, $0x3E40;
	v3 =	vld [tilespmem:s0+$0x1CC80];
	_ =	sdelay $0x2  }
.Ltmp4:
0x8e: {  	(pc) =	sbr.rel @p1 .LBB2_9-.Ltmp4, $4  }
0x8f: {  	v2 =	vadd.f32 v2, v1  }
0x90: {  	v3 =	vadd.f32 v3, v1  }
0x91: {  	s9 =	sshra.s32 s3, $0x2;
	[tilespmem:s0+$0x16C80] =	vst v2  }
0x92: {  	s3 =	sadd.s32 $0x40, s3;
	v2 =	vld [tilespmem:s9+$0x16C80];
	[tilespmem:s0+$0x1CC80] =	vst v3;
	s0 =	smov.u32 s9  }
0x93: {  	v3 =	vld [tilespmem:s0+$0x1CC80];
	_ =	sdelay $0x3  }
0x94: {  	v2 =	vadd.f32 v2, v1  }
0x95: {  	v1 =	vadd.f32 v3, v1  }
0x96: {  	[tilespmem:s0+$0x16C80] =	vst v2  }
0x97: {  	[tilespmem:s0+$0x1CC80] =	vst v1  }
.LBB2_11:
0x98: {  	[bflag:$0x0] =	sbarrier.arrive $0xFFFF  }
0x99: {  	s1 =	simm.s32 $0x12C80;
	s0 =	rddreg [dreg:$0x11]  }
0x9a: {  	[tilespmem:s1], [sflag:$0x6] =	stream.linear.gather [hbm4b:s0+s6], $0xFA0, $0x38;
	[tilespmem:$0x1EC80] =	vst v63  }
0x9b: {  	_ =	swait.ge [sflag:s28], $0xFA0  }
0x9c: {  	[sflag:s28] =	ssyncset.done $0x0  }
0x9d: {  	s3 =	simm.s32 $0x13C80;
	s24 =	rddreg [dreg:$0x12];
	[sflag:s28] =	ssyncadd.s32 $0xFFFFF060  }
0x9e: {  	[tilespmem:s3], [sflag:$0x6] =	stream.linear.gather [hbm4b:s24+s6], $0xFA0, $0x38;
	[tilespmem:$0x1EC80] =	vst v63  }
0x9f: {  	_ =	swait.ge [sflag:s28], $0xFA0  }
0xa0: {  	[sflag:s28] =	ssyncset.done $0x0  }
0xa1: {  	s25 =	simm.s32 $0x14C80;
	[sflag:s28] =	ssyncadd.s32 $0xFFFFF060  }
0xa2: {  	[tilespmem:s25], [sflag:$0x3] =	stream.indirect.gather [spmem:s2], $0x1, s1, s31, $0xb8;
	[tilespmem:$0x1EC80] =	vst v63  }
0xa3: {  	s26 =	simm.s32 $0x15C80  }
0xa4: {  	[tilespmem:s26], [sflag:$0x3] =	stream.indirect.gather [spmem:s4], $0x1, s3, s31, $0xb8;
	[tilespmem:$0x1EC80] =	vst v63  }
0xa5: {  	s0 =	simm.s32 @p0 $0x13C80;
	s24 =	simm.s32 @p0 $0xFA0;
	s3 =	simm.s32 @p0 $0x16C80  }
0xa6: {  	[tilespmem:s3], [sflag:$0x3] =	stream.indirect.gather @p0 [spmem:s5], $0x1, s0, s24, $0xb8;
	[tilespmem:$0x1EC80] =	vst v63  }
0xa7: {  	s29 =	rddreg [dreg:$0x13];
	s0 =	simm.s32 $0x0  }
0xa8: {  	[tilespmem:s11], [sflag:$0x2] =	stream.linear.gather [hbm4b:s29+s0], $0xFA0, $0x38;
	[tilespmem:$0x1EC80] =	vst v63  }
0xa9: {  	s30 =	rddreg [dreg:$0x14]  }
0xaa: {  	[tilespmem:s12], [sflag:$0x2] =	stream.linear.gather [hbm4b:s30+s0], $0xFA0, $0x38;
	[tilespmem:$0x1EC80] =	vst v63  }
.LBB2_12:
0xab: {  	_ =	swait.ge [sflag:s13], $0xFA0  }
0xac: {  	[sflag:s13] =	ssyncset.done $0x0  }
0xad: {  	[sflag:s13] =	ssyncadd.s32 $0xFFFFF060  }
0xae: {  	_ =	swait.ge [sflag:s13], $0xFA0  }
0xaf: {  	[sflag:s13] =	ssyncset.done $0x0  }
0xb0: {  	[sflag:s13] =	ssyncadd.s32 $0xFFFFF060  }
0xb1: {  	[tilespmem:s14], [sflag:$0x4] =	stream.indirect.gather [spmem:s2], $0x1, s11, s31, $0xb8;
	[tilespmem:$0x1EC80] =	vst v63  }
0xb2: {  	_ = 	snop  }
0xb3: {  	[tilespmem:s16], [sflag:$0x4] =	stream.indirect.gather [spmem:s4], $0x1, s12, s31, $0xb8;
	[tilespmem:$0x1EC80] =	vst v63  }
0xb4: {  	s3 =	simm.s32 @p0 $0x19C80;
	s9 =	simm.s32 @p0 $0x1CC80  }
0xb5: {  	[tilespmem:s9], [sflag:$0x4] =	stream.indirect.gather @p0 [spmem:s5], $0x1, s3, s24, $0xb8;
	[tilespmem:$0x1EC80] =	vst v63  }
0xb6: {  	s3 =	simm.s32 @p0 $0x3  }
0xb7: {  	_ =	swait.ge @p0 [sflag:s3], $0xFA0  }
0xb8: {  	[sflag:s3] =	ssyncset.done @p0 $0x0  }
0xb9: {  	[sflag:s3] =	ssyncadd.s32 @p0 $0xFFFFF060  }
0xba: {  	s25 =	sadd.s32 $0x1, s0;
	_ =	swait.ge [sflag:s17], $0xFA0  }
0xbb: {  	s30 =	smul.u32 $0xFA0, s25;
	[sflag:s17] =	ssyncset.done $0x0  }
0xbc: {  	[sflag:s17] =	ssyncadd.s32 $0xFFFFF060  }
0xbd: {  	p1 =	seq.s32 s0, $0x18;
	s3 =	sadd.s32 s15, s30;
	_ =	swait.ge [sflag:s17], $0xFA0  }
0xbe: {  	s22 =	simm.s32 @!p1 $0x0;
	s9 =	sshrl.u32 @!p1 s3, $0x3;
	[sflag:s17] =	ssyncset.done $0x0  }
0xbf: {  	s23 =	simm.s32 @!p1 $0x12C80;
	s10 =	sadd.s32 @!p1 s7, s9;
	[sflag:s17] =	ssyncadd.s32 $0xFFFFF060  }
0xc0: {  	[tilespmem:s23], [sflag:$0x1] =	stream.linear.gather @!p1 [hbm4b:s10+s22], $0xFA0, $0x38;
	[tilespmem:$0x1EC80] =	vst v63  }
0xc1: {  	s9 =	sadd.s32 @!p1 s8, s9;
	s10 =	simm.s32 @!p1 $0x13C80  }
0xc2: {  	[tilespmem:s10], [sflag:$0x1] =	stream.linear.gather @!p1 [hbm4b:s9+s22], $0xFA0, $0x38;
	[tilespmem:$0x1EC80] =	vst v63  }
0xc3: {  	s9 =	simm.s32 $0x0  }
0xc4: {  	v1 =	vld [tilespmem:s9+$0x14C80]  }
0xc5: {  	v2 =	vld [tilespmem:s9+$0x15C80];
	_ =	sdelay $0x3  }
0xc6: {  	v3 =	vunpack.i.u.bf16.f32 v1  }
0xc7: {  	s10 =	simm.s32 $0x10;
	v4 =	vunpack.i.l.bf16.f32 v1;
	v5 =	vunpack.i.u.bf16.f32 v2;
	v2 =	vunpack.i.l.bf16.f32 v2;
	v1 =	vld [tilespmem:s9+$0x16C80]  }
0xc8: {  	v4 =	vmul.f32 v2, v4;
	v2 =	vld [tilespmem:s10+$0x14C80]  }
0xc9: {  	v5 =	vmul.f32 v5, v3;
	v3 =	vld [tilespmem:s10+$0x15C80];
	_ =	sdelay $0x1  }
0xca: {  	s22 =	simm.s32 $0x80;
	v4 =	vadd.f32 v4, v5  }
.LBB2_13:
0xcb: {  	p2 =	sne.s32 s22, $0x3E40  }
.Ltmp5:
0xcc: {  	s23 =	sshra.s32 s22, $0x2;
	v5 =	vunpack.i.u.bf16.f32 v2;
	v4 =	vadd.f32 v4, v1;
	v1 =	vld [tilespmem:s10+$0x16C80];
	(pc) =	sbr.rel @p2 .LBB2_13-.Ltmp5, $3  }
0xcd: {  	s22 =	sadd.s32 $0x40, s22;
	v6 =	vunpack.i.l.bf16.f32 v2;
	v2 =	vld [tilespmem:s23+$0x14C80];
	v7 =	vunpack.i.u.bf16.f32 v3;
	v8 =	vunpack.i.l.bf16.f32 v3  }
0xce: {  	v3 =	vld [tilespmem:s23+$0x15C80];
	v6 =	vmul.f32 v8, v6;
	v5 =	vmul.f32 v7, v5;
	[tilespmem:s9+$0x17C80] =	vst v4;
	s9 =	smov.u32 s10;
	s10 =	smov.u32 s23;
	_ =	sdelay $0x1  }
0xcf: {  	v4 =	vadd.f32 v6, v5  }
0xd0: {  	_ = 	snop  }
0xd1: {  	v5 =	vunpack.i.u.bf16.f32 v2  }
0xd2: {  	v6 =	vld [tilespmem:s10+$0x16C80];
	v2 =	vunpack.i.l.bf16.f32 v2;
	v7 =	vunpack.i.u.bf16.f32 v3;
	v3 =	vunpack.i.l.bf16.f32 v3  }
0xd3: {  	v2 =	vmul.f32 v3, v2;
	v3 =	vmul.f32 v7, v5;
	_ =	sdelay $0x1  }
.Ltmp6:
0xd4: {  	v2 =	vadd.f32 v2, v3;
	(pc) =	sbr.rel @p1 .LBB2_17-.Ltmp6, $4  }
0xd5: {  	v1 =	vadd.f32 v4, v1  }
0xd6: {  	v2 =	vadd.f32 v2, v6  }
0xd7: {  	[tilespmem:s9+$0x17C80] =	vst v1  }
0xd8: {  	[tilespmem:s10+$0x17C80] =	vst v2  }
0xd9: {  	_ =	swait.ge [sflag:s21], $0xFA0  }
0xda: {  	[sflag:s21] =	ssyncset.done $0x0  }
0xdb: {  	[sflag:s21] =	ssyncadd.s32 $0xFFFFF060  }
0xdc: {  	_ =	swait.ge [sflag:s21], $0xFA0  }
.Ltmp7:
0xdd: {  	[sflag:s21] =	ssyncset.done $0x0;
	(pc) =	sbr.rel @p0 .LBB2_16-.Ltmp7, $4  }
0xde: {  	s1 =	simm.s32 $0x12C80;
	s9 =	simm.s32 $0x14C80;
	[sflag:s21] =	ssyncadd.s32 $0xFFFFF060  }
0xdf: {  	[tilespmem:s9], [sflag:$0x3] =	stream.indirect.gather [spmem:s2], $0x1, s1, s31, $0xb8;
	[tilespmem:$0x1EC80] =	vst v63  }
0xe0: {  	s30 =	simm.s32 $0x15C80;
	s1 =	simm.s32 $0x13C80  }
0xe1: {  	[tilespmem:s30], [sflag:$0x3] =	stream.indirect.gather [spmem:s4], $0x1, s1, s31, $0xb8;
	[tilespmem:$0x1EC80] =	vst v63  }
0xe2: {  	_ =	swait.ge [sflag:s18], $0xFA0  }
.Ltmp8:
0xe3: {  	[sflag:s18] =	ssyncset.done $0x0;
	(pc) =	sbr.rel .LBB2_18-.Ltmp8, $4  }
0xe4: {  	[sflag:s18] =	ssyncadd.s32 $0xFFFFF060  }
0xe5: {  	_ =	swait.ge [sflag:s18], $0xFA0  }
0xe6: {  	[sflag:s18] =	ssyncset.done $0x0  }
0xe7: {  	[sflag:s18] =	ssyncadd.s32 $0xFFFFF060  }
.LBB2_16:
0xe8: {  	s9 =	simm.s32 $0x16C80  }
0xe9: {  	[tilespmem:s9], [sflag:$0x3] =	stream.indirect.gather [spmem:s5], $0x1, s1, s31, $0xb8;
	[tilespmem:$0x1EC80] =	vst v63  }
.LBB2_17:
0xea: {  	_ =	swait.ge [sflag:s18], $0xFA0  }
0xeb: {  	[sflag:s18] =	ssyncset.done $0x0  }
0xec: {  	[sflag:s18] =	ssyncadd.s32 $0xFFFFF060  }
0xed: {  	_ =	swait.ge [sflag:s18], $0xFA0  }
.Ltmp9:
0xee: {  	[sflag:s18] =	ssyncset.done $0x0;
	(pc) =	sbr.rel @p1 .LBB2_19-.Ltmp9, $4  }
0xef: {  	s9 =	simm.s32 @p0 $0x4;
	[sflag:s18] =	ssyncadd.s32 $0xFFFFF060  }
0xf0: {  	_ =	swait.ge @p0 [sflag:s9], $0xFA0  }
0xf1: {  	[sflag:s9] =	ssyncset.done @p0 $0x0  }
0xf2: {  	[sflag:s9] =	ssyncadd.s32 @p0 $0xFFFFF060  }
.LBB2_18:
0xf3: {  	s3 =	sshrl.u32 s3, $0x3;
	p1 =	seq.s32 s0, $0x0  }
.Ltmp10:
0xf4: {  	s3 =	sadd.s32 $0x61A80, s3;
	(pc) =	sbr.rel @p1 .LBB2_20-.Ltmp10, $4  }
0xf5: {  	s9 =	sadd.s32 s7, s3  }
0xf6: {  	[tilespmem:s11], [sflag:$0x2] =	stream.linear.gather [hbm4b:s9+s6], $0xFA0, $0x38;
	[tilespmem:$0x1EC80] =	vst v63  }
0xf7: {  	s3 =	sadd.s32 s8, s3  }
0xf8: {  	[tilespmem:s12], [sflag:$0x2] =	stream.linear.gather [hbm4b:s3+s6], $0xFA0, $0x38;
	[tilespmem:$0x1EC80] =	vst v63  }
.LBB2_19:
0xf9: {  	_ =	swait.ge [sflag:s19], $0xFA0  }
0xfa: {  	[sflag:s19] =	ssyncset.done $0x0  }
0xfb: {  	[sflag:s19] =	ssyncadd.s32 $0xFFFFF060  }
.LBB2_20:
0xfc: {  	s29 =	simm.s32 $0x0  }
0xfd: {  	v1 =	vld [tilespmem:s29+$0x1AC80]  }
0xfe: {  	v2 =	vld [tilespmem:s29+$0x1BC80];
	_ =	sdelay $0x2  }
0xff: {  	s30 =	simm.s32 $0x10;
	v3 =	vld [tilespmem:s29+$0x17C80]  }
0x100: {  	v4 =	vld [tilespmem:s30+$0x1AC80]  }
0x101: {  	v7 =	vld [tilespmem:s30+$0x1BC80];
	v5 =	vunpack.i.l.bf16.f32 v1;
	v6 =	vunpack.i.l.bf16.f32 v2  }
0x102: {  	v5 =	vmul.f32 v6, v5  }
0x103: {  	v1 =	vunpack.i.u.bf16.f32 v1;
	v2 =	vunpack.i.u.bf16.f32 v2;
	v6 =	vld [tilespmem:s29+$0x1CC80]  }
0x104: {  	v1 =	vmul.f32 v2, v1;
	v2 =	vadd.f32 v5, v3;
	v3 =	vld [tilespmem:s30+$0x17C80]  }
0x105: {  	s22 =	simm.s32 $0x20  }
0x106: {  	v9 =	vld [tilespmem:s22+$0x1BC80];
	v8 =	vunpack.i.l.bf16.f32 v7;
	v1 =	vadd.f32 v2, v1;
	v2 =	vunpack.i.l.bf16.f32 v4  }
0x107: {  	v5 =	vld [tilespmem:s22+$0x1AC80];
	v2 =	vmul.f32 v8, v2  }
0x108: {  	v7 =	vunpack.i.u.bf16.f32 v7;
	v4 =	vunpack.i.u.bf16.f32 v4;
	v1 =	vadd.f32 v1, v6;
	v6 =	vld [tilespmem:s30+$0x1CC80]  }
0x109: {  	v4 =	vmul.f32 v7, v4;
	v2 =	vadd.f32 v2, v3  }
0x10a: {  	s23 =	simm.s32 $0x30;
	v3 =	vld [tilespmem:s22+$0x17C80];
	v1 =	vmul.f32 $-5.000000000e-01, v1  }
0x10b: {  	v10 =	vld [tilespmem:s23+$0x1BC80];
	v2 =	vadd.f32 v2, v4  }
0x10c: {  	v8 =	vunpack.i.l.bf16.f32 v9;
	v7 =	vunpack.i.l.bf16.f32 v5;
	v4 =	vld [tilespmem:s23+$0x1AC80];
	v1 =	vadd.f32 $0.0e+00, v1  }
0x10d: {  	v7 =	vmul.f32 v8, v7;
	v2 =	vadd.f32 v2, v6  }
0x10e: {  	v5 =	vunpack.i.u.bf16.f32 v5;
	v8 =	vunpack.i.u.bf16.f32 v9;
	v6 =	vld [tilespmem:s22+$0x1CC80];
	v1 =	vmul.f32 $1.442695020e+00, v1  }
0x10f: {  	v5 =	vmul.f32 v8, v5;
	v3 =	vadd.f32 v7, v3;
	v7 =	vld [tilespmem:s23+$0x17C80];
	v2 =	vmul.f32 $-5.000000000e-01, v2  }
0x110: {  	v8 =	vunpack.i.l.bf16.f32 v10;
	(erf) = vpow2.f32 v1  }
0x111: {  	v1 =	vadd.f32 v3, v5;
	v5 =	vunpack.i.l.bf16.f32 v4;
	v2 =	vadd.f32 $0.0e+00, v2  }
0x112: {  	v4 =	vunpack.i.u.bf16.f32 v4;
	v5 =	vmul.f32 v8, v5  }
0x113: {  	s9 =	simm.s32 $0x40;
	v8 =	vunpack.i.u.bf16.f32 v10;
	v1 =	vadd.f32 v1, v6;
	v6 =	vld [tilespmem:s23+$0x1CC80];
	v2 =	vmul.f32 $1.442695020e+00, v2  }
0x114: {  	v61 =	vld [tilespmem:s9+$0x1BC80];
	v4 =	vmul.f32 v8, v4;
	v5 =	vadd.f32 v5, v7  }
0x115: {  	v3 =	vld [tilespmem:s9+$0x1AC80];
	(erf) = vpow2.f32 v2  }
0x116: {  	v4 =	vadd.f32 v5, v4  }
0x117: {  	v1 =	vmul.f32 $-5.000000000e-01, v1  }
0x118: {  	v2 =	vld [tilespmem:s9+$0x17C80];
	v4 =	vadd.f32 v4, v6  }
0x119: {  	s10 =	simm.s32 $0x50;
	v1 =	vadd.f32 $0.0e+00, v1  }
0x11a: {  	v62 =	vld [tilespmem:s10+$0x1BC80];
	v8 =	vunpack.i.l.bf16.f32 v61;
	v7 =	vunpack.i.l.bf16.f32 v3;
	v4 =	vmul.f32 $-5.000000000e-01, v4  }
0x11b: {  	v5 =	vld [tilespmem:s10+$0x1AC80];
	v3 =	vunpack.i.u.bf16.f32 v3;
	v7 =	vmul.f32 v8, v7;
	v1 =	vmul.f32 $1.442695020e+00, v1;
	v6 =	vpop (erf)  }
0x11c: {  	v63 =	vld [tilespmem:s9+$0x1CC80];
	v8 =	vunpack.i.u.bf16.f32 v61;
	v6 =	vadd.f32 $1.000000000e+00, v6;
	v4 =	vadd.f32 $0.0e+00, v4  }
0x11d: {  	v3 =	vmul.f32 v8, v3;
	v2 =	vadd.f32 v7, v2;
	(erf) = vpow2.f32 v1  }
0x11e: {  	v7 =	vld [tilespmem:s10+$0x17C80];
	(erf) = vrcp.f32 v6;
	v4 =	vmul.f32 $1.442695020e+00, v4;
	v11 =	vpop (erf)  }
0x11f: {  	s3 =	simm.s32 $0x60;
	v10 =	vunpack.i.l.bf16.f32 v62;
	v3 =	vadd.f32 v2, v3;
	v11 =	vadd.f32 $1.000000000e+00, v11  }
0x120: {  	v1 =	vld [tilespmem:s3+$0x1AC80];
	v6 =	vunpack.i.u.bf16.f32 v5;
	v5 =	vunpack.i.l.bf16.f32 v5;
	(erf) = vpow2.f32 v4  }
0x121: {  	v2 =	vld [tilespmem:s3+$0x1BC80];
	v10 =	vmul.f32 v10, v5;
	v9 =	vadd.f32 v3, v63;
	(erf) = vrcp.f32 v11  }
0x122: {  	v8 =	vunpack.i.u.bf16.f32 v62;
	v3 =	vld [tilespmem:s10+$0x1CC80]  }
0x123: {  	v5 =	vmul.f32 v8, v6;
	v7 =	vadd.f32 v10, v7;
	v6 =	vmul.f32 $-5.000000000e-01, v9  }
0x124: {  	s26 =	simm.s32 $0x1C0;
	v4 =	vld [tilespmem:s3+$0x17C80]  }
.LBB2_21:
0x125: {  	s1 =	sshra.s32 s26, $0x2;
	v8 =	vunpack.i.u.bf16.f32 v1;
	v5 =	vadd.f32 v7, v5;
	v13 =	vadd.f32 $0.0e+00, v6;
	p1 =	sne.s32 s26, $0x3E40  }
.Ltmp11:
0x126: {  	v7 =	vunpack.i.l.bf16.f32 v1;
	v1 =	vld [tilespmem:s1+$0x1AC80];
	v9 =	vunpack.i.u.bf16.f32 v2;
	v10 =	vunpack.i.l.bf16.f32 v2;
	v11 =	vpop (erf);
	(pc) =	sbr.rel @p1 .LBB2_21-.Ltmp11, $4  }
0x127: {  	s26 =	sadd.s32 $0x40, s26;
	v2 =	vld [tilespmem:s1+$0x1BC80];
	v7 =	vmul.f32 v10, v7;
	v10 =	vadd.f32 v5, v3;
	v12 =	vmul.f32 $1.442695020e+00, v13;
	v6 =	vpop (erf)  }
0x128: {  	v5 =	vmul.f32 v9, v8;
	v8 =	vadd.f32 $1.000000000e+00, v11;
	v3 =	vld [tilespmem:s3+$0x1CC80];
	[tilespmem:s29+$0x1DC80] =	vst v6;
	s29 =	smov.u32 s30;
	s30 =	smov.u32 s22;
	s22 =	smov.u32 s23  }
0x129: {  	s23 =	smov.u32 s9;
	s9 =	smov.u32 s10;
	s10 =	smov.u32 s3;
	v7 =	vadd.f32 v7, v4;
	v6 =	vmul.f32 $-5.000000000e-01, v10;
	(erf) = vpow2.f32 v12  }
0x12a: {  	s3 =	smov.u32 s1;
	v4 =	vld [tilespmem:s1+$0x17C80];
	(erf) = vrcp.f32 v8  }
0x12b: {  	_ = 	snop  }
0x12c: {  	v8 =	vunpack.i.l.bf16.f32 v1;
	v9 =	vunpack.i.l.bf16.f32 v2  }
0x12d: {  	v8 =	vmul.f32 v9, v8  }
0x12e: {  	v1 =	vunpack.i.u.bf16.f32 v1;
	v58 =	vld [tilespmem:s3+$0x1CC80];
	v5 =	vadd.f32 v7, v5;
	v2 =	vunpack.i.u.bf16.f32 v2  }
0x12f: {  	v1 =	vmul.f32 v2, v1;
	v2 =	vadd.f32 v8, v4  }
0x130: {  	v3 =	vadd.f32 v5, v3  }
0x131: {  	v1 =	vadd.f32 v2, v1;
	v2 =	vadd.f32 $0.0e+00, v6;
	_ =	sdelay $0x1  }
0x132: {  	v3 =	vmul.f32 $-5.000000000e-01, v3;
	v1 =	vadd.f32 v1, v58;
	v2 =	vmul.f32 $1.442695020e+00, v2;
	_ =	sdelay $0x1  }
0x133: {  	v59 =	vpop (erf);
	v3 =	vadd.f32 $0.0e+00, v3;
	v1 =	vmul.f32 $-5.000000000e-01, v1  }
0x134: {  	v60 =	vpop (erf);
	v4 =	vadd.f32 $1.000000000e+00, v59  }
0x135: {  	v3 =	vmul.f32 $1.442695020e+00, v3;
	(erf) = vpow2.f32 v2;
	v2 =	vpop (erf);
	v1 =	vadd.f32 $0.0e+00, v1  }
0x136: {  	(erf) = vrcp.f32 v4;
	v2 =	vadd.f32 $1.000000000e+00, v2  }
0x137: {  	(erf) = vpow2.f32 v3;
	v1 =	vmul.f32 $1.442695020e+00, v1  }
0x138: {  	(erf) = vrcp.f32 v2  }
0x139: {  	(erf) = vpow2.f32 v1;
	_ =	sdelay $0x3  }
0x13a: {  	v1 =	vpop (erf)  }
0x13b: {  	v2 =	vpop (erf)  }
0x13c: {  	v3 =	vpop (erf)  }
0x13d: {  	v61 =	vpop (erf)  }
0x13e: {  	v2 =	vadd.f32 $1.000000000e+00, v2;
	v62 =	vpop (erf)  }
0x13f: {  	v4 =	vadd.f32 $1.000000000e+00, v61;
	v63 =	vpop (erf)  }
0x140: {  	(erf) = vrcp.f32 v2;
	v2 =	vadd.f32 $1.000000000e+00, v63  }
0x141: {  	(erf) = vrcp.f32 v4  }
0x142: {  	(erf) = vrcp.f32 v2;
	_ =	sdelay $0x3  }
0x143: {  	[tilespmem:s29+$0x1DC80] =	vst v60  }
0x144: {  	[tilespmem:s30+$0x1DC80] =	vst v1  }
0x145: {  	s0 =	smul.u32 $0xFA0, s0;
	[tilespmem:s22+$0x1DC80] =	vst v3  }
0x146: {  	p1 =	sne.s32 s25, $0x19;
	[tilespmem:s23+$0x1DC80] =	vst v62;
	v1 =	vpop (erf)  }
.Ltmp12:
0x147: {  	s0 =	sadd.s32 s15, s0;
	[tilespmem:s9+$0x1DC80] =	vst v1;
	v1 =	vpop (erf);
	(pc) =	sbr.rel @p1 .LBB2_12-.Ltmp12, $4  }
0x148: {  	s1 =	rddreg [dreg:$0x1];
	s0 =	sshrl.u32 s0, $0x3;
	[tilespmem:s10+$0x1DC80] =	vst v1;
	v1 =	vpop (erf)  }
0x149: {  	s0 =	sadd.s32 s1, s0;
	[tilespmem:s3+$0x1DC80] =	vst v1  }
0x14a: {  	[hbm4b:s0+s6] =	stream.linear.scatter [tilespmem:s20], [sflag:$0x5], $0xFA0, $0x38;
	[tilespmem:$0x1EC80] =	vst v63  }
0x14b: {  	s0 =	smov.u32 s25  }
0x14c: {  	_ =	swait.ge [sflag:s19], $0xFA0  }
0x14d: {  	s1 =	rddreg [dreg:$0x16]  }
0x14e: {  	s0 =	rddreg [dreg:$0x15];
	s1 =	sadd.s32 $0x1, s1  }
0x14f: {  	p0 =	sne.s32 s1, s0  }
.Ltmp13:
0x150: {  	_ = 	snop;
	(pc) =	sbr.rel @p0 .LBB2_1-.Ltmp13, $3  }
0x151: {  	_ =	sdelay $0x1  }
0x152: {  	[sflag:s19] =	ssyncset.done $0x0  }
0x153: {  	s10 =	simm.s32 $0xC880;
	[sflag:s19] =	ssyncadd.s32 $0xFFFFF060  }
0x154: {  	_ =	sfence.sel $0x180000  }
0x155: {  	[bflag:$0x0] =	sbarrier.arrive $0xFFFF  }
0x156: {  	_ =	strace $0x90000053  }
0x157: {  	s0 =	stileid.u32;
	[bflag:$0x2] =	sbarrier.arrive $0xFFFF  }
0x158: {  	p0 =	sne.s32 s0, $0x0;
	s0 =	rddreg [dreg:$0x5]  }
0x159: {  	s0 =	sadd.s32 @!p0 $0x100000, s0  }
0x15a: {  	[sflag:s0] =	ssyncadd.tile.s32 @!p0 $0x1;
	_ =	shalt  }
.Lfunc_end2:
_tile_overlayer_lowered:
.L_overlay_start_2:
0x15b: {  	(tag) =	ssettag $0x2  }
0x15c: {  	s0 =	rddreg [dreg:$0x0];
	s2 =	stileid.u32  }
0x15d: {  	s1 =	rddreg [dreg:$0x1];
	p0 =	sne.s32 s2, $0x0  }
0x15e: {  	s3 =	rddreg [dreg:$0x2];
	[bflag:$0x3] =	sbarrier.arrive $0xFFFF;
	s2 =	simm.s32 @!p0 $0x1C06  }
0x15f: {  	[timem:s3], [sflag:s2] =	dma.local @!p0 [hbm:s0], s1  }
0x160: {  	s0 =	simm.s32 @!p0 $0x6  }
0x161: {  	_ =	swait.ge @!p0 [sflag:s0], s1  }
0x162: {  	s1 =	ssub.s32 @!p0 $0x0, s1;
	[sflag:s0] =	ssyncset.done @!p0 $0x0  }
0x163: {  	[sflag:s0] =	ssyncadd.s32 @!p0 s1  }
0x164: {  	[bflag:$0x3] =	sbarrier.arrive $0xFFFF  }
0x165: {  	_ =	shalt  }

// kernel: kernel.7.cloned.1.call-start
scs
__scs_entry_jumppad:
0x0: {  	(pc) =	sbr.rel $0x88, $3  }
0x1: {  	(tag) =	ssettag $0x0;
	lr =	simm.s32 $0x1  }
0x2: {  	[smem:$0x3F99] =	sst lr;
	_ =	strace $0xD0000000  }
0x3: {  	_ = 	snop  }
0x4: {  	_ = 	snop  }
0x5: {  	_ = 	snop  }
0x6: {  	_ = 	snop  }
0x7: {  	_ = 	snop  }
__scs_overlays_trampoline_lowered:
0x8: {  	[smem:$0x3FA8] =	sst s0  }
0x9: {  	[smem:$0x3FA9] =	sst s1  }
0xa: {  	[smem:$0x3FAA] =	sst s2  }
0xb: {  	[smem:$0x3FAB] =	sst s3  }
0xc: {  	[smem:$0x3FAC] =	sst s4  }
0xd: {  	[smem:$0x3FAD] =	sst s5  }
0xe: {  	[smem:$0x3FAE] =	sst s6  }
0xf: {  	[smem:$0x3FAF] =	sst s7  }
0x10: {  	[smem:$0x3FB0] =	sst s8  }
0x11: {  	[smem:$0x3FB1] =	sst s9;
	s0 =	simm.s32 @!p0 $0x0  }
0x12: {  	s1 =	sld [smem:$0x3F97];
	s0 =	simm.s32 @p0 $0x1  }
0x13: {  	[smem:$0x3FB2] =	sst s0;
	s0 =	simm.s32 @!p1 $0x0  }
0x14: {  	s2 =	sld [smem:$0x3F96];
	s0 =	simm.s32 @p1 $0x1  }
0x15: {  	[smem:$0x3FB3] =	sst s0;
	s0 =	simm.s32 @!p2 $0x0  }
0x16: {  	s3 =	sld [smem:$0x3FDB];
	s0 =	simm.s32 @p2 $0x1  }
0x17: {  	s4 =	simm.s32 $0x1BF5;
	[smem:$0x3FB5] =	sst s0  }
0x18: {  	s0 =	sld [smem:$0x3F98];
	_ =	swait.ge [sflag:s4], $0x0  }
0x19: {  	s7 =	sld [smem:$0x3F99]  }
0x1a: {  	s8 =	sadd.s32 $0xFFFFE003, lr  }
0x1b: {  	s9 =	sadd.s32 $0xFFFFFEF7, lr;
	s5 =	simm.s32 $0xFFFFFFFF;
	p2 =	slt.u32 s8, $0xFFFFF086  }
0x1c: {  	p1 =	slt.u32 s9, $0xF7A;
	s5 =	simm.s32 @!p2 $0x0  }
0x1d: {  	s5 =	simm.s32 @p1 $0x1;
	p0 =	seq.s32 s7, s2  }
0x1e: {  	s7 =	smul.u32 @!p0 $0xF7A, s2;
	p2 =	seq.s32 @!p0 s5, $0x0  }
0x1f: {  	s9 =	smul.u32 $0xF7A, s1;
	s8 =	simm.s32 @!p0 $0x1BF5;
	p2 =	por !p2, p0  }
0x20: {  	[sflag:s8] =	ssyncset.s32 @!p0 $0xFFFFF086;
	s6 =	sadd.s32 @!p0 s3, s7;
	s7 =	simm.s32 @!p0 $0x108  }
0x21: {  	s3 =	sadd.s32 s3, s9;
	s6 =	sadd.s32 @!p0 $0x88, s6;
	s7 =	simm.s32 @p2 $0x1082  }
0x22: {  	[simem:s7], [sflag:s8] =	dma.local @!p0 [hbm:s6], $0xF7A  }
0x23: {  	s9 =	sor.u32 $0xD0000000, s2;
	s6 =	simm.s32 $0x108;
	_ =	swait.ge @!p0 [sflag:s8], $0x0  }
0x24: {  	s3 =	sadd.s32 $0x88, s3;
	s6 =	simm.s32 @!p1 $0x1082;
	[sflag:s4] =	ssyncset.s32 $0xFFFFF086  }
0x25: {  	[simem:s6], [sflag:s4] =	dma.local [hbm:s3], $0xF7A  }
0x26: {  	[smem:$0x3F99] =	sst s1;
	(tag) =	ssettag s2;
	_ =	strace s9  }
0x27: {  	s1 =	sld [smem:$0x3FA9]  }
0x28: {  	s2 =	sld [smem:$0x3FAA]  }
0x29: {  	s4 =	sld [smem:$0x3FAC]  }
0x2a: {  	p0 =	seq.s32 s5, $0x0;
	s5 =	sld [smem:$0x3FAD]  }
0x2b: {  	s6 =	sld [smem:$0x3FAE]  }
0x2c: {  	s7 =	sld [smem:$0x3FAF]  }
0x2d: {  	s3 =	simm.s32 $0x108;
	s8 =	sld [smem:$0x3FB0]  }
0x2e: {  	s3 =	simm.s32 @!p0 $0x1082;
	s9 =	sld [smem:$0x3FB1]  }
0x2f: {  	lr =	sadd.s32 s0, s3;
	s0 =	sld [smem:$0x3FA8]  }
0x30: {  	s3 =	sld [smem:$0x3FAB]  }
0x31: {  	[smem:$0x3FB4] =	sst s10  }
0x32: {  	s10 =	sld [smem:$0x3FB2];
	_ =	sdelay $0x3  }
0x33: {  	p0 =	seq.s32 s10, $0x1;
	s10 =	sld [smem:$0x3FB4];
	_ =	sdelay $0x3  }
0x34: {  	[smem:$0x3FB4] =	sst s10  }
0x35: {  	s10 =	sld [smem:$0x3FB3];
	_ =	sdelay $0x3  }
0x36: {  	p1 =	seq.s32 s10, $0x1;
	s10 =	sld [smem:$0x3FB4];
	_ =	sdelay $0x3  }
0x37: {  	[smem:$0x3FB4] =	sst s10  }
0x38: {  	s10 =	sld [smem:$0x3FB5]  }
0x39: {  	_ = 	snop;
	(pc) =	sbr.ind lr, $3  }
0x3a: {  	_ = 	snop  }
0x3b: {  	_ = 	snop  }
0x3c: {  	p2 =	seq.s32 s10, $0x1;
	s10 =	sld [smem:$0x3FB4]  }
0x3d: {  	_ =	shalt  }
0x3e: {  	_ =	shalt  }
0x3f: {  	_ =	shalt  }
0x40: {  	_ =	shalt  }
0x41: {  	_ =	shalt  }
0x42: {  	_ =	shalt  }
0x43: {  	_ =	shalt  }
0x44: {  	_ =	shalt  }
0x45: {  	_ =	shalt  }
0x46: {  	_ =	shalt  }
0x47: {  	_ =	shalt  }
0x48: {  	_ =	shalt  }
0x49: {  	_ =	shalt  }
0x4a: {  	_ =	shalt  }
0x4b: {  	_ =	shalt  }
0x4c: {  	_ =	shalt  }
0x4d: {  	_ =	shalt  }
0x4e: {  	_ =	shalt  }
0x4f: {  	_ =	shalt  }
0x50: {  	_ =	shalt  }
0x51: {  	_ =	shalt  }
0x52: {  	_ =	shalt  }
0x53: {  	_ =	shalt  }
0x54: {  	_ =	shalt  }
0x55: {  	_ =	shalt  }
0x56: {  	_ =	shalt  }
0x57: {  	_ =	shalt  }
0x58: {  	_ =	shalt  }
0x59: {  	_ =	shalt  }
0x5a: {  	_ =	shalt  }
0x5b: {  	_ =	shalt  }
0x5c: {  	_ =	shalt  }
0x5d: {  	_ =	shalt  }
0x5e: {  	_ =	shalt  }
0x5f: {  	_ =	shalt  }
0x60: {  	_ =	shalt  }
0x61: {  	_ =	shalt  }
0x62: {  	_ =	shalt  }
0x63: {  	_ =	shalt  }
0x64: {  	_ =	shalt  }
0x65: {  	_ =	shalt  }
0x66: {  	_ =	shalt  }
0x67: {  	_ =	shalt  }
0x68: {  	_ =	shalt  }
0x69: {  	_ =	shalt  }
0x6a: {  	_ =	shalt  }
0x6b: {  	_ =	shalt  }
0x6c: {  	_ =	shalt  }
0x6d: {  	_ =	shalt  }
0x6e: {  	_ =	shalt  }
0x6f: {  	_ =	shalt  }
0x70: {  	_ =	shalt  }
0x71: {  	_ =	shalt  }
0x72: {  	_ =	shalt  }
0x73: {  	_ =	shalt  }
0x74: {  	_ =	shalt  }
0x75: {  	_ =	shalt  }
0x76: {  	_ =	shalt  }
0x77: {  	_ =	shalt  }
0x78: {  	_ =	shalt  }
0x79: {  	_ =	shalt  }
0x7a: {  	_ =	shalt  }
0x7b: {  	_ =	shalt  }
0x7c: {  	_ =	shalt  }
0x7d: {  	_ =	shalt  }
0x7e: {  	_ =	shalt  }
0x7f: {  	_ =	shalt  }
0x80: {  	_ =	shalt  }
0x81: {  	_ =	shalt  }
0x82: {  	_ =	shalt  }
0x83: {  	_ =	shalt  }
0x84: {  	_ =	shalt  }
0x85: {  	_ =	shalt  }
0x86: {  	_ =	shalt  }
0x87: {  	_ =	shalt  }
.Lfunc_end0:
.L_simem_size_0:
called_computation_lowered:
.L_overlay_start_0:
0x88: {  	s2 =	sld [smem:$0x3FD9]  }
0x89: {  	s3 =	sld [smem:$0x3FFE];
	_ =	sdelay $0x1  }
0x8a: {  	s1 =	srdreg.scid  }
0x8b: {  	s0 =	sand.u32 $0x1, s1  }
0x8c: {  	s16 =	sshll.u32 s0, $0xA;
	s2 =	sadd.s32 s3, s2  }
0x8d: {  	s2 =	sadd.s32 s2, s16  }
0x8e: {  	[smem:$0x3FC0] =	sst s2  }
0x8f: {  	_ = 	snop  }
0x90: {  	(tm) =	ssettm $0x1  }
0x91: {  	s17 =	sld [smem:$0x3FFB];
	_ =	sdelay $0x3  }
0x92: {  	_ =	strace s17  }
0x93: {  	s2 =	sld [smem:$0x3FFC];
	_ =	sdelay $0x3  }
0x94: {  	_ =	strace s2  }
0x95: {  	s2 =	sld [smem:$0x3FFD];
	_ =	sdelay $0x3  }
0x96: {  	_ =	strace s2  }
0x97: {  	_ =	strace $0x8FFFFFFF  }
0x98: {  	s18 =	sld [smem:$0x3FDB];
	_ =	sdelay $0x1  }
0x99: {  	s19 =	simm.s32 $_scs_section_size  }
0x9a: {  	s4 =	simm.s32 $_size__tile_overlayer_lowered;
	s5 =	simm.s32 $_tile_overlayer_lowered  }
0x9b: {  	s22 =	simm.s32 $0x1BFF;
	s21 =	sshll.u32 s5, $0x1;
	s2 =	sadd.s32 s19, s18  }
0x9c: {  	s6 =	simm.s32 $0x0;
	s20 =	sshll.u32 s4, $0x1;
	s4 =	sadd.s32 s21, s2  }
0x9d: {  	[timem:s6], [sflag:s22] =	dma.local [hbm:s4], s20  }
0x9e: {  	_ =	swait.ge [sflag:s22], s20  }
0x9f: {  	s3 =	ssub.s32 $0x0, s20;
	[sflag:s22] =	ssyncset.done $0x0  }
0xa0: {  	[sflag:s22] =	ssyncadd.s32 s3;
	_ =	sdelay $0x1  }
0xa1: {  	s23 =	simm.s32 $0x1B8B  }
0xa2: {  	_ =	swait.ge [sflag:s23], $0x1  }
0xa3: {  	[sflag:s23] =	ssyncset.done $0x0  }
0xa4: {  	s25 =	simm.s32 $0x1B8E;
	s24 =	sld [smem:$0x3FFE];
	[sflag:s23] =	ssyncadd.s32 $0xFFFFFFFF  }
0xa5: {  	s26 =	simm.s32 $execute0_lowered;
	[smem:$0x3FD2] =	sst s25  }
0xa6: {  	s4 =	sshll.u32 s26, $0x1;
	_ =	strace $0x80000046;
	[dreg:$0x1] =	wrdreg $0xFFFFFFFF  }
0xa7: {  	s28 =	simm.s32 $_size_execute0_lowered;
	s2 =	sadd.s32 s2, s4;
	[dreg:$0x0] =	wrdreg $0x0  }
0xa8: {  	s4 =	sshll.u32 s28, $0x1;
	[dreg:$0x2] =	wrdreg s2  }
0xa9: {  	[dreg:$0x3] =	wrdreg s4  }
0xaa: {  	[dreg:$0x4] =	wrdreg $0xC0  }
0xab: {  	_ =	task [dreg:s6], $0x5FFFF  }
0xac: {  	[dreg:$0x1] =	wrdreg $0xFFFFFFFF  }
0xad: {  	[dreg:$0x0] =	wrdreg $0x60  }
0xae: {  	[dreg:$0x2] =	wrdreg s24  }
0xaf: {  	[dreg:$0x3] =	wrdreg $0x0  }
0xb0: {  	[dreg:$0x4] =	wrdreg $0x9  }
0xb1: {  	_ =	task.clear_ibuf [dreg:s6], $0x5FFFF;
	_ =	strace $0x90000046  }
0xb2: {  	s29 =	simm.s32 $0x9;
	_ =	strace $0x80000048  }
0xb3: {  	_ =	swait.ge [sflag:s29], $0x1  }
0xb4: {  	[sflag:s29] =	ssyncadd.s32 $0xFFFFFFFF  }
0xb5: {  	_ =	strace $0x90000048  }
0xb6: {  	_ =	sfence  }
0xb7: {  	s30 =	sld [smem:$0x0];
	_ =	sdelay $0x2  }
0xb8: {  	s31 =	sshll.u32 s1, $0xD;
	s1 =	sshrl.u32 s1, $0x2  }
0xb9: {  	s3 =	sand.u32 $0x4000, s31;
	s1 =	sadd.s32 s1, s30  }
0xba: {  	s0 =	sor.u32 s3, s0;
	s1 =	sshll.u32 s1, $0x11  }
0xbb: {  	s0 =	sor.u32 s1, s0  }
0xbc: {  	s0 =	sadd.s32 $0x8F2B, s0  }
0xbd: {  	[sflag:s0] =	ssyncadd.remote.s32 $0x1  }
0xbe: {  	_ =	sfence.sel $0xFFFF  }
0xbf: {  	[dreg:$0x0] =	wrdreg $0xFFFFFFFF;
	(pc) =	sbr.abs _section_cstart, $3  }
0xc0: {  	[dreg:$0x1] =	wrdreg $0xFFFFFFFF  }
0xc1: {  	_ =	task.clear_ibuf [dreg:s6], $0x2FFFF;
	_ =	strace $0x9FFFFFFF  }
0xc2: {  	(tm) =	ssettm $0x7FFFFFFF  }
0xc3: {  	_ =	shalt  }
tec
execute0_lowered:
.L_overlay_start_1:
0x0: {  	(tag) =	ssettag $0x1  }
0x1: {  	s4 =	rddreg [dreg:$0x0]  }
0x2: {  	s0 =	srdreg.scid;
	s2 =	rddreg [dreg:$0x1]  }
0x3: {  	s1 =	rddreg [dreg:$0x2];
	s3 =	simm.s32 $0x0;
	s10 =	simm.s32 $0x5980  }
0x4: {  	s11 =	simm.s32 $0x2710;
	s12 =	simm.s32 $0x1900;
	s5 =	sand.u32 $0x1, s0  }
0x5: {  	s15 =	simm.s32 $0x20;
	s0 =	stileid.u32;
	s6 =	smul.u32 $0x30D400, s5  }
0x6: {  	s16 =	simm.s32 $0x10;
	s17 =	simm.s32 $0x0;
	s7 =	smul.u32 $0x30D40, s0  }
0x7: {  	[smem:$0x7FF] =	sst s3;
	s26 =	smul.u32 $0x3200, s0;
	s8 =	sshll.u32 s5, $0x7  }
0x8: {  	s5 =	ssub.s32 $0x2, s5;
	s28 =	smul.u32 $0x6400, s0;
	s13 =	sshll.u32 s0, $0x6  }
0x9: {  	_ =	strace $0x80000047;
	s30 =	sshrl.u32 s5, $0x1;
	s13 =	sor.u32 $0x1C01, s13  }
0xa: {  	s6 =	sadd.s32 s7, s6;
	s7 =	sor.u32 s8, s26;
	s31 =	sshrl.u32 s28, $0x2  }
0xb: {  	s8 =	simm.s32 $0x4080;
	s6 =	sshrl.u32 s6, $0x3;
	s29 =	sshrl.u32 s7, $0x3  }
0xc: {  	s7 =	ssub.s32 s5, s30;
	s9 =	sadd.s32 s6, s4;
	s6 =	sadd.s32 s29, s4  }
0xd: {  	s4 =	sadd.s32 s31, s2;
	s5 =	sadd.s32 $0x188E00, s6;
	s6 =	smax.u32 s7, $0x1  }
0xe: {  	v0 =	vimm.f32 $0.0e+00;
	v1 =	vimm.f32 $1.000000000e+00;
	s7 =	sadd.s32 $0x2200, s9;
	s9 =	simm.s32 $0x1;
	s14 =	sshrl.u32 s4, $0x3  }
.LBB2_1:
0xf: {  	s18 =	simm.s32 $0x40;
	s19 =	simm.s32 $0x0  }
.LBB2_2:
0x10: {  	p0 =	sne.s32 s18, $0x63C0;
	[tilespmem:s19+$0x4080] =	vst v0;
	s19 =	smov.u32 s18;
	s18 =	sadd.s32 $0x40, s18  }
.Ltmp0:
0x11: {  	(pc) =	sbr.rel @p0 .LBB2_2-.Ltmp0, $2  }
0x12: {  	_ =	sdelay $0x2  }
0x13: {  	s19 =	sshra.s32 s19, $0x2  }
0x14: {  	[tilespmem:s19+$0x4080] =	vst v0  }
0x15: {  	[spmem:s4] =	stream.linear.scatter [tilespmem:s8], [sflag:$0x1], $0x1900, $0x38;
	[tilespmem:$0x8100] =	vst v63  }
0x16: {  	_ =	swait.ge [sflag:s9], $0x1900  }
0x17: {  	[sflag:s9] =	ssyncset.done $0x0  }
0x18: {  	s18 =	simm.s32 $0x40;
	s19 =	simm.s32 $0x0;
	[sflag:s9] =	ssyncadd.s32 $0xFFFFE700  }
.LBB2_4:
0x19: {  	p0 =	sne.s32 s18, $0x9C00;
	[tilespmem:s19+$0x1900] =	vst v1;
	s19 =	smov.u32 s18;
	s18 =	sadd.s32 $0x40, s18  }
.Ltmp1:
0x1a: {  	(pc) =	sbr.rel @p0 .LBB2_4-.Ltmp1, $2  }
0x1b: {  	_ =	sdelay $0x2  }
0x1c: {  	s19 =	sshra.s32 s19, $0x2  }
0x1d: {  	[tilespmem:s19+$0x1900] =	vst v1  }
0x1e: {  	s18 =	sadd.s32 $0x0, s7;
	[bflag:$0x0] =	sbarrier.arrive $0xFFFF  }
0x1f: {  	[tilespmem:s10], [sflag:$0x1] =	stream.linear.gather [hbm4b:s18+s3], $0x2710, $0x38;
	[tilespmem:$0x8100] =	vst v63  }
0x20: {  	_ =	swait.ge [sflag:s9], $0x2710  }
0x21: {  	[sflag:s9] =	ssyncset.done $0x0  }
0x22: {  	[sflag:s9] =	ssyncadd.s32 $0xFFFFD8F0  }
0x23: {  	[spmem:s2] =	stream.indirect.scatter.add.f32 [tilespmem:s12], [sflag:$0x1], $0x1, s10, s11, $0xb8;
	[tilespmem:$0x8100] =	vst v63  }
0x24: {  	_ =	swait.ge [sflag:s9], $0x2710  }
0x25: {  	s19 =	simm.s32 $0x9C4;
	s18 =	simm.s32 $0x4E2;
	[sflag:s9] =	ssyncset.done $0x0  }
.LBB2_6:
0x26: {  	s20 =	sadd.s32 s18, s7  }
0x27: {  	[sflag:s9] =	ssyncadd.s32 $0xFFFFD8F0;
	s18 =	smov.u32 s19;
	s21 =	sadd.s32 $0x4E2, s19  }
0x28: {  	[tilespmem:s10], [sflag:$0x1] =	stream.linear.gather [hbm4b:s20+s3], $0x2710, $0x38;
	[tilespmem:$0x8100] =	vst v63  }
0x29: {  	p0 =	sne.s32 s19, $0x5CC6;
	_ =	swait.ge [sflag:s9], $0x2710  }
.Ltmp2:
0x2a: {  	[sflag:s9] =	ssyncset.done $0x0;
	(pc) =	sbr.rel @p0 .LBB2_6-.Ltmp2, $4  }
0x2b: {  	[sflag:s9] =	ssyncadd.s32 $0xFFFFD8F0  }
0x2c: {  	[spmem:s2] =	stream.indirect.scatter.add.f32 [tilespmem:s12], [sflag:$0x1], $0x1, s10, s11, $0xb8;
	[tilespmem:$0x8100] =	vst v63  }
0x2d: {  	_ =	swait.ge [sflag:s9], $0x2710  }
0x2e: {  	s19 =	smov.u32 s21;
	[sflag:s9] =	ssyncset.done $0x0  }
0x2f: {  	s18 =	sadd.s32 s18, s7;
	[sflag:s9] =	ssyncadd.s32 $0xFFFFD8F0  }
0x30: {  	[tilespmem:s10], [sflag:$0x1] =	stream.linear.gather [hbm4b:s18+s3], $0x2710, $0x38;
	[tilespmem:$0x8100] =	vst v63  }
0x31: {  	_ =	swait.ge [sflag:s9], $0x2710  }
0x32: {  	[sflag:s9] =	ssyncset.done $0x0  }
0x33: {  	[sflag:s9] =	ssyncadd.s32 $0xFFFFD8F0  }
0x34: {  	[spmem:s2] =	stream.indirect.scatter.add.f32 [tilespmem:s12], [sflag:$0x1], $0x1, s10, s11, $0xb8;
	[tilespmem:$0x8100] =	vst v63  }
0x35: {  	_ =	swait.ge [sflag:s9], $0x2710  }
0x36: {  	s17 =	sadd.s32 $0x1, s17;
	[sflag:s9] =	ssyncset.done $0x0  }
0x37: {  	p0 =	sne.s32 s17, s6;
	[sflag:s9] =	ssyncadd.s32 $0xFFFFD8F0  }
.Ltmp3:
0x38: {  	[bflag:$0x0] =	sbarrier.arrive $0xFFFF;
	(pc) =	sbr.rel @p0 .LBB2_1-.Ltmp3, $4  }
0x39: {  	[hbm:s5@s15], [sflag:s13] =	dma.strided [spmem:s14@s16], $0x320, s9, $0x10   }
0x3a: {  	_ =	swait.ge [sflag:s9], $0x320  }
0x3b: {  	[sflag:s9] =	ssyncset.done $0x0  }
0x3c: {  	[sflag:s9] =	ssyncadd.s32 $0xFFFFFCE0  }
0x3d: {  	_ =	sfence.sel $0x180000  }
0x3e: {  	[bflag:$0x0] =	sbarrier.arrive $0xFFFF  }
0x3f: {  	p0 =	sne.s32 s0, $0x0;
	_ =	strace $0x90000047  }
0x40: {  	s0 =	sadd.s32 @!p0 $0x100000, s1;
	[bflag:$0x2] =	sbarrier.arrive $0xFFFF  }
0x41: {  	[sflag:s0] =	ssyncadd.tile.s32 @!p0 $0x1;
	_ =	shalt  }
.Lfunc_end2:
_tile_overlayer_lowered:
.L_overlay_start_2:
0x42: {  	(tag) =	ssettag $0x2  }
0x43: {  	s0 =	rddreg [dreg:$0x0];
	s2 =	stileid.u32  }
0x44: {  	s1 =	rddreg [dreg:$0x1];
	p0 =	sne.s32 s2, $0x0  }
0x45: {  	s3 =	rddreg [dreg:$0x2];
	[bflag:$0x3] =	sbarrier.arrive $0xFFFF;
	s2 =	simm.s32 @!p0 $0x1C01  }
0x46: {  	[timem:s3], [sflag:s2] =	dma.local @!p0 [hbm:s0], s1  }
0x47: {  	s0 =	simm.s32 @!p0 $0x1  }
0x48: {  	_ =	swait.ge @!p0 [sflag:s0], s1  }
0x49: {  	s1 =	ssub.s32 @!p0 $0x0, s1;
	[sflag:s0] =	ssyncset.done @!p0 $0x0  }
0x4a: {  	[sflag:s0] =	ssyncadd.s32 @!p0 s1  }
0x4b: {  	[bflag:$0x3] =	sbarrier.arrive $0xFFFF  }
0x4c: {  	_ =	shalt  }

</sc_bundles>
